<compile_context>
chip_gen: v7x
topology: tpu7x:2x2x1
jax: 0.10.2.dev20260603
libtpu: 0.0.44.dev20260713+nightly
codegen_flags: <defaults>
</compile_context>

<pallas_src>
import functools

import jax
import jax.numpy as jnp
from jax import lax
from jax.experimental import pallas as pl
from jax.experimental.pallas import tpu as pltpu
from jax.experimental.pallas import tpu_sc as plsc

NN = 10000
EE = 320000
SLOT_N = 32
NSLOT = 320
NPAD = NSLOT * SLOT_N
NTILE = 32
PASSES = NSLOT // NTILE
EBLEN = 328
BS = 32
NB = EE // BS
BM = 400



def _att_epilogue(h, asv, adv, as_ref, ad_ref, ws_ref, H):
    bm = h.shape[0]
    ch = asv.shape[1]
    h3 = h.reshape(bm, H, ch)
    a_s = (h3 * asv[None, :, :]).sum(-1)
    a_d = (h3 * adv[None, :, :]).sum(-1)
    pad = jnp.zeros((bm, 128 - H), jnp.float32)
    as_ref[...] = jnp.concatenate([a_s, pad], axis=1)
    ad_ref[...] = jnp.concatenate([a_d, pad], axis=1)
    al = a_s + a_d
    al = jnp.where(al > 0, al, 0.2 * al)
    ws_ref[...] = jnp.exp(al)


def _mm_att1_body(x_ref, w_ref, asv_ref, adv_ref, h_ref, as_ref, ad_ref,
                  ws_ref, *, H):
    h = jnp.dot(x_ref[...], w_ref[...], preferred_element_type=jnp.float32)
    h_ref[...] = h
    _att_epilogue(h, asv_ref[...], adv_ref[...], as_ref, ad_ref, ws_ref, H)


def _mm_att_body(acc_ref, den_ref, wsp_ref, hp_ref, b_ref, w_ref, asv_ref,
                 adv_ref, h_ref, as_ref, ad_ref, ws_ref, *, Hp, H):
    bm = acc_ref.shape[0]
    din = acc_ref.shape[1]
    chp = din // Hp
    acc = acc_ref[...].reshape(bm, Hp, chp)
    hp = hp_ref[...].reshape(bm, Hp, chp)
    wsp = wsp_ref[...][:, :, None]
    den = den_ref[...][:, :Hp][:, :, None]
    xn = (acc + wsp * hp) / (den + wsp + 1e-16)
    xn = xn.reshape(bm, din) + b_ref[...]
    xn = jnp.where(xn > 0, xn, jnp.exp(xn) - 1.0)
    h = jnp.dot(xn, w_ref[...], preferred_element_type=jnp.float32)
    h_ref[...] = h
    _att_epilogue(h, asv_ref[...], adv_ref[...], as_ref, ad_ref, ws_ref, H)


def _final_body(acc_ref, den_ref, wsp_ref, hp_ref, b_ref, o_ref):
    Hp, chp = 6, 128
    bm = acc_ref.shape[0]
    acc = acc_ref[...].reshape(bm, Hp, chp)
    hp = hp_ref[...].reshape(bm, Hp, chp)
    wsp = wsp_ref[...][:, :, None]
    den = den_ref[...][:, :Hp][:, :, None]
    y = (acc + wsp * hp) / (den + wsp + 1e-16)
    y = y + b_ref[...].reshape(1, Hp, chp)
    o_ref[...] = y.mean(axis=1)[:, :121]


def _mm_att1(x, W, asv, adv, H):
    m, k = x.shape
    n = W.shape[1]
    ch = asv.shape[1]
    return pl.pallas_call(
        functools.partial(_mm_att1_body, H=H),
        grid=(m // BM,),
        in_specs=[
            pl.BlockSpec((BM, k), lambda i: (i, 0)),
            pl.BlockSpec((k, n), lambda i: (0, 0)),
            pl.BlockSpec((H, ch), lambda i: (0, 0)),
            pl.BlockSpec((H, ch), lambda i: (0, 0)),
        ],
        out_specs=[
            pl.BlockSpec((BM, n), lambda i: (i, 0)),
            pl.BlockSpec((BM, 128), lambda i: (i, 0)),
            pl.BlockSpec((BM, 128), lambda i: (i, 0)),
            pl.BlockSpec((BM, H), lambda i: (i, 0)),
        ],
        out_shape=[
            jax.ShapeDtypeStruct((m, n), jnp.float32),
            jax.ShapeDtypeStruct((m, 128), jnp.float32),
            jax.ShapeDtypeStruct((m, 128), jnp.float32),
            jax.ShapeDtypeStruct((m, H), jnp.float32),
        ],
    )(x, W, asv, adv)


def _mm_att(acc, den, wsp, hp, b, W, asv, adv, Hp, H):
    m, din = acc.shape
    n = W.shape[1]
    ch = asv.shape[1]
    return pl.pallas_call(
        functools.partial(_mm_att_body, Hp=Hp, H=H),
        grid=(m // BM,),
        in_specs=[
            pl.BlockSpec((BM, din), lambda i: (i, 0)),
            pl.BlockSpec((BM, 16), lambda i: (i, 0)),
            pl.BlockSpec((BM, Hp), lambda i: (i, 0)),
            pl.BlockSpec((BM, din), lambda i: (i, 0)),
            pl.BlockSpec((1, din), lambda i: (0, 0)),
            pl.BlockSpec((din, n), lambda i: (0, 0)),
            pl.BlockSpec((H, ch), lambda i: (0, 0)),
            pl.BlockSpec((H, ch), lambda i: (0, 0)),
        ],
        out_specs=[
            pl.BlockSpec((BM, n), lambda i: (i, 0)),
            pl.BlockSpec((BM, 128), lambda i: (i, 0)),
            pl.BlockSpec((BM, 128), lambda i: (i, 0)),
            pl.BlockSpec((BM, H), lambda i: (i, 0)),
        ],
        out_shape=[
            jax.ShapeDtypeStruct((m, n), jnp.float32),
            jax.ShapeDtypeStruct((m, 128), jnp.float32),
            jax.ShapeDtypeStruct((m, 128), jnp.float32),
            jax.ShapeDtypeStruct((m, H), jnp.float32),
        ],
    )(acc, den, wsp, hp, b.reshape(1, din), W, asv, adv)


def _final(acc, den, wsp, hp, b):
    m, din = acc.shape
    return pl.pallas_call(
        _final_body,
        grid=(m // BM,),
        in_specs=[
            pl.BlockSpec((BM, din), lambda i: (i, 0)),
            pl.BlockSpec((BM, 16), lambda i: (i, 0)),
            pl.BlockSpec((BM, 6), lambda i: (i, 0)),
            pl.BlockSpec((BM, din), lambda i: (i, 0)),
            pl.BlockSpec((1, din), lambda i: (0, 0)),
        ],
        out_specs=pl.BlockSpec((BM, 121), lambda i: (i, 0)),
        out_shape=jax.ShapeDtypeStruct((m, 121), jnp.float32),
    )(acc, den, wsp, hp, b.reshape(1, din))



def _make_sc_edge(D, H):
    ch = D // H
    nv = ch // 16
    mesh = plsc.VectorSubcoreMesh(core_axis_name="c", subcore_axis_name="s")

    @functools.partial(
        pl.kernel,
        out_type=[
            jax.ShapeDtypeStruct((NPAD, D), jnp.float32),
            jax.ShapeDtypeStruct((NPAD, 16), jnp.float32),
        ],
        mesh=mesh,
        compiler_params=pltpu.CompilerParams(needs_layout_passes=False),
        scratch_types=[
            pltpu.VMEM((EBLEN,), jnp.int32),
            pltpu.VMEM((2 * BS,), jnp.int32),
            pltpu.VMEM((2 * BS,), jnp.int32),
            pltpu.VMEM((BS, 128), jnp.float32),
            pltpu.VMEM((BS, 128), jnp.float32),
            pltpu.VMEM((BS, 128), jnp.float32),
            pltpu.VMEM((BS, 128), jnp.float32),
            pltpu.VMEM((BS, D), jnp.float32),
            pltpu.VMEM((BS, D), jnp.float32),
            pltpu.VMEM((SLOT_N + 1, D), jnp.float32),
            pltpu.VMEM((SLOT_N + 1, 16), jnp.float32),
            pltpu.SemaphoreType.DMA,
            pltpu.SemaphoreType.DMA,
            pltpu.SemaphoreType.DMA,
            pltpu.SemaphoreType.DMA,
            pltpu.SemaphoreType.DMA,
            pltpu.SemaphoreType.DMA,
        ],
    )
    def sc_edge(sdp_hbm, eb_hbm, as_hbm, ad_hbm, h_hbm,
                out_hbm, den_hbm,
                ebuf, sdA, sdB, arA, arB, brA, brB, hrA, hrB, acc, dacc,
                s1A, s2A, s3A, s1B, s2B, s3B):
        cid = lax.axis_index("c")
        sid = lax.axis_index("s")
        wid = sid * 2 + cid
        lane = jnp.arange(16, dtype=jnp.int32)
        z16 = jnp.zeros((16,), jnp.float32)
        mh = lane < H
        bufs = ((sdA, arA, brA, hrA, s1A, s2A, s3A),
                (sdB, arB, brB, hrB, s1B, s2B, s3B))

        pltpu.sync_copy(eb_hbm.at[pl.ds(0, EBLEN)], ebuf)

        def issue(bi, bset):
            sd, ar, br, hr, t1, t2, t3 = bset
            bic = jnp.minimum(bi, NB - 1)
            pltpu.sync_copy(sdp_hbm.at[pl.ds(bic * (2 * BS), 2 * BS)], sd)
            pltpu.async_copy(as_hbm.at[sd.at[pl.ds(0, BS)]], ar, t1)
            pltpu.async_copy(ad_hbm.at[sd.at[pl.ds(BS, BS)]], br, t2)
            pltpu.async_copy(h_hbm.at[sd.at[pl.ds(0, BS)]], hr, t3)

        def wait3(cs):
            cs[0].wait()
            cs[1].wait()
            cs[2].wait()

        def make_process(e_lo, e_hi, n0):
            def process(bi, bset):
                sd, ar, br, hr, t1, t2, t3 = bset

                @functools.partial(plsc.parallel_loop, 0, BS, unroll=2)
                def edge_body(e):
                    ge = bi * BS + e
                    dstv = plsc.load_gather(
                        sd, [jnp.full((16,), BS + e, jnp.int32)])[0]
                    valid = (ge >= e_lo) & (ge < e_hi)
                    dl = jnp.where(valid, dstv - n0, SLOT_N)
                    a16 = ar[e, pl.ds(0, 16)]
                    b16 = br[e, pl.ds(0, 16)]
                    al = a16 + b16
                    al = jnp.where(al > 0, al, 0.2 * al)
                    wv = jnp.exp(al)
                    wv0 = jnp.where(mh & jnp.full((16,), valid), wv, 0.0)
                    plsc.addupdate(dacc.at[dl, :], wv0)
                    for h in range(H):
                        w_sc = wv[h]
                        for v in range(nv):
                            cb = h * ch + v * 16
                            plsc.addupdate(acc.at[dl, pl.ds(cb, 16)],
                                           hr[e, pl.ds(cb, 16)] * w_sc)
            return process

        def pass_body(p, _):
            slot = p * NTILE + wid
            n0 = slot * SLOT_N

            def zero_row(r, _):
                for v in range(nv * H):
                    acc[r, pl.ds(v * 16, 16)] = z16
                dacc[r, :] = z16
                return 0

            lax.fori_loop(0, SLOT_N, zero_row, 0)

            e_lo = plsc.load_gather(ebuf, [jnp.full((16,), slot, jnp.int32)])[0]
            e_hi = plsc.load_gather(
                ebuf, [jnp.full((16,), slot + 1, jnp.int32)])[0]
            b_lo = e_lo // BS
            b_hi = (e_hi + BS - 1) // BS
            nit = (b_hi - b_lo + 1) // 2
            process = make_process(e_lo, e_hi, n0)

            issue(b_lo, bufs[0])

            def pair(i, _):
                b0 = b_lo + 2 * i
                wait3((pltpu.make_async_copy(
                    as_hbm.at[bufs[0][0].at[pl.ds(0, BS)]], bufs[0][1],
                    bufs[0][4]),
                       pltpu.make_async_copy(
                    ad_hbm.at[bufs[0][0].at[pl.ds(BS, BS)]], bufs[0][2],
                    bufs[0][5]),
                       pltpu.make_async_copy(
                    h_hbm.at[bufs[0][0].at[pl.ds(0, BS)]], bufs[0][3],
                    bufs[0][6])))
                issue(b0 + 1, bufs[1])
                process(b0, bufs[0])
                wait3((pltpu.make_async_copy(
                    as_hbm.at[bufs[1][0].at[pl.ds(0, BS)]], bufs[1][1],
                    bufs[1][4]),
                       pltpu.make_async_copy(
                    ad_hbm.at[bufs[1][0].at[pl.ds(BS, BS)]], bufs[1][2],
                    bufs[1][5]),
                       pltpu.make_async_copy(
                    h_hbm.at[bufs[1][0].at[pl.ds(0, BS)]], bufs[1][3],
                    bufs[1][6])))
                issue(b0 + 2, bufs[0])
                process(b0 + 1, bufs[1])
                return 0

            lax.fori_loop(0, nit, pair, 0)
            wait3((pltpu.make_async_copy(
                as_hbm.at[bufs[0][0].at[pl.ds(0, BS)]], bufs[0][1],
                bufs[0][4]),
                   pltpu.make_async_copy(
                ad_hbm.at[bufs[0][0].at[pl.ds(BS, BS)]], bufs[0][2],
                bufs[0][5]),
                   pltpu.make_async_copy(
                h_hbm.at[bufs[0][0].at[pl.ds(0, BS)]], bufs[0][3],
                bufs[0][6])))
            pltpu.sync_copy(acc.at[pl.ds(0, SLOT_N)],
                            out_hbm.at[pl.ds(n0, SLOT_N)])
            pltpu.sync_copy(dacc.at[pl.ds(0, SLOT_N)],
                            den_hbm.at[pl.ds(n0, SLOT_N)])
            return 0

        lax.fori_loop(0, PASSES, pass_body, 0)

    return sc_edge


_sc_edge_l12 = _make_sc_edge(1024, 4)
_sc_edge_l3 = _make_sc_edge(768, 6)



def kernel(x, edge_index, W1, as1, ad1, b1, W2, as2, ad2, b2, W3, as3, ad3, b3):
    order = jnp.argsort(edge_index[1])
    ssrc = edge_index[0][order]
    sdst = edge_index[1][order]
    sdp = jnp.concatenate(
        [ssrc.reshape(NB, BS), sdst.reshape(NB, BS)], axis=1).reshape(-1)
    eb = jnp.searchsorted(
        sdst, jnp.arange(NSLOT + 1, dtype=jnp.int32) * SLOT_N).astype(jnp.int32)
    eb = jnp.concatenate(
        [eb, jnp.full((EBLEN - NSLOT - 1,), EE, jnp.int32)])

    W3p = jnp.pad(W3.reshape(1024, 6, 121),
                  ((0, 0), (0, 0), (0, 7))).reshape(1024, 768)
    as3p = jnp.pad(as3, ((0, 0), (0, 7)))
    ad3p = jnp.pad(ad3, ((0, 0), (0, 7)))
    b3p = jnp.pad(b3.reshape(6, 121), ((0, 0), (0, 7))).reshape(768)

    h1, as1n, ad1n, ws1 = _mm_att1(x, W1, as1, ad1, 4)
    acc1, den1 = _sc_edge_l12(sdp, eb, as1n, ad1n, h1)
    h2, as2n, ad2n, ws2 = _mm_att(acc1[:NN], den1[:NN], ws1, h1, b1,
                                  W2, as2, ad2, 4, 4)
    acc2, den2 = _sc_edge_l12(sdp, eb, as2n, ad2n, h2)
    h3, as3n, ad3n, ws3 = _mm_att(acc2[:NN], den2[:NN], ws2, h2, b2,
                                  W3p, as3p, ad3p, 4, 6)
    acc3, den3 = _sc_edge_l3(sdp, eb, as3n, ad3n, h3)
    return _final(acc3[:NN], den3[:NN], ws3, h3, b3p)

# --- scband reference (transcript-rebuilt; emitter-appended) ---
"""Pipeline reference for scband-gat-30039001269020 (READ-ONLY COPY).

The authoritative reference and input builder live on the scoring server;
editing this copy changes nothing except your own understanding.
"""

import jax, jax.numpy as jnp
import numpy as np

N_NODES = 10000


def gat_conv(x, edge_index, W, att_src, att_dst, bias, heads, out_ch):
    N = x.shape[0]
    src = edge_index[0]
    dst = edge_index[1]
    # PyG GATConv adds self-loops by default
    loop = jnp.arange(N, dtype=src.dtype)
    src = jnp.concatenate([src, loop])
    dst = jnp.concatenate([dst, loop])
    h = (x @ W).reshape(N, heads, out_ch)
    alpha_src = (h * att_src[None, :, :]).sum(-1)  # [N, heads]
    alpha_dst = (h * att_dst[None, :, :]).sum(-1)  # [N, heads]
    alpha = alpha_src[src] + alpha_dst[dst]        # [E, heads]
    alpha = jax.nn.leaky_relu(alpha, negative_slope=0.2)
    amax = jax.ops.segment_max(alpha, dst, num_segments=N)
    alpha = jnp.exp(alpha - amax[dst])
    denom = jax.ops.segment_sum(alpha, dst, num_segments=N)
    alpha = alpha / (denom[dst] + 1e-16)
    msg = h[src] * alpha[:, :, None]               # [E, heads, out_ch]
    out = jax.ops.segment_sum(msg, dst, num_segments=N)
    return out.reshape(N, heads * out_ch) + bias


def setup_inputs(seed: int = 0) -> dict:
    key = jax.random.key(seed)
    ks = jax.random.split(key, 16)
    x = jax.random.normal(ks[0], (N_NODES, 128), dtype=jnp.float32)
    edge_index = jax.random.randint(ks[1], (2, 320000), 0, N_NODES, dtype=jnp.int32)
    s = 0.1
    W1 = jax.random.normal(ks[2], (128, 1024), dtype=jnp.float32) * s
    as1 = jax.random.normal(ks[3], (4, 256), dtype=jnp.float32) * s
    ad1 = jax.random.normal(ks[4], (4, 256), dtype=jnp.float32) * s
    b1 = jnp.zeros((1024,), dtype=jnp.float32)
    W2 = jax.random.normal(ks[5], (1024, 1024), dtype=jnp.float32) * s
    as2 = jax.random.normal(ks[6], (4, 256), dtype=jnp.float32) * s
    ad2 = jax.random.normal(ks[7], (4, 256), dtype=jnp.float32) * s
    b2 = jnp.zeros((1024,), dtype=jnp.float32)
    W3 = jax.random.normal(ks[8], (1024, 726), dtype=jnp.float32) * s
    as3 = jax.random.normal(ks[9], (6, 121), dtype=jnp.float32) * s
    ad3 = jax.random.normal(ks[10], (6, 121), dtype=jnp.float32) * s
    b3 = jnp.zeros((726,), dtype=jnp.float32)
    return {"x": x, "edge_index": edge_index,
            "W1": W1, "as1": as1, "ad1": ad1, "b1": b1,
            "W2": W2, "as2": as2, "ad2": ad2, "b2": b2,
            "W3": W3, "as3": as3, "ad3": ad3, "b3": b3}


def reference(x, edge_index, W1, as1, ad1, b1, W2, as2, ad2, b2, W3, as3, ad3, b3):
    h = gat_conv(x, edge_index, W1, as1, ad1, b1, 4, 256)
    h = jax.nn.elu(h)
    h = gat_conv(h, edge_index, W2, as2, ad2, b2, 4, 256)
    h = jax.nn.elu(h)
    h = gat_conv(h, edge_index, W3, as3, ad3, b3, 6, 121)
    # torch.stack(x.split(121, dim=1)).mean(dim=0)
    out = h.reshape(h.shape[0], 6, 121).mean(axis=1)
    return out

if __name__ == "__main__":
    import jax
    _d = setup_inputs()
    print(jax.jit(kernel)(*tuple(_d.values())))

</pallas_src>

<mosaic_0001>
#map = affine_map<(d0, d1) -> (0)>
#map1 = affine_map<(d0, d1) -> (0, 0)>
module attributes {stable_mosaic.version = 14 : i64} {
  func.func @sc_edge(%arg0: i32, %arg1: i32, %arg2: memref<640000xi32, #tpu.memory_space<hbm>>, %arg3: memref<328xi32, #tpu.memory_space<hbm>>, %arg4: memref<10000x128xf32, #tpu.memory_space<hbm>>, %arg5: memref<10000x128xf32, #tpu.memory_space<hbm>>, %arg6: memref<10000x1024xf32, #tpu.memory_space<hbm>>, %arg7: memref<10240x1024xf32, #tpu.memory_space<hbm>>, %arg8: memref<10240x16xf32, #tpu.memory_space<hbm>>, %arg9: memref<328xi32, #tpu.memory_space<vmem>>, %arg10: memref<64xi32, #tpu.memory_space<vmem>>, %arg11: memref<64xi32, #tpu.memory_space<vmem>>, %arg12: memref<32x128xf32, #tpu.memory_space<vmem>>, %arg13: memref<32x128xf32, #tpu.memory_space<vmem>>, %arg14: memref<32x128xf32, #tpu.memory_space<vmem>>, %arg15: memref<32x128xf32, #tpu.memory_space<vmem>>, %arg16: memref<32x1024xf32, #tpu.memory_space<vmem>>, %arg17: memref<32x1024xf32, #tpu.memory_space<vmem>>, %arg18: memref<33x1024xf32, #tpu.memory_space<vmem>>, %arg19: memref<33x16xf32, #tpu.memory_space<vmem>>, %arg20: memref<!tpu.dma_semaphore, #tpu.memory_space<semaphore_mem>>, %arg21: memref<!tpu.dma_semaphore, #tpu.memory_space<semaphore_mem>>, %arg22: memref<!tpu.dma_semaphore, #tpu.memory_space<semaphore_mem>>, %arg23: memref<!tpu.dma_semaphore, #tpu.memory_space<semaphore_mem>>, %arg24: memref<!tpu.dma_semaphore, #tpu.memory_space<semaphore_mem>>, %arg25: memref<!tpu.dma_semaphore, #tpu.memory_space<semaphore_mem>>) attributes {dimension_semantics = [#tpu.dimension_semantics<core_parallel>, #tpu.dimension_semantics<subcore_parallel>], iteration_bounds = array<i64: 2, 16>, scalar_prefetch = 0 : i64, scratch_operands = 17 : i64, tpu.core_type = #tpu.core_type<sc_vector_subcore>, window_params = [{transform_indices = #map}, {transform_indices = #map}, {transform_indices = #map1}, {transform_indices = #map1}, {transform_indices = #map1}, {transform_indices = #map1}, {transform_indices = #map1}]} {
    %mul3A = arith.constant 2 : i32
    %mul3A_0 = arith.muli %arg1, %mul3A : i32
    %add3A = arith.addi %mul3A_0, %arg0 : i32
    %iota3A = tpu.iota {dimensions = array<i32: 0>} : vector<16xi32>
    %broadcast_in_dim3A = arith.constant 0.000000e+00 : f32
    %broadcast_in_dim3A_1 = vector.broadcast %broadcast_in_dim3A : f32 to vector<16xf32>
    %lt3A = arith.constant 4 : i32
    %lt3A_2 = vector.broadcast %lt3A : i32 to vector<16xi32>
    %lt3A_3 = arith.cmpi slt, %iota3A, %lt3A_2 : vector<16xi32>
    "tpu.region"() ({
      %run_scoped3A = tpu.sem_alloc : memref<!tpu.dma_semaphore, #tpu.memory_space<semaphore_mem>>
      %dma_start3A = arith.constant 0 : i32
      %dma_start3A_10 = tpu.memref_slice %arg3[%dma_start3A] : memref<328xi32, #tpu.memory_space<hbm>> -> memref<328xi32, #tpu.memory_space<hbm>>
      %dma_start3A_11 = arith.constant 0 : i32
      %dma_start3A_12 = tpu.memref_slice %arg3[%dma_start3A_11] : memref<328xi32, #tpu.memory_space<hbm>> -> memref<328xi32, #tpu.memory_space<hbm>>
      tpu.enqueue_dma source(%dma_start3A_12 : memref<328xi32, #tpu.memory_space<hbm>>) target(%arg9 : memref<328xi32, #tpu.memory_space<vmem>>) target_semaphore(%run_scoped3A : memref<!tpu.dma_semaphore, #tpu.memory_space<semaphore_mem>>)
      %dma_wait3A = arith.constant 0 : i32
      %dma_wait3A_13 = tpu.memref_slice %arg3[%dma_wait3A] : memref<328xi32, #tpu.memory_space<hbm>> -> memref<328xi32, #tpu.memory_space<hbm>>
      %dma_wait3A_14 = arith.constant 0 : i32
      %dma_wait3A_15 = tpu.memref_slice %arg3[%dma_wait3A_14] : memref<328xi32, #tpu.memory_space<hbm>> -> memref<328xi32, #tpu.memory_space<hbm>>
      tpu.wait_dma2 semaphore(%run_scoped3A : memref<!tpu.dma_semaphore, #tpu.memory_space<semaphore_mem>>) src(%dma_wait3A_15 : memref<328xi32, #tpu.memory_space<hbm>>) dst(%arg9 : memref<328xi32, #tpu.memory_space<vmem>>)
      tpu.yield
    }) : () -> ()
    %scan3A = arith.constant 0 : i32
    %scan3A_4 = arith.constant 0 : i32
    %scan3A_5 = arith.constant 10 : i32
    %scan3A_6 = arith.addi %scan3A_4, %scan3A_5 : i32
    %scan3A_7 = arith.constant 1 : i32
    %scan3A_8 = scf.for %scan3A_10 = %scan3A_4 to %scan3A_6 step %scan3A_7 iter_args(%scan3A_11 = %scan3A) -> (i32)  : i32 {
      %mul3A_12 = arith.constant 32 : i32
      %mul3A_13 = arith.muli %scan3A_10, %mul3A_12 : i32
      %add3A_14 = arith.addi %mul3A_13, %add3A : i32
      %mul3A_15 = arith.constant 32 : i32
      %mul3A_16 = arith.muli %add3A_14, %mul3A_15 : i32
      %scan3A_17 = arith.constant 0 : i32
      %scan3A_18 = arith.constant 0 : i32
      %scan3A_19 = arith.constant 32 : i32
      %scan3A_20 = arith.addi %scan3A_18, %scan3A_19 : i32
      %scan3A_21 = arith.constant 1 : i32
      %scan3A_22 = scf.for %scan3A_145 = %scan3A_18 to %scan3A_20 step %scan3A_21 iter_args(%scan3A_146 = %scan3A_17) -> (i32)  : i32 {
        %swap3A = arith.index_cast %scan3A_145 : i32 to index
        %swap3A_147 = arith.constant 0 : index
        %swap3A_148 = tpu.vector_load %arg18[%swap3A, %swap3A_147] {strides = array<i32>} : memref<33x1024xf32, #tpu.memory_space<vmem>>, vector<16xf32>,
        tpu.vector_store %arg18[%swap3A, %swap3A_147], %broadcast_in_dim3A_1 {strides = array<i32>} : memref<33x1024xf32, #tpu.memory_space<vmem>>, vector<16xf32>,
        %swap3A_149 = arith.index_cast %scan3A_145 : i32 to index
        %swap3A_150 = arith.constant 16 : index
        %swap3A_151 = tpu.vector_load %arg18[%swap3A_149, %swap3A_150] {strides = array<i32>} : memref<33x1024xf32, #tpu.memory_space<vmem>>, vector<16xf32>,
        tpu.vector_store %arg18[%swap3A_149, %swap3A_150], %broadcast_in_dim3A_1 {strides = array<i32>} : memref<33x1024xf32, #tpu.memory_space<vmem>>, vector<16xf32>,
        %swap3A_152 = arith.index_cast %scan3A_145 : i32 to index
        %swap3A_153 = arith.constant 32 : index
        %swap3A_154 = tpu.vector_load %arg18[%swap3A_152, %swap3A_153] {strides = array<i32>} : memref<33x1024xf32, #tpu.memory_space<vmem>>, vector<16xf32>,
        tpu.vector_store %arg18[%swap3A_152, %swap3A_153], %broadcast_in_dim3A_1 {strides = array<i32>} : memref<33x1024xf32, #tpu.memory_space<vmem>>, vector<16xf32>,
        %swap3A_155 = arith.index_cast %scan3A_145 : i32 to index
        %swap3A_156 = arith.constant 48 : index
        %swap3A_157 = tpu.vector_load %arg18[%swap3A_155, %swap3A_156] {strides = array<i32>} : memref<33x1024xf32, #tpu.memory_space<vmem>>, vector<16xf32>,
        tpu.vector_store %arg18[%swap3A_155, %swap3A_156], %broadcast_in_dim3A_1 {strides = array<i32>} : memref<33x1024xf32, #tpu.memory_space<vmem>>, vector<16xf32>,
        %swap3A_158 = arith.index_cast %scan3A_145 : i32 to index
        %swap3A_159 = arith.constant 64 : index
        %swap3A_160 = tpu.vector_load %arg18[%swap3A_158, %swap3A_159] {strides = array<i32>} : memref<33x1024xf32, #tpu.memory_space<vmem>>, vector<16xf32>,
        tpu.vector_store %arg18[%swap3A_158, %swap3A_159], %broadcast_in_dim3A_1 {strides = array<i32>} : memref<33x1024xf32, #tpu.memory_space<vmem>>, vector<16xf32>,
        %swap3A_161 = arith.index_cast %scan3A_145 : i32 to index
        %swap3A_162 = arith.constant 80 : index
        %swap3A_163 = tpu.vector_load %arg18[%swap3A_161, %swap3A_162] {strides = array<i32>} : memref<33x1024xf32, #tpu.memory_space<vmem>>, vector<16xf32>,
        tpu.vector_store %arg18[%swap3A_161, %swap3A_162], %broadcast_in_dim3A_1 {strides = array<i32>} : memref<33x1024xf32, #tpu.memory_space<vmem>>, vector<16xf32>,
        %swap3A_164 = arith.index_cast %scan3A_145 : i32 to index
        %swap3A_165 = arith.constant 96 : index
        %swap3A_166 = tpu.vector_load %arg18[%swap3A_164, %swap3A_165] {strides = array<i32>} : memref<33x1024xf32, #tpu.memory_space<vmem>>, vector<16xf32>,
        tpu.vector_store %arg18[%swap3A_164, %swap3A_165], %broadcast_in_dim3A_1 {strides = array<i32>} : memref<33x1024xf32, #tpu.memory_space<vmem>>, vector<16xf32>,
        %swap3A_167 = arith.index_cast %scan3A_145 : i32 to index
        %swap3A_168 = arith.constant 112 : index
        %swap3A_169 = tpu.vector_load %arg18[%swap3A_167, %swap3A_168] {strides = array<i32>} : memref<33x1024xf32, #tpu.memory_space<vmem>>, vector<16xf32>,
        tpu.vector_store %arg18[%swap3A_167, %swap3A_168], %broadcast_in_dim3A_1 {strides = array<i32>} : memref<33x1024xf32, #tpu.memory_space<vmem>>, vector<16xf32>,
        %swap3A_170 = arith.index_cast %scan3A_145 : i32 to index
        %swap3A_171 = arith.constant 128 : index
        %swap3A_172 = tpu.vector_load %arg18[%swap3A_170, %swap3A_171] {strides = array<i32>} : memref<33x1024xf32, #tpu.memory_space<vmem>>, vector<16xf32>,
        tpu.vector_store %arg18[%swap3A_170, %swap3A_171], %broadcast_in_dim3A_1 {strides = array<i32>} : memref<33x1024xf32, #tpu.memory_space<vmem>>, vector<16xf32>,
        %swap3A_173 = arith.index_cast %scan3A_145 : i32 to index
        %swap3A_174 = arith.constant 144 : index
        %swap3A_175 = tpu.vector_load %arg18[%swap3A_173, %swap3A_174] {strides = array<i32>} : memref<33x1024xf32, #tpu.memory_space<vmem>>, vector<16xf32>,
        tpu.vector_store %arg18[%swap3A_173, %swap3A_174], %broadcast_in_dim3A_1 {strides = array<i32>} : memref<33x1024xf32, #tpu.memory_space<vmem>>, vector<16xf32>,
        %swap3A_176 = arith.index_cast %scan3A_145 : i32 to index
        %swap3A_177 = arith.constant 160 : index
        %swap3A_178 = tpu.vector_load %arg18[%swap3A_176, %swap3A_177] {strides = array<i32>} : memref<33x1024xf32, #tpu.memory_space<vmem>>, vector<16xf32>,
        tpu.vector_store %arg18[%swap3A_176, %swap3A_177], %broadcast_in_dim3A_1 {strides = array<i32>} : memref<33x1024xf32, #tpu.memory_space<vmem>>, vector<16xf32>,
        %swap3A_179 = arith.index_cast %scan3A_145 : i32 to index
        %swap3A_180 = arith.constant 176 : index
        %swap3A_181 = tpu.vector_load %arg18[%swap3A_179, %swap3A_180] {strides = array<i32>} : memref<33x1024xf32, #tpu.memory_space<vmem>>, vector<16xf32>,
        tpu.vector_store %arg18[%swap3A_179, %swap3A_180], %broadcast_in_dim3A_1 {strides = array<i32>} : memref<33x1024xf32, #tpu.memory_space<vmem>>, vector<16xf32>,
        %swap3A_182 = arith.index_cast %scan3A_145 : i32 to index
        %swap3A_183 = arith.constant 192 : index
        %swap3A_184 = tpu.vector_load %arg18[%swap3A_182, %swap3A_183] {strides = array<i32>} : memref<33x1024xf32, #tpu.memory_space<vmem>>, vector<16xf32>,
        tpu.vector_store %arg18[%swap3A_182, %swap3A_183], %broadcast_in_dim3A_1 {strides = array<i32>} : memref<33x1024xf32, #tpu.memory_space<vmem>>, vector<16xf32>,
        %swap3A_185 = arith.index_cast %scan3A_145 : i32 to index
        %swap3A_186 = arith.constant 208 : index
        %swap3A_187 = tpu.vector_load %arg18[%swap3A_185, %swap3A_186] {strides = array<i32>} : memref<33x1024xf32, #tpu.memory_space<vmem>>, vector<16xf32>,
        tpu.vector_store %arg18[%swap3A_185, %swap3A_186], %broadcast_in_dim3A_1 {strides = array<i32>} : memref<33x1024xf32, #tpu.memory_space<vmem>>, vector<16xf32>,
        %swap3A_188 = arith.index_cast %scan3A_145 : i32 to index
        %swap3A_189 = arith.constant 224 : index
        %swap3A_190 = tpu.vector_load %arg18[%swap3A_188, %swap3A_189] {strides = array<i32>} : memref<33x1024xf32, #tpu.memory_space<vmem>>, vector<16xf32>,
        tpu.vector_store %arg18[%swap3A_188, %swap3A_189], %broadcast_in_dim3A_1 {strides = array<i32>} : memref<33x1024xf32, #tpu.memory_space<vmem>>, vector<16xf32>,
        %swap3A_191 = arith.index_cast %scan3A_145 : i32 to index
        %swap3A_192 = arith.constant 240 : index
        %swap3A_193 = tpu.vector_load %arg18[%swap3A_191, %swap3A_192] {strides = array<i32>} : memref<33x1024xf32, #tpu.memory_space<vmem>>, vector<16xf32>,
        tpu.vector_store %arg18[%swap3A_191, %swap3A_192], %broadcast_in_dim3A_1 {strides = array<i32>} : memref<33x1024xf32, #tpu.memory_space<vmem>>, vector<16xf32>,
        %swap3A_194 = arith.index_cast %scan3A_145 : i32 to index
        %swap3A_195 = arith.constant 256 : index
        %swap3A_196 = tpu.vector_load %arg18[%swap3A_194, %swap3A_195] {strides = array<i32>} : memref<33x1024xf32, #tpu.memory_space<vmem>>, vector<16xf32>,
        tpu.vector_store %arg18[%swap3A_194, %swap3A_195], %broadcast_in_dim3A_1 {strides = array<i32>} : memref<33x1024xf32, #tpu.memory_space<vmem>>, vector<16xf32>,
        %swap3A_197 = arith.index_cast %scan3A_145 : i32 to index
        %swap3A_198 = arith.constant 272 : index
        %swap3A_199 = tpu.vector_load %arg18[%swap3A_197, %swap3A_198] {strides = array<i32>} : memref<33x1024xf32, #tpu.memory_space<vmem>>, vector<16xf32>,
        tpu.vector_store %arg18[%swap3A_197, %swap3A_198], %broadcast_in_dim3A_1 {strides = array<i32>} : memref<33x1024xf32, #tpu.memory_space<vmem>>, vector<16xf32>,
        %swap3A_200 = arith.index_cast %scan3A_145 : i32 to index
        %swap3A_201 = arith.constant 288 : index
        %swap3A_202 = tpu.vector_load %arg18[%swap3A_200, %swap3A_201] {strides = array<i32>} : memref<33x1024xf32, #tpu.memory_space<vmem>>, vector<16xf32>,
        tpu.vector_store %arg18[%swap3A_200, %swap3A_201], %broadcast_in_dim3A_1 {strides = array<i32>} : memref<33x1024xf32, #tpu.memory_space<vmem>>, vector<16xf32>,
        %swap3A_203 = arith.index_cast %scan3A_145 : i32 to index
        %swap3A_204 = arith.constant 304 : index
        %swap3A_205 = tpu.vector_load %arg18[%swap3A_203, %swap3A_204] {strides = array<i32>} : memref<33x1024xf32, #tpu.memory_space<vmem>>, vector<16xf32>,
        tpu.vector_store %arg18[%swap3A_203, %swap3A_204], %broadcast_in_dim3A_1 {strides = array<i32>} : memref<33x1024xf32, #tpu.memory_space<vmem>>, vector<16xf32>,
        %swap3A_206 = arith.index_cast %scan3A_145 : i32 to index
        %swap3A_207 = arith.constant 320 : index
        %swap3A_208 = tpu.vector_load %arg18[%swap3A_206, %swap3A_207] {strides = array<i32>} : memref<33x1024xf32, #tpu.memory_space<vmem>>, vector<16xf32>,
        tpu.vector_store %arg18[%swap3A_206, %swap3A_207], %broadcast_in_dim3A_1 {strides = array<i32>} : memref<33x1024xf32, #tpu.memory_space<vmem>>, vector<16xf32>,
        %swap3A_209 = arith.index_cast %scan3A_145 : i32 to index
        %swap3A_210 = arith.constant 336 : index
        %swap3A_211 = tpu.vector_load %arg18[%swap3A_209, %swap3A_210] {strides = array<i32>} : memref<33x1024xf32, #tpu.memory_space<vmem>>, vector<16xf32>,
        tpu.vector_store %arg18[%swap3A_209, %swap3A_210], %broadcast_in_dim3A_1 {strides = array<i32>} : memref<33x1024xf32, #tpu.memory_space<vmem>>, vector<16xf32>,
        %swap3A_212 = arith.index_cast %scan3A_145 : i32 to index
        %swap3A_213 = arith.constant 352 : index
        %swap3A_214 = tpu.vector_load %arg18[%swap3A_212, %swap3A_213] {strides = array<i32>} : memref<33x1024xf32, #tpu.memory_space<vmem>>, vector<16xf32>,
        tpu.vector_store %arg18[%swap3A_212, %swap3A_213], %broadcast_in_dim3A_1 {strides = array<i32>} : memref<33x1024xf32, #tpu.memory_space<vmem>>, vector<16xf32>,
        %swap3A_215 = arith.index_cast %scan3A_145 : i32 to index
        %swap3A_216 = arith.constant 368 : index
        %swap3A_217 = tpu.vector_load %arg18[%swap3A_215, %swap3A_216] {strides = array<i32>} : memref<33x1024xf32, #tpu.memory_space<vmem>>, vector<16xf32>,
        tpu.vector_store %arg18[%swap3A_215, %swap3A_216], %broadcast_in_dim3A_1 {strides = array<i32>} : memref<33x1024xf32, #tpu.memory_space<vmem>>, vector<16xf32>,
        %swap3A_218 = arith.index_cast %scan3A_145 : i32 to index
        %swap3A_219 = arith.constant 384 : index
        %swap3A_220 = tpu.vector_load %arg18[%swap3A_218, %swap3A_219] {strides = array<i32>} : memref<33x1024xf32, #tpu.memory_space<vmem>>, vector<16xf32>,
        tpu.vector_store %arg18[%swap3A_218, %swap3A_219], %broadcast_in_dim3A_1 {strides = array<i32>} : memref<33x1024xf32, #tpu.memory_space<vmem>>, vector<16xf32>,
        %swap3A_221 = arith.index_cast %scan3A_145 : i32 to index
        %swap3A_222 = arith.constant 400 : index
        %swap3A_223 = tpu.vector_load %arg18[%swap3A_221, %swap3A_222] {strides = array<i32>} : memref<33x1024xf32, #tpu.memory_space<vmem>>, vector<16xf32>,
        tpu.vector_store %arg18[%swap3A_221, %swap3A_222], %broadcast_in_dim3A_1 {strides = array<i32>} : memref<33x1024xf32, #tpu.memory_space<vmem>>, vector<16xf32>,
        %swap3A_224 = arith.index_cast %scan3A_145 : i32 to index
        %swap3A_225 = arith.constant 416 : index
        %swap3A_226 = tpu.vector_load %arg18[%swap3A_224, %swap3A_225] {strides = array<i32>} : memref<33x1024xf32, #tpu.memory_space<vmem>>, vector<16xf32>,
        tpu.vector_store %arg18[%swap3A_224, %swap3A_225], %broadcast_in_dim3A_1 {strides = array<i32>} : memref<33x1024xf32, #tpu.memory_space<vmem>>, vector<16xf32>,
        %swap3A_227 = arith.index_cast %scan3A_145 : i32 to index
        %swap3A_228 = arith.constant 432 : index
        %swap3A_229 = tpu.vector_load %arg18[%swap3A_227, %swap3A_228] {strides = array<i32>} : memref<33x1024xf32, #tpu.memory_space<vmem>>, vector<16xf32>,
        tpu.vector_store %arg18[%swap3A_227, %swap3A_228], %broadcast_in_dim3A_1 {strides = array<i32>} : memref<33x1024xf32, #tpu.memory_space<vmem>>, vector<16xf32>,
        %swap3A_230 = arith.index_cast %scan3A_145 : i32 to index
        %swap3A_231 = arith.constant 448 : index
        %swap3A_232 = tpu.vector_load %arg18[%swap3A_230, %swap3A_231] {strides = array<i32>} : memref<33x1024xf32, #tpu.memory_space<vmem>>, vector<16xf32>,
        tpu.vector_store %arg18[%swap3A_230, %swap3A_231], %broadcast_in_dim3A_1 {strides = array<i32>} : memref<33x1024xf32, #tpu.memory_space<vmem>>, vector<16xf32>,
        %swap3A_233 = arith.index_cast %scan3A_145 : i32 to index
        %swap3A_234 = arith.constant 464 : index
        %swap3A_235 = tpu.vector_load %arg18[%swap3A_233, %swap3A_234] {strides = array<i32>} : memref<33x1024xf32, #tpu.memory_space<vmem>>, vector<16xf32>,
        tpu.vector_store %arg18[%swap3A_233, %swap3A_234], %broadcast_in_dim3A_1 {strides = array<i32>} : memref<33x1024xf32, #tpu.memory_space<vmem>>, vector<16xf32>,
        %swap3A_236 = arith.index_cast %scan3A_145 : i32 to index
        %swap3A_237 = arith.constant 480 : index
        %swap3A_238 = tpu.vector_load %arg18[%swap3A_236, %swap3A_237] {strides = array<i32>} : memref<33x1024xf32, #tpu.memory_space<vmem>>, vector<16xf32>,
        tpu.vector_store %arg18[%swap3A_236, %swap3A_237], %broadcast_in_dim3A_1 {strides = array<i32>} : memref<33x1024xf32, #tpu.memory_space<vmem>>, vector<16xf32>,
        %swap3A_239 = arith.index_cast %scan3A_145 : i32 to index
        %swap3A_240 = arith.constant 496 : index
        %swap3A_241 = tpu.vector_load %arg18[%swap3A_239, %swap3A_240] {strides = array<i32>} : memref<33x1024xf32, #tpu.memory_space<vmem>>, vector<16xf32>,
        tpu.vector_store %arg18[%swap3A_239, %swap3A_240], %broadcast_in_dim3A_1 {strides = array<i32>} : memref<33x1024xf32, #tpu.memory_space<vmem>>, vector<16xf32>,
        %swap3A_242 = arith.index_cast %scan3A_145 : i32 to index
        %swap3A_243 = arith.constant 512 : index
        %swap3A_244 = tpu.vector_load %arg18[%swap3A_242, %swap3A_243] {strides = array<i32>} : memref<33x1024xf32, #tpu.memory_space<vmem>>, vector<16xf32>,
        tpu.vector_store %arg18[%swap3A_242, %swap3A_243], %broadcast_in_dim3A_1 {strides = array<i32>} : memref<33x1024xf32, #tpu.memory_space<vmem>>, vector<16xf32>,
        %swap3A_245 = arith.index_cast %scan3A_145 : i32 to index
        %swap3A_246 = arith.constant 528 : index
        %swap3A_247 = tpu.vector_load %arg18[%swap3A_245, %swap3A_246] {strides = array<i32>} : memref<33x1024xf32, #tpu.memory_space<vmem>>, vector<16xf32>,
        tpu.vector_store %arg18[%swap3A_245, %swap3A_246], %broadcast_in_dim3A_1 {strides = array<i32>} : memref<33x1024xf32, #tpu.memory_space<vmem>>, vector<16xf32>,
        %swap3A_248 = arith.index_cast %scan3A_145 : i32 to index
        %swap3A_249 = arith.constant 544 : index
        %swap3A_250 = tpu.vector_load %arg18[%swap3A_248, %swap3A_249] {strides = array<i32>} : memref<33x1024xf32, #tpu.memory_space<vmem>>, vector<16xf32>,
        tpu.vector_store %arg18[%swap3A_248, %swap3A_249], %broadcast_in_dim3A_1 {strides = array<i32>} : memref<33x1024xf32, #tpu.memory_space<vmem>>, vector<16xf32>,
        %swap3A_251 = arith.index_cast %scan3A_145 : i32 to index
        %swap3A_252 = arith.constant 560 : index
        %swap3A_253 = tpu.vector_load %arg18[%swap3A_251, %swap3A_252] {strides = array<i32>} : memref<33x1024xf32, #tpu.memory_space<vmem>>, vector<16xf32>,
        tpu.vector_store %arg18[%swap3A_251, %swap3A_252], %broadcast_in_dim3A_1 {strides = array<i32>} : memref<33x1024xf32, #tpu.memory_space<vmem>>, vector<16xf32>,
        %swap3A_254 = arith.index_cast %scan3A_145 : i32 to index
        %swap3A_255 = arith.constant 576 : index
        %swap3A_256 = tpu.vector_load %arg18[%swap3A_254, %swap3A_255] {strides = array<i32>} : memref<33x1024xf32, #tpu.memory_space<vmem>>, vector<16xf32>,
        tpu.vector_store %arg18[%swap3A_254, %swap3A_255], %broadcast_in_dim3A_1 {strides = array<i32>} : memref<33x1024xf32, #tpu.memory_space<vmem>>, vector<16xf32>,
        %swap3A_257 = arith.index_cast %scan3A_145 : i32 to index
        %swap3A_258 = arith.constant 592 : index
        %swap3A_259 = tpu.vector_load %arg18[%swap3A_257, %swap3A_258] {strides = array<i32>} : memref<33x1024xf32, #tpu.memory_space<vmem>>, vector<16xf32>,
        tpu.vector_store %arg18[%swap3A_257, %swap3A_258], %broadcast_in_dim3A_1 {strides = array<i32>} : memref<33x1024xf32, #tpu.memory_space<vmem>>, vector<16xf32>,
        %swap3A_260 = arith.index_cast %scan3A_145 : i32 to index
        %swap3A_261 = arith.constant 608 : index
        %swap3A_262 = tpu.vector_load %arg18[%swap3A_260, %swap3A_261] {strides = array<i32>} : memref<33x1024xf32, #tpu.memory_space<vmem>>, vector<16xf32>,
        tpu.vector_store %arg18[%swap3A_260, %swap3A_261], %broadcast_in_dim3A_1 {strides = array<i32>} : memref<33x1024xf32, #tpu.memory_space<vmem>>, vector<16xf32>,
        %swap3A_263 = arith.index_cast %scan3A_145 : i32 to index
        %swap3A_264 = arith.constant 624 : index
        %swap3A_265 = tpu.vector_load %arg18[%swap3A_263, %swap3A_264] {strides = array<i32>} : memref<33x1024xf32, #tpu.memory_space<vmem>>, vector<16xf32>,
        tpu.vector_store %arg18[%swap3A_263, %swap3A_264], %broadcast_in_dim3A_1 {strides = array<i32>} : memref<33x1024xf32, #tpu.memory_space<vmem>>, vector<16xf32>,
        %swap3A_266 = arith.index_cast %scan3A_145 : i32 to index
        %swap3A_267 = arith.constant 640 : index
        %swap3A_268 = tpu.vector_load %arg18[%swap3A_266, %swap3A_267] {strides = array<i32>} : memref<33x1024xf32, #tpu.memory_space<vmem>>, vector<16xf32>,
        tpu.vector_store %arg18[%swap3A_266, %swap3A_267], %broadcast_in_dim3A_1 {strides = array<i32>} : memref<33x1024xf32, #tpu.memory_space<vmem>>, vector<16xf32>,
        %swap3A_269 = arith.index_cast %scan3A_145 : i32 to index
        %swap3A_270 = arith.constant 656 : index
        %swap3A_271 = tpu.vector_load %arg18[%swap3A_269, %swap3A_270] {strides = array<i32>} : memref<33x1024xf32, #tpu.memory_space<vmem>>, vector<16xf32>,
        tpu.vector_store %arg18[%swap3A_269, %swap3A_270], %broadcast_in_dim3A_1 {strides = array<i32>} : memref<33x1024xf32, #tpu.memory_space<vmem>>, vector<16xf32>,
        %swap3A_272 = arith.index_cast %scan3A_145 : i32 to index
        %swap3A_273 = arith.constant 672 : index
        %swap3A_274 = tpu.vector_load %arg18[%swap3A_272, %swap3A_273] {strides = array<i32>} : memref<33x1024xf32, #tpu.memory_space<vmem>>, vector<16xf32>,
        tpu.vector_store %arg18[%swap3A_272, %swap3A_273], %broadcast_in_dim3A_1 {strides = array<i32>} : memref<33x1024xf32, #tpu.memory_space<vmem>>, vector<16xf32>,
        %swap3A_275 = arith.index_cast %scan3A_145 : i32 to index
        %swap3A_276 = arith.constant 688 : index
        %swap3A_277 = tpu.vector_load %arg18[%swap3A_275, %swap3A_276] {strides = array<i32>} : memref<33x1024xf32, #tpu.memory_space<vmem>>, vector<16xf32>,
        tpu.vector_store %arg18[%swap3A_275, %swap3A_276], %broadcast_in_dim3A_1 {strides = array<i32>} : memref<33x1024xf32, #tpu.memory_space<vmem>>, vector<16xf32>,
        %swap3A_278 = arith.index_cast %scan3A_145 : i32 to index
        %swap3A_279 = arith.constant 704 : index
        %swap3A_280 = tpu.vector_load %arg18[%swap3A_278, %swap3A_279] {strides = array<i32>} : memref<33x1024xf32, #tpu.memory_space<vmem>>, vector<16xf32>,
        tpu.vector_store %arg18[%swap3A_278, %swap3A_279], %broadcast_in_dim3A_1 {strides = array<i32>} : memref<33x1024xf32, #tpu.memory_space<vmem>>, vector<16xf32>,
        %swap3A_281 = arith.index_cast %scan3A_145 : i32 to index
        %swap3A_282 = arith.constant 720 : index
        %swap3A_283 = tpu.vector_load %arg18[%swap3A_281, %swap3A_282] {strides = array<i32>} : memref<33x1024xf32, #tpu.memory_space<vmem>>, vector<16xf32>,
        tpu.vector_store %arg18[%swap3A_281, %swap3A_282], %broadcast_in_dim3A_1 {strides = array<i32>} : memref<33x1024xf32, #tpu.memory_space<vmem>>, vector<16xf32>,
        %swap3A_284 = arith.index_cast %scan3A_145 : i32 to index
        %swap3A_285 = arith.constant 736 : index
        %swap3A_286 = tpu.vector_load %arg18[%swap3A_284, %swap3A_285] {strides = array<i32>} : memref<33x1024xf32, #tpu.memory_space<vmem>>, vector<16xf32>,
        tpu.vector_store %arg18[%swap3A_284, %swap3A_285], %broadcast_in_dim3A_1 {strides = array<i32>} : memref<33x1024xf32, #tpu.memory_space<vmem>>, vector<16xf32>,
        %swap3A_287 = arith.index_cast %scan3A_145 : i32 to index
        %swap3A_288 = arith.constant 752 : index
        %swap3A_289 = tpu.vector_load %arg18[%swap3A_287, %swap3A_288] {strides = array<i32>} : memref<33x1024xf32, #tpu.memory_space<vmem>>, vector<16xf32>,
        tpu.vector_store %arg18[%swap3A_287, %swap3A_288], %broadcast_in_dim3A_1 {strides = array<i32>} : memref<33x1024xf32, #tpu.memory_space<vmem>>, vector<16xf32>,
        %swap3A_290 = arith.index_cast %scan3A_145 : i32 to index
        %swap3A_291 = arith.constant 768 : index
        %swap3A_292 = tpu.vector_load %arg18[%swap3A_290, %swap3A_291] {strides = array<i32>} : memref<33x1024xf32, #tpu.memory_space<vmem>>, vector<16xf32>,
        tpu.vector_store %arg18[%swap3A_290, %swap3A_291], %broadcast_in_dim3A_1 {strides = array<i32>} : memref<33x1024xf32, #tpu.memory_space<vmem>>, vector<16xf32>,
        %swap3A_293 = arith.index_cast %scan3A_145 : i32 to index
        %swap3A_294 = arith.constant 784 : index
        %swap3A_295 = tpu.vector_load %arg18[%swap3A_293, %swap3A_294] {strides = array<i32>} : memref<33x1024xf32, #tpu.memory_space<vmem>>, vector<16xf32>,
        tpu.vector_store %arg18[%swap3A_293, %swap3A_294], %broadcast_in_dim3A_1 {strides = array<i32>} : memref<33x1024xf32, #tpu.memory_space<vmem>>, vector<16xf32>,
        %swap3A_296 = arith.index_cast %scan3A_145 : i32 to index
        %swap3A_297 = arith.constant 800 : index
        %swap3A_298 = tpu.vector_load %arg18[%swap3A_296, %swap3A_297] {strides = array<i32>} : memref<33x1024xf32, #tpu.memory_space<vmem>>, vector<16xf32>,
        tpu.vector_store %arg18[%swap3A_296, %swap3A_297], %broadcast_in_dim3A_1 {strides = array<i32>} : memref<33x1024xf32, #tpu.memory_space<vmem>>, vector<16xf32>,
        %swap3A_299 = arith.index_cast %scan3A_145 : i32 to index
        %swap3A_300 = arith.constant 816 : index
        %swap3A_301 = tpu.vector_load %arg18[%swap3A_299, %swap3A_300] {strides = array<i32>} : memref<33x1024xf32, #tpu.memory_space<vmem>>, vector<16xf32>,
        tpu.vector_store %arg18[%swap3A_299, %swap3A_300], %broadcast_in_dim3A_1 {strides = array<i32>} : memref<33x1024xf32, #tpu.memory_space<vmem>>, vector<16xf32>,
        %swap3A_302 = arith.index_cast %scan3A_145 : i32 to index
        %swap3A_303 = arith.constant 832 : index
        %swap3A_304 = tpu.vector_load %arg18[%swap3A_302, %swap3A_303] {strides = array<i32>} : memref<33x1024xf32, #tpu.memory_space<vmem>>, vector<16xf32>,
        tpu.vector_store %arg18[%swap3A_302, %swap3A_303], %broadcast_in_dim3A_1 {strides = array<i32>} : memref<33x1024xf32, #tpu.memory_space<vmem>>, vector<16xf32>,
        %swap3A_305 = arith.index_cast %scan3A_145 : i32 to index
        %swap3A_306 = arith.constant 848 : index
        %swap3A_307 = tpu.vector_load %arg18[%swap3A_305, %swap3A_306] {strides = array<i32>} : memref<33x1024xf32, #tpu.memory_space<vmem>>, vector<16xf32>,
        tpu.vector_store %arg18[%swap3A_305, %swap3A_306], %broadcast_in_dim3A_1 {strides = array<i32>} : memref<33x1024xf32, #tpu.memory_space<vmem>>, vector<16xf32>,
        %swap3A_308 = arith.index_cast %scan3A_145 : i32 to index
        %swap3A_309 = arith.constant 864 : index
        %swap3A_310 = tpu.vector_load %arg18[%swap3A_308, %swap3A_309] {strides = array<i32>} : memref<33x1024xf32, #tpu.memory_space<vmem>>, vector<16xf32>,
        tpu.vector_store %arg18[%swap3A_308, %swap3A_309], %broadcast_in_dim3A_1 {strides = array<i32>} : memref<33x1024xf32, #tpu.memory_space<vmem>>, vector<16xf32>,
        %swap3A_311 = arith.index_cast %scan3A_145 : i32 to index
        %swap3A_312 = arith.constant 880 : index
        %swap3A_313 = tpu.vector_load %arg18[%swap3A_311, %swap3A_312] {strides = array<i32>} : memref<33x1024xf32, #tpu.memory_space<vmem>>, vector<16xf32>,
        tpu.vector_store %arg18[%swap3A_311, %swap3A_312], %broadcast_in_dim3A_1 {strides = array<i32>} : memref<33x1024xf32, #tpu.memory_space<vmem>>, vector<16xf32>,
        %swap3A_314 = arith.index_cast %scan3A_145 : i32 to index
        %swap3A_315 = arith.constant 896 : index
        %swap3A_316 = tpu.vector_load %arg18[%swap3A_314, %swap3A_315] {strides = array<i32>} : memref<33x1024xf32, #tpu.memory_space<vmem>>, vector<16xf32>,
        tpu.vector_store %arg18[%swap3A_314, %swap3A_315], %broadcast_in_dim3A_1 {strides = array<i32>} : memref<33x1024xf32, #tpu.memory_space<vmem>>, vector<16xf32>,
        %swap3A_317 = arith.index_cast %scan3A_145 : i32 to index
        %swap3A_318 = arith.constant 912 : index
        %swap3A_319 = tpu.vector_load %arg18[%swap3A_317, %swap3A_318] {strides = array<i32>} : memref<33x1024xf32, #tpu.memory_space<vmem>>, vector<16xf32>,
        tpu.vector_store %arg18[%swap3A_317, %swap3A_318], %broadcast_in_dim3A_1 {strides = array<i32>} : memref<33x1024xf32, #tpu.memory_space<vmem>>, vector<16xf32>,
        %swap3A_320 = arith.index_cast %scan3A_145 : i32 to index
        %swap3A_321 = arith.constant 928 : index
        %swap3A_322 = tpu.vector_load %arg18[%swap3A_320, %swap3A_321] {strides = array<i32>} : memref<33x1024xf32, #tpu.memory_space<vmem>>, vector<16xf32>,
        tpu.vector_store %arg18[%swap3A_320, %swap3A_321], %broadcast_in_dim3A_1 {strides = array<i32>} : memref<33x1024xf32, #tpu.memory_space<vmem>>, vector<16xf32>,
        %swap3A_323 = arith.index_cast %scan3A_145 : i32 to index
        %swap3A_324 = arith.constant 944 : index
        %swap3A_325 = tpu.vector_load %arg18[%swap3A_323, %swap3A_324] {strides = array<i32>} : memref<33x1024xf32, #tpu.memory_space<vmem>>, vector<16xf32>,
        tpu.vector_store %arg18[%swap3A_323, %swap3A_324], %broadcast_in_dim3A_1 {strides = array<i32>} : memref<33x1024xf32, #tpu.memory_space<vmem>>, vector<16xf32>,
        %swap3A_326 = arith.index_cast %scan3A_145 : i32 to index
        %swap3A_327 = arith.constant 960 : index
        %swap3A_328 = tpu.vector_load %arg18[%swap3A_326, %swap3A_327] {strides = array<i32>} : memref<33x1024xf32, #tpu.memory_space<vmem>>, vector<16xf32>,
        tpu.vector_store %arg18[%swap3A_326, %swap3A_327], %broadcast_in_dim3A_1 {strides = array<i32>} : memref<33x1024xf32, #tpu.memory_space<vmem>>, vector<16xf32>,
        %swap3A_329 = arith.index_cast %scan3A_145 : i32 to index
        %swap3A_330 = arith.constant 976 : index
        %swap3A_331 = tpu.vector_load %arg18[%swap3A_329, %swap3A_330] {strides = array<i32>} : memref<33x1024xf32, #tpu.memory_space<vmem>>, vector<16xf32>,
        tpu.vector_store %arg18[%swap3A_329, %swap3A_330], %broadcast_in_dim3A_1 {strides = array<i32>} : memref<33x1024xf32, #tpu.memory_space<vmem>>, vector<16xf32>,
        %swap3A_332 = arith.index_cast %scan3A_145 : i32 to index
        %swap3A_333 = arith.constant 992 : index
        %swap3A_334 = tpu.vector_load %arg18[%swap3A_332, %swap3A_333] {strides = array<i32>} : memref<33x1024xf32, #tpu.memory_space<vmem>>, vector<16xf32>,
        tpu.vector_store %arg18[%swap3A_332, %swap3A_333], %broadcast_in_dim3A_1 {strides = array<i32>} : memref<33x1024xf32, #tpu.memory_space<vmem>>, vector<16xf32>,
        %swap3A_335 = arith.index_cast %scan3A_145 : i32 to index
        %swap3A_336 = arith.constant 1008 : index
        %swap3A_337 = tpu.vector_load %arg18[%swap3A_335, %swap3A_336] {strides = array<i32>} : memref<33x1024xf32, #tpu.memory_space<vmem>>, vector<16xf32>,
        tpu.vector_store %arg18[%swap3A_335, %swap3A_336], %broadcast_in_dim3A_1 {strides = array<i32>} : memref<33x1024xf32, #tpu.memory_space<vmem>>, vector<16xf32>,
        %swap3A_338 = arith.index_cast %scan3A_145 : i32 to index
        %swap3A_339 = arith.constant 0 : index
        %swap3A_340 = tpu.vector_load %arg19[%swap3A_338, %swap3A_339] {strides = array<i32>} : memref<33x16xf32, #tpu.memory_space<vmem>>, vector<16xf32>,
        tpu.vector_store %arg19[%swap3A_338, %swap3A_339], %broadcast_in_dim3A_1 {strides = array<i32>} : memref<33x16xf32, #tpu.memory_space<vmem>>, vector<16xf32>,
        %scan3A_341 = arith.constant 0 : i32
        scf.yield %scan3A_341 : i32
      }
      %scan3A_23 = arith.constant 32 : i32
      %broadcast_in_dim3A_24 = vector.broadcast %add3A_14 : i32 to vector<16xi32>
      %gather3A = tpu.vector_load_idx %arg9[%broadcast_in_dim3A_24] : memref<328xi32, #tpu.memory_space<vmem>>[vector<16xi32>], vector<16xi32>,
      %slice3A = vector.extract_strided_slice %gather3A {offsets = [0], sizes = [1], strides = [1]} : vector<16xi32> to vector<1xi32>
      %squeeze3A = vector.extract %slice3A[0] : i32 from vector<1xi32>
      %add3A_25 = arith.constant 1 : i32
      %add3A_26 = arith.addi %add3A_14, %add3A_25 : i32
      %broadcast_in_dim3A_27 = vector.broadcast %add3A_26 : i32 to vector<16xi32>
      %gather3A_28 = tpu.vector_load_idx %arg9[%broadcast_in_dim3A_27] : memref<328xi32, #tpu.memory_space<vmem>>[vector<16xi32>], vector<16xi32>,
      %slice3A_29 = vector.extract_strided_slice %gather3A_28 {offsets = [0], sizes = [1], strides = [1]} : vector<16xi32> to vector<1xi32>
      %squeeze3A_30 = vector.extract %slice3A_29[0] : i32 from vector<1xi32>
      %jit3A = arith.constant 32 : i32
      %div3A = arith.divsi %squeeze3A, %jit3A : i32
      %sign3A = arith.constant 0 : i32
      %sign3A_31 = arith.cmpi sgt, %squeeze3A, %sign3A : i32
      %sign3A_32 = arith.extui %sign3A_31 : i1 to i32
      %sign3A_33 = arith.constant 0 : i32
      %sign3A_34 = arith.cmpi slt, %squeeze3A, %sign3A_33 : i32
      %sign3A_35 = arith.extui %sign3A_34 : i1 to i32
      %sign3A_36 = arith.subi %sign3A_32, %sign3A_35 : i32
      %sign3A_37 = arith.constant 0 : i32
      %sign3A_38 = arith.cmpi sgt, %jit3A, %sign3A_37 : i32
      %sign3A_39 = arith.extui %sign3A_38 : i1 to i32
      %sign3A_40 = arith.constant 0 : i32
      %sign3A_41 = arith.cmpi slt, %jit3A, %sign3A_40 : i32
      %sign3A_42 = arith.extui %sign3A_41 : i1 to i32
      %sign3A_43 = arith.subi %sign3A_39, %sign3A_42 : i32
      %ne3A = arith.cmpi ne, %sign3A_36, %sign3A_43 : i32
      %rem3A = arith.remsi %squeeze3A, %jit3A : i32
      %ne3A_44 = arith.constant 0 : i32
      %ne3A_45 = arith.cmpi ne, %rem3A, %ne3A_44 : i32
      %and3A = arith.andi %ne3A, %ne3A_45 : i1
      %sub3A = arith.constant 1 : i32
      %sub3A_46 = arith.subi %div3A, %sub3A : i32
      %select_n3A = arith.select %and3A, %sub3A_46, %div3A : i32
      %add3A_47 = arith.constant 32 : i32
      %add3A_48 = arith.addi %squeeze3A_30, %add3A_47 : i32
      %sub3A_49 = arith.constant 1 : i32
      %sub3A_50 = arith.subi %add3A_48, %sub3A_49 : i32
      %jit3A_51 = arith.constant 32 : i32
      %div3A_52 = arith.divsi %sub3A_50, %jit3A_51 : i32
      %sign3A_53 = arith.constant 0 : i32
      %sign3A_54 = arith.cmpi sgt, %sub3A_50, %sign3A_53 : i32
      %sign3A_55 = arith.extui %sign3A_54 : i1 to i32
      %sign3A_56 = arith.constant 0 : i32
      %sign3A_57 = arith.cmpi slt, %sub3A_50, %sign3A_56 : i32
      %sign3A_58 = arith.extui %sign3A_57 : i1 to i32
      %sign3A_59 = arith.subi %sign3A_55, %sign3A_58 : i32
      %sign3A_60 = arith.constant 0 : i32
      %sign3A_61 = arith.cmpi sgt, %jit3A_51, %sign3A_60 : i32
      %sign3A_62 = arith.extui %sign3A_61 : i1 to i32
      %sign3A_63 = arith.constant 0 : i32
      %sign3A_64 = arith.cmpi slt, %jit3A_51, %sign3A_63 : i32
      %sign3A_65 = arith.extui %sign3A_64 : i1 to i32
      %sign3A_66 = arith.subi %sign3A_62, %sign3A_65 : i32
      %ne3A_67 = arith.cmpi ne, %sign3A_59, %sign3A_66 : i32
      %rem3A_68 = arith.remsi %sub3A_50, %jit3A_51 : i32
      %ne3A_69 = arith.constant 0 : i32
      %ne3A_70 = arith.cmpi ne, %rem3A_68, %ne3A_69 : i32
      %and3A_71 = arith.andi %ne3A_67, %ne3A_70 : i1
      %sub3A_72 = arith.constant 1 : i32
      %sub3A_73 = arith.subi %div3A_52, %sub3A_72 : i32
      %select_n3A_74 = arith.select %and3A_71, %sub3A_73, %div3A_52 : i32
      %sub3A_75 = arith.subi %select_n3A_74, %select_n3A : i32
      %add3A_76 = arith.constant 1 : i32
      %add3A_77 = arith.addi %sub3A_75, %add3A_76 : i32
      %jit3A_78 = arith.constant 2 : i32
      %div3A_79 = arith.divsi %add3A_77, %jit3A_78 : i32
      %sign3A_80 = arith.constant 0 : i32
      %sign3A_81 = arith.cmpi sgt, %add3A_77, %sign3A_80 : i32
      %sign3A_82 = arith.extui %sign3A_81 : i1 to i32
      %sign3A_83 = arith.constant 0 : i32
      %sign3A_84 = arith.cmpi slt, %add3A_77, %sign3A_83 : i32
      %sign3A_85 = arith.extui %sign3A_84 : i1 to i32
      %sign3A_86 = arith.subi %sign3A_82, %sign3A_85 : i32
      %sign3A_87 = arith.constant 0 : i32
      %sign3A_88 = arith.cmpi sgt, %jit3A_78, %sign3A_87 : i32
      %sign3A_89 = arith.extui %sign3A_88 : i1 to i32
      %sign3A_90 = arith.constant 0 : i32
      %sign3A_91 = arith.cmpi slt, %jit3A_78, %sign3A_90 : i32
      %sign3A_92 = arith.extui %sign3A_91 : i1 to i32
      %sign3A_93 = arith.subi %sign3A_89, %sign3A_92 : i32
      %ne3A_94 = arith.cmpi ne, %sign3A_86, %sign3A_93 : i32
      %rem3A_95 = arith.remsi %add3A_77, %jit3A_78 : i32
      %ne3A_96 = arith.constant 0 : i32
      %ne3A_97 = arith.cmpi ne, %rem3A_95, %ne3A_96 : i32
      %and3A_98 = arith.andi %ne3A_94, %ne3A_97 : i1
      %sub3A_99 = arith.constant 1 : i32
      %sub3A_100 = arith.subi %div3A_79, %sub3A_99 : i32
      %select_n3A_101 = arith.select %and3A_98, %sub3A_100, %div3A_79 : i32
      %min3A = arith.constant 9999 : i32
      %min3A_102 = arith.minsi %select_n3A, %min3A : i32
      %mul3A_103 = arith.constant 64 : i32
      %mul3A_104 = arith.muli %min3A_102, %mul3A_103 : i32
      "tpu.region"() ({
        %run_scoped3A = tpu.sem_alloc : memref<!tpu.dma_semaphore, #tpu.memory_space<semaphore_mem>>
        %dma_start3A_145 = tpu.memref_slice %arg2[%mul3A_104] : memref<640000xi32, #tpu.memory_space<hbm>> -> memref<64xi32, #tpu.memory_space<hbm>>
        %dma_start3A_146 = tpu.memref_slice %arg2[%mul3A_104] : memref<640000xi32, #tpu.memory_space<hbm>> -> memref<64xi32, #tpu.memory_space<hbm>>
        tpu.enqueue_dma source(%dma_start3A_146 : memref<64xi32, #tpu.memory_space<hbm>>) target(%arg10 : memref<64xi32, #tpu.memory_space<vmem>>) target_semaphore(%run_scoped3A : memref<!tpu.dma_semaphore, #tpu.memory_space<semaphore_mem>>)
        %dma_wait3A_147 = tpu.memref_slice %arg2[%mul3A_104] : memref<640000xi32, #tpu.memory_space<hbm>> -> memref<64xi32, #tpu.memory_space<hbm>>
        %dma_wait3A_148 = tpu.memref_slice %arg2[%mul3A_104] : memref<640000xi32, #tpu.memory_space<hbm>> -> memref<64xi32, #tpu.memory_space<hbm>>
        tpu.wait_dma2 semaphore(%run_scoped3A : memref<!tpu.dma_semaphore, #tpu.memory_space<semaphore_mem>>) src(%dma_wait3A_148 : memref<64xi32, #tpu.memory_space<hbm>>) dst(%arg10 : memref<64xi32, #tpu.memory_space<vmem>>)
        tpu.yield
      }) : () -> ()
      %dma_start3A = arith.constant 0 : i32
      %dma_start3A_105 = tpu.memref_slice %arg10[%dma_start3A] : memref<64xi32, #tpu.memory_space<vmem>> -> memref<32xi32, #tpu.memory_space<vmem>>
      %dma_start3A_106 = arith.constant 0 : i32
      %dma_start3A_107 = arith.constant 0 : i32
      %dma_start3A_108 = tpu.memref_slice %arg4[%dma_start3A_106, %dma_start3A_107] : memref<10000x128xf32, #tpu.memory_space<hbm>> -> memref<10000x128xf32, #tpu.memory_space<hbm>>
      tpu.enqueue_indirect_dma source(%dma_start3A_108 : memref<10000x128xf32, #tpu.memory_space<hbm>>) target(%arg12 : memref<32x128xf32, #tpu.memory_space<vmem>>) offsets(%dma_start3A_105 : memref<32xi32, #tpu.memory_space<vmem>>) semaphore(%arg20 : memref<!tpu.dma_semaphore, #tpu.memory_space<semaphore_mem>>)
      %dma_start3A_109 = arith.constant 32 : i32
      %dma_start3A_110 = tpu.memref_slice %arg10[%dma_start3A_109] : memref<64xi32, #tpu.memory_space<vmem>> -> memref<32xi32, #tpu.memory_space<vmem>>
      %dma_start3A_111 = arith.constant 0 : i32
      %dma_start3A_112 = arith.constant 0 : i32
      %dma_start3A_113 = tpu.memref_slice %arg5[%dma_start3A_111, %dma_start3A_112] : memref<10000x128xf32, #tpu.memory_space<hbm>> -> memref<10000x128xf32, #tpu.memory_space<hbm>>
      tpu.enqueue_indirect_dma source(%dma_start3A_113 : memref<10000x128xf32, #tpu.memory_space<hbm>>) target(%arg14 : memref<32x128xf32, #tpu.memory_space<vmem>>) offsets(%dma_start3A_110 : memref<32xi32, #tpu.memory_space<vmem>>) semaphore(%arg21 : memref<!tpu.dma_semaphore, #tpu.memory_space<semaphore_mem>>)
      %dma_start3A_114 = arith.constant 0 : i32
      %dma_start3A_115 = tpu.memref_slice %arg10[%dma_start3A_114] : memref<64xi32, #tpu.memory_space<vmem>> -> memref<32xi32, #tpu.memory_space<vmem>>
      %dma_start3A_116 = arith.constant 0 : i32
      %dma_start3A_117 = arith.constant 0 : i32
      %dma_start3A_118 = tpu.memref_slice %arg6[%dma_start3A_116, %dma_start3A_117] : memref<10000x1024xf32, #tpu.memory_space<hbm>> -> memref<10000x1024xf32, #tpu.memory_space<hbm>>
      tpu.enqueue_indirect_dma source(%dma_start3A_118 : memref<10000x1024xf32, #tpu.memory_space<hbm>>) target(%arg16 : memref<32x1024xf32, #tpu.memory_space<vmem>>) offsets(%dma_start3A_115 : memref<32xi32, #tpu.memory_space<vmem>>) semaphore(%arg22 : memref<!tpu.dma_semaphore, #tpu.memory_space<semaphore_mem>>)
      %while3A = arith.constant 0 : i32
      %while3A_119 = arith.constant 0 : i32
      %while3A_120 = arith.subi %select_n3A_101, %while3A : i32
      %while3A_121 = arith.addi %while3A, %while3A_120 : i32
      %while3A_122 = arith.constant 1 : i32
      %while3A_123 = arith.divsi %while3A_120, %while3A_122 : i32
      %while3A_124 = arith.muli %while3A_123, %while3A_122 : i32
      %while3A_125 = arith.addi %while3A, %while3A_124 : i32
      %while3A_126 = arith.constant 1 : i32
      %while3A_127 = scf.for %while3A_145 = %while3A to %while3A_125 step %while3A_126 iter_args(%while3A_146 = %while3A_119) -> (i32)  : i32 {
        %mul3A_147 = arith.constant 2 : i32
        %mul3A_148 = arith.muli %mul3A_147, %while3A_145 : i32
        %add3A_149 = arith.addi %select_n3A, %mul3A_148 : i32
        %dma_wait3A_150 = arith.constant 0 : i32
        %dma_wait3A_151 = tpu.memref_slice %arg10[%dma_wait3A_150] : memref<64xi32, #tpu.memory_space<vmem>> -> memref<32xi32, #tpu.memory_space<vmem>>
        %dma_wait3A_152 = arith.constant 0 : i32
        %dma_wait3A_153 = arith.constant 0 : i32
        %dma_wait3A_154 = tpu.memref_slice %arg4[%dma_wait3A_152, %dma_wait3A_153] : memref<10000x128xf32, #tpu.memory_space<hbm>> -> memref<10000x128xf32, #tpu.memory_space<hbm>>
        tpu.wait_indirect_dma semaphore(%arg20 : memref<!tpu.dma_semaphore, #tpu.memory_space<semaphore_mem>>) src(%dma_wait3A_154 : memref<10000x128xf32, #tpu.memory_space<hbm>>) dst(%arg12 : memref<32x128xf32, #tpu.memory_space<vmem>>)
        %dma_wait3A_155 = arith.constant 32 : i32
        %dma_wait3A_156 = tpu.memref_slice %arg10[%dma_wait3A_155] : memref<64xi32, #tpu.memory_space<vmem>> -> memref<32xi32, #tpu.memory_space<vmem>>
        %dma_wait3A_157 = arith.constant 0 : i32
        %dma_wait3A_158 = arith.constant 0 : i32
        %dma_wait3A_159 = tpu.memref_slice %arg5[%dma_wait3A_157, %dma_wait3A_158] : memref<10000x128xf32, #tpu.memory_space<hbm>> -> memref<10000x128xf32, #tpu.memory_space<hbm>>
        tpu.wait_indirect_dma semaphore(%arg21 : memref<!tpu.dma_semaphore, #tpu.memory_space<semaphore_mem>>) src(%dma_wait3A_159 : memref<10000x128xf32, #tpu.memory_space<hbm>>) dst(%arg14 : memref<32x128xf32, #tpu.memory_space<vmem>>)
        %dma_wait3A_160 = arith.constant 0 : i32
        %dma_wait3A_161 = tpu.memref_slice %arg10[%dma_wait3A_160] : memref<64xi32, #tpu.memory_space<vmem>> -> memref<32xi32, #tpu.memory_space<vmem>>
        %dma_wait3A_162 = arith.constant 0 : i32
        %dma_wait3A_163 = arith.constant 0 : i32
        %dma_wait3A_164 = tpu.memref_slice %arg6[%dma_wait3A_162, %dma_wait3A_163] : memref<10000x1024xf32, #tpu.memory_space<hbm>> -> memref<10000x1024xf32, #tpu.memory_space<hbm>>
        tpu.wait_indirect_dma semaphore(%arg22 : memref<!tpu.dma_semaphore, #tpu.memory_space<semaphore_mem>>) src(%dma_wait3A_164 : memref<10000x1024xf32, #tpu.memory_space<hbm>>) dst(%arg16 : memref<32x1024xf32, #tpu.memory_space<vmem>>)
        %add3A_165 = arith.constant 1 : i32
        %add3A_166 = arith.addi %add3A_149, %add3A_165 : i32
        %min3A_167 = arith.constant 9999 : i32
        %min3A_168 = arith.minsi %add3A_166, %min3A_167 : i32
        %mul3A_169 = arith.constant 64 : i32
        %mul3A_170 = arith.muli %min3A_168, %mul3A_169 : i32
        "tpu.region"() ({
          %run_scoped3A = tpu.sem_alloc : memref<!tpu.dma_semaphore, #tpu.memory_space<semaphore_mem>>
          %dma_start3A_225 = tpu.memref_slice %arg2[%mul3A_170] : memref<640000xi32, #tpu.memory_space<hbm>> -> memref<64xi32, #tpu.memory_space<hbm>>
          %dma_start3A_226 = tpu.memref_slice %arg2[%mul3A_170] : memref<640000xi32, #tpu.memory_space<hbm>> -> memref<64xi32, #tpu.memory_space<hbm>>
          tpu.enqueue_dma source(%dma_start3A_226 : memref<64xi32, #tpu.memory_space<hbm>>) target(%arg11 : memref<64xi32, #tpu.memory_space<vmem>>) target_semaphore(%run_scoped3A : memref<!tpu.dma_semaphore, #tpu.memory_space<semaphore_mem>>)
          %dma_wait3A_227 = tpu.memref_slice %arg2[%mul3A_170] : memref<640000xi32, #tpu.memory_space<hbm>> -> memref<64xi32, #tpu.memory_space<hbm>>
          %dma_wait3A_228 = tpu.memref_slice %arg2[%mul3A_170] : memref<640000xi32, #tpu.memory_space<hbm>> -> memref<64xi32, #tpu.memory_space<hbm>>
          tpu.wait_dma2 semaphore(%run_scoped3A : memref<!tpu.dma_semaphore, #tpu.memory_space<semaphore_mem>>) src(%dma_wait3A_228 : memref<64xi32, #tpu.memory_space<hbm>>) dst(%arg11 : memref<64xi32, #tpu.memory_space<vmem>>)
          tpu.yield
        }) : () -> ()
        %dma_start3A_171 = arith.constant 0 : i32
        %dma_start3A_172 = tpu.memref_slice %arg11[%dma_start3A_171] : memref<64xi32, #tpu.memory_space<vmem>> -> memref<32xi32, #tpu.memory_space<vmem>>
        %dma_start3A_173 = arith.constant 0 : i32
        %dma_start3A_174 = arith.constant 0 : i32
        %dma_start3A_175 = tpu.memref_slice %arg4[%dma_start3A_173, %dma_start3A_174] : memref<10000x128xf32, #tpu.memory_space<hbm>> -> memref<10000x128xf32, #tpu.memory_space<hbm>>
        tpu.enqueue_indirect_dma source(%dma_start3A_175 : memref<10000x128xf32, #tpu.memory_space<hbm>>) target(%arg13 : memref<32x128xf32, #tpu.memory_space<vmem>>) offsets(%dma_start3A_172 : memref<32xi32, #tpu.memory_space<vmem>>) semaphore(%arg23 : memref<!tpu.dma_semaphore, #tpu.memory_space<semaphore_mem>>)
        %dma_start3A_176 = arith.constant 32 : i32
        %dma_start3A_177 = tpu.memref_slice %arg11[%dma_start3A_176] : memref<64xi32, #tpu.memory_space<vmem>> -> memref<32xi32, #tpu.memory_space<vmem>>
        %dma_start3A_178 = arith.constant 0 : i32
        %dma_start3A_179 = arith.constant 0 : i32
        %dma_start3A_180 = tpu.memref_slice %arg5[%dma_start3A_178, %dma_start3A_179] : memref<10000x128xf32, #tpu.memory_space<hbm>> -> memref<10000x128xf32, #tpu.memory_space<hbm>>
        tpu.enqueue_indirect_dma source(%dma_start3A_180 : memref<10000x128xf32, #tpu.memory_space<hbm>>) target(%arg15 : memref<32x128xf32, #tpu.memory_space<vmem>>) offsets(%dma_start3A_177 : memref<32xi32, #tpu.memory_space<vmem>>) semaphore(%arg24 : memref<!tpu.dma_semaphore, #tpu.memory_space<semaphore_mem>>)
        %dma_start3A_181 = arith.constant 0 : i32
        %dma_start3A_182 = tpu.memref_slice %arg11[%dma_start3A_181] : memref<64xi32, #tpu.memory_space<vmem>> -> memref<32xi32, #tpu.memory_space<vmem>>
        %dma_start3A_183 = arith.constant 0 : i32
        %dma_start3A_184 = arith.constant 0 : i32
        %dma_start3A_185 = tpu.memref_slice %arg6[%dma_start3A_183, %dma_start3A_184] : memref<10000x1024xf32, #tpu.memory_space<hbm>> -> memref<10000x1024xf32, #tpu.memory_space<hbm>>
        tpu.enqueue_indirect_dma source(%dma_start3A_185 : memref<10000x1024xf32, #tpu.memory_space<hbm>>) target(%arg17 : memref<32x1024xf32, #tpu.memory_space<vmem>>) offsets(%dma_start3A_182 : memref<32xi32, #tpu.memory_space<vmem>>) semaphore(%arg25 : memref<!tpu.dma_semaphore, #tpu.memory_space<semaphore_mem>>)
        %dma_wait3A_186 = arith.constant 0 : i32
        %dma_wait3A_187 = tpu.memref_slice %arg11[%dma_wait3A_186] : memref<64xi32, #tpu.memory_space<vmem>> -> memref<32xi32, #tpu.memory_space<vmem>>
        %dma_wait3A_188 = arith.constant 0 : i32
        %dma_wait3A_189 = arith.constant 0 : i32
        %dma_wait3A_190 = tpu.memref_slice %arg4[%dma_wait3A_188, %dma_wait3A_189] : memref<10000x128xf32, #tpu.memory_space<hbm>> -> memref<10000x128xf32, #tpu.memory_space<hbm>>
        tpu.wait_indirect_dma semaphore(%arg23 : memref<!tpu.dma_semaphore, #tpu.memory_space<semaphore_mem>>) src(%dma_wait3A_190 : memref<10000x128xf32, #tpu.memory_space<hbm>>) dst(%arg13 : memref<32x128xf32, #tpu.memory_space<vmem>>)
        %dma_wait3A_191 = arith.constant 32 : i32
        %dma_wait3A_192 = tpu.memref_slice %arg11[%dma_wait3A_191] : memref<64xi32, #tpu.memory_space<vmem>> -> memref<32xi32, #tpu.memory_space<vmem>>
        %dma_wait3A_193 = arith.constant 0 : i32
        %dma_wait3A_194 = arith.constant 0 : i32
        %dma_wait3A_195 = tpu.memref_slice %arg5[%dma_wait3A_193, %dma_wait3A_194] : memref<10000x128xf32, #tpu.memory_space<hbm>> -> memref<10000x128xf32, #tpu.memory_space<hbm>>
        tpu.wait_indirect_dma semaphore(%arg24 : memref<!tpu.dma_semaphore, #tpu.memory_space<semaphore_mem>>) src(%dma_wait3A_195 : memref<10000x128xf32, #tpu.memory_space<hbm>>) dst(%arg15 : memref<32x128xf32, #tpu.memory_space<vmem>>)
        %dma_wait3A_196 = arith.constant 0 : i32
        %dma_wait3A_197 = tpu.memref_slice %arg11[%dma_wait3A_196] : memref<64xi32, #tpu.memory_space<vmem>> -> memref<32xi32, #tpu.memory_space<vmem>>
        %dma_wait3A_198 = arith.constant 0 : i32
        %dma_wait3A_199 = arith.constant 0 : i32
        %dma_wait3A_200 = tpu.memref_slice %arg6[%dma_wait3A_198, %dma_wait3A_199] : memref<10000x1024xf32, #tpu.memory_space<hbm>> -> memref<10000x1024xf32, #tpu.memory_space<hbm>>
        tpu.wait_indirect_dma semaphore(%arg25 : memref<!tpu.dma_semaphore, #tpu.memory_space<semaphore_mem>>) src(%dma_wait3A_200 : memref<10000x1024xf32, #tpu.memory_space<hbm>>) dst(%arg17 : memref<32x1024xf32, #tpu.memory_space<vmem>>)
        %add3A_201 = arith.constant 2 : i32
        %add3A_202 = arith.addi %add3A_149, %add3A_201 : i32
        %min3A_203 = arith.constant 9999 : i32
        %min3A_204 = arith.minsi %add3A_202, %min3A_203 : i32
        %mul3A_205 = arith.constant 64 : i32
        %mul3A_206 = arith.muli %min3A_204, %mul3A_205 : i32
        "tpu.region"() ({
          %run_scoped3A = tpu.sem_alloc : memref<!tpu.dma_semaphore, #tpu.memory_space<semaphore_mem>>
          %dma_start3A_225 = tpu.memref_slice %arg2[%mul3A_206] : memref<640000xi32, #tpu.memory_space<hbm>> -> memref<64xi32, #tpu.memory_space<hbm>>
          %dma_start3A_226 = tpu.memref_slice %arg2[%mul3A_206] : memref<640000xi32, #tpu.memory_space<hbm>> -> memref<64xi32, #tpu.memory_space<hbm>>
          tpu.enqueue_dma source(%dma_start3A_226 : memref<64xi32, #tpu.memory_space<hbm>>) target(%arg10 : memref<64xi32, #tpu.memory_space<vmem>>) target_semaphore(%run_scoped3A : memref<!tpu.dma_semaphore, #tpu.memory_space<semaphore_mem>>)
          %dma_wait3A_227 = tpu.memref_slice %arg2[%mul3A_206] : memref<640000xi32, #tpu.memory_space<hbm>> -> memref<64xi32, #tpu.memory_space<hbm>>
          %dma_wait3A_228 = tpu.memref_slice %arg2[%mul3A_206] : memref<640000xi32, #tpu.memory_space<hbm>> -> memref<64xi32, #tpu.memory_space<hbm>>
          tpu.wait_dma2 semaphore(%run_scoped3A : memref<!tpu.dma_semaphore, #tpu.memory_space<semaphore_mem>>) src(%dma_wait3A_228 : memref<64xi32, #tpu.memory_space<hbm>>) dst(%arg10 : memref<64xi32, #tpu.memory_space<vmem>>)
          tpu.yield
        }) : () -> ()
        %dma_start3A_207 = arith.constant 0 : i32
        %dma_start3A_208 = tpu.memref_slice %arg10[%dma_start3A_207] : memref<64xi32, #tpu.memory_space<vmem>> -> memref<32xi32, #tpu.memory_space<vmem>>
        %dma_start3A_209 = arith.constant 0 : i32
        %dma_start3A_210 = arith.constant 0 : i32
        %dma_start3A_211 = tpu.memref_slice %arg4[%dma_start3A_209, %dma_start3A_210] : memref<10000x128xf32, #tpu.memory_space<hbm>> -> memref<10000x128xf32, #tpu.memory_space<hbm>>
        tpu.enqueue_indirect_dma source(%dma_start3A_211 : memref<10000x128xf32, #tpu.memory_space<hbm>>) target(%arg12 : memref<32x128xf32, #tpu.memory_space<vmem>>) offsets(%dma_start3A_208 : memref<32xi32, #tpu.memory_space<vmem>>) semaphore(%arg20 : memref<!tpu.dma_semaphore, #tpu.memory_space<semaphore_mem>>)
        %dma_start3A_212 = arith.constant 32 : i32
        %dma_start3A_213 = tpu.memref_slice %arg10[%dma_start3A_212] : memref<64xi32, #tpu.memory_space<vmem>> -> memref<32xi32, #tpu.memory_space<vmem>>
        %dma_start3A_214 = arith.constant 0 : i32
        %dma_start3A_215 = arith.constant 0 : i32
        %dma_start3A_216 = tpu.memref_slice %arg5[%dma_start3A_214, %dma_start3A_215] : memref<10000x128xf32, #tpu.memory_space<hbm>> -> memref<10000x128xf32, #tpu.memory_space<hbm>>
        tpu.enqueue_indirect_dma source(%dma_start3A_216 : memref<10000x128xf32, #tpu.memory_space<hbm>>) target(%arg14 : memref<32x128xf32, #tpu.memory_space<vmem>>) offsets(%dma_start3A_213 : memref<32xi32, #tpu.memory_space<vmem>>) semaphore(%arg21 : memref<!tpu.dma_semaphore, #tpu.memory_space<semaphore_mem>>)
        %dma_start3A_217 = arith.constant 0 : i32
        %dma_start3A_218 = tpu.memref_slice %arg10[%dma_start3A_217] : memref<64xi32, #tpu.memory_space<vmem>> -> memref<32xi32, #tpu.memory_space<vmem>>
        %dma_start3A_219 = arith.constant 0 : i32
        %dma_start3A_220 = arith.constant 0 : i32
        %dma_start3A_221 = tpu.memref_slice %arg6[%dma_start3A_219, %dma_start3A_220] : memref<10000x1024xf32, #tpu.memory_space<hbm>> -> memref<10000x1024xf32, #tpu.memory_space<hbm>>
        tpu.enqueue_indirect_dma source(%dma_start3A_221 : memref<10000x1024xf32, #tpu.memory_space<hbm>>) target(%arg16 : memref<32x1024xf32, #tpu.memory_space<vmem>>) offsets(%dma_start3A_218 : memref<32xi32, #tpu.memory_space<vmem>>) semaphore(%arg22 : memref<!tpu.dma_semaphore, #tpu.memory_space<semaphore_mem>>)
        %add3A_222 = arith.constant 1 : i32
        %add3A_223 = arith.addi %add3A_149, %add3A_222 : i32
        %while3A_224 = arith.constant 0 : i32
        scf.yield %while3A_224 : i32
      }
      %while3A_128 = arith.constant 1 : i32
      %while3A_129 = scf.for %while3A_145 = %while3A_125 to %while3A_121 step %while3A_128 iter_args(%while3A_146 = %while3A_127) -> (i32)  : i32 {
        %mul3A_147 = arith.constant 2 : i32
        %mul3A_148 = arith.muli %mul3A_147, %while3A_145 : i32
        %add3A_149 = arith.addi %select_n3A, %mul3A_148 : i32
        %dma_wait3A_150 = arith.constant 0 : i32
        %dma_wait3A_151 = tpu.memref_slice %arg10[%dma_wait3A_150] : memref<64xi32, #tpu.memory_space<vmem>> -> memref<32xi32, #tpu.memory_space<vmem>>
        %dma_wait3A_152 = arith.constant 0 : i32
        %dma_wait3A_153 = arith.constant 0 : i32
        %dma_wait3A_154 = tpu.memref_slice %arg4[%dma_wait3A_152, %dma_wait3A_153] : memref<10000x128xf32, #tpu.memory_space<hbm>> -> memref<10000x128xf32, #tpu.memory_space<hbm>>
        tpu.wait_indirect_dma semaphore(%arg20 : memref<!tpu.dma_semaphore, #tpu.memory_space<semaphore_mem>>) src(%dma_wait3A_154 : memref<10000x128xf32, #tpu.memory_space<hbm>>) dst(%arg12 : memref<32x128xf32, #tpu.memory_space<vmem>>)
        %dma_wait3A_155 = arith.constant 32 : i32
        %dma_wait3A_156 = tpu.memref_slice %arg10[%dma_wait3A_155] : memref<64xi32, #tpu.memory_space<vmem>> -> memref<32xi32, #tpu.memory_space<vmem>>
        %dma_wait3A_157 = arith.constant 0 : i32
        %dma_wait3A_158 = arith.constant 0 : i32
        %dma_wait3A_159 = tpu.memref_slice %arg5[%dma_wait3A_157, %dma_wait3A_158] : memref<10000x128xf32, #tpu.memory_space<hbm>> -> memref<10000x128xf32, #tpu.memory_space<hbm>>
        tpu.wait_indirect_dma semaphore(%arg21 : memref<!tpu.dma_semaphore, #tpu.memory_space<semaphore_mem>>) src(%dma_wait3A_159 : memref<10000x128xf32, #tpu.memory_space<hbm>>) dst(%arg14 : memref<32x128xf32, #tpu.memory_space<vmem>>)
        %dma_wait3A_160 = arith.constant 0 : i32
        %dma_wait3A_161 = tpu.memref_slice %arg10[%dma_wait3A_160] : memref<64xi32, #tpu.memory_space<vmem>> -> memref<32xi32, #tpu.memory_space<vmem>>
        %dma_wait3A_162 = arith.constant 0 : i32
        %dma_wait3A_163 = arith.constant 0 : i32
        %dma_wait3A_164 = tpu.memref_slice %arg6[%dma_wait3A_162, %dma_wait3A_163] : memref<10000x1024xf32, #tpu.memory_space<hbm>> -> memref<10000x1024xf32, #tpu.memory_space<hbm>>
        tpu.wait_indirect_dma semaphore(%arg22 : memref<!tpu.dma_semaphore, #tpu.memory_space<semaphore_mem>>) src(%dma_wait3A_164 : memref<10000x1024xf32, #tpu.memory_space<hbm>>) dst(%arg16 : memref<32x1024xf32, #tpu.memory_space<vmem>>)
        %add3A_165 = arith.constant 1 : i32
        %add3A_166 = arith.addi %add3A_149, %add3A_165 : i32
        %min3A_167 = arith.constant 9999 : i32
        %min3A_168 = arith.minsi %add3A_166, %min3A_167 : i32
        %mul3A_169 = arith.constant 64 : i32
        %mul3A_170 = arith.muli %min3A_168, %mul3A_169 : i32
        "tpu.region"() ({
          %run_scoped3A = tpu.sem_alloc : memref<!tpu.dma_semaphore, #tpu.memory_space<semaphore_mem>>
          %dma_start3A_225 = tpu.memref_slice %arg2[%mul3A_170] : memref<640000xi32, #tpu.memory_space<hbm>> -> memref<64xi32, #tpu.memory_space<hbm>>
          %dma_start3A_226 = tpu.memref_slice %arg2[%mul3A_170] : memref<640000xi32, #tpu.memory_space<hbm>> -> memref<64xi32, #tpu.memory_space<hbm>>
          tpu.enqueue_dma source(%dma_start3A_226 : memref<64xi32, #tpu.memory_space<hbm>>) target(%arg11 : memref<64xi32, #tpu.memory_space<vmem>>) target_semaphore(%run_scoped3A : memref<!tpu.dma_semaphore, #tpu.memory_space<semaphore_mem>>)
          %dma_wait3A_227 = tpu.memref_slice %arg2[%mul3A_170] : memref<640000xi32, #tpu.memory_space<hbm>> -> memref<64xi32, #tpu.memory_space<hbm>>
          %dma_wait3A_228 = tpu.memref_slice %arg2[%mul3A_170] : memref<640000xi32, #tpu.memory_space<hbm>> -> memref<64xi32, #tpu.memory_space<hbm>>
          tpu.wait_dma2 semaphore(%run_scoped3A : memref<!tpu.dma_semaphore, #tpu.memory_space<semaphore_mem>>) src(%dma_wait3A_228 : memref<64xi32, #tpu.memory_space<hbm>>) dst(%arg11 : memref<64xi32, #tpu.memory_space<vmem>>)
          tpu.yield
        }) : () -> ()
        %dma_start3A_171 = arith.constant 0 : i32
        %dma_start3A_172 = tpu.memref_slice %arg11[%dma_start3A_171] : memref<64xi32, #tpu.memory_space<vmem>> -> memref<32xi32, #tpu.memory_space<vmem>>
        %dma_start3A_173 = arith.constant 0 : i32
        %dma_start3A_174 = arith.constant 0 : i32
        %dma_start3A_175 = tpu.memref_slice %arg4[%dma_start3A_173, %dma_start3A_174] : memref<10000x128xf32, #tpu.memory_space<hbm>> -> memref<10000x128xf32, #tpu.memory_space<hbm>>
        tpu.enqueue_indirect_dma source(%dma_start3A_175 : memref<10000x128xf32, #tpu.memory_space<hbm>>) target(%arg13 : memref<32x128xf32, #tpu.memory_space<vmem>>) offsets(%dma_start3A_172 : memref<32xi32, #tpu.memory_space<vmem>>) semaphore(%arg23 : memref<!tpu.dma_semaphore, #tpu.memory_space<semaphore_mem>>)
        %dma_start3A_176 = arith.constant 32 : i32
        %dma_start3A_177 = tpu.memref_slice %arg11[%dma_start3A_176] : memref<64xi32, #tpu.memory_space<vmem>> -> memref<32xi32, #tpu.memory_space<vmem>>
        %dma_start3A_178 = arith.constant 0 : i32
        %dma_start3A_179 = arith.constant 0 : i32
        %dma_start3A_180 = tpu.memref_slice %arg5[%dma_start3A_178, %dma_start3A_179] : memref<10000x128xf32, #tpu.memory_space<hbm>> -> memref<10000x128xf32, #tpu.memory_space<hbm>>
        tpu.enqueue_indirect_dma source(%dma_start3A_180 : memref<10000x128xf32, #tpu.memory_space<hbm>>) target(%arg15 : memref<32x128xf32, #tpu.memory_space<vmem>>) offsets(%dma_start3A_177 : memref<32xi32, #tpu.memory_space<vmem>>) semaphore(%arg24 : memref<!tpu.dma_semaphore, #tpu.memory_space<semaphore_mem>>)
        %dma_start3A_181 = arith.constant 0 : i32
        %dma_start3A_182 = tpu.memref_slice %arg11[%dma_start3A_181] : memref<64xi32, #tpu.memory_space<vmem>> -> memref<32xi32, #tpu.memory_space<vmem>>
        %dma_start3A_183 = arith.constant 0 : i32
        %dma_start3A_184 = arith.constant 0 : i32
        %dma_start3A_185 = tpu.memref_slice %arg6[%dma_start3A_183, %dma_start3A_184] : memref<10000x1024xf32, #tpu.memory_space<hbm>> -> memref<10000x1024xf32, #tpu.memory_space<hbm>>
        tpu.enqueue_indirect_dma source(%dma_start3A_185 : memref<10000x1024xf32, #tpu.memory_space<hbm>>) target(%arg17 : memref<32x1024xf32, #tpu.memory_space<vmem>>) offsets(%dma_start3A_182 : memref<32xi32, #tpu.memory_space<vmem>>) semaphore(%arg25 : memref<!tpu.dma_semaphore, #tpu.memory_space<semaphore_mem>>)
        %dma_wait3A_186 = arith.constant 0 : i32
        %dma_wait3A_187 = tpu.memref_slice %arg11[%dma_wait3A_186] : memref<64xi32, #tpu.memory_space<vmem>> -> memref<32xi32, #tpu.memory_space<vmem>>
        %dma_wait3A_188 = arith.constant 0 : i32
        %dma_wait3A_189 = arith.constant 0 : i32
        %dma_wait3A_190 = tpu.memref_slice %arg4[%dma_wait3A_188, %dma_wait3A_189] : memref<10000x128xf32, #tpu.memory_space<hbm>> -> memref<10000x128xf32, #tpu.memory_space<hbm>>
        tpu.wait_indirect_dma semaphore(%arg23 : memref<!tpu.dma_semaphore, #tpu.memory_space<semaphore_mem>>) src(%dma_wait3A_190 : memref<10000x128xf32, #tpu.memory_space<hbm>>) dst(%arg13 : memref<32x128xf32, #tpu.memory_space<vmem>>)
        %dma_wait3A_191 = arith.constant 32 : i32
        %dma_wait3A_192 = tpu.memref_slice %arg11[%dma_wait3A_191] : memref<64xi32, #tpu.memory_space<vmem>> -> memref<32xi32, #tpu.memory_space<vmem>>
        %dma_wait3A_193 = arith.constant 0 : i32
        %dma_wait3A_194 = arith.constant 0 : i32
        %dma_wait3A_195 = tpu.memref_slice %arg5[%dma_wait3A_193, %dma_wait3A_194] : memref<10000x128xf32, #tpu.memory_space<hbm>> -> memref<10000x128xf32, #tpu.memory_space<hbm>>
        tpu.wait_indirect_dma semaphore(%arg24 : memref<!tpu.dma_semaphore, #tpu.memory_space<semaphore_mem>>) src(%dma_wait3A_195 : memref<10000x128xf32, #tpu.memory_space<hbm>>) dst(%arg15 : memref<32x128xf32, #tpu.memory_space<vmem>>)
        %dma_wait3A_196 = arith.constant 0 : i32
        %dma_wait3A_197 = tpu.memref_slice %arg11[%dma_wait3A_196] : memref<64xi32, #tpu.memory_space<vmem>> -> memref<32xi32, #tpu.memory_space<vmem>>
        %dma_wait3A_198 = arith.constant 0 : i32
        %dma_wait3A_199 = arith.constant 0 : i32
        %dma_wait3A_200 = tpu.memref_slice %arg6[%dma_wait3A_198, %dma_wait3A_199] : memref<10000x1024xf32, #tpu.memory_space<hbm>> -> memref<10000x1024xf32, #tpu.memory_space<hbm>>
        tpu.wait_indirect_dma semaphore(%arg25 : memref<!tpu.dma_semaphore, #tpu.memory_space<semaphore_mem>>) src(%dma_wait3A_200 : memref<10000x1024xf32, #tpu.memory_space<hbm>>) dst(%arg17 : memref<32x1024xf32, #tpu.memory_space<vmem>>)
        %add3A_201 = arith.constant 2 : i32
        %add3A_202 = arith.addi %add3A_149, %add3A_201 : i32
        %min3A_203 = arith.constant 9999 : i32
        %min3A_204 = arith.minsi %add3A_202, %min3A_203 : i32
        %mul3A_205 = arith.constant 64 : i32
        %mul3A_206 = arith.muli %min3A_204, %mul3A_205 : i32
        "tpu.region"() ({
          %run_scoped3A = tpu.sem_alloc : memref<!tpu.dma_semaphore, #tpu.memory_space<semaphore_mem>>
          %dma_start3A_225 = tpu.memref_slice %arg2[%mul3A_206] : memref<640000xi32, #tpu.memory_space<hbm>> -> memref<64xi32, #tpu.memory_space<hbm>>
          %dma_start3A_226 = tpu.memref_slice %arg2[%mul3A_206] : memref<640000xi32, #tpu.memory_space<hbm>> -> memref<64xi32, #tpu.memory_space<hbm>>
          tpu.enqueue_dma source(%dma_start3A_226 : memref<64xi32, #tpu.memory_space<hbm>>) target(%arg10 : memref<64xi32, #tpu.memory_space<vmem>>) target_semaphore(%run_scoped3A : memref<!tpu.dma_semaphore, #tpu.memory_space<semaphore_mem>>)
          %dma_wait3A_227 = tpu.memref_slice %arg2[%mul3A_206] : memref<640000xi32, #tpu.memory_space<hbm>> -> memref<64xi32, #tpu.memory_space<hbm>>
          %dma_wait3A_228 = tpu.memref_slice %arg2[%mul3A_206] : memref<640000xi32, #tpu.memory_space<hbm>> -> memref<64xi32, #tpu.memory_space<hbm>>
          tpu.wait_dma2 semaphore(%run_scoped3A : memref<!tpu.dma_semaphore, #tpu.memory_space<semaphore_mem>>) src(%dma_wait3A_228 : memref<64xi32, #tpu.memory_space<hbm>>) dst(%arg10 : memref<64xi32, #tpu.memory_space<vmem>>)
          tpu.yield
        }) : () -> ()
        %dma_start3A_207 = arith.constant 0 : i32
        %dma_start3A_208 = tpu.memref_slice %arg10[%dma_start3A_207] : memref<64xi32, #tpu.memory_space<vmem>> -> memref<32xi32, #tpu.memory_space<vmem>>
        %dma_start3A_209 = arith.constant 0 : i32
        %dma_start3A_210 = arith.constant 0 : i32
        %dma_start3A_211 = tpu.memref_slice %arg4[%dma_start3A_209, %dma_start3A_210] : memref<10000x128xf32, #tpu.memory_space<hbm>> -> memref<10000x128xf32, #tpu.memory_space<hbm>>
        tpu.enqueue_indirect_dma source(%dma_start3A_211 : memref<10000x128xf32, #tpu.memory_space<hbm>>) target(%arg12 : memref<32x128xf32, #tpu.memory_space<vmem>>) offsets(%dma_start3A_208 : memref<32xi32, #tpu.memory_space<vmem>>) semaphore(%arg20 : memref<!tpu.dma_semaphore, #tpu.memory_space<semaphore_mem>>)
        %dma_start3A_212 = arith.constant 32 : i32
        %dma_start3A_213 = tpu.memref_slice %arg10[%dma_start3A_212] : memref<64xi32, #tpu.memory_space<vmem>> -> memref<32xi32, #tpu.memory_space<vmem>>
        %dma_start3A_214 = arith.constant 0 : i32
        %dma_start3A_215 = arith.constant 0 : i32
        %dma_start3A_216 = tpu.memref_slice %arg5[%dma_start3A_214, %dma_start3A_215] : memref<10000x128xf32, #tpu.memory_space<hbm>> -> memref<10000x128xf32, #tpu.memory_space<hbm>>
        tpu.enqueue_indirect_dma source(%dma_start3A_216 : memref<10000x128xf32, #tpu.memory_space<hbm>>) target(%arg14 : memref<32x128xf32, #tpu.memory_space<vmem>>) offsets(%dma_start3A_213 : memref<32xi32, #tpu.memory_space<vmem>>) semaphore(%arg21 : memref<!tpu.dma_semaphore, #tpu.memory_space<semaphore_mem>>)
        %dma_start3A_217 = arith.constant 0 : i32
        %dma_start3A_218 = tpu.memref_slice %arg10[%dma_start3A_217] : memref<64xi32, #tpu.memory_space<vmem>> -> memref<32xi32, #tpu.memory_space<vmem>>
        %dma_start3A_219 = arith.constant 0 : i32
        %dma_start3A_220 = arith.constant 0 : i32
        %dma_start3A_221 = tpu.memref_slice %arg6[%dma_start3A_219, %dma_start3A_220] : memref<10000x1024xf32, #tpu.memory_space<hbm>> -> memref<10000x1024xf32, #tpu.memory_space<hbm>>
        tpu.enqueue_indirect_dma source(%dma_start3A_221 : memref<10000x1024xf32, #tpu.memory_space<hbm>>) target(%arg16 : memref<32x1024xf32, #tpu.memory_space<vmem>>) offsets(%dma_start3A_218 : memref<32xi32, #tpu.memory_space<vmem>>) semaphore(%arg22 : memref<!tpu.dma_semaphore, #tpu.memory_space<semaphore_mem>>)
        %add3A_222 = arith.constant 1 : i32
        %add3A_223 = arith.addi %add3A_149, %add3A_222 : i32
        %while3A_224 = arith.constant 0 : i32
        scf.yield %while3A_224 : i32
      }
      %dma_wait3A = arith.constant 0 : i32
      %dma_wait3A_130 = tpu.memref_slice %arg10[%dma_wait3A] : memref<64xi32, #tpu.memory_space<vmem>> -> memref<32xi32, #tpu.memory_space<vmem>>
      %dma_wait3A_131 = arith.constant 0 : i32
      %dma_wait3A_132 = arith.constant 0 : i32
      %dma_wait3A_133 = tpu.memref_slice %arg4[%dma_wait3A_131, %dma_wait3A_132] : memref<10000x128xf32, #tpu.memory_space<hbm>> -> memref<10000x128xf32, #tpu.memory_space<hbm>>
      tpu.wait_indirect_dma semaphore(%arg20 : memref<!tpu.dma_semaphore, #tpu.memory_space<semaphore_mem>>) src(%dma_wait3A_133 : memref<10000x128xf32, #tpu.memory_space<hbm>>) dst(%arg12 : memref<32x128xf32, #tpu.memory_space<vmem>>)
      %dma_wait3A_134 = arith.constant 32 : i32
      %dma_wait3A_135 = tpu.memref_slice %arg10[%dma_wait3A_134] : memref<64xi32, #tpu.memory_space<vmem>> -> memref<32xi32, #tpu.memory_space<vmem>>
      %dma_wait3A_136 = arith.constant 0 : i32
      %dma_wait3A_137 = arith.constant 0 : i32
      %dma_wait3A_138 = tpu.memref_slice %arg5[%dma_wait3A_136, %dma_wait3A_137] : memref<10000x128xf32, #tpu.memory_space<hbm>> -> memref<10000x128xf32, #tpu.memory_space<hbm>>
      tpu.wait_indirect_dma semaphore(%arg21 : memref<!tpu.dma_semaphore, #tpu.memory_space<semaphore_mem>>) src(%dma_wait3A_138 : memref<10000x128xf32, #tpu.memory_space<hbm>>) dst(%arg14 : memref<32x128xf32, #tpu.memory_space<vmem>>)
      %dma_wait3A_139 = arith.constant 0 : i32
      %dma_wait3A_140 = tpu.memref_slice %arg10[%dma_wait3A_139] : memref<64xi32, #tpu.memory_space<vmem>> -> memref<32xi32, #tpu.memory_space<vmem>>
      %dma_wait3A_141 = arith.constant 0 : i32
      %dma_wait3A_142 = arith.constant 0 : i32
      %dma_wait3A_143 = tpu.memref_slice %arg6[%dma_wait3A_141, %dma_wait3A_142] : memref<10000x1024xf32, #tpu.memory_space<hbm>> -> memref<10000x1024xf32, #tpu.memory_space<hbm>>
      tpu.wait_indirect_dma semaphore(%arg22 : memref<!tpu.dma_semaphore, #tpu.memory_space<semaphore_mem>>) src(%dma_wait3A_143 : memref<10000x1024xf32, #tpu.memory_space<hbm>>) dst(%arg16 : memref<32x1024xf32, #tpu.memory_space<vmem>>)
      "tpu.region"() ({
        %run_scoped3A = tpu.sem_alloc : memref<!tpu.dma_semaphore, #tpu.memory_space<semaphore_mem>>
        %dma_start3A_145 = arith.constant 0 : i32
        %dma_start3A_146 = arith.constant 0 : i32
        %dma_start3A_147 = tpu.memref_slice %arg18[%dma_start3A_145, %dma_start3A_146] : memref<33x1024xf32, #tpu.memory_space<vmem>> -> memref<32x1024xf32, #tpu.memory_space<vmem>>
        %dma_start3A_148 = arith.constant 0 : i32
        %dma_start3A_149 = tpu.memref_slice %arg7[%mul3A_16, %dma_start3A_148] : memref<10240x1024xf32, #tpu.memory_space<hbm>> -> memref<32x1024xf32, #tpu.memory_space<hbm>>
        %dma_start3A_150 = arith.constant 0 : i32
        %dma_start3A_151 = tpu.memref_slice %arg7[%mul3A_16, %dma_start3A_150] : memref<10240x1024xf32, #tpu.memory_space<hbm>> -> memref<32x1024xf32, #tpu.memory_space<hbm>>
        %dma_start3A_152 = arith.constant 0 : i32
        %dma_start3A_153 = arith.constant 0 : i32
        %dma_start3A_154 = tpu.memref_slice %arg18[%dma_start3A_152, %dma_start3A_153] : memref<33x1024xf32, #tpu.memory_space<vmem>> -> memref<32x1024xf32, #tpu.memory_space<vmem>>
        tpu.enqueue_dma source(%dma_start3A_154 : memref<32x1024xf32, #tpu.memory_space<vmem>>) target(%dma_start3A_151 : memref<32x1024xf32, #tpu.memory_space<hbm>>) target_semaphore(%run_scoped3A : memref<!tpu.dma_semaphore, #tpu.memory_space<semaphore_mem>>)
        %dma_wait3A_155 = arith.constant 0 : i32
        %dma_wait3A_156 = arith.constant 0 : i32
        %dma_wait3A_157 = tpu.memref_slice %arg18[%dma_wait3A_155, %dma_wait3A_156] : memref<33x1024xf32, #tpu.memory_space<vmem>> -> memref<32x1024xf32, #tpu.memory_space<vmem>>
        %dma_wait3A_158 = arith.constant 0 : i32
        %dma_wait3A_159 = tpu.memref_slice %arg7[%mul3A_16, %dma_wait3A_158] : memref<10240x1024xf32, #tpu.memory_space<hbm>> -> memref<32x1024xf32, #tpu.memory_space<hbm>>
        %dma_wait3A_160 = arith.constant 0 : i32
        %dma_wait3A_161 = tpu.memref_slice %arg7[%mul3A_16, %dma_wait3A_160] : memref<10240x1024xf32, #tpu.memory_space<hbm>> -> memref<32x1024xf32, #tpu.memory_space<hbm>>
        %dma_wait3A_162 = arith.constant 0 : i32
        %dma_wait3A_163 = arith.constant 0 : i32
        %dma_wait3A_164 = tpu.memref_slice %arg18[%dma_wait3A_162, %dma_wait3A_163] : memref<33x1024xf32, #tpu.memory_space<vmem>> -> memref<32x1024xf32, #tpu.memory_space<vmem>>
        tpu.wait_dma2 semaphore(%run_scoped3A : memref<!tpu.dma_semaphore, #tpu.memory_space<semaphore_mem>>) src(%dma_wait3A_164 : memref<32x1024xf32, #tpu.memory_space<vmem>>) dst(%dma_wait3A_161 : memref<32x1024xf32, #tpu.memory_space<hbm>>)
        tpu.yield
      }) : () -> ()
      "tpu.region"() ({
        %run_scoped3A = tpu.sem_alloc : memref<!tpu.dma_semaphore, #tpu.memory_space<semaphore_mem>>
        %dma_start3A_145 = arith.constant 0 : i32
        %dma_start3A_146 = arith.constant 0 : i32
        %dma_start3A_147 = tpu.memref_slice %arg19[%dma_start3A_145, %dma_start3A_146] : memref<33x16xf32, #tpu.memory_space<vmem>> -> memref<32x16xf32, #tpu.memory_space<vmem>>
        %dma_start3A_148 = arith.constant 0 : i32
        %dma_start3A_149 = tpu.memref_slice %arg8[%mul3A_16, %dma_start3A_148] : memref<10240x16xf32, #tpu.memory_space<hbm>> -> memref<32x16xf32, #tpu.memory_space<hbm>>
        %dma_start3A_150 = arith.constant 0 : i32
        %dma_start3A_151 = tpu.memref_slice %arg8[%mul3A_16, %dma_start3A_150] : memref<10240x16xf32, #tpu.memory_space<hbm>> -> memref<32x16xf32, #tpu.memory_space<hbm>>
        %dma_start3A_152 = arith.constant 0 : i32
        %dma_start3A_153 = arith.constant 0 : i32
        %dma_start3A_154 = tpu.memref_slice %arg19[%dma_start3A_152, %dma_start3A_153] : memref<33x16xf32, #tpu.memory_space<vmem>> -> memref<32x16xf32, #tpu.memory_space<vmem>>
        tpu.enqueue_dma source(%dma_start3A_154 : memref<32x16xf32, #tpu.memory_space<vmem>>) target(%dma_start3A_151 : memref<32x16xf32, #tpu.memory_space<hbm>>) target_semaphore(%run_scoped3A : memref<!tpu.dma_semaphore, #tpu.memory_space<semaphore_mem>>)
        %dma_wait3A_155 = arith.constant 0 : i32
        %dma_wait3A_156 = arith.constant 0 : i32
        %dma_wait3A_157 = tpu.memref_slice %arg19[%dma_wait3A_155, %dma_wait3A_156] : memref<33x16xf32, #tpu.memory_space<vmem>> -> memref<32x16xf32, #tpu.memory_space<vmem>>
        %dma_wait3A_158 = arith.constant 0 : i32
        %dma_wait3A_159 = tpu.memref_slice %arg8[%mul3A_16, %dma_wait3A_158] : memref<10240x16xf32, #tpu.memory_space<hbm>> -> memref<32x16xf32, #tpu.memory_space<hbm>>
        %dma_wait3A_160 = arith.constant 0 : i32
        %dma_wait3A_161 = tpu.memref_slice %arg8[%mul3A_16, %dma_wait3A_160] : memref<10240x16xf32, #tpu.memory_space<hbm>> -> memref<32x16xf32, #tpu.memory_space<hbm>>
        %dma_wait3A_162 = arith.constant 0 : i32
        %dma_wait3A_163 = arith.constant 0 : i32
        %dma_wait3A_164 = tpu.memref_slice %arg19[%dma_wait3A_162, %dma_wait3A_163] : memref<33x16xf32, #tpu.memory_space<vmem>> -> memref<32x16xf32, #tpu.memory_space<vmem>>
        tpu.wait_dma2 semaphore(%run_scoped3A : memref<!tpu.dma_semaphore, #tpu.memory_space<semaphore_mem>>) src(%dma_wait3A_164 : memref<32x16xf32, #tpu.memory_space<vmem>>) dst(%dma_wait3A_161 : memref<32x16xf32, #tpu.memory_space<hbm>>)
        tpu.yield
      }) : () -> ()
      %scan3A_144 = arith.constant 0 : i32
      scf.yield %scan3A_144 : i32
    }
    %scan3A_9 = arith.constant 10 : i32
    return
  }
}

#map = affine_map<(d0, d1) -> (0)>
#map1 = affine_map<(d0, d1) -> (0, 0)>
module attributes {stable_mosaic.version = 14 : i64} {
  func.func @sc_edge(%arg0: i32, %arg1: i32, %arg2: memref<640000xi32, #tpu.memory_space<hbm>>, %arg3: memref<328xi32, #tpu.memory_space<hbm>>, %arg4: memref<10000x128xf32, #tpu.memory_space<hbm>>, %arg5: memref<10000x128xf32, #tpu.memory_space<hbm>>, %arg6: memref<10000x1024xf32, #tpu.memory_space<hbm>>, %arg7: memref<10240x1024xf32, #tpu.memory_space<hbm>>, %arg8: memref<10240x16xf32, #tpu.memory_space<hbm>>, %arg9: memref<328xi32, #tpu.memory_space<vmem>>, %arg10: memref<64xi32, #tpu.memory_space<vmem>>, %arg11: memref<64xi32, #tpu.memory_space<vmem>>, %arg12: memref<32x128xf32, #tpu.memory_space<vmem>>, %arg13: memref<32x128xf32, #tpu.memory_space<vmem>>, %arg14: memref<32x128xf32, #tpu.memory_space<vmem>>, %arg15: memref<32x128xf32, #tpu.memory_space<vmem>>, %arg16: memref<32x1024xf32, #tpu.memory_space<vmem>>, %arg17: memref<32x1024xf32, #tpu.memory_space<vmem>>, %arg18: memref<33x1024xf32, #tpu.memory_space<vmem>>, %arg19: memref<33x16xf32, #tpu.memory_space<vmem>>, %arg20: memref<!tpu.dma_semaphore, #tpu.memory_space<semaphore_mem>>, %arg21: memref<!tpu.dma_semaphore, #tpu.memory_space<semaphore_mem>>, %arg22: memref<!tpu.dma_semaphore, #tpu.memory_space<semaphore_mem>>, %arg23: memref<!tpu.dma_semaphore, #tpu.memory_space<semaphore_mem>>, %arg24: memref<!tpu.dma_semaphore, #tpu.memory_space<semaphore_mem>>, %arg25: memref<!tpu.dma_semaphore, #tpu.memory_space<semaphore_mem>>) attributes {dimension_semantics = [#tpu.dimension_semantics<core_parallel>, #tpu.dimension_semantics<subcore_parallel>], iteration_bounds = array<i64: 2, 16>, scalar_prefetch = 0 : i64, scratch_operands = 17 : i64, tpu.core_type = #tpu.core_type<sc_vector_subcore>, window_params = [{transform_indices = #map}, {transform_indices = #map}, {transform_indices = #map1}, {transform_indices = #map1}, {transform_indices = #map1}, {transform_indices = #map1}, {transform_indices = #map1}]} {
    %mul3A = arith.constant 2 : i32
    %mul3A_0 = arith.muli %arg1, %mul3A : i32
    %add3A = arith.addi %mul3A_0, %arg0 : i32
    %iota3A = tpu.iota {dimensions = array<i32: 0>} : vector<16xi32>
    %broadcast_in_dim3A = arith.constant 0.000000e+00 : f32
    %broadcast_in_dim3A_1 = vector.broadcast %broadcast_in_dim3A : f32 to vector<16xf32>
    %lt3A = arith.constant 4 : i32
    %lt3A_2 = vector.broadcast %lt3A : i32 to vector<16xi32>
    %lt3A_3 = arith.cmpi slt, %iota3A, %lt3A_2 : vector<16xi32>
    "tpu.region"() ({
      %run_scoped3A = tpu.sem_alloc : memref<!tpu.dma_semaphore, #tpu.memory_space<semaphore_mem>>
      %dma_start3A = arith.constant 0 : i32
      %dma_start3A_10 = tpu.memref_slice %arg3[%dma_start3A] : memref<328xi32, #tpu.memory_space<hbm>> -> memref<328xi32, #tpu.memory_space<hbm>>
      %dma_start3A_11 = arith.constant 0 : i32
      %dma_start3A_12 = tpu.memref_slice %arg3[%dma_start3A_11] : memref<328xi32, #tpu.memory_space<hbm>> -> memref<328xi32, #tpu.memory_space<hbm>>
      tpu.enqueue_dma source(%dma_start3A_12 : memref<328xi32, #tpu.memory_space<hbm>>) target(%arg9 : memref<328xi32, #tpu.memory_space<vmem>>) target_semaphore(%run_scoped3A : memref<!tpu.dma_semaphore, #tpu.memory_space<semaphore_mem>>)
      %dma_wait3A = arith.constant 0 : i32
      %dma_wait3A_13 = tpu.memref_slice %arg3[%dma_wait3A] : memref<328xi32, #tpu.memory_space<hbm>> -> memref<328xi32, #tpu.memory_space<hbm>>
      %dma_wait3A_14 = arith.constant 0 : i32
      %dma_wait3A_15 = tpu.memref_slice %arg3[%dma_wait3A_14] : memref<328xi32, #tpu.memory_space<hbm>> -> memref<328xi32, #tpu.memory_space<hbm>>
      tpu.wait_dma2 semaphore(%run_scoped3A : memref<!tpu.dma_semaphore, #tpu.memory_space<semaphore_mem>>) src(%dma_wait3A_15 : memref<328xi32, #tpu.memory_space<hbm>>) dst(%arg9 : memref<328xi32, #tpu.memory_space<vmem>>)
      tpu.yield
    }) : () -> ()
    %scan3A = arith.constant 0 : i32
    %scan3A_4 = arith.constant 0 : i32
    %scan3A_5 = arith.constant 10 : i32
    %scan3A_6 = arith.addi %scan3A_4, %scan3A_5 : i32
    %scan3A_7 = arith.constant 1 : i32
    %scan3A_8 = scf.for %scan3A_10 = %scan3A_4 to %scan3A_6 step %scan3A_7 iter_args(%scan3A_11 = %scan3A) -> (i32)  : i32 {
      %mul3A_12 = arith.constant 32 : i32
      %mul3A_13 = arith.muli %scan3A_10, %mul3A_12 : i32
      %add3A_14 = arith.addi %mul3A_13, %add3A : i32
      %mul3A_15 = arith.constant 32 : i32
      %mul3A_16 = arith.muli %add3A_14, %mul3A_15 : i32
      %scan3A_17 = arith.constant 0 : i32
      %scan3A_18 = arith.constant 0 : i32
      %scan3A_19 = arith.constant 32 : i32
      %scan3A_20 = arith.addi %scan3A_18, %scan3A_19 : i32
      %scan3A_21 = arith.constant 1 : i32
      %scan3A_22 = scf.for %scan3A_145 = %scan3A_18 to %scan3A_20 step %scan3A_21 iter_args(%scan3A_146 = %scan3A_17) -> (i32)  : i32 {
        %swap3A = arith.index_cast %scan3A_145 : i32 to index
        %swap3A_147 = arith.constant 0 : index
        %swap3A_148 = tpu.vector_load %arg18[%swap3A, %swap3A_147] {strides = array<i32>} : memref<33x1024xf32, #tpu.memory_space<vmem>>, vector<16xf32>,
        tpu.vector_store %arg18[%swap3A, %swap3A_147], %broadcast_in_dim3A_1 {strides = array<i32>} : memref<33x1024xf32, #tpu.memory_space<vmem>>, vector<16xf32>,
        %swap3A_149 = arith.index_cast %scan3A_145 : i32 to index
        %swap3A_150 = arith.constant 16 : index
        %swap3A_151 = tpu.vector_load %arg18[%swap3A_149, %swap3A_150] {strides = array<i32>} : memref<33x1024xf32, #tpu.memory_space<vmem>>, vector<16xf32>,
        tpu.vector_store %arg18[%swap3A_149, %swap3A_150], %broadcast_in_dim3A_1 {strides = array<i32>} : memref<33x1024xf32, #tpu.memory_space<vmem>>, vector<16xf32>,
        %swap3A_152 = arith.index_cast %scan3A_145 : i32 to index
        %swap3A_153 = arith.constant 32 : index
        %swap3A_154 = tpu.vector_load %arg18[%swap3A_152, %swap3A_153] {strides = array<i32>} : memref<33x1024xf32, #tpu.memory_space<vmem>>, vector<16xf32>,
        tpu.vector_store %arg18[%swap3A_152, %swap3A_153], %broadcast_in_dim3A_1 {strides = array<i32>} : memref<33x1024xf32, #tpu.memory_space<vmem>>, vector<16xf32>,
        %swap3A_155 = arith.index_cast %scan3A_145 : i32 to index
        %swap3A_156 = arith.constant 48 : index
        %swap3A_157 = tpu.vector_load %arg18[%swap3A_155, %swap3A_156] {strides = array<i32>} : memref<33x1024xf32, #tpu.memory_space<vmem>>, vector<16xf32>,
        tpu.vector_store %arg18[%swap3A_155, %swap3A_156], %broadcast_in_dim3A_1 {strides = array<i32>} : memref<33x1024xf32, #tpu.memory_space<vmem>>, vector<16xf32>,
        %swap3A_158 = arith.index_cast %scan3A_145 : i32 to index
        %swap3A_159 = arith.constant 64 : index
        %swap3A_160 = tpu.vector_load %arg18[%swap3A_158, %swap3A_159] {strides = array<i32>} : memref<33x1024xf32, #tpu.memory_space<vmem>>, vector<16xf32>,
        tpu.vector_store %arg18[%swap3A_158, %swap3A_159], %broadcast_in_dim3A_1 {strides = array<i32>} : memref<33x1024xf32, #tpu.memory_space<vmem>>, vector<16xf32>,
        %swap3A_161 = arith.index_cast %scan3A_145 : i32 to index
        %swap3A_162 = arith.constant 80 : index
        %swap3A_163 = tpu.vector_load %arg18[%swap3A_161, %swap3A_162] {strides = array<i32>} : memref<33x1024xf32, #tpu.memory_space<vmem>>, vector<16xf32>,
        tpu.vector_store %arg18[%swap3A_161, %swap3A_162], %broadcast_in_dim3A_1 {strides = array<i32>} : memref<33x1024xf32, #tpu.memory_space<vmem>>, vector<16xf32>,
        %swap3A_164 = arith.index_cast %scan3A_145 : i32 to index
        %swap3A_165 = arith.constant 96 : index
        %swap3A_166 = tpu.vector_load %arg18[%swap3A_164, %swap3A_165] {strides = array<i32>} : memref<33x1024xf32, #tpu.memory_space<vmem>>, vector<16xf32>,
        tpu.vector_store %arg18[%swap3A_164, %swap3A_165], %broadcast_in_dim3A_1 {strides = array<i32>} : memref<33x1024xf32, #tpu.memory_space<vmem>>, vector<16xf32>,
        %swap3A_167 = arith.index_cast %scan3A_145 : i32 to index
        %swap3A_168 = arith.constant 112 : index
        %swap3A_169 = tpu.vector_load %arg18[%swap3A_167, %swap3A_168] {strides = array<i32>} : memref<33x1024xf32, #tpu.memory_space<vmem>>, vector<16xf32>,
        tpu.vector_store %arg18[%swap3A_167, %swap3A_168], %broadcast_in_dim3A_1 {strides = array<i32>} : memref<33x1024xf32, #tpu.memory_space<vmem>>, vector<16xf32>,
        %swap3A_170 = arith.index_cast %scan3A_145 : i32 to index
        %swap3A_171 = arith.constant 128 : index
        %swap3A_172 = tpu.vector_load %arg18[%swap3A_170, %swap3A_171] {strides = array<i32>} : memref<33x1024xf32, #tpu.memory_space<vmem>>, vector<16xf32>,
        tpu.vector_store %arg18[%swap3A_170, %swap3A_171], %broadcast_in_dim3A_1 {strides = array<i32>} : memref<33x1024xf32, #tpu.memory_space<vmem>>, vector<16xf32>,
        %swap3A_173 = arith.index_cast %scan3A_145 : i32 to index
        %swap3A_174 = arith.constant 144 : index
        %swap3A_175 = tpu.vector_load %arg18[%swap3A_173, %swap3A_174] {strides = array<i32>} : memref<33x1024xf32, #tpu.memory_space<vmem>>, vector<16xf32>,
        tpu.vector_store %arg18[%swap3A_173, %swap3A_174], %broadcast_in_dim3A_1 {strides = array<i32>} : memref<33x1024xf32, #tpu.memory_space<vmem>>, vector<16xf32>,
        %swap3A_176 = arith.index_cast %scan3A_145 : i32 to index
        %swap3A_177 = arith.constant 160 : index
        %swap3A_178 = tpu.vector_load %arg18[%swap3A_176, %swap3A_177] {strides = array<i32>} : memref<33x1024xf32, #tpu.memory_space<vmem>>, vector<16xf32>,
        tpu.vector_store %arg18[%swap3A_176, %swap3A_177], %broadcast_in_dim3A_1 {strides = array<i32>} : memref<33x1024xf32, #tpu.memory_space<vmem>>, vector<16xf32>,
        %swap3A_179 = arith.index_cast %scan3A_145 : i32 to index
        %swap3A_180 = arith.constant 176 : index
        %swap3A_181 = tpu.vector_load %arg18[%swap3A_179, %swap3A_180] {strides = array<i32>} : memref<33x1024xf32, #tpu.memory_space<vmem>>, vector<16xf32>,
        tpu.vector_store %arg18[%swap3A_179, %swap3A_180], %broadcast_in_dim3A_1 {strides = array<i32>} : memref<33x1024xf32, #tpu.memory_space<vmem>>, vector<16xf32>,
        %swap3A_182 = arith.index_cast %scan3A_145 : i32 to index
        %swap3A_183 = arith.constant 192 : index
        %swap3A_184 = tpu.vector_load %arg18[%swap3A_182, %swap3A_183] {strides = array<i32>} : memref<33x1024xf32, #tpu.memory_space<vmem>>, vector<16xf32>,
        tpu.vector_store %arg18[%swap3A_182, %swap3A_183], %broadcast_in_dim3A_1 {strides = array<i32>} : memref<33x1024xf32, #tpu.memory_space<vmem>>, vector<16xf32>,
        %swap3A_185 = arith.index_cast %scan3A_145 : i32 to index
        %swap3A_186 = arith.constant 208 : index
        %swap3A_187 = tpu.vector_load %arg18[%swap3A_185, %swap3A_186] {strides = array<i32>} : memref<33x1024xf32, #tpu.memory_space<vmem>>, vector<16xf32>,
        tpu.vector_store %arg18[%swap3A_185, %swap3A_186], %broadcast_in_dim3A_1 {strides = array<i32>} : memref<33x1024xf32, #tpu.memory_space<vmem>>, vector<16xf32>,
        %swap3A_188 = arith.index_cast %scan3A_145 : i32 to index
        %swap3A_189 = arith.constant 224 : index
        %swap3A_190 = tpu.vector_load %arg18[%swap3A_188, %swap3A_189] {strides = array<i32>} : memref<33x1024xf32, #tpu.memory_space<vmem>>, vector<16xf32>,
        tpu.vector_store %arg18[%swap3A_188, %swap3A_189], %broadcast_in_dim3A_1 {strides = array<i32>} : memref<33x1024xf32, #tpu.memory_space<vmem>>, vector<16xf32>,
        %swap3A_191 = arith.index_cast %scan3A_145 : i32 to index
        %swap3A_192 = arith.constant 240 : index
        %swap3A_193 = tpu.vector_load %arg18[%swap3A_191, %swap3A_192] {strides = array<i32>} : memref<33x1024xf32, #tpu.memory_space<vmem>>, vector<16xf32>,
        tpu.vector_store %arg18[%swap3A_191, %swap3A_192], %broadcast_in_dim3A_1 {strides = array<i32>} : memref<33x1024xf32, #tpu.memory_space<vmem>>, vector<16xf32>,
        %swap3A_194 = arith.index_cast %scan3A_145 : i32 to index
        %swap3A_195 = arith.constant 256 : index
        %swap3A_196 = tpu.vector_load %arg18[%swap3A_194, %swap3A_195] {strides = array<i32>} : memref<33x1024xf32, #tpu.memory_space<vmem>>, vector<16xf32>,
        tpu.vector_store %arg18[%swap3A_194, %swap3A_195], %broadcast_in_dim3A_1 {strides = array<i32>} : memref<33x1024xf32, #tpu.memory_space<vmem>>, vector<16xf32>,
        %swap3A_197 = arith.index_cast %scan3A_145 : i32 to index
        %swap3A_198 = arith.constant 272 : index
        %swap3A_199 = tpu.vector_load %arg18[%swap3A_197, %swap3A_198] {strides = array<i32>} : memref<33x1024xf32, #tpu.memory_space<vmem>>, vector<16xf32>,
        tpu.vector_store %arg18[%swap3A_197, %swap3A_198], %broadcast_in_dim3A_1 {strides = array<i32>} : memref<33x1024xf32, #tpu.memory_space<vmem>>, vector<16xf32>,
        %swap3A_200 = arith.index_cast %scan3A_145 : i32 to index
        %swap3A_201 = arith.constant 288 : index
        %swap3A_202 = tpu.vector_load %arg18[%swap3A_200, %swap3A_201] {strides = array<i32>} : memref<33x1024xf32, #tpu.memory_space<vmem>>, vector<16xf32>,
        tpu.vector_store %arg18[%swap3A_200, %swap3A_201], %broadcast_in_dim3A_1 {strides = array<i32>} : memref<33x1024xf32, #tpu.memory_space<vmem>>, vector<16xf32>,
        %swap3A_203 = arith.index_cast %scan3A_145 : i32 to index
        %swap3A_204 = arith.constant 304 : index
        %swap3A_205 = tpu.vector_load %arg18[%swap3A_203, %swap3A_204] {strides = array<i32>} : memref<33x1024xf32, #tpu.memory_space<vmem>>, vector<16xf32>,
        tpu.vector_store %arg18[%swap3A_203, %swap3A_204], %broadcast_in_dim3A_1 {strides = array<i32>} : memref<33x1024xf32, #tpu.memory_space<vmem>>, vector<16xf32>,
        %swap3A_206 = arith.index_cast %scan3A_145 : i32 to index
        %swap3A_207 = arith.constant 320 : index
        %swap3A_208 = tpu.vector_load %arg18[%swap3A_206, %swap3A_207] {strides = array<i32>} : memref<33x1024xf32, #tpu.memory_space<vmem>>, vector<16xf32>,
        tpu.vector_store %arg18[%swap3A_206, %swap3A_207], %broadcast_in_dim3A_1 {strides = array<i32>} : memref<33x1024xf32, #tpu.memory_space<vmem>>, vector<16xf32>,
        %swap3A_209 = arith.index_cast %scan3A_145 : i32 to index
        %swap3A_210 = arith.constant 336 : index
        %swap3A_211 = tpu.vector_load %arg18[%swap3A_209, %swap3A_210] {strides = array<i32>} : memref<33x1024xf32, #tpu.memory_space<vmem>>, vector<16xf32>,
        tpu.vector_store %arg18[%swap3A_209, %swap3A_210], %broadcast_in_dim3A_1 {strides = array<i32>} : memref<33x1024xf32, #tpu.memory_space<vmem>>, vector<16xf32>,
        %swap3A_212 = arith.index_cast %scan3A_145 : i32 to index
        %swap3A_213 = arith.constant 352 : index
        %swap3A_214 = tpu.vector_load %arg18[%swap3A_212, %swap3A_213] {strides = array<i32>} : memref<33x1024xf32, #tpu.memory_space<vmem>>, vector<16xf32>,
        tpu.vector_store %arg18[%swap3A_212, %swap3A_213], %broadcast_in_dim3A_1 {strides = array<i32>} : memref<33x1024xf32, #tpu.memory_space<vmem>>, vector<16xf32>,
        %swap3A_215 = arith.index_cast %scan3A_145 : i32 to index
        %swap3A_216 = arith.constant 368 : index
        %swap3A_217 = tpu.vector_load %arg18[%swap3A_215, %swap3A_216] {strides = array<i32>} : memref<33x1024xf32, #tpu.memory_space<vmem>>, vector<16xf32>,
        tpu.vector_store %arg18[%swap3A_215, %swap3A_216], %broadcast_in_dim3A_1 {strides = array<i32>} : memref<33x1024xf32, #tpu.memory_space<vmem>>, vector<16xf32>,
        %swap3A_218 = arith.index_cast %scan3A_145 : i32 to index
        %swap3A_219 = arith.constant 384 : index
        %swap3A_220 = tpu.vector_load %arg18[%swap3A_218, %swap3A_219] {strides = array<i32>} : memref<33x1024xf32, #tpu.memory_space<vmem>>, vector<16xf32>,
        tpu.vector_store %arg18[%swap3A_218, %swap3A_219], %broadcast_in_dim3A_1 {strides = array<i32>} : memref<33x1024xf32, #tpu.memory_space<vmem>>, vector<16xf32>,
        %swap3A_221 = arith.index_cast %scan3A_145 : i32 to index
        %swap3A_222 = arith.constant 400 : index
        %swap3A_223 = tpu.vector_load %arg18[%swap3A_221, %swap3A_222] {strides = array<i32>} : memref<33x1024xf32, #tpu.memory_space<vmem>>, vector<16xf32>,
        tpu.vector_store %arg18[%swap3A_221, %swap3A_222], %broadcast_in_dim3A_1 {strides = array<i32>} : memref<33x1024xf32, #tpu.memory_space<vmem>>, vector<16xf32>,
        %swap3A_224 = arith.index_cast %scan3A_145 : i32 to index
        %swap3A_225 = arith.constant 416 : index
        %swap3A_226 = tpu.vector_load %arg18[%swap3A_224, %swap3A_225] {strides = array<i32>} : memref<33x1024xf32, #tpu.memory_space<vmem>>, vector<16xf32>,
        tpu.vector_store %arg18[%swap3A_224, %swap3A_225], %broadcast_in_dim3A_1 {strides = array<i32>} : memref<33x1024xf32, #tpu.memory_space<vmem>>, vector<16xf32>,
        %swap3A_227 = arith.index_cast %scan3A_145 : i32 to index
        %swap3A_228 = arith.constant 432 : index
        %swap3A_229 = tpu.vector_load %arg18[%swap3A_227, %swap3A_228] {strides = array<i32>} : memref<33x1024xf32, #tpu.memory_space<vmem>>, vector<16xf32>,
        tpu.vector_store %arg18[%swap3A_227, %swap3A_228], %broadcast_in_dim3A_1 {strides = array<i32>} : memref<33x1024xf32, #tpu.memory_space<vmem>>, vector<16xf32>,
        %swap3A_230 = arith.index_cast %scan3A_145 : i32 to index
        %swap3A_231 = arith.constant 448 : index
        %swap3A_232 = tpu.vector_load %arg18[%swap3A_230, %swap3A_231] {strides = array<i32>} : memref<33x1024xf32, #tpu.memory_space<vmem>>, vector<16xf32>,
        tpu.vector_store %arg18[%swap3A_230, %swap3A_231], %broadcast_in_dim3A_1 {strides = array<i32>} : memref<33x1024xf32, #tpu.memory_space<vmem>>, vector<16xf32>,
        %swap3A_233 = arith.index_cast %scan3A_145 : i32 to index
        %swap3A_234 = arith.constant 464 : index
        %swap3A_235 = tpu.vector_load %arg18[%swap3A_233, %swap3A_234] {strides = array<i32>} : memref<33x1024xf32, #tpu.memory_space<vmem>>, vector<16xf32>,
        tpu.vector_store %arg18[%swap3A_233, %swap3A_234], %broadcast_in_dim3A_1 {strides = array<i32>} : memref<33x1024xf32, #tpu.memory_space<vmem>>, vector<16xf32>,
        %swap3A_236 = arith.index_cast %scan3A_145 : i32 to index
        %swap3A_237 = arith.constant 480 : index
        %swap3A_238 = tpu.vector_load %arg18[%swap3A_236, %swap3A_237] {strides = array<i32>} : memref<33x1024xf32, #tpu.memory_space<vmem>>, vector<16xf32>,
        tpu.vector_store %arg18[%swap3A_236, %swap3A_237], %broadcast_in_dim3A_1 {strides = array<i32>} : memref<33x1024xf32, #tpu.memory_space<vmem>>, vector<16xf32>,
        %swap3A_239 = arith.index_cast %scan3A_145 : i32 to index
        %swap3A_240 = arith.constant 496 : index
        %swap3A_241 = tpu.vector_load %arg18[%swap3A_239, %swap3A_240] {strides = array<i32>} : memref<33x1024xf32, #tpu.memory_space<vmem>>, vector<16xf32>,
        tpu.vector_store %arg18[%swap3A_239, %swap3A_240], %broadcast_in_dim3A_1 {strides = array<i32>} : memref<33x1024xf32, #tpu.memory_space<vmem>>, vector<16xf32>,
        %swap3A_242 = arith.index_cast %scan3A_145 : i32 to index
        %swap3A_243 = arith.constant 512 : index
        %swap3A_244 = tpu.vector_load %arg18[%swap3A_242, %swap3A_243] {strides = array<i32>} : memref<33x1024xf32, #tpu.memory_space<vmem>>, vector<16xf32>,
        tpu.vector_store %arg18[%swap3A_242, %swap3A_243], %broadcast_in_dim3A_1 {strides = array<i32>} : memref<33x1024xf32, #tpu.memory_space<vmem>>, vector<16xf32>,
        %swap3A_245 = arith.index_cast %scan3A_145 : i32 to index
        %swap3A_246 = arith.constant 528 : index
        %swap3A_247 = tpu.vector_load %arg18[%swap3A_245, %swap3A_246] {strides = array<i32>} : memref<33x1024xf32, #tpu.memory_space<vmem>>, vector<16xf32>,
        tpu.vector_store %arg18[%swap3A_245, %swap3A_246], %broadcast_in_dim3A_1 {strides = array<i32>} : memref<33x1024xf32, #tpu.memory_space<vmem>>, vector<16xf32>,
        %swap3A_248 = arith.index_cast %scan3A_145 : i32 to index
        %swap3A_249 = arith.constant 544 : index
        %swap3A_250 = tpu.vector_load %arg18[%swap3A_248, %swap3A_249] {strides = array<i32>} : memref<33x1024xf32, #tpu.memory_space<vmem>>, vector<16xf32>,
        tpu.vector_store %arg18[%swap3A_248, %swap3A_249], %broadcast_in_dim3A_1 {strides = array<i32>} : memref<33x1024xf32, #tpu.memory_space<vmem>>, vector<16xf32>,
        %swap3A_251 = arith.index_cast %scan3A_145 : i32 to index
        %swap3A_252 = arith.constant 560 : index
        %swap3A_253 = tpu.vector_load %arg18[%swap3A_251, %swap3A_252] {strides = array<i32>} : memref<33x1024xf32, #tpu.memory_space<vmem>>, vector<16xf32>,
        tpu.vector_store %arg18[%swap3A_251, %swap3A_252], %broadcast_in_dim3A_1 {strides = array<i32>} : memref<33x1024xf32, #tpu.memory_space<vmem>>, vector<16xf32>,
        %swap3A_254 = arith.index_cast %scan3A_145 : i32 to index
        %swap3A_255 = arith.constant 576 : index
        %swap3A_256 = tpu.vector_load %arg18[%swap3A_254, %swap3A_255] {strides = array<i32>} : memref<33x1024xf32, #tpu.memory_space<vmem>>, vector<16xf32>,
        tpu.vector_store %arg18[%swap3A_254, %swap3A_255], %broadcast_in_dim3A_1 {strides = array<i32>} : memref<33x1024xf32, #tpu.memory_space<vmem>>, vector<16xf32>,
        %swap3A_257 = arith.index_cast %scan3A_145 : i32 to index
        %swap3A_258 = arith.constant 592 : index
        %swap3A_259 = tpu.vector_load %arg18[%swap3A_257, %swap3A_258] {strides = array<i32>} : memref<33x1024xf32, #tpu.memory_space<vmem>>, vector<16xf32>,
        tpu.vector_store %arg18[%swap3A_257, %swap3A_258], %broadcast_in_dim3A_1 {strides = array<i32>} : memref<33x1024xf32, #tpu.memory_space<vmem>>, vector<16xf32>,
        %swap3A_260 = arith.index_cast %scan3A_145 : i32 to index
        %swap3A_261 = arith.constant 608 : index
        %swap3A_262 = tpu.vector_load %arg18[%swap3A_260, %swap3A_261] {strides = array<i32>} : memref<33x1024xf32, #tpu.memory_space<vmem>>, vector<16xf32>,
        tpu.vector_store %arg18[%swap3A_260, %swap3A_261], %broadcast_in_dim3A_1 {strides = array<i32>} : memref<33x1024xf32, #tpu.memory_space<vmem>>, vector<16xf32>,
        %swap3A_263 = arith.index_cast %scan3A_145 : i32 to index
        %swap3A_264 = arith.constant 624 : index
        %swap3A_265 = tpu.vector_load %arg18[%swap3A_263, %swap3A_264] {strides = array<i32>} : memref<33x1024xf32, #tpu.memory_space<vmem>>, vector<16xf32>,
        tpu.vector_store %arg18[%swap3A_263, %swap3A_264], %broadcast_in_dim3A_1 {strides = array<i32>} : memref<33x1024xf32, #tpu.memory_space<vmem>>, vector<16xf32>,
        %swap3A_266 = arith.index_cast %scan3A_145 : i32 to index
        %swap3A_267 = arith.constant 640 : index
        %swap3A_268 = tpu.vector_load %arg18[%swap3A_266, %swap3A_267] {strides = array<i32>} : memref<33x1024xf32, #tpu.memory_space<vmem>>, vector<16xf32>,
        tpu.vector_store %arg18[%swap3A_266, %swap3A_267], %broadcast_in_dim3A_1 {strides = array<i32>} : memref<33x1024xf32, #tpu.memory_space<vmem>>, vector<16xf32>,
        %swap3A_269 = arith.index_cast %scan3A_145 : i32 to index
        %swap3A_270 = arith.constant 656 : index
        %swap3A_271 = tpu.vector_load %arg18[%swap3A_269, %swap3A_270] {strides = array<i32>} : memref<33x1024xf32, #tpu.memory_space<vmem>>, vector<16xf32>,
        tpu.vector_store %arg18[%swap3A_269, %swap3A_270], %broadcast_in_dim3A_1 {strides = array<i32>} : memref<33x1024xf32, #tpu.memory_space<vmem>>, vector<16xf32>,
        %swap3A_272 = arith.index_cast %scan3A_145 : i32 to index
        %swap3A_273 = arith.constant 672 : index
        %swap3A_274 = tpu.vector_load %arg18[%swap3A_272, %swap3A_273] {strides = array<i32>} : memref<33x1024xf32, #tpu.memory_space<vmem>>, vector<16xf32>,
        tpu.vector_store %arg18[%swap3A_272, %swap3A_273], %broadcast_in_dim3A_1 {strides = array<i32>} : memref<33x1024xf32, #tpu.memory_space<vmem>>, vector<16xf32>,
        %swap3A_275 = arith.index_cast %scan3A_145 : i32 to index
        %swap3A_276 = arith.constant 688 : index
        %swap3A_277 = tpu.vector_load %arg18[%swap3A_275, %swap3A_276] {strides = array<i32>} : memref<33x1024xf32, #tpu.memory_space<vmem>>, vector<16xf32>,
        tpu.vector_store %arg18[%swap3A_275, %swap3A_276], %broadcast_in_dim3A_1 {strides = array<i32>} : memref<33x1024xf32, #tpu.memory_space<vmem>>, vector<16xf32>,
        %swap3A_278 = arith.index_cast %scan3A_145 : i32 to index
        %swap3A_279 = arith.constant 704 : index
        %swap3A_280 = tpu.vector_load %arg18[%swap3A_278, %swap3A_279] {strides = array<i32>} : memref<33x1024xf32, #tpu.memory_space<vmem>>, vector<16xf32>,
        tpu.vector_store %arg18[%swap3A_278, %swap3A_279], %broadcast_in_dim3A_1 {strides = array<i32>} : memref<33x1024xf32, #tpu.memory_space<vmem>>, vector<16xf32>,
        %swap3A_281 = arith.index_cast %scan3A_145 : i32 to index
        %swap3A_282 = arith.constant 720 : index
        %swap3A_283 = tpu.vector_load %arg18[%swap3A_281, %swap3A_282] {strides = array<i32>} : memref<33x1024xf32, #tpu.memory_space<vmem>>, vector<16xf32>,
        tpu.vector_store %arg18[%swap3A_281, %swap3A_282], %broadcast_in_dim3A_1 {strides = array<i32>} : memref<33x1024xf32, #tpu.memory_space<vmem>>, vector<16xf32>,
        %swap3A_284 = arith.index_cast %scan3A_145 : i32 to index
        %swap3A_285 = arith.constant 736 : index
        %swap3A_286 = tpu.vector_load %arg18[%swap3A_284, %swap3A_285] {strides = array<i32>} : memref<33x1024xf32, #tpu.memory_space<vmem>>, vector<16xf32>,
        tpu.vector_store %arg18[%swap3A_284, %swap3A_285], %broadcast_in_dim3A_1 {strides = array<i32>} : memref<33x1024xf32, #tpu.memory_space<vmem>>, vector<16xf32>,
        %swap3A_287 = arith.index_cast %scan3A_145 : i32 to index
        %swap3A_288 = arith.constant 752 : index
        %swap3A_289 = tpu.vector_load %arg18[%swap3A_287, %swap3A_288] {strides = array<i32>} : memref<33x1024xf32, #tpu.memory_space<vmem>>, vector<16xf32>,
        tpu.vector_store %arg18[%swap3A_287, %swap3A_288], %broadcast_in_dim3A_1 {strides = array<i32>} : memref<33x1024xf32, #tpu.memory_space<vmem>>, vector<16xf32>,
        %swap3A_290 = arith.index_cast %scan3A_145 : i32 to index
        %swap3A_291 = arith.constant 768 : index
        %swap3A_292 = tpu.vector_load %arg18[%swap3A_290, %swap3A_291] {strides = array<i32>} : memref<33x1024xf32, #tpu.memory_space<vmem>>, vector<16xf32>,
        tpu.vector_store %arg18[%swap3A_290, %swap3A_291], %broadcast_in_dim3A_1 {strides = array<i32>} : memref<33x1024xf32, #tpu.memory_space<vmem>>, vector<16xf32>,
        %swap3A_293 = arith.index_cast %scan3A_145 : i32 to index
        %swap3A_294 = arith.constant 784 : index
        %swap3A_295 = tpu.vector_load %arg18[%swap3A_293, %swap3A_294] {strides = array<i32>} : memref<33x1024xf32, #tpu.memory_space<vmem>>, vector<16xf32>,
        tpu.vector_store %arg18[%swap3A_293, %swap3A_294], %broadcast_in_dim3A_1 {strides = array<i32>} : memref<33x1024xf32, #tpu.memory_space<vmem>>, vector<16xf32>,
        %swap3A_296 = arith.index_cast %scan3A_145 : i32 to index
        %swap3A_297 = arith.constant 800 : index
        %swap3A_298 = tpu.vector_load %arg18[%swap3A_296, %swap3A_297] {strides = array<i32>} : memref<33x1024xf32, #tpu.memory_space<vmem>>, vector<16xf32>,
        tpu.vector_store %arg18[%swap3A_296, %swap3A_297], %broadcast_in_dim3A_1 {strides = array<i32>} : memref<33x1024xf32, #tpu.memory_space<vmem>>, vector<16xf32>,
        %swap3A_299 = arith.index_cast %scan3A_145 : i32 to index
        %swap3A_300 = arith.constant 816 : index
        %swap3A_301 = tpu.vector_load %arg18[%swap3A_299, %swap3A_300] {strides = array<i32>} : memref<33x1024xf32, #tpu.memory_space<vmem>>, vector<16xf32>,
        tpu.vector_store %arg18[%swap3A_299, %swap3A_300], %broadcast_in_dim3A_1 {strides = array<i32>} : memref<33x1024xf32, #tpu.memory_space<vmem>>, vector<16xf32>,
        %swap3A_302 = arith.index_cast %scan3A_145 : i32 to index
        %swap3A_303 = arith.constant 832 : index
        %swap3A_304 = tpu.vector_load %arg18[%swap3A_302, %swap3A_303] {strides = array<i32>} : memref<33x1024xf32, #tpu.memory_space<vmem>>, vector<16xf32>,
        tpu.vector_store %arg18[%swap3A_302, %swap3A_303], %broadcast_in_dim3A_1 {strides = array<i32>} : memref<33x1024xf32, #tpu.memory_space<vmem>>, vector<16xf32>,
        %swap3A_305 = arith.index_cast %scan3A_145 : i32 to index
        %swap3A_306 = arith.constant 848 : index
        %swap3A_307 = tpu.vector_load %arg18[%swap3A_305, %swap3A_306] {strides = array<i32>} : memref<33x1024xf32, #tpu.memory_space<vmem>>, vector<16xf32>,
        tpu.vector_store %arg18[%swap3A_305, %swap3A_306], %broadcast_in_dim3A_1 {strides = array<i32>} : memref<33x1024xf32, #tpu.memory_space<vmem>>, vector<16xf32>,
        %swap3A_308 = arith.index_cast %scan3A_145 : i32 to index
        %swap3A_309 = arith.constant 864 : index
        %swap3A_310 = tpu.vector_load %arg18[%swap3A_308, %swap3A_309] {strides = array<i32>} : memref<33x1024xf32, #tpu.memory_space<vmem>>, vector<16xf32>,
        tpu.vector_store %arg18[%swap3A_308, %swap3A_309], %broadcast_in_dim3A_1 {strides = array<i32>} : memref<33x1024xf32, #tpu.memory_space<vmem>>, vector<16xf32>,
        %swap3A_311 = arith.index_cast %scan3A_145 : i32 to index
        %swap3A_312 = arith.constant 880 : index
        %swap3A_313 = tpu.vector_load %arg18[%swap3A_311, %swap3A_312] {strides = array<i32>} : memref<33x1024xf32, #tpu.memory_space<vmem>>, vector<16xf32>,
        tpu.vector_store %arg18[%swap3A_311, %swap3A_312], %broadcast_in_dim3A_1 {strides = array<i32>} : memref<33x1024xf32, #tpu.memory_space<vmem>>, vector<16xf32>,
        %swap3A_314 = arith.index_cast %scan3A_145 : i32 to index
        %swap3A_315 = arith.constant 896 : index
        %swap3A_316 = tpu.vector_load %arg18[%swap3A_314, %swap3A_315] {strides = array<i32>} : memref<33x1024xf32, #tpu.memory_space<vmem>>, vector<16xf32>,
        tpu.vector_store %arg18[%swap3A_314, %swap3A_315], %broadcast_in_dim3A_1 {strides = array<i32>} : memref<33x1024xf32, #tpu.memory_space<vmem>>, vector<16xf32>,
        %swap3A_317 = arith.index_cast %scan3A_145 : i32 to index
        %swap3A_318 = arith.constant 912 : index
        %swap3A_319 = tpu.vector_load %arg18[%swap3A_317, %swap3A_318] {strides = array<i32>} : memref<33x1024xf32, #tpu.memory_space<vmem>>, vector<16xf32>,
        tpu.vector_store %arg18[%swap3A_317, %swap3A_318], %broadcast_in_dim3A_1 {strides = array<i32>} : memref<33x1024xf32, #tpu.memory_space<vmem>>, vector<16xf32>,
        %swap3A_320 = arith.index_cast %scan3A_145 : i32 to index
        %swap3A_321 = arith.constant 928 : index
        %swap3A_322 = tpu.vector_load %arg18[%swap3A_320, %swap3A_321] {strides = array<i32>} : memref<33x1024xf32, #tpu.memory_space<vmem>>, vector<16xf32>,
        tpu.vector_store %arg18[%swap3A_320, %swap3A_321], %broadcast_in_dim3A_1 {strides = array<i32>} : memref<33x1024xf32, #tpu.memory_space<vmem>>, vector<16xf32>,
        %swap3A_323 = arith.index_cast %scan3A_145 : i32 to index
        %swap3A_324 = arith.constant 944 : index
        %swap3A_325 = tpu.vector_load %arg18[%swap3A_323, %swap3A_324] {strides = array<i32>} : memref<33x1024xf32, #tpu.memory_space<vmem>>, vector<16xf32>,
        tpu.vector_store %arg18[%swap3A_323, %swap3A_324], %broadcast_in_dim3A_1 {strides = array<i32>} : memref<33x1024xf32, #tpu.memory_space<vmem>>, vector<16xf32>,
        %swap3A_326 = arith.index_cast %scan3A_145 : i32 to index
        %swap3A_327 = arith.constant 960 : index
        %swap3A_328 = tpu.vector_load %arg18[%swap3A_326, %swap3A_327] {strides = array<i32>} : memref<33x1024xf32, #tpu.memory_space<vmem>>, vector<16xf32>,
        tpu.vector_store %arg18[%swap3A_326, %swap3A_327], %broadcast_in_dim3A_1 {strides = array<i32>} : memref<33x1024xf32, #tpu.memory_space<vmem>>, vector<16xf32>,
        %swap3A_329 = arith.index_cast %scan3A_145 : i32 to index
        %swap3A_330 = arith.constant 976 : index
        %swap3A_331 = tpu.vector_load %arg18[%swap3A_329, %swap3A_330] {strides = array<i32>} : memref<33x1024xf32, #tpu.memory_space<vmem>>, vector<16xf32>,
        tpu.vector_store %arg18[%swap3A_329, %swap3A_330], %broadcast_in_dim3A_1 {strides = array<i32>} : memref<33x1024xf32, #tpu.memory_space<vmem>>, vector<16xf32>,
        %swap3A_332 = arith.index_cast %scan3A_145 : i32 to index
        %swap3A_333 = arith.constant 992 : index
        %swap3A_334 = tpu.vector_load %arg18[%swap3A_332, %swap3A_333] {strides = array<i32>} : memref<33x1024xf32, #tpu.memory_space<vmem>>, vector<16xf32>,
        tpu.vector_store %arg18[%swap3A_332, %swap3A_333], %broadcast_in_dim3A_1 {strides = array<i32>} : memref<33x1024xf32, #tpu.memory_space<vmem>>, vector<16xf32>,
        %swap3A_335 = arith.index_cast %scan3A_145 : i32 to index
        %swap3A_336 = arith.constant 1008 : index
        %swap3A_337 = tpu.vector_load %arg18[%swap3A_335, %swap3A_336] {strides = array<i32>} : memref<33x1024xf32, #tpu.memory_space<vmem>>, vector<16xf32>,
        tpu.vector_store %arg18[%swap3A_335, %swap3A_336], %broadcast_in_dim3A_1 {strides = array<i32>} : memref<33x1024xf32, #tpu.memory_space<vmem>>, vector<16xf32>,
        %swap3A_338 = arith.index_cast %scan3A_145 : i32 to index
        %swap3A_339 = arith.constant 0 : index
        %swap3A_340 = tpu.vector_load %arg19[%swap3A_338, %swap3A_339] {strides = array<i32>} : memref<33x16xf32, #tpu.memory_space<vmem>>, vector<16xf32>,
        tpu.vector_store %arg19[%swap3A_338, %swap3A_339], %broadcast_in_dim3A_1 {strides = array<i32>} : memref<33x16xf32, #tpu.memory_space<vmem>>, vector<16xf32>,
        %scan3A_341 = arith.constant 0 : i32
        scf.yield %scan3A_341 : i32
      }
      %scan3A_23 = arith.constant 32 : i32
      %broadcast_in_dim3A_24 = vector.broadcast %add3A_14 : i32 to vector<16xi32>
      %gather3A = tpu.vector_load_idx %arg9[%broadcast_in_dim3A_24] : memref<328xi32, #tpu.memory_space<vmem>>[vector<16xi32>], vector<16xi32>,
      %slice3A = vector.extract_strided_slice %gather3A {offsets = [0], sizes = [1], strides = [1]} : vector<16xi32> to vector<1xi32>
      %squeeze3A = vector.extract %slice3A[0] : i32 from vector<1xi32>
      %add3A_25 = arith.constant 1 : i32
      %add3A_26 = arith.addi %add3A_14, %add3A_25 : i32
      %broadcast_in_dim3A_27 = vector.broadcast %add3A_26 : i32 to vector<16xi32>
      %gather3A_28 = tpu.vector_load_idx %arg9[%broadcast_in_dim3A_27] : memref<328xi32, #tpu.memory_space<vmem>>[vector<16xi32>], vector<16xi32>,
      %slice3A_29 = vector.extract_strided_slice %gather3A_28 {offsets = [0], sizes = [1], strides = [1]} : vector<16xi32> to vector<1xi32>
      %squeeze3A_30 = vector.extract %slice3A_29[0] : i32 from vector<1xi32>
      %jit3A = arith.constant 32 : i32
      %div3A = arith.divsi %squeeze3A, %jit3A : i32
      %sign3A = arith.constant 0 : i32
      %sign3A_31 = arith.cmpi sgt, %squeeze3A, %sign3A : i32
      %sign3A_32 = arith.extui %sign3A_31 : i1 to i32
      %sign3A_33 = arith.constant 0 : i32
      %sign3A_34 = arith.cmpi slt, %squeeze3A, %sign3A_33 : i32
      %sign3A_35 = arith.extui %sign3A_34 : i1 to i32
      %sign3A_36 = arith.subi %sign3A_32, %sign3A_35 : i32
      %sign3A_37 = arith.constant 0 : i32
      %sign3A_38 = arith.cmpi sgt, %jit3A, %sign3A_37 : i32
      %sign3A_39 = arith.extui %sign3A_38 : i1 to i32
      %sign3A_40 = arith.constant 0 : i32
      %sign3A_41 = arith.cmpi slt, %jit3A, %sign3A_40 : i32
      %sign3A_42 = arith.extui %sign3A_41 : i1 to i32
      %sign3A_43 = arith.subi %sign3A_39, %sign3A_42 : i32
      %ne3A = arith.cmpi ne, %sign3A_36, %sign3A_43 : i32
      %rem3A = arith.remsi %squeeze3A, %jit3A : i32
      %ne3A_44 = arith.constant 0 : i32
      %ne3A_45 = arith.cmpi ne, %rem3A, %ne3A_44 : i32
      %and3A = arith.andi %ne3A, %ne3A_45 : i1
      %sub3A = arith.constant 1 : i32
      %sub3A_46 = arith.subi %div3A, %sub3A : i32
      %select_n3A = arith.select %and3A, %sub3A_46, %div3A : i32
      %add3A_47 = arith.constant 32 : i32
      %add3A_48 = arith.addi %squeeze3A_30, %add3A_47 : i32
      %sub3A_49 = arith.constant 1 : i32
      %sub3A_50 = arith.subi %add3A_48, %sub3A_49 : i32
      %jit3A_51 = arith.constant 32 : i32
      %div3A_52 = arith.divsi %sub3A_50, %jit3A_51 : i32
      %sign3A_53 = arith.constant 0 : i32
      %sign3A_54 = arith.cmpi sgt, %sub3A_50, %sign3A_53 : i32
      %sign3A_55 = arith.extui %sign3A_54 : i1 to i32
      %sign3A_56 = arith.constant 0 : i32
      %sign3A_57 = arith.cmpi slt, %sub3A_50, %sign3A_56 : i32
      %sign3A_58 = arith.extui %sign3A_57 : i1 to i32
      %sign3A_59 = arith.subi %sign3A_55, %sign3A_58 : i32
      %sign3A_60 = arith.constant 0 : i32
      %sign3A_61 = arith.cmpi sgt, %jit3A_51, %sign3A_60 : i32
      %sign3A_62 = arith.extui %sign3A_61 : i1 to i32
      %sign3A_63 = arith.constant 0 : i32
      %sign3A_64 = arith.cmpi slt, %jit3A_51, %sign3A_63 : i32
      %sign3A_65 = arith.extui %sign3A_64 : i1 to i32
      %sign3A_66 = arith.subi %sign3A_62, %sign3A_65 : i32
      %ne3A_67 = arith.cmpi ne, %sign3A_59, %sign3A_66 : i32
      %rem3A_68 = arith.remsi %sub3A_50, %jit3A_51 : i32
      %ne3A_69 = arith.constant 0 : i32
      %ne3A_70 = arith.cmpi ne, %rem3A_68, %ne3A_69 : i32
      %and3A_71 = arith.andi %ne3A_67, %ne3A_70 : i1
      %sub3A_72 = arith.constant 1 : i32
      %sub3A_73 = arith.subi %div3A_52, %sub3A_72 : i32
      %select_n3A_74 = arith.select %and3A_71, %sub3A_73, %div3A_52 : i32
      %sub3A_75 = arith.subi %select_n3A_74, %select_n3A : i32
      %add3A_76 = arith.constant 1 : i32
      %add3A_77 = arith.addi %sub3A_75, %add3A_76 : i32
      %jit3A_78 = arith.constant 2 : i32
      %div3A_79 = arith.divsi %add3A_77, %jit3A_78 : i32
      %sign3A_80 = arith.constant 0 : i32
      %sign3A_81 = arith.cmpi sgt, %add3A_77, %sign3A_80 : i32
      %sign3A_82 = arith.extui %sign3A_81 : i1 to i32
      %sign3A_83 = arith.constant 0 : i32
      %sign3A_84 = arith.cmpi slt, %add3A_77, %sign3A_83 : i32
      %sign3A_85 = arith.extui %sign3A_84 : i1 to i32
      %sign3A_86 = arith.subi %sign3A_82, %sign3A_85 : i32
      %sign3A_87 = arith.constant 0 : i32
      %sign3A_88 = arith.cmpi sgt, %jit3A_78, %sign3A_87 : i32
      %sign3A_89 = arith.extui %sign3A_88 : i1 to i32
      %sign3A_90 = arith.constant 0 : i32
      %sign3A_91 = arith.cmpi slt, %jit3A_78, %sign3A_90 : i32
      %sign3A_92 = arith.extui %sign3A_91 : i1 to i32
      %sign3A_93 = arith.subi %sign3A_89, %sign3A_92 : i32
      %ne3A_94 = arith.cmpi ne, %sign3A_86, %sign3A_93 : i32
      %rem3A_95 = arith.remsi %add3A_77, %jit3A_78 : i32
      %ne3A_96 = arith.constant 0 : i32
      %ne3A_97 = arith.cmpi ne, %rem3A_95, %ne3A_96 : i32
      %and3A_98 = arith.andi %ne3A_94, %ne3A_97 : i1
      %sub3A_99 = arith.constant 1 : i32
      %sub3A_100 = arith.subi %div3A_79, %sub3A_99 : i32
      %select_n3A_101 = arith.select %and3A_98, %sub3A_100, %div3A_79 : i32
      %min3A = arith.constant 9999 : i32
      %min3A_102 = arith.minsi %select_n3A, %min3A : i32
      %mul3A_103 = arith.constant 64 : i32
      %mul3A_104 = arith.muli %min3A_102, %mul3A_103 : i32
      "tpu.region"() ({
        %run_scoped3A = tpu.sem_alloc : memref<!tpu.dma_semaphore, #tpu.memory_space<semaphore_mem>>
        %dma_start3A_145 = tpu.memref_slice %arg2[%mul3A_104] : memref<640000xi32, #tpu.memory_space<hbm>> -> memref<64xi32, #tpu.memory_space<hbm>>
        %dma_start3A_146 = tpu.memref_slice %arg2[%mul3A_104] : memref<640000xi32, #tpu.memory_space<hbm>> -> memref<64xi32, #tpu.memory_space<hbm>>
        tpu.enqueue_dma source(%dma_start3A_146 : memref<64xi32, #tpu.memory_space<hbm>>) target(%arg10 : memref<64xi32, #tpu.memory_space<vmem>>) target_semaphore(%run_scoped3A : memref<!tpu.dma_semaphore, #tpu.memory_space<semaphore_mem>>)
        %dma_wait3A_147 = tpu.memref_slice %arg2[%mul3A_104] : memref<640000xi32, #tpu.memory_space<hbm>> -> memref<64xi32, #tpu.memory_space<hbm>>
        %dma_wait3A_148 = tpu.memref_slice %arg2[%mul3A_104] : memref<640000xi32, #tpu.memory_space<hbm>> -> memref<64xi32, #tpu.memory_space<hbm>>
        tpu.wait_dma2 semaphore(%run_scoped3A : memref<!tpu.dma_semaphore, #tpu.memory_space<semaphore_mem>>) src(%dma_wait3A_148 : memref<64xi32, #tpu.memory_space<hbm>>) dst(%arg10 : memref<64xi32, #tpu.memory_space<vmem>>)
        tpu.yield
      }) : () -> ()
      %dma_start3A = arith.constant 0 : i32
      %dma_start3A_105 = tpu.memref_slice %arg10[%dma_start3A] : memref<64xi32, #tpu.memory_space<vmem>> -> memref<32xi32, #tpu.memory_space<vmem>>
      %dma_start3A_106 = arith.constant 0 : i32
      %dma_start3A_107 = arith.constant 0 : i32
      %dma_start3A_108 = tpu.memref_slice %arg4[%dma_start3A_106, %dma_start3A_107] : memref<10000x128xf32, #tpu.memory_space<hbm>> -> memref<10000x128xf32, #tpu.memory_space<hbm>>
      tpu.enqueue_indirect_dma source(%dma_start3A_108 : memref<10000x128xf32, #tpu.memory_space<hbm>>) target(%arg12 : memref<32x128xf32, #tpu.memory_space<vmem>>) offsets(%dma_start3A_105 : memref<32xi32, #tpu.memory_space<vmem>>) semaphore(%arg20 : memref<!tpu.dma_semaphore, #tpu.memory_space<semaphore_mem>>)
      %dma_start3A_109 = arith.constant 32 : i32
      %dma_start3A_110 = tpu.memref_slice %arg10[%dma_start3A_109] : memref<64xi32, #tpu.memory_space<vmem>> -> memref<32xi32, #tpu.memory_space<vmem>>
      %dma_start3A_111 = arith.constant 0 : i32
      %dma_start3A_112 = arith.constant 0 : i32
      %dma_start3A_113 = tpu.memref_slice %arg5[%dma_start3A_111, %dma_start3A_112] : memref<10000x128xf32, #tpu.memory_space<hbm>> -> memref<10000x128xf32, #tpu.memory_space<hbm>>
      tpu.enqueue_indirect_dma source(%dma_start3A_113 : memref<10000x128xf32, #tpu.memory_space<hbm>>) target(%arg14 : memref<32x128xf32, #tpu.memory_space<vmem>>) offsets(%dma_start3A_110 : memref<32xi32, #tpu.memory_space<vmem>>) semaphore(%arg21 : memref<!tpu.dma_semaphore, #tpu.memory_space<semaphore_mem>>)
      %dma_start3A_114 = arith.constant 0 : i32
      %dma_start3A_115 = tpu.memref_slice %arg10[%dma_start3A_114] : memref<64xi32, #tpu.memory_space<vmem>> -> memref<32xi32, #tpu.memory_space<vmem>>
      %dma_start3A_116 = arith.constant 0 : i32
      %dma_start3A_117 = arith.constant 0 : i32
      %dma_start3A_118 = tpu.memref_slice %arg6[%dma_start3A_116, %dma_start3A_117] : memref<10000x1024xf32, #tpu.memory_space<hbm>> -> memref<10000x1024xf32, #tpu.memory_space<hbm>>
      tpu.enqueue_indirect_dma source(%dma_start3A_118 : memref<10000x1024xf32, #tpu.memory_space<hbm>>) target(%arg16 : memref<32x1024xf32, #tpu.memory_space<vmem>>) offsets(%dma_start3A_115 : memref<32xi32, #tpu.memory_space<vmem>>) semaphore(%arg22 : memref<!tpu.dma_semaphore, #tpu.memory_space<semaphore_mem>>)
      %while3A = arith.constant 0 : i32
      %while3A_119 = arith.constant 0 : i32
      %while3A_120 = arith.subi %select_n3A_101, %while3A : i32
      %while3A_121 = arith.addi %while3A, %while3A_120 : i32
      %while3A_122 = arith.constant 1 : i32
      %while3A_123 = arith.divsi %while3A_120, %while3A_122 : i32
      %while3A_124 = arith.muli %while3A_123, %while3A_122 : i32
      %while3A_125 = arith.addi %while3A, %while3A_124 : i32
      %while3A_126 = arith.constant 1 : i32
      %while3A_127 = scf.for %while3A_145 = %while3A to %while3A_125 step %while3A_126 iter_args(%while3A_146 = %while3A_119) -> (i32)  : i32 {
        %mul3A_147 = arith.constant 2 : i32
        %mul3A_148 = arith.muli %mul3A_147, %while3A_145 : i32
        %add3A_149 = arith.addi %select_n3A, %mul3A_148 : i32
        %dma_wait3A_150 = arith.constant 0 : i32
        %dma_wait3A_151 = tpu.memref_slice %arg10[%dma_wait3A_150] : memref<64xi32, #tpu.memory_space<vmem>> -> memref<32xi32, #tpu.memory_space<vmem>>
        %dma_wait3A_152 = arith.constant 0 : i32
        %dma_wait3A_153 = arith.constant 0 : i32
        %dma_wait3A_154 = tpu.memref_slice %arg4[%dma_wait3A_152, %dma_wait3A_153] : memref<10000x128xf32, #tpu.memory_space<hbm>> -> memref<10000x128xf32, #tpu.memory_space<hbm>>
        tpu.wait_indirect_dma semaphore(%arg20 : memref<!tpu.dma_semaphore, #tpu.memory_space<semaphore_mem>>) src(%dma_wait3A_154 : memref<10000x128xf32, #tpu.memory_space<hbm>>) dst(%arg12 : memref<32x128xf32, #tpu.memory_space<vmem>>)
        %dma_wait3A_155 = arith.constant 32 : i32
        %dma_wait3A_156 = tpu.memref_slice %arg10[%dma_wait3A_155] : memref<64xi32, #tpu.memory_space<vmem>> -> memref<32xi32, #tpu.memory_space<vmem>>
        %dma_wait3A_157 = arith.constant 0 : i32
        %dma_wait3A_158 = arith.constant 0 : i32
        %dma_wait3A_159 = tpu.memref_slice %arg5[%dma_wait3A_157, %dma_wait3A_158] : memref<10000x128xf32, #tpu.memory_space<hbm>> -> memref<10000x128xf32, #tpu.memory_space<hbm>>
        tpu.wait_indirect_dma semaphore(%arg21 : memref<!tpu.dma_semaphore, #tpu.memory_space<semaphore_mem>>) src(%dma_wait3A_159 : memref<10000x128xf32, #tpu.memory_space<hbm>>) dst(%arg14 : memref<32x128xf32, #tpu.memory_space<vmem>>)
        %dma_wait3A_160 = arith.constant 0 : i32
        %dma_wait3A_161 = tpu.memref_slice %arg10[%dma_wait3A_160] : memref<64xi32, #tpu.memory_space<vmem>> -> memref<32xi32, #tpu.memory_space<vmem>>
        %dma_wait3A_162 = arith.constant 0 : i32
        %dma_wait3A_163 = arith.constant 0 : i32
        %dma_wait3A_164 = tpu.memref_slice %arg6[%dma_wait3A_162, %dma_wait3A_163] : memref<10000x1024xf32, #tpu.memory_space<hbm>> -> memref<10000x1024xf32, #tpu.memory_space<hbm>>
        tpu.wait_indirect_dma semaphore(%arg22 : memref<!tpu.dma_semaphore, #tpu.memory_space<semaphore_mem>>) src(%dma_wait3A_164 : memref<10000x1024xf32, #tpu.memory_space<hbm>>) dst(%arg16 : memref<32x1024xf32, #tpu.memory_space<vmem>>)
        %add3A_165 = arith.constant 1 : i32
        %add3A_166 = arith.addi %add3A_149, %add3A_165 : i32
        %min3A_167 = arith.constant 9999 : i32
        %min3A_168 = arith.minsi %add3A_166, %min3A_167 : i32
        %mul3A_169 = arith.constant 64 : i32
        %mul3A_170 = arith.muli %min3A_168, %mul3A_169 : i32
        "tpu.region"() ({
          %run_scoped3A = tpu.sem_alloc : memref<!tpu.dma_semaphore, #tpu.memory_space<semaphore_mem>>
          %dma_start3A_225 = tpu.memref_slice %arg2[%mul3A_170] : memref<640000xi32, #tpu.memory_space<hbm>> -> memref<64xi32, #tpu.memory_space<hbm>>
          %dma_start3A_226 = tpu.memref_slice %arg2[%mul3A_170] : memref<640000xi32, #tpu.memory_space<hbm>> -> memref<64xi32, #tpu.memory_space<hbm>>
          tpu.enqueue_dma source(%dma_start3A_226 : memref<64xi32, #tpu.memory_space<hbm>>) target(%arg11 : memref<64xi32, #tpu.memory_space<vmem>>) target_semaphore(%run_scoped3A : memref<!tpu.dma_semaphore, #tpu.memory_space<semaphore_mem>>)
          %dma_wait3A_227 = tpu.memref_slice %arg2[%mul3A_170] : memref<640000xi32, #tpu.memory_space<hbm>> -> memref<64xi32, #tpu.memory_space<hbm>>
          %dma_wait3A_228 = tpu.memref_slice %arg2[%mul3A_170] : memref<640000xi32, #tpu.memory_space<hbm>> -> memref<64xi32, #tpu.memory_space<hbm>>
          tpu.wait_dma2 semaphore(%run_scoped3A : memref<!tpu.dma_semaphore, #tpu.memory_space<semaphore_mem>>) src(%dma_wait3A_228 : memref<64xi32, #tpu.memory_space<hbm>>) dst(%arg11 : memref<64xi32, #tpu.memory_space<vmem>>)
          tpu.yield
        }) : () -> ()
        %dma_start3A_171 = arith.constant 0 : i32
        %dma_start3A_172 = tpu.memref_slice %arg11[%dma_start3A_171] : memref<64xi32, #tpu.memory_space<vmem>> -> memref<32xi32, #tpu.memory_space<vmem>>
        %dma_start3A_173 = arith.constant 0 : i32
        %dma_start3A_174 = arith.constant 0 : i32
        %dma_start3A_175 = tpu.memref_slice %arg4[%dma_start3A_173, %dma_start3A_174] : memref<10000x128xf32, #tpu.memory_space<hbm>> -> memref<10000x128xf32, #tpu.memory_space<hbm>>
        tpu.enqueue_indirect_dma source(%dma_start3A_175 : memref<10000x128xf32, #tpu.memory_space<hbm>>) target(%arg13 : memref<32x128xf32, #tpu.memory_space<vmem>>) offsets(%dma_start3A_172 : memref<32xi32, #tpu.memory_space<vmem>>) semaphore(%arg23 : memref<!tpu.dma_semaphore, #tpu.memory_space<semaphore_mem>>)
        %dma_start3A_176 = arith.constant 32 : i32
        %dma_start3A_177 = tpu.memref_slice %arg11[%dma_start3A_176] : memref<64xi32, #tpu.memory_space<vmem>> -> memref<32xi32, #tpu.memory_space<vmem>>
        %dma_start3A_178 = arith.constant 0 : i32
        %dma_start3A_179 = arith.constant 0 : i32
        %dma_start3A_180 = tpu.memref_slice %arg5[%dma_start3A_178, %dma_start3A_179] : memref<10000x128xf32, #tpu.memory_space<hbm>> -> memref<10000x128xf32, #tpu.memory_space<hbm>>
        tpu.enqueue_indirect_dma source(%dma_start3A_180 : memref<10000x128xf32, #tpu.memory_space<hbm>>) target(%arg15 : memref<32x128xf32, #tpu.memory_space<vmem>>) offsets(%dma_start3A_177 : memref<32xi32, #tpu.memory_space<vmem>>) semaphore(%arg24 : memref<!tpu.dma_semaphore, #tpu.memory_space<semaphore_mem>>)
        %dma_start3A_181 = arith.constant 0 : i32
        %dma_start3A_182 = tpu.memref_slice %arg11[%dma_start3A_181] : memref<64xi32, #tpu.memory_space<vmem>> -> memref<32xi32, #tpu.memory_space<vmem>>
        %dma_start3A_183 = arith.constant 0 : i32
        %dma_start3A_184 = arith.constant 0 : i32
        %dma_start3A_185 = tpu.memref_slice %arg6[%dma_start3A_183, %dma_start3A_184] : memref<10000x1024xf32, #tpu.memory_space<hbm>> -> memref<10000x1024xf32, #tpu.memory_space<hbm>>
        tpu.enqueue_indirect_dma source(%dma_start3A_185 : memref<10000x1024xf32, #tpu.memory_space<hbm>>) target(%arg17 : memref<32x1024xf32, #tpu.memory_space<vmem>>) offsets(%dma_start3A_182 : memref<32xi32, #tpu.memory_space<vmem>>) semaphore(%arg25 : memref<!tpu.dma_semaphore, #tpu.memory_space<semaphore_mem>>)
        %dma_wait3A_186 = arith.constant 0 : i32
        %dma_wait3A_187 = tpu.memref_slice %arg11[%dma_wait3A_186] : memref<64xi32, #tpu.memory_space<vmem>> -> memref<32xi32, #tpu.memory_space<vmem>>
        %dma_wait3A_188 = arith.constant 0 : i32
        %dma_wait3A_189 = arith.constant 0 : i32
        %dma_wait3A_190 = tpu.memref_slice %arg4[%dma_wait3A_188, %dma_wait3A_189] : memref<10000x128xf32, #tpu.memory_space<hbm>> -> memref<10000x128xf32, #tpu.memory_space<hbm>>
        tpu.wait_indirect_dma semaphore(%arg23 : memref<!tpu.dma_semaphore, #tpu.memory_space<semaphore_mem>>) src(%dma_wait3A_190 : memref<10000x128xf32, #tpu.memory_space<hbm>>) dst(%arg13 : memref<32x128xf32, #tpu.memory_space<vmem>>)
        %dma_wait3A_191 = arith.constant 32 : i32
        %dma_wait3A_192 = tpu.memref_slice %arg11[%dma_wait3A_191] : memref<64xi32, #tpu.memory_space<vmem>> -> memref<32xi32, #tpu.memory_space<vmem>>
        %dma_wait3A_193 = arith.constant 0 : i32
        %dma_wait3A_194 = arith.constant 0 : i32
        %dma_wait3A_195 = tpu.memref_slice %arg5[%dma_wait3A_193, %dma_wait3A_194] : memref<10000x128xf32, #tpu.memory_space<hbm>> -> memref<10000x128xf32, #tpu.memory_space<hbm>>
        tpu.wait_indirect_dma semaphore(%arg24 : memref<!tpu.dma_semaphore, #tpu.memory_space<semaphore_mem>>) src(%dma_wait3A_195 : memref<10000x128xf32, #tpu.memory_space<hbm>>) dst(%arg15 : memref<32x128xf32, #tpu.memory_space<vmem>>)
        %dma_wait3A_196 = arith.constant 0 : i32
        %dma_wait3A_197 = tpu.memref_slice %arg11[%dma_wait3A_196] : memref<64xi32, #tpu.memory_space<vmem>> -> memref<32xi32, #tpu.memory_space<vmem>>
        %dma_wait3A_198 = arith.constant 0 : i32
        %dma_wait3A_199 = arith.constant 0 : i32
        %dma_wait3A_200 = tpu.memref_slice %arg6[%dma_wait3A_198, %dma_wait3A_199] : memref<10000x1024xf32, #tpu.memory_space<hbm>> -> memref<10000x1024xf32, #tpu.memory_space<hbm>>
        tpu.wait_indirect_dma semaphore(%arg25 : memref<!tpu.dma_semaphore, #tpu.memory_space<semaphore_mem>>) src(%dma_wait3A_200 : memref<10000x1024xf32, #tpu.memory_space<hbm>>) dst(%arg17 : memref<32x1024xf32, #tpu.memory_space<vmem>>)
        %add3A_201 = arith.constant 2 : i32
        %add3A_202 = arith.addi %add3A_149, %add3A_201 : i32
        %min3A_203 = arith.constant 9999 : i32
        %min3A_204 = arith.minsi %add3A_202, %min3A_203 : i32
        %mul3A_205 = arith.constant 64 : i32
        %mul3A_206 = arith.muli %min3A_204, %mul3A_205 : i32
        "tpu.region"() ({
          %run_scoped3A = tpu.sem_alloc : memref<!tpu.dma_semaphore, #tpu.memory_space<semaphore_mem>>
          %dma_start3A_225 = tpu.memref_slice %arg2[%mul3A_206] : memref<640000xi32, #tpu.memory_space<hbm>> -> memref<64xi32, #tpu.memory_space<hbm>>
          %dma_start3A_226 = tpu.memref_slice %arg2[%mul3A_206] : memref<640000xi32, #tpu.memory_space<hbm>> -> memref<64xi32, #tpu.memory_space<hbm>>
          tpu.enqueue_dma source(%dma_start3A_226 : memref<64xi32, #tpu.memory_space<hbm>>) target(%arg10 : memref<64xi32, #tpu.memory_space<vmem>>) target_semaphore(%run_scoped3A : memref<!tpu.dma_semaphore, #tpu.memory_space<semaphore_mem>>)
          %dma_wait3A_227 = tpu.memref_slice %arg2[%mul3A_206] : memref<640000xi32, #tpu.memory_space<hbm>> -> memref<64xi32, #tpu.memory_space<hbm>>
          %dma_wait3A_228 = tpu.memref_slice %arg2[%mul3A_206] : memref<640000xi32, #tpu.memory_space<hbm>> -> memref<64xi32, #tpu.memory_space<hbm>>
          tpu.wait_dma2 semaphore(%run_scoped3A : memref<!tpu.dma_semaphore, #tpu.memory_space<semaphore_mem>>) src(%dma_wait3A_228 : memref<64xi32, #tpu.memory_space<hbm>>) dst(%arg10 : memref<64xi32, #tpu.memory_space<vmem>>)
          tpu.yield
        }) : () -> ()
        %dma_start3A_207 = arith.constant 0 : i32
        %dma_start3A_208 = tpu.memref_slice %arg10[%dma_start3A_207] : memref<64xi32, #tpu.memory_space<vmem>> -> memref<32xi32, #tpu.memory_space<vmem>>
        %dma_start3A_209 = arith.constant 0 : i32
        %dma_start3A_210 = arith.constant 0 : i32
        %dma_start3A_211 = tpu.memref_slice %arg4[%dma_start3A_209, %dma_start3A_210] : memref<10000x128xf32, #tpu.memory_space<hbm>> -> memref<10000x128xf32, #tpu.memory_space<hbm>>
        tpu.enqueue_indirect_dma source(%dma_start3A_211 : memref<10000x128xf32, #tpu.memory_space<hbm>>) target(%arg12 : memref<32x128xf32, #tpu.memory_space<vmem>>) offsets(%dma_start3A_208 : memref<32xi32, #tpu.memory_space<vmem>>) semaphore(%arg20 : memref<!tpu.dma_semaphore, #tpu.memory_space<semaphore_mem>>)
        %dma_start3A_212 = arith.constant 32 : i32
        %dma_start3A_213 = tpu.memref_slice %arg10[%dma_start3A_212] : memref<64xi32, #tpu.memory_space<vmem>> -> memref<32xi32, #tpu.memory_space<vmem>>
        %dma_start3A_214 = arith.constant 0 : i32
        %dma_start3A_215 = arith.constant 0 : i32
        %dma_start3A_216 = tpu.memref_slice %arg5[%dma_start3A_214, %dma_start3A_215] : memref<10000x128xf32, #tpu.memory_space<hbm>> -> memref<10000x128xf32, #tpu.memory_space<hbm>>
        tpu.enqueue_indirect_dma source(%dma_start3A_216 : memref<10000x128xf32, #tpu.memory_space<hbm>>) target(%arg14 : memref<32x128xf32, #tpu.memory_space<vmem>>) offsets(%dma_start3A_213 : memref<32xi32, #tpu.memory_space<vmem>>) semaphore(%arg21 : memref<!tpu.dma_semaphore, #tpu.memory_space<semaphore_mem>>)
        %dma_start3A_217 = arith.constant 0 : i32
        %dma_start3A_218 = tpu.memref_slice %arg10[%dma_start3A_217] : memref<64xi32, #tpu.memory_space<vmem>> -> memref<32xi32, #tpu.memory_space<vmem>>
        %dma_start3A_219 = arith.constant 0 : i32
        %dma_start3A_220 = arith.constant 0 : i32
        %dma_start3A_221 = tpu.memref_slice %arg6[%dma_start3A_219, %dma_start3A_220] : memref<10000x1024xf32, #tpu.memory_space<hbm>> -> memref<10000x1024xf32, #tpu.memory_space<hbm>>
        tpu.enqueue_indirect_dma source(%dma_start3A_221 : memref<10000x1024xf32, #tpu.memory_space<hbm>>) target(%arg16 : memref<32x1024xf32, #tpu.memory_space<vmem>>) offsets(%dma_start3A_218 : memref<32xi32, #tpu.memory_space<vmem>>) semaphore(%arg22 : memref<!tpu.dma_semaphore, #tpu.memory_space<semaphore_mem>>)
        %add3A_222 = arith.constant 1 : i32
        %add3A_223 = arith.addi %add3A_149, %add3A_222 : i32
        %while3A_224 = arith.constant 0 : i32
        scf.yield %while3A_224 : i32
      }
      %while3A_128 = arith.constant 1 : i32
      %while3A_129 = scf.for %while3A_145 = %while3A_125 to %while3A_121 step %while3A_128 iter_args(%while3A_146 = %while3A_127) -> (i32)  : i32 {
        %mul3A_147 = arith.constant 2 : i32
        %mul3A_148 = arith.muli %mul3A_147, %while3A_145 : i32
        %add3A_149 = arith.addi %select_n3A, %mul3A_148 : i32
        %dma_wait3A_150 = arith.constant 0 : i32
        %dma_wait3A_151 = tpu.memref_slice %arg10[%dma_wait3A_150] : memref<64xi32, #tpu.memory_space<vmem>> -> memref<32xi32, #tpu.memory_space<vmem>>
        %dma_wait3A_152 = arith.constant 0 : i32
        %dma_wait3A_153 = arith.constant 0 : i32
        %dma_wait3A_154 = tpu.memref_slice %arg4[%dma_wait3A_152, %dma_wait3A_153] : memref<10000x128xf32, #tpu.memory_space<hbm>> -> memref<10000x128xf32, #tpu.memory_space<hbm>>
        tpu.wait_indirect_dma semaphore(%arg20 : memref<!tpu.dma_semaphore, #tpu.memory_space<semaphore_mem>>) src(%dma_wait3A_154 : memref<10000x128xf32, #tpu.memory_space<hbm>>) dst(%arg12 : memref<32x128xf32, #tpu.memory_space<vmem>>)
        %dma_wait3A_155 = arith.constant 32 : i32
        %dma_wait3A_156 = tpu.memref_slice %arg10[%dma_wait3A_155] : memref<64xi32, #tpu.memory_space<vmem>> -> memref<32xi32, #tpu.memory_space<vmem>>
        %dma_wait3A_157 = arith.constant 0 : i32
        %dma_wait3A_158 = arith.constant 0 : i32
        %dma_wait3A_159 = tpu.memref_slice %arg5[%dma_wait3A_157, %dma_wait3A_158] : memref<10000x128xf32, #tpu.memory_space<hbm>> -> memref<10000x128xf32, #tpu.memory_space<hbm>>
        tpu.wait_indirect_dma semaphore(%arg21 : memref<!tpu.dma_semaphore, #tpu.memory_space<semaphore_mem>>) src(%dma_wait3A_159 : memref<10000x128xf32, #tpu.memory_space<hbm>>) dst(%arg14 : memref<32x128xf32, #tpu.memory_space<vmem>>)
        %dma_wait3A_160 = arith.constant 0 : i32
        %dma_wait3A_161 = tpu.memref_slice %arg10[%dma_wait3A_160] : memref<64xi32, #tpu.memory_space<vmem>> -> memref<32xi32, #tpu.memory_space<vmem>>
        %dma_wait3A_162 = arith.constant 0 : i32
        %dma_wait3A_163 = arith.constant 0 : i32
        %dma_wait3A_164 = tpu.memref_slice %arg6[%dma_wait3A_162, %dma_wait3A_163] : memref<10000x1024xf32, #tpu.memory_space<hbm>> -> memref<10000x1024xf32, #tpu.memory_space<hbm>>
        tpu.wait_indirect_dma semaphore(%arg22 : memref<!tpu.dma_semaphore, #tpu.memory_space<semaphore_mem>>) src(%dma_wait3A_164 : memref<10000x1024xf32, #tpu.memory_space<hbm>>) dst(%arg16 : memref<32x1024xf32, #tpu.memory_space<vmem>>)
        %add3A_165 = arith.constant 1 : i32
        %add3A_166 = arith.addi %add3A_149, %add3A_165 : i32
        %min3A_167 = arith.constant 9999 : i32
        %min3A_168 = arith.minsi %add3A_166, %min3A_167 : i32
        %mul3A_169 = arith.constant 64 : i32
        %mul3A_170 = arith.muli %min3A_168, %mul3A_169 : i32
        "tpu.region"() ({
          %run_scoped3A = tpu.sem_alloc : memref<!tpu.dma_semaphore, #tpu.memory_space<semaphore_mem>>
          %dma_start3A_225 = tpu.memref_slice %arg2[%mul3A_170] : memref<640000xi32, #tpu.memory_space<hbm>> -> memref<64xi32, #tpu.memory_space<hbm>>
          %dma_start3A_226 = tpu.memref_slice %arg2[%mul3A_170] : memref<640000xi32, #tpu.memory_space<hbm>> -> memref<64xi32, #tpu.memory_space<hbm>>
          tpu.enqueue_dma source(%dma_start3A_226 : memref<64xi32, #tpu.memory_space<hbm>>) target(%arg11 : memref<64xi32, #tpu.memory_space<vmem>>) target_semaphore(%run_scoped3A : memref<!tpu.dma_semaphore, #tpu.memory_space<semaphore_mem>>)
          %dma_wait3A_227 = tpu.memref_slice %arg2[%mul3A_170] : memref<640000xi32, #tpu.memory_space<hbm>> -> memref<64xi32, #tpu.memory_space<hbm>>
          %dma_wait3A_228 = tpu.memref_slice %arg2[%mul3A_170] : memref<640000xi32, #tpu.memory_space<hbm>> -> memref<64xi32, #tpu.memory_space<hbm>>
          tpu.wait_dma2 semaphore(%run_scoped3A : memref<!tpu.dma_semaphore, #tpu.memory_space<semaphore_mem>>) src(%dma_wait3A_228 : memref<64xi32, #tpu.memory_space<hbm>>) dst(%arg11 : memref<64xi32, #tpu.memory_space<vmem>>)
          tpu.yield
        }) : () -> ()
        %dma_start3A_171 = arith.constant 0 : i32
        %dma_start3A_172 = tpu.memref_slice %arg11[%dma_start3A_171] : memref<64xi32, #tpu.memory_space<vmem>> -> memref<32xi32, #tpu.memory_space<vmem>>
        %dma_start3A_173 = arith.constant 0 : i32
        %dma_start3A_174 = arith.constant 0 : i32
        %dma_start3A_175 = tpu.memref_slice %arg4[%dma_start3A_173, %dma_start3A_174] : memref<10000x128xf32, #tpu.memory_space<hbm>> -> memref<10000x128xf32, #tpu.memory_space<hbm>>
        tpu.enqueue_indirect_dma source(%dma_start3A_175 : memref<10000x128xf32, #tpu.memory_space<hbm>>) target(%arg13 : memref<32x128xf32, #tpu.memory_space<vmem>>) offsets(%dma_start3A_172 : memref<32xi32, #tpu.memory_space<vmem>>) semaphore(%arg23 : memref<!tpu.dma_semaphore, #tpu.memory_space<semaphore_mem>>)
        %dma_start3A_176 = arith.constant 32 : i32
        %dma_start3A_177 = tpu.memref_slice %arg11[%dma_start3A_176] : memref<64xi32, #tpu.memory_space<vmem>> -> memref<32xi32, #tpu.memory_space<vmem>>
        %dma_start3A_178 = arith.constant 0 : i32
        %dma_start3A_179 = arith.constant 0 : i32
        %dma_start3A_180 = tpu.memref_slice %arg5[%dma_start3A_178, %dma_start3A_179] : memref<10000x128xf32, #tpu.memory_space<hbm>> -> memref<10000x128xf32, #tpu.memory_space<hbm>>
        tpu.enqueue_indirect_dma source(%dma_start3A_180 : memref<10000x128xf32, #tpu.memory_space<hbm>>) target(%arg15 : memref<32x128xf32, #tpu.memory_space<vmem>>) offsets(%dma_start3A_177 : memref<32xi32, #tpu.memory_space<vmem>>) semaphore(%arg24 : memref<!tpu.dma_semaphore, #tpu.memory_space<semaphore_mem>>)
        %dma_start3A_181 = arith.constant 0 : i32
        %dma_start3A_182 = tpu.memref_slice %arg11[%dma_start3A_181] : memref<64xi32, #tpu.memory_space<vmem>> -> memref<32xi32, #tpu.memory_space<vmem>>
        %dma_start3A_183 = arith.constant 0 : i32
        %dma_start3A_184 = arith.constant 0 : i32
        %dma_start3A_185 = tpu.memref_slice %arg6[%dma_start3A_183, %dma_start3A_184] : memref<10000x1024xf32, #tpu.memory_space<hbm>> -> memref<10000x1024xf32, #tpu.memory_space<hbm>>
        tpu.enqueue_indirect_dma source(%dma_start3A_185 : memref<10000x1024xf32, #tpu.memory_space<hbm>>) target(%arg17 : memref<32x1024xf32, #tpu.memory_space<vmem>>) offsets(%dma_start3A_182 : memref<32xi32, #tpu.memory_space<vmem>>) semaphore(%arg25 : memref<!tpu.dma_semaphore, #tpu.memory_space<semaphore_mem>>)
        %dma_wait3A_186 = arith.constant 0 : i32
        %dma_wait3A_187 = tpu.memref_slice %arg11[%dma_wait3A_186] : memref<64xi32, #tpu.memory_space<vmem>> -> memref<32xi32, #tpu.memory_space<vmem>>
        %dma_wait3A_188 = arith.constant 0 : i32
        %dma_wait3A_189 = arith.constant 0 : i32
        %dma_wait3A_190 = tpu.memref_slice %arg4[%dma_wait3A_188, %dma_wait3A_189] : memref<10000x128xf32, #tpu.memory_space<hbm>> -> memref<10000x128xf32, #tpu.memory_space<hbm>>
        tpu.wait_indirect_dma semaphore(%arg23 : memref<!tpu.dma_semaphore, #tpu.memory_space<semaphore_mem>>) src(%dma_wait3A_190 : memref<10000x128xf32, #tpu.memory_space<hbm>>) dst(%arg13 : memref<32x128xf32, #tpu.memory_space<vmem>>)
        %dma_wait3A_191 = arith.constant 32 : i32
        %dma_wait3A_192 = tpu.memref_slice %arg11[%dma_wait3A_191] : memref<64xi32, #tpu.memory_space<vmem>> -> memref<32xi32, #tpu.memory_space<vmem>>
        %dma_wait3A_193 = arith.constant 0 : i32
        %dma_wait3A_194 = arith.constant 0 : i32
        %dma_wait3A_195 = tpu.memref_slice %arg5[%dma_wait3A_193, %dma_wait3A_194] : memref<10000x128xf32, #tpu.memory_space<hbm>> -> memref<10000x128xf32, #tpu.memory_space<hbm>>
        tpu.wait_indirect_dma semaphore(%arg24 : memref<!tpu.dma_semaphore, #tpu.memory_space<semaphore_mem>>) src(%dma_wait3A_195 : memref<10000x128xf32, #tpu.memory_space<hbm>>) dst(%arg15 : memref<32x128xf32, #tpu.memory_space<vmem>>)
        %dma_wait3A_196 = arith.constant 0 : i32
        %dma_wait3A_197 = tpu.memref_slice %arg11[%dma_wait3A_196] : memref<64xi32, #tpu.memory_space<vmem>> -> memref<32xi32, #tpu.memory_space<vmem>>
        %dma_wait3A_198 = arith.constant 0 : i32
        %dma_wait3A_199 = arith.constant 0 : i32
        %dma_wait3A_200 = tpu.memref_slice %arg6[%dma_wait3A_198, %dma_wait3A_199] : memref<10000x1024xf32, #tpu.memory_space<hbm>> -> memref<10000x1024xf32, #tpu.memory_space<hbm>>
        tpu.wait_indirect_dma semaphore(%arg25 : memref<!tpu.dma_semaphore, #tpu.memory_space<semaphore_mem>>) src(%dma_wait3A_200 : memref<10000x1024xf32, #tpu.memory_space<hbm>>) dst(%arg17 : memref<32x1024xf32, #tpu.memory_space<vmem>>)
        %add3A_201 = arith.constant 2 : i32
        %add3A_202 = arith.addi %add3A_149, %add3A_201 : i32
        %min3A_203 = arith.constant 9999 : i32
        %min3A_204 = arith.minsi %add3A_202, %min3A_203 : i32
        %mul3A_205 = arith.constant 64 : i32
        %mul3A_206 = arith.muli %min3A_204, %mul3A_205 : i32
        "tpu.region"() ({
          %run_scoped3A = tpu.sem_alloc : memref<!tpu.dma_semaphore, #tpu.memory_space<semaphore_mem>>
          %dma_start3A_225 = tpu.memref_slice %arg2[%mul3A_206] : memref<640000xi32, #tpu.memory_space<hbm>> -> memref<64xi32, #tpu.memory_space<hbm>>
          %dma_start3A_226 = tpu.memref_slice %arg2[%mul3A_206] : memref<640000xi32, #tpu.memory_space<hbm>> -> memref<64xi32, #tpu.memory_space<hbm>>
          tpu.enqueue_dma source(%dma_start3A_226 : memref<64xi32, #tpu.memory_space<hbm>>) target(%arg10 : memref<64xi32, #tpu.memory_space<vmem>>) target_semaphore(%run_scoped3A : memref<!tpu.dma_semaphore, #tpu.memory_space<semaphore_mem>>)
          %dma_wait3A_227 = tpu.memref_slice %arg2[%mul3A_206] : memref<640000xi32, #tpu.memory_space<hbm>> -> memref<64xi32, #tpu.memory_space<hbm>>
          %dma_wait3A_228 = tpu.memref_slice %arg2[%mul3A_206] : memref<640000xi32, #tpu.memory_space<hbm>> -> memref<64xi32, #tpu.memory_space<hbm>>
          tpu.wait_dma2 semaphore(%run_scoped3A : memref<!tpu.dma_semaphore, #tpu.memory_space<semaphore_mem>>) src(%dma_wait3A_228 : memref<64xi32, #tpu.memory_space<hbm>>) dst(%arg10 : memref<64xi32, #tpu.memory_space<vmem>>)
          tpu.yield
        }) : () -> ()
        %dma_start3A_207 = arith.constant 0 : i32
        %dma_start3A_208 = tpu.memref_slice %arg10[%dma_start3A_207] : memref<64xi32, #tpu.memory_space<vmem>> -> memref<32xi32, #tpu.memory_space<vmem>>
        %dma_start3A_209 = arith.constant 0 : i32
        %dma_start3A_210 = arith.constant 0 : i32
        %dma_start3A_211 = tpu.memref_slice %arg4[%dma_start3A_209, %dma_start3A_210] : memref<10000x128xf32, #tpu.memory_space<hbm>> -> memref<10000x128xf32, #tpu.memory_space<hbm>>
        tpu.enqueue_indirect_dma source(%dma_start3A_211 : memref<10000x128xf32, #tpu.memory_space<hbm>>) target(%arg12 : memref<32x128xf32, #tpu.memory_space<vmem>>) offsets(%dma_start3A_208 : memref<32xi32, #tpu.memory_space<vmem>>) semaphore(%arg20 : memref<!tpu.dma_semaphore, #tpu.memory_space<semaphore_mem>>)
        %dma_start3A_212 = arith.constant 32 : i32
        %dma_start3A_213 = tpu.memref_slice %arg10[%dma_start3A_212] : memref<64xi32, #tpu.memory_space<vmem>> -> memref<32xi32, #tpu.memory_space<vmem>>
        %dma_start3A_214 = arith.constant 0 : i32
        %dma_start3A_215 = arith.constant 0 : i32
        %dma_start3A_216 = tpu.memref_slice %arg5[%dma_start3A_214, %dma_start3A_215] : memref<10000x128xf32, #tpu.memory_space<hbm>> -> memref<10000x128xf32, #tpu.memory_space<hbm>>
        tpu.enqueue_indirect_dma source(%dma_start3A_216 : memref<10000x128xf32, #tpu.memory_space<hbm>>) target(%arg14 : memref<32x128xf32, #tpu.memory_space<vmem>>) offsets(%dma_start3A_213 : memref<32xi32, #tpu.memory_space<vmem>>) semaphore(%arg21 : memref<!tpu.dma_semaphore, #tpu.memory_space<semaphore_mem>>)
        %dma_start3A_217 = arith.constant 0 : i32
        %dma_start3A_218 = tpu.memref_slice %arg10[%dma_start3A_217] : memref<64xi32, #tpu.memory_space<vmem>> -> memref<32xi32, #tpu.memory_space<vmem>>
        %dma_start3A_219 = arith.constant 0 : i32
        %dma_start3A_220 = arith.constant 0 : i32
        %dma_start3A_221 = tpu.memref_slice %arg6[%dma_start3A_219, %dma_start3A_220] : memref<10000x1024xf32, #tpu.memory_space<hbm>> -> memref<10000x1024xf32, #tpu.memory_space<hbm>>
        tpu.enqueue_indirect_dma source(%dma_start3A_221 : memref<10000x1024xf32, #tpu.memory_space<hbm>>) target(%arg16 : memref<32x1024xf32, #tpu.memory_space<vmem>>) offsets(%dma_start3A_218 : memref<32xi32, #tpu.memory_space<vmem>>) semaphore(%arg22 : memref<!tpu.dma_semaphore, #tpu.memory_space<semaphore_mem>>)
        %add3A_222 = arith.constant 1 : i32
        %add3A_223 = arith.addi %add3A_149, %add3A_222 : i32
        %while3A_224 = arith.constant 0 : i32
        scf.yield %while3A_224 : i32
      }
      %dma_wait3A = arith.constant 0 : i32
      %dma_wait3A_130 = tpu.memref_slice %arg10[%dma_wait3A] : memref<64xi32, #tpu.memory_space<vmem>> -> memref<32xi32, #tpu.memory_space<vmem>>
      %dma_wait3A_131 = arith.constant 0 : i32
      %dma_wait3A_132 = arith.constant 0 : i32
      %dma_wait3A_133 = tpu.memref_slice %arg4[%dma_wait3A_131, %dma_wait3A_132] : memref<10000x128xf32, #tpu.memory_space<hbm>> -> memref<10000x128xf32, #tpu.memory_space<hbm>>
      tpu.wait_indirect_dma semaphore(%arg20 : memref<!tpu.dma_semaphore, #tpu.memory_space<semaphore_mem>>) src(%dma_wait3A_133 : memref<10000x128xf32, #tpu.memory_space<hbm>>) dst(%arg12 : memref<32x128xf32, #tpu.memory_space<vmem>>)
      %dma_wait3A_134 = arith.constant 32 : i32
      %dma_wait3A_135 = tpu.memref_slice %arg10[%dma_wait3A_134] : memref<64xi32, #tpu.memory_space<vmem>> -> memref<32xi32, #tpu.memory_space<vmem>>
      %dma_wait3A_136 = arith.constant 0 : i32
      %dma_wait3A_137 = arith.constant 0 : i32
      %dma_wait3A_138 = tpu.memref_slice %arg5[%dma_wait3A_136, %dma_wait3A_137] : memref<10000x128xf32, #tpu.memory_space<hbm>> -> memref<10000x128xf32, #tpu.memory_space<hbm>>
      tpu.wait_indirect_dma semaphore(%arg21 : memref<!tpu.dma_semaphore, #tpu.memory_space<semaphore_mem>>) src(%dma_wait3A_138 : memref<10000x128xf32, #tpu.memory_space<hbm>>) dst(%arg14 : memref<32x128xf32, #tpu.memory_space<vmem>>)
      %dma_wait3A_139 = arith.constant 0 : i32
      %dma_wait3A_140 = tpu.memref_slice %arg10[%dma_wait3A_139] : memref<64xi32, #tpu.memory_space<vmem>> -> memref<32xi32, #tpu.memory_space<vmem>>
      %dma_wait3A_141 = arith.constant 0 : i32
      %dma_wait3A_142 = arith.constant 0 : i32
      %dma_wait3A_143 = tpu.memref_slice %arg6[%dma_wait3A_141, %dma_wait3A_142] : memref<10000x1024xf32, #tpu.memory_space<hbm>> -> memref<10000x1024xf32, #tpu.memory_space<hbm>>
      tpu.wait_indirect_dma semaphore(%arg22 : memref<!tpu.dma_semaphore, #tpu.memory_space<semaphore_mem>>) src(%dma_wait3A_143 : memref<10000x1024xf32, #tpu.memory_space<hbm>>) dst(%arg16 : memref<32x1024xf32, #tpu.memory_space<vmem>>)
      "tpu.region"() ({
        %run_scoped3A = tpu.sem_alloc : memref<!tpu.dma_semaphore, #tpu.memory_space<semaphore_mem>>
        %dma_start3A_145 = arith.constant 0 : i32
        %dma_start3A_146 = arith.constant 0 : i32
        %dma_start3A_147 = tpu.memref_slice %arg18[%dma_start3A_145, %dma_start3A_146] : memref<33x1024xf32, #tpu.memory_space<vmem>> -> memref<32x1024xf32, #tpu.memory_space<vmem>>
        %dma_start3A_148 = arith.constant 0 : i32
        %dma_start3A_149 = tpu.memref_slice %arg7[%mul3A_16, %dma_start3A_148] : memref<10240x1024xf32, #tpu.memory_space<hbm>> -> memref<32x1024xf32, #tpu.memory_space<hbm>>
        %dma_start3A_150 = arith.constant 0 : i32
        %dma_start3A_151 = tpu.memref_slice %arg7[%mul3A_16, %dma_start3A_150] : memref<10240x1024xf32, #tpu.memory_space<hbm>> -> memref<32x1024xf32, #tpu.memory_space<hbm>>
        %dma_start3A_152 = arith.constant 0 : i32
        %dma_start3A_153 = arith.constant 0 : i32
        %dma_start3A_154 = tpu.memref_slice %arg18[%dma_start3A_152, %dma_start3A_153] : memref<33x1024xf32, #tpu.memory_space<vmem>> -> memref<32x1024xf32, #tpu.memory_space<vmem>>
        tpu.enqueue_dma source(%dma_start3A_154 : memref<32x1024xf32, #tpu.memory_space<vmem>>) target(%dma_start3A_151 : memref<32x1024xf32, #tpu.memory_space<hbm>>) target_semaphore(%run_scoped3A : memref<!tpu.dma_semaphore, #tpu.memory_space<semaphore_mem>>)
        %dma_wait3A_155 = arith.constant 0 : i32
        %dma_wait3A_156 = arith.constant 0 : i32
        %dma_wait3A_157 = tpu.memref_slice %arg18[%dma_wait3A_155, %dma_wait3A_156] : memref<33x1024xf32, #tpu.memory_space<vmem>> -> memref<32x1024xf32, #tpu.memory_space<vmem>>
        %dma_wait3A_158 = arith.constant 0 : i32
        %dma_wait3A_159 = tpu.memref_slice %arg7[%mul3A_16, %dma_wait3A_158] : memref<10240x1024xf32, #tpu.memory_space<hbm>> -> memref<32x1024xf32, #tpu.memory_space<hbm>>
        %dma_wait3A_160 = arith.constant 0 : i32
        %dma_wait3A_161 = tpu.memref_slice %arg7[%mul3A_16, %dma_wait3A_160] : memref<10240x1024xf32, #tpu.memory_space<hbm>> -> memref<32x1024xf32, #tpu.memory_space<hbm>>
        %dma_wait3A_162 = arith.constant 0 : i32
        %dma_wait3A_163 = arith.constant 0 : i32
        %dma_wait3A_164 = tpu.memref_slice %arg18[%dma_wait3A_162, %dma_wait3A_163] : memref<33x1024xf32, #tpu.memory_space<vmem>> -> memref<32x1024xf32, #tpu.memory_space<vmem>>
        tpu.wait_dma2 semaphore(%run_scoped3A : memref<!tpu.dma_semaphore, #tpu.memory_space<semaphore_mem>>) src(%dma_wait3A_164 : memref<32x1024xf32, #tpu.memory_space<vmem>>) dst(%dma_wait3A_161 : memref<32x1024xf32, #tpu.memory_space<hbm>>)
        tpu.yield
      }) : () -> ()
      "tpu.region"() ({
        %run_scoped3A = tpu.sem_alloc : memref<!tpu.dma_semaphore, #tpu.memory_space<semaphore_mem>>
        %dma_start3A_145 = arith.constant 0 : i32
        %dma_start3A_146 = arith.constant 0 : i32
        %dma_start3A_147 = tpu.memref_slice %arg19[%dma_start3A_145, %dma_start3A_146] : memref<33x16xf32, #tpu.memory_space<vmem>> -> memref<32x16xf32, #tpu.memory_space<vmem>>
        %dma_start3A_148 = arith.constant 0 : i32
        %dma_start3A_149 = tpu.memref_slice %arg8[%mul3A_16, %dma_start3A_148] : memref<10240x16xf32, #tpu.memory_space<hbm>> -> memref<32x16xf32, #tpu.memory_space<hbm>>
        %dma_start3A_150 = arith.constant 0 : i32
        %dma_start3A_151 = tpu.memref_slice %arg8[%mul3A_16, %dma_start3A_150] : memref<10240x16xf32, #tpu.memory_space<hbm>> -> memref<32x16xf32, #tpu.memory_space<hbm>>
        %dma_start3A_152 = arith.constant 0 : i32
        %dma_start3A_153 = arith.constant 0 : i32
        %dma_start3A_154 = tpu.memref_slice %arg19[%dma_start3A_152, %dma_start3A_153] : memref<33x16xf32, #tpu.memory_space<vmem>> -> memref<32x16xf32, #tpu.memory_space<vmem>>
        tpu.enqueue_dma source(%dma_start3A_154 : memref<32x16xf32, #tpu.memory_space<vmem>>) target(%dma_start3A_151 : memref<32x16xf32, #tpu.memory_space<hbm>>) target_semaphore(%run_scoped3A : memref<!tpu.dma_semaphore, #tpu.memory_space<semaphore_mem>>)
        %dma_wait3A_155 = arith.constant 0 : i32
        %dma_wait3A_156 = arith.constant 0 : i32
        %dma_wait3A_157 = tpu.memref_slice %arg19[%dma_wait3A_155, %dma_wait3A_156] : memref<33x16xf32, #tpu.memory_space<vmem>> -> memref<32x16xf32, #tpu.memory_space<vmem>>
        %dma_wait3A_158 = arith.constant 0 : i32
        %dma_wait3A_159 = tpu.memref_slice %arg8[%mul3A_16, %dma_wait3A_158] : memref<10240x16xf32, #tpu.memory_space<hbm>> -> memref<32x16xf32, #tpu.memory_space<hbm>>
        %dma_wait3A_160 = arith.constant 0 : i32
        %dma_wait3A_161 = tpu.memref_slice %arg8[%mul3A_16, %dma_wait3A_160] : memref<10240x16xf32, #tpu.memory_space<hbm>> -> memref<32x16xf32, #tpu.memory_space<hbm>>
        %dma_wait3A_162 = arith.constant 0 : i32
        %dma_wait3A_163 = arith.constant 0 : i32
        %dma_wait3A_164 = tpu.memref_slice %arg19[%dma_wait3A_162, %dma_wait3A_163] : memref<33x16xf32, #tpu.memory_space<vmem>> -> memref<32x16xf32, #tpu.memory_space<vmem>>
        tpu.wait_dma2 semaphore(%run_scoped3A : memref<!tpu.dma_semaphore, #tpu.memory_space<semaphore_mem>>) src(%dma_wait3A_164 : memref<32x16xf32, #tpu.memory_space<vmem>>) dst(%dma_wait3A_161 : memref<32x16xf32, #tpu.memory_space<hbm>>)
        tpu.yield
      }) : () -> ()
      %scan3A_144 = arith.constant 0 : i32
      scf.yield %scan3A_144 : i32
    }
    %scan3A_9 = arith.constant 10 : i32
    return
  }
}

#map = affine_map<(d0, d1) -> (0)>
#map1 = affine_map<(d0, d1) -> (0, 0)>
module attributes {stable_mosaic.version = 14 : i64} {
  func.func @sc_edge(%arg0: i32, %arg1: i32, %arg2: memref<640000xi32, #tpu.memory_space<hbm>>, %arg3: memref<328xi32, #tpu.memory_space<hbm>>, %arg4: memref<10000x128xf32, #tpu.memory_space<hbm>>, %arg5: memref<10000x128xf32, #tpu.memory_space<hbm>>, %arg6: memref<10000x768xf32, #tpu.memory_space<hbm>>, %arg7: memref<10240x768xf32, #tpu.memory_space<hbm>>, %arg8: memref<10240x16xf32, #tpu.memory_space<hbm>>, %arg9: memref<328xi32, #tpu.memory_space<vmem>>, %arg10: memref<64xi32, #tpu.memory_space<vmem>>, %arg11: memref<64xi32, #tpu.memory_space<vmem>>, %arg12: memref<32x128xf32, #tpu.memory_space<vmem>>, %arg13: memref<32x128xf32, #tpu.memory_space<vmem>>, %arg14: memref<32x128xf32, #tpu.memory_space<vmem>>, %arg15: memref<32x128xf32, #tpu.memory_space<vmem>>, %arg16: memref<32x768xf32, #tpu.memory_space<vmem>>, %arg17: memref<32x768xf32, #tpu.memory_space<vmem>>, %arg18: memref<33x768xf32, #tpu.memory_space<vmem>>, %arg19: memref<33x16xf32, #tpu.memory_space<vmem>>, %arg20: memref<!tpu.dma_semaphore, #tpu.memory_space<semaphore_mem>>, %arg21: memref<!tpu.dma_semaphore, #tpu.memory_space<semaphore_mem>>, %arg22: memref<!tpu.dma_semaphore, #tpu.memory_space<semaphore_mem>>, %arg23: memref<!tpu.dma_semaphore, #tpu.memory_space<semaphore_mem>>, %arg24: memref<!tpu.dma_semaphore, #tpu.memory_space<semaphore_mem>>, %arg25: memref<!tpu.dma_semaphore, #tpu.memory_space<semaphore_mem>>) attributes {dimension_semantics = [#tpu.dimension_semantics<core_parallel>, #tpu.dimension_semantics<subcore_parallel>], iteration_bounds = array<i64: 2, 16>, scalar_prefetch = 0 : i64, scratch_operands = 17 : i64, tpu.core_type = #tpu.core_type<sc_vector_subcore>, window_params = [{transform_indices = #map}, {transform_indices = #map}, {transform_indices = #map1}, {transform_indices = #map1}, {transform_indices = #map1}, {transform_indices = #map1}, {transform_indices = #map1}]} {
    %mul3A = arith.constant 2 : i32
    %mul3A_0 = arith.muli %arg1, %mul3A : i32
    %add3A = arith.addi %mul3A_0, %arg0 : i32
    %iota3A = tpu.iota {dimensions = array<i32: 0>} : vector<16xi32>
    %broadcast_in_dim3A = arith.constant 0.000000e+00 : f32
    %broadcast_in_dim3A_1 = vector.broadcast %broadcast_in_dim3A : f32 to vector<16xf32>
    %lt3A = arith.constant 6 : i32
    %lt3A_2 = vector.broadcast %lt3A : i32 to vector<16xi32>
    %lt3A_3 = arith.cmpi slt, %iota3A, %lt3A_2 : vector<16xi32>
    "tpu.region"() ({
      %run_scoped3A = tpu.sem_alloc : memref<!tpu.dma_semaphore, #tpu.memory_space<semaphore_mem>>
      %dma_start3A = arith.constant 0 : i32
      %dma_start3A_10 = tpu.memref_slice %arg3[%dma_start3A] : memref<328xi32, #tpu.memory_space<hbm>> -> memref<328xi32, #tpu.memory_space<hbm>>
      %dma_start3A_11 = arith.constant 0 : i32
      %dma_start3A_12 = tpu.memref_slice %arg3[%dma_start3A_11] : memref<328xi32, #tpu.memory_space<hbm>> -> memref<328xi32, #tpu.memory_space<hbm>>
      tpu.enqueue_dma source(%dma_start3A_12 : memref<328xi32, #tpu.memory_space<hbm>>) target(%arg9 : memref<328xi32, #tpu.memory_space<vmem>>) target_semaphore(%run_scoped3A : memref<!tpu.dma_semaphore, #tpu.memory_space<semaphore_mem>>)
      %dma_wait3A = arith.constant 0 : i32
      %dma_wait3A_13 = tpu.memref_slice %arg3[%dma_wait3A] : memref<328xi32, #tpu.memory_space<hbm>> -> memref<328xi32, #tpu.memory_space<hbm>>
      %dma_wait3A_14 = arith.constant 0 : i32
      %dma_wait3A_15 = tpu.memref_slice %arg3[%dma_wait3A_14] : memref<328xi32, #tpu.memory_space<hbm>> -> memref<328xi32, #tpu.memory_space<hbm>>
      tpu.wait_dma2 semaphore(%run_scoped3A : memref<!tpu.dma_semaphore, #tpu.memory_space<semaphore_mem>>) src(%dma_wait3A_15 : memref<328xi32, #tpu.memory_space<hbm>>) dst(%arg9 : memref<328xi32, #tpu.memory_space<vmem>>)
      tpu.yield
    }) : () -> ()
    %scan3A = arith.constant 0 : i32
    %scan3A_4 = arith.constant 0 : i32
    %scan3A_5 = arith.constant 10 : i32
    %scan3A_6 = arith.addi %scan3A_4, %scan3A_5 : i32
    %scan3A_7 = arith.constant 1 : i32
    %scan3A_8 = scf.for %scan3A_10 = %scan3A_4 to %scan3A_6 step %scan3A_7 iter_args(%scan3A_11 = %scan3A) -> (i32)  : i32 {
      %mul3A_12 = arith.constant 32 : i32
      %mul3A_13 = arith.muli %scan3A_10, %mul3A_12 : i32
      %add3A_14 = arith.addi %mul3A_13, %add3A : i32
      %mul3A_15 = arith.constant 32 : i32
      %mul3A_16 = arith.muli %add3A_14, %mul3A_15 : i32
      %scan3A_17 = arith.constant 0 : i32
      %scan3A_18 = arith.constant 0 : i32
      %scan3A_19 = arith.constant 32 : i32
      %scan3A_20 = arith.addi %scan3A_18, %scan3A_19 : i32
      %scan3A_21 = arith.constant 1 : i32
      %scan3A_22 = scf.for %scan3A_145 = %scan3A_18 to %scan3A_20 step %scan3A_21 iter_args(%scan3A_146 = %scan3A_17) -> (i32)  : i32 {
        %swap3A = arith.index_cast %scan3A_145 : i32 to index
        %swap3A_147 = arith.constant 0 : index
        %swap3A_148 = tpu.vector_load %arg18[%swap3A, %swap3A_147] {strides = array<i32>} : memref<33x768xf32, #tpu.memory_space<vmem>>, vector<16xf32>,
        tpu.vector_store %arg18[%swap3A, %swap3A_147], %broadcast_in_dim3A_1 {strides = array<i32>} : memref<33x768xf32, #tpu.memory_space<vmem>>, vector<16xf32>,
        %swap3A_149 = arith.index_cast %scan3A_145 : i32 to index
        %swap3A_150 = arith.constant 16 : index
        %swap3A_151 = tpu.vector_load %arg18[%swap3A_149, %swap3A_150] {strides = array<i32>} : memref<33x768xf32, #tpu.memory_space<vmem>>, vector<16xf32>,
        tpu.vector_store %arg18[%swap3A_149, %swap3A_150], %broadcast_in_dim3A_1 {strides = array<i32>} : memref<33x768xf32, #tpu.memory_space<vmem>>, vector<16xf32>,
        %swap3A_152 = arith.index_cast %scan3A_145 : i32 to index
        %swap3A_153 = arith.constant 32 : index
        %swap3A_154 = tpu.vector_load %arg18[%swap3A_152, %swap3A_153] {strides = array<i32>} : memref<33x768xf32, #tpu.memory_space<vmem>>, vector<16xf32>,
        tpu.vector_store %arg18[%swap3A_152, %swap3A_153], %broadcast_in_dim3A_1 {strides = array<i32>} : memref<33x768xf32, #tpu.memory_space<vmem>>, vector<16xf32>,
        %swap3A_155 = arith.index_cast %scan3A_145 : i32 to index
        %swap3A_156 = arith.constant 48 : index
        %swap3A_157 = tpu.vector_load %arg18[%swap3A_155, %swap3A_156] {strides = array<i32>} : memref<33x768xf32, #tpu.memory_space<vmem>>, vector<16xf32>,
        tpu.vector_store %arg18[%swap3A_155, %swap3A_156], %broadcast_in_dim3A_1 {strides = array<i32>} : memref<33x768xf32, #tpu.memory_space<vmem>>, vector<16xf32>,
        %swap3A_158 = arith.index_cast %scan3A_145 : i32 to index
        %swap3A_159 = arith.constant 64 : index
        %swap3A_160 = tpu.vector_load %arg18[%swap3A_158, %swap3A_159] {strides = array<i32>} : memref<33x768xf32, #tpu.memory_space<vmem>>, vector<16xf32>,
        tpu.vector_store %arg18[%swap3A_158, %swap3A_159], %broadcast_in_dim3A_1 {strides = array<i32>} : memref<33x768xf32, #tpu.memory_space<vmem>>, vector<16xf32>,
        %swap3A_161 = arith.index_cast %scan3A_145 : i32 to index
        %swap3A_162 = arith.constant 80 : index
        %swap3A_163 = tpu.vector_load %arg18[%swap3A_161, %swap3A_162] {strides = array<i32>} : memref<33x768xf32, #tpu.memory_space<vmem>>, vector<16xf32>,
        tpu.vector_store %arg18[%swap3A_161, %swap3A_162], %broadcast_in_dim3A_1 {strides = array<i32>} : memref<33x768xf32, #tpu.memory_space<vmem>>, vector<16xf32>,
        %swap3A_164 = arith.index_cast %scan3A_145 : i32 to index
        %swap3A_165 = arith.constant 96 : index
        %swap3A_166 = tpu.vector_load %arg18[%swap3A_164, %swap3A_165] {strides = array<i32>} : memref<33x768xf32, #tpu.memory_space<vmem>>, vector<16xf32>,
        tpu.vector_store %arg18[%swap3A_164, %swap3A_165], %broadcast_in_dim3A_1 {strides = array<i32>} : memref<33x768xf32, #tpu.memory_space<vmem>>, vector<16xf32>,
        %swap3A_167 = arith.index_cast %scan3A_145 : i32 to index
        %swap3A_168 = arith.constant 112 : index
        %swap3A_169 = tpu.vector_load %arg18[%swap3A_167, %swap3A_168] {strides = array<i32>} : memref<33x768xf32, #tpu.memory_space<vmem>>, vector<16xf32>,
        tpu.vector_store %arg18[%swap3A_167, %swap3A_168], %broadcast_in_dim3A_1 {strides = array<i32>} : memref<33x768xf32, #tpu.memory_space<vmem>>, vector<16xf32>,
        %swap3A_170 = arith.index_cast %scan3A_145 : i32 to index
        %swap3A_171 = arith.constant 128 : index
        %swap3A_172 = tpu.vector_load %arg18[%swap3A_170, %swap3A_171] {strides = array<i32>} : memref<33x768xf32, #tpu.memory_space<vmem>>, vector<16xf32>,
        tpu.vector_store %arg18[%swap3A_170, %swap3A_171], %broadcast_in_dim3A_1 {strides = array<i32>} : memref<33x768xf32, #tpu.memory_space<vmem>>, vector<16xf32>,
        %swap3A_173 = arith.index_cast %scan3A_145 : i32 to index
        %swap3A_174 = arith.constant 144 : index
        %swap3A_175 = tpu.vector_load %arg18[%swap3A_173, %swap3A_174] {strides = array<i32>} : memref<33x768xf32, #tpu.memory_space<vmem>>, vector<16xf32>,
        tpu.vector_store %arg18[%swap3A_173, %swap3A_174], %broadcast_in_dim3A_1 {strides = array<i32>} : memref<33x768xf32, #tpu.memory_space<vmem>>, vector<16xf32>,
        %swap3A_176 = arith.index_cast %scan3A_145 : i32 to index
        %swap3A_177 = arith.constant 160 : index
        %swap3A_178 = tpu.vector_load %arg18[%swap3A_176, %swap3A_177] {strides = array<i32>} : memref<33x768xf32, #tpu.memory_space<vmem>>, vector<16xf32>,
        tpu.vector_store %arg18[%swap3A_176, %swap3A_177], %broadcast_in_dim3A_1 {strides = array<i32>} : memref<33x768xf32, #tpu.memory_space<vmem>>, vector<16xf32>,
        %swap3A_179 = arith.index_cast %scan3A_145 : i32 to index
        %swap3A_180 = arith.constant 176 : index
        %swap3A_181 = tpu.vector_load %arg18[%swap3A_179, %swap3A_180] {strides = array<i32>} : memref<33x768xf32, #tpu.memory_space<vmem>>, vector<16xf32>,
        tpu.vector_store %arg18[%swap3A_179, %swap3A_180], %broadcast_in_dim3A_1 {strides = array<i32>} : memref<33x768xf32, #tpu.memory_space<vmem>>, vector<16xf32>,
        %swap3A_182 = arith.index_cast %scan3A_145 : i32 to index
        %swap3A_183 = arith.constant 192 : index
        %swap3A_184 = tpu.vector_load %arg18[%swap3A_182, %swap3A_183] {strides = array<i32>} : memref<33x768xf32, #tpu.memory_space<vmem>>, vector<16xf32>,
        tpu.vector_store %arg18[%swap3A_182, %swap3A_183], %broadcast_in_dim3A_1 {strides = array<i32>} : memref<33x768xf32, #tpu.memory_space<vmem>>, vector<16xf32>,
        %swap3A_185 = arith.index_cast %scan3A_145 : i32 to index
        %swap3A_186 = arith.constant 208 : index
        %swap3A_187 = tpu.vector_load %arg18[%swap3A_185, %swap3A_186] {strides = array<i32>} : memref<33x768xf32, #tpu.memory_space<vmem>>, vector<16xf32>,
        tpu.vector_store %arg18[%swap3A_185, %swap3A_186], %broadcast_in_dim3A_1 {strides = array<i32>} : memref<33x768xf32, #tpu.memory_space<vmem>>, vector<16xf32>,
        %swap3A_188 = arith.index_cast %scan3A_145 : i32 to index
        %swap3A_189 = arith.constant 224 : index
        %swap3A_190 = tpu.vector_load %arg18[%swap3A_188, %swap3A_189] {strides = array<i32>} : memref<33x768xf32, #tpu.memory_space<vmem>>, vector<16xf32>,
        tpu.vector_store %arg18[%swap3A_188, %swap3A_189], %broadcast_in_dim3A_1 {strides = array<i32>} : memref<33x768xf32, #tpu.memory_space<vmem>>, vector<16xf32>,
        %swap3A_191 = arith.index_cast %scan3A_145 : i32 to index
        %swap3A_192 = arith.constant 240 : index
        %swap3A_193 = tpu.vector_load %arg18[%swap3A_191, %swap3A_192] {strides = array<i32>} : memref<33x768xf32, #tpu.memory_space<vmem>>, vector<16xf32>,
        tpu.vector_store %arg18[%swap3A_191, %swap3A_192], %broadcast_in_dim3A_1 {strides = array<i32>} : memref<33x768xf32, #tpu.memory_space<vmem>>, vector<16xf32>,
        %swap3A_194 = arith.index_cast %scan3A_145 : i32 to index
        %swap3A_195 = arith.constant 256 : index
        %swap3A_196 = tpu.vector_load %arg18[%swap3A_194, %swap3A_195] {strides = array<i32>} : memref<33x768xf32, #tpu.memory_space<vmem>>, vector<16xf32>,
        tpu.vector_store %arg18[%swap3A_194, %swap3A_195], %broadcast_in_dim3A_1 {strides = array<i32>} : memref<33x768xf32, #tpu.memory_space<vmem>>, vector<16xf32>,
        %swap3A_197 = arith.index_cast %scan3A_145 : i32 to index
        %swap3A_198 = arith.constant 272 : index
        %swap3A_199 = tpu.vector_load %arg18[%swap3A_197, %swap3A_198] {strides = array<i32>} : memref<33x768xf32, #tpu.memory_space<vmem>>, vector<16xf32>,
        tpu.vector_store %arg18[%swap3A_197, %swap3A_198], %broadcast_in_dim3A_1 {strides = array<i32>} : memref<33x768xf32, #tpu.memory_space<vmem>>, vector<16xf32>,
        %swap3A_200 = arith.index_cast %scan3A_145 : i32 to index
        %swap3A_201 = arith.constant 288 : index
        %swap3A_202 = tpu.vector_load %arg18[%swap3A_200, %swap3A_201] {strides = array<i32>} : memref<33x768xf32, #tpu.memory_space<vmem>>, vector<16xf32>,
        tpu.vector_store %arg18[%swap3A_200, %swap3A_201], %broadcast_in_dim3A_1 {strides = array<i32>} : memref<33x768xf32, #tpu.memory_space<vmem>>, vector<16xf32>,
        %swap3A_203 = arith.index_cast %scan3A_145 : i32 to index
        %swap3A_204 = arith.constant 304 : index
        %swap3A_205 = tpu.vector_load %arg18[%swap3A_203, %swap3A_204] {strides = array<i32>} : memref<33x768xf32, #tpu.memory_space<vmem>>, vector<16xf32>,
        tpu.vector_store %arg18[%swap3A_203, %swap3A_204], %broadcast_in_dim3A_1 {strides = array<i32>} : memref<33x768xf32, #tpu.memory_space<vmem>>, vector<16xf32>,
        %swap3A_206 = arith.index_cast %scan3A_145 : i32 to index
        %swap3A_207 = arith.constant 320 : index
        %swap3A_208 = tpu.vector_load %arg18[%swap3A_206, %swap3A_207] {strides = array<i32>} : memref<33x768xf32, #tpu.memory_space<vmem>>, vector<16xf32>,
        tpu.vector_store %arg18[%swap3A_206, %swap3A_207], %broadcast_in_dim3A_1 {strides = array<i32>} : memref<33x768xf32, #tpu.memory_space<vmem>>, vector<16xf32>,
        %swap3A_209 = arith.index_cast %scan3A_145 : i32 to index
        %swap3A_210 = arith.constant 336 : index
        %swap3A_211 = tpu.vector_load %arg18[%swap3A_209, %swap3A_210] {strides = array<i32>} : memref<33x768xf32, #tpu.memory_space<vmem>>, vector<16xf32>,
        tpu.vector_store %arg18[%swap3A_209, %swap3A_210], %broadcast_in_dim3A_1 {strides = array<i32>} : memref<33x768xf32, #tpu.memory_space<vmem>>, vector<16xf32>,
        %swap3A_212 = arith.index_cast %scan3A_145 : i32 to index
        %swap3A_213 = arith.constant 352 : index
        %swap3A_214 = tpu.vector_load %arg18[%swap3A_212, %swap3A_213] {strides = array<i32>} : memref<33x768xf32, #tpu.memory_space<vmem>>, vector<16xf32>,
        tpu.vector_store %arg18[%swap3A_212, %swap3A_213], %broadcast_in_dim3A_1 {strides = array<i32>} : memref<33x768xf32, #tpu.memory_space<vmem>>, vector<16xf32>,
        %swap3A_215 = arith.index_cast %scan3A_145 : i32 to index
        %swap3A_216 = arith.constant 368 : index
        %swap3A_217 = tpu.vector_load %arg18[%swap3A_215, %swap3A_216] {strides = array<i32>} : memref<33x768xf32, #tpu.memory_space<vmem>>, vector<16xf32>,
        tpu.vector_store %arg18[%swap3A_215, %swap3A_216], %broadcast_in_dim3A_1 {strides = array<i32>} : memref<33x768xf32, #tpu.memory_space<vmem>>, vector<16xf32>,
        %swap3A_218 = arith.index_cast %scan3A_145 : i32 to index
        %swap3A_219 = arith.constant 384 : index
        %swap3A_220 = tpu.vector_load %arg18[%swap3A_218, %swap3A_219] {strides = array<i32>} : memref<33x768xf32, #tpu.memory_space<vmem>>, vector<16xf32>,
        tpu.vector_store %arg18[%swap3A_218, %swap3A_219], %broadcast_in_dim3A_1 {strides = array<i32>} : memref<33x768xf32, #tpu.memory_space<vmem>>, vector<16xf32>,
        %swap3A_221 = arith.index_cast %scan3A_145 : i32 to index
        %swap3A_222 = arith.constant 400 : index
        %swap3A_223 = tpu.vector_load %arg18[%swap3A_221, %swap3A_222] {strides = array<i32>} : memref<33x768xf32, #tpu.memory_space<vmem>>, vector<16xf32>,
        tpu.vector_store %arg18[%swap3A_221, %swap3A_222], %broadcast_in_dim3A_1 {strides = array<i32>} : memref<33x768xf32, #tpu.memory_space<vmem>>, vector<16xf32>,
        %swap3A_224 = arith.index_cast %scan3A_145 : i32 to index
        %swap3A_225 = arith.constant 416 : index
        %swap3A_226 = tpu.vector_load %arg18[%swap3A_224, %swap3A_225] {strides = array<i32>} : memref<33x768xf32, #tpu.memory_space<vmem>>, vector<16xf32>,
        tpu.vector_store %arg18[%swap3A_224, %swap3A_225], %broadcast_in_dim3A_1 {strides = array<i32>} : memref<33x768xf32, #tpu.memory_space<vmem>>, vector<16xf32>,
        %swap3A_227 = arith.index_cast %scan3A_145 : i32 to index
        %swap3A_228 = arith.constant 432 : index
        %swap3A_229 = tpu.vector_load %arg18[%swap3A_227, %swap3A_228] {strides = array<i32>} : memref<33x768xf32, #tpu.memory_space<vmem>>, vector<16xf32>,
        tpu.vector_store %arg18[%swap3A_227, %swap3A_228], %broadcast_in_dim3A_1 {strides = array<i32>} : memref<33x768xf32, #tpu.memory_space<vmem>>, vector<16xf32>,
        %swap3A_230 = arith.index_cast %scan3A_145 : i32 to index
        %swap3A_231 = arith.constant 448 : index
        %swap3A_232 = tpu.vector_load %arg18[%swap3A_230, %swap3A_231] {strides = array<i32>} : memref<33x768xf32, #tpu.memory_space<vmem>>, vector<16xf32>,
        tpu.vector_store %arg18[%swap3A_230, %swap3A_231], %broadcast_in_dim3A_1 {strides = array<i32>} : memref<33x768xf32, #tpu.memory_space<vmem>>, vector<16xf32>,
        %swap3A_233 = arith.index_cast %scan3A_145 : i32 to index
        %swap3A_234 = arith.constant 464 : index
        %swap3A_235 = tpu.vector_load %arg18[%swap3A_233, %swap3A_234] {strides = array<i32>} : memref<33x768xf32, #tpu.memory_space<vmem>>, vector<16xf32>,
        tpu.vector_store %arg18[%swap3A_233, %swap3A_234], %broadcast_in_dim3A_1 {strides = array<i32>} : memref<33x768xf32, #tpu.memory_space<vmem>>, vector<16xf32>,
        %swap3A_236 = arith.index_cast %scan3A_145 : i32 to index
        %swap3A_237 = arith.constant 480 : index
        %swap3A_238 = tpu.vector_load %arg18[%swap3A_236, %swap3A_237] {strides = array<i32>} : memref<33x768xf32, #tpu.memory_space<vmem>>, vector<16xf32>,
        tpu.vector_store %arg18[%swap3A_236, %swap3A_237], %broadcast_in_dim3A_1 {strides = array<i32>} : memref<33x768xf32, #tpu.memory_space<vmem>>, vector<16xf32>,
        %swap3A_239 = arith.index_cast %scan3A_145 : i32 to index
        %swap3A_240 = arith.constant 496 : index
        %swap3A_241 = tpu.vector_load %arg18[%swap3A_239, %swap3A_240] {strides = array<i32>} : memref<33x768xf32, #tpu.memory_space<vmem>>, vector<16xf32>,
        tpu.vector_store %arg18[%swap3A_239, %swap3A_240], %broadcast_in_dim3A_1 {strides = array<i32>} : memref<33x768xf32, #tpu.memory_space<vmem>>, vector<16xf32>,
        %swap3A_242 = arith.index_cast %scan3A_145 : i32 to index
        %swap3A_243 = arith.constant 512 : index
        %swap3A_244 = tpu.vector_load %arg18[%swap3A_242, %swap3A_243] {strides = array<i32>} : memref<33x768xf32, #tpu.memory_space<vmem>>, vector<16xf32>,
        tpu.vector_store %arg18[%swap3A_242, %swap3A_243], %broadcast_in_dim3A_1 {strides = array<i32>} : memref<33x768xf32, #tpu.memory_space<vmem>>, vector<16xf32>,
        %swap3A_245 = arith.index_cast %scan3A_145 : i32 to index
        %swap3A_246 = arith.constant 528 : index
        %swap3A_247 = tpu.vector_load %arg18[%swap3A_245, %swap3A_246] {strides = array<i32>} : memref<33x768xf32, #tpu.memory_space<vmem>>, vector<16xf32>,
        tpu.vector_store %arg18[%swap3A_245, %swap3A_246], %broadcast_in_dim3A_1 {strides = array<i32>} : memref<33x768xf32, #tpu.memory_space<vmem>>, vector<16xf32>,
        %swap3A_248 = arith.index_cast %scan3A_145 : i32 to index
        %swap3A_249 = arith.constant 544 : index
        %swap3A_250 = tpu.vector_load %arg18[%swap3A_248, %swap3A_249] {strides = array<i32>} : memref<33x768xf32, #tpu.memory_space<vmem>>, vector<16xf32>,
        tpu.vector_store %arg18[%swap3A_248, %swap3A_249], %broadcast_in_dim3A_1 {strides = array<i32>} : memref<33x768xf32, #tpu.memory_space<vmem>>, vector<16xf32>,
        %swap3A_251 = arith.index_cast %scan3A_145 : i32 to index
        %swap3A_252 = arith.constant 560 : index
        %swap3A_253 = tpu.vector_load %arg18[%swap3A_251, %swap3A_252] {strides = array<i32>} : memref<33x768xf32, #tpu.memory_space<vmem>>, vector<16xf32>,
        tpu.vector_store %arg18[%swap3A_251, %swap3A_252], %broadcast_in_dim3A_1 {strides = array<i32>} : memref<33x768xf32, #tpu.memory_space<vmem>>, vector<16xf32>,
        %swap3A_254 = arith.index_cast %scan3A_145 : i32 to index
        %swap3A_255 = arith.constant 576 : index
        %swap3A_256 = tpu.vector_load %arg18[%swap3A_254, %swap3A_255] {strides = array<i32>} : memref<33x768xf32, #tpu.memory_space<vmem>>, vector<16xf32>,
        tpu.vector_store %arg18[%swap3A_254, %swap3A_255], %broadcast_in_dim3A_1 {strides = array<i32>} : memref<33x768xf32, #tpu.memory_space<vmem>>, vector<16xf32>,
        %swap3A_257 = arith.index_cast %scan3A_145 : i32 to index
        %swap3A_258 = arith.constant 592 : index
        %swap3A_259 = tpu.vector_load %arg18[%swap3A_257, %swap3A_258] {strides = array<i32>} : memref<33x768xf32, #tpu.memory_space<vmem>>, vector<16xf32>,
        tpu.vector_store %arg18[%swap3A_257, %swap3A_258], %broadcast_in_dim3A_1 {strides = array<i32>} : memref<33x768xf32, #tpu.memory_space<vmem>>, vector<16xf32>,
        %swap3A_260 = arith.index_cast %scan3A_145 : i32 to index
        %swap3A_261 = arith.constant 608 : index
        %swap3A_262 = tpu.vector_load %arg18[%swap3A_260, %swap3A_261] {strides = array<i32>} : memref<33x768xf32, #tpu.memory_space<vmem>>, vector<16xf32>,
        tpu.vector_store %arg18[%swap3A_260, %swap3A_261], %broadcast_in_dim3A_1 {strides = array<i32>} : memref<33x768xf32, #tpu.memory_space<vmem>>, vector<16xf32>,
        %swap3A_263 = arith.index_cast %scan3A_145 : i32 to index
        %swap3A_264 = arith.constant 624 : index
        %swap3A_265 = tpu.vector_load %arg18[%swap3A_263, %swap3A_264] {strides = array<i32>} : memref<33x768xf32, #tpu.memory_space<vmem>>, vector<16xf32>,
        tpu.vector_store %arg18[%swap3A_263, %swap3A_264], %broadcast_in_dim3A_1 {strides = array<i32>} : memref<33x768xf32, #tpu.memory_space<vmem>>, vector<16xf32>,
        %swap3A_266 = arith.index_cast %scan3A_145 : i32 to index
        %swap3A_267 = arith.constant 640 : index
        %swap3A_268 = tpu.vector_load %arg18[%swap3A_266, %swap3A_267] {strides = array<i32>} : memref<33x768xf32, #tpu.memory_space<vmem>>, vector<16xf32>,
        tpu.vector_store %arg18[%swap3A_266, %swap3A_267], %broadcast_in_dim3A_1 {strides = array<i32>} : memref<33x768xf32, #tpu.memory_space<vmem>>, vector<16xf32>,
        %swap3A_269 = arith.index_cast %scan3A_145 : i32 to index
        %swap3A_270 = arith.constant 656 : index
        %swap3A_271 = tpu.vector_load %arg18[%swap3A_269, %swap3A_270] {strides = array<i32>} : memref<33x768xf32, #tpu.memory_space<vmem>>, vector<16xf32>,
        tpu.vector_store %arg18[%swap3A_269, %swap3A_270], %broadcast_in_dim3A_1 {strides = array<i32>} : memref<33x768xf32, #tpu.memory_space<vmem>>, vector<16xf32>,
        %swap3A_272 = arith.index_cast %scan3A_145 : i32 to index
        %swap3A_273 = arith.constant 672 : index
        %swap3A_274 = tpu.vector_load %arg18[%swap3A_272, %swap3A_273] {strides = array<i32>} : memref<33x768xf32, #tpu.memory_space<vmem>>, vector<16xf32>,
        tpu.vector_store %arg18[%swap3A_272, %swap3A_273], %broadcast_in_dim3A_1 {strides = array<i32>} : memref<33x768xf32, #tpu.memory_space<vmem>>, vector<16xf32>,
        %swap3A_275 = arith.index_cast %scan3A_145 : i32 to index
        %swap3A_276 = arith.constant 688 : index
        %swap3A_277 = tpu.vector_load %arg18[%swap3A_275, %swap3A_276] {strides = array<i32>} : memref<33x768xf32, #tpu.memory_space<vmem>>, vector<16xf32>,
        tpu.vector_store %arg18[%swap3A_275, %swap3A_276], %broadcast_in_dim3A_1 {strides = array<i32>} : memref<33x768xf32, #tpu.memory_space<vmem>>, vector<16xf32>,
        %swap3A_278 = arith.index_cast %scan3A_145 : i32 to index
        %swap3A_279 = arith.constant 704 : index
        %swap3A_280 = tpu.vector_load %arg18[%swap3A_278, %swap3A_279] {strides = array<i32>} : memref<33x768xf32, #tpu.memory_space<vmem>>, vector<16xf32>,
        tpu.vector_store %arg18[%swap3A_278, %swap3A_279], %broadcast_in_dim3A_1 {strides = array<i32>} : memref<33x768xf32, #tpu.memory_space<vmem>>, vector<16xf32>,
        %swap3A_281 = arith.index_cast %scan3A_145 : i32 to index
        %swap3A_282 = arith.constant 720 : index
        %swap3A_283 = tpu.vector_load %arg18[%swap3A_281, %swap3A_282] {strides = array<i32>} : memref<33x768xf32, #tpu.memory_space<vmem>>, vector<16xf32>,
        tpu.vector_store %arg18[%swap3A_281, %swap3A_282], %broadcast_in_dim3A_1 {strides = array<i32>} : memref<33x768xf32, #tpu.memory_space<vmem>>, vector<16xf32>,
        %swap3A_284 = arith.index_cast %scan3A_145 : i32 to index
        %swap3A_285 = arith.constant 736 : index
        %swap3A_286 = tpu.vector_load %arg18[%swap3A_284, %swap3A_285] {strides = array<i32>} : memref<33x768xf32, #tpu.memory_space<vmem>>, vector<16xf32>,
        tpu.vector_store %arg18[%swap3A_284, %swap3A_285], %broadcast_in_dim3A_1 {strides = array<i32>} : memref<33x768xf32, #tpu.memory_space<vmem>>, vector<16xf32>,
        %swap3A_287 = arith.index_cast %scan3A_145 : i32 to index
        %swap3A_288 = arith.constant 752 : index
        %swap3A_289 = tpu.vector_load %arg18[%swap3A_287, %swap3A_288] {strides = array<i32>} : memref<33x768xf32, #tpu.memory_space<vmem>>, vector<16xf32>,
        tpu.vector_store %arg18[%swap3A_287, %swap3A_288], %broadcast_in_dim3A_1 {strides = array<i32>} : memref<33x768xf32, #tpu.memory_space<vmem>>, vector<16xf32>,
        %swap3A_290 = arith.index_cast %scan3A_145 : i32 to index
        %swap3A_291 = arith.constant 0 : index
        %swap3A_292 = tpu.vector_load %arg19[%swap3A_290, %swap3A_291] {strides = array<i32>} : memref<33x16xf32, #tpu.memory_space<vmem>>, vector<16xf32>,
        tpu.vector_store %arg19[%swap3A_290, %swap3A_291], %broadcast_in_dim3A_1 {strides = array<i32>} : memref<33x16xf32, #tpu.memory_space<vmem>>, vector<16xf32>,
        %scan3A_293 = arith.constant 0 : i32
        scf.yield %scan3A_293 : i32
      }
      %scan3A_23 = arith.constant 32 : i32
      %broadcast_in_dim3A_24 = vector.broadcast %add3A_14 : i32 to vector<16xi32>
      %gather3A = tpu.vector_load_idx %arg9[%broadcast_in_dim3A_24] : memref<328xi32, #tpu.memory_space<vmem>>[vector<16xi32>], vector<16xi32>,
      %slice3A = vector.extract_strided_slice %gather3A {offsets = [0], sizes = [1], strides = [1]} : vector<16xi32> to vector<1xi32>
      %squeeze3A = vector.extract %slice3A[0] : i32 from vector<1xi32>
      %add3A_25 = arith.constant 1 : i32
      %add3A_26 = arith.addi %add3A_14, %add3A_25 : i32
      %broadcast_in_dim3A_27 = vector.broadcast %add3A_26 : i32 to vector<16xi32>
      %gather3A_28 = tpu.vector_load_idx %arg9[%broadcast_in_dim3A_27] : memref<328xi32, #tpu.memory_space<vmem>>[vector<16xi32>], vector<16xi32>,
      %slice3A_29 = vector.extract_strided_slice %gather3A_28 {offsets = [0], sizes = [1], strides = [1]} : vector<16xi32> to vector<1xi32>
      %squeeze3A_30 = vector.extract %slice3A_29[0] : i32 from vector<1xi32>
      %jit3A = arith.constant 32 : i32
      %div3A = arith.divsi %squeeze3A, %jit3A : i32
      %sign3A = arith.constant 0 : i32
      %sign3A_31 = arith.cmpi sgt, %squeeze3A, %sign3A : i32
      %sign3A_32 = arith.extui %sign3A_31 : i1 to i32
      %sign3A_33 = arith.constant 0 : i32
      %sign3A_34 = arith.cmpi slt, %squeeze3A, %sign3A_33 : i32
      %sign3A_35 = arith.extui %sign3A_34 : i1 to i32
      %sign3A_36 = arith.subi %sign3A_32, %sign3A_35 : i32
      %sign3A_37 = arith.constant 0 : i32
      %sign3A_38 = arith.cmpi sgt, %jit3A, %sign3A_37 : i32
      %sign3A_39 = arith.extui %sign3A_38 : i1 to i32
      %sign3A_40 = arith.constant 0 : i32
      %sign3A_41 = arith.cmpi slt, %jit3A, %sign3A_40 : i32
      %sign3A_42 = arith.extui %sign3A_41 : i1 to i32
      %sign3A_43 = arith.subi %sign3A_39, %sign3A_42 : i32
      %ne3A = arith.cmpi ne, %sign3A_36, %sign3A_43 : i32
      %rem3A = arith.remsi %squeeze3A, %jit3A : i32
      %ne3A_44 = arith.constant 0 : i32
      %ne3A_45 = arith.cmpi ne, %rem3A, %ne3A_44 : i32
      %and3A = arith.andi %ne3A, %ne3A_45 : i1
      %sub3A = arith.constant 1 : i32
      %sub3A_46 = arith.subi %div3A, %sub3A : i32
      %select_n3A = arith.select %and3A, %sub3A_46, %div3A : i32
      %add3A_47 = arith.constant 32 : i32
      %add3A_48 = arith.addi %squeeze3A_30, %add3A_47 : i32
      %sub3A_49 = arith.constant 1 : i32
      %sub3A_50 = arith.subi %add3A_48, %sub3A_49 : i32
      %jit3A_51 = arith.constant 32 : i32
      %div3A_52 = arith.divsi %sub3A_50, %jit3A_51 : i32
      %sign3A_53 = arith.constant 0 : i32
      %sign3A_54 = arith.cmpi sgt, %sub3A_50, %sign3A_53 : i32
      %sign3A_55 = arith.extui %sign3A_54 : i1 to i32
      %sign3A_56 = arith.constant 0 : i32
      %sign3A_57 = arith.cmpi slt, %sub3A_50, %sign3A_56 : i32
      %sign3A_58 = arith.extui %sign3A_57 : i1 to i32
      %sign3A_59 = arith.subi %sign3A_55, %sign3A_58 : i32
      %sign3A_60 = arith.constant 0 : i32
      %sign3A_61 = arith.cmpi sgt, %jit3A_51, %sign3A_60 : i32
      %sign3A_62 = arith.extui %sign3A_61 : i1 to i32
      %sign3A_63 = arith.constant 0 : i32
      %sign3A_64 = arith.cmpi slt, %jit3A_51, %sign3A_63 : i32
      %sign3A_65 = arith.extui %sign3A_64 : i1 to i32
      %sign3A_66 = arith.subi %sign3A_62, %sign3A_65 : i32
      %ne3A_67 = arith.cmpi ne, %sign3A_59, %sign3A_66 : i32
      %rem3A_68 = arith.remsi %sub3A_50, %jit3A_51 : i32
      %ne3A_69 = arith.constant 0 : i32
      %ne3A_70 = arith.cmpi ne, %rem3A_68, %ne3A_69 : i32
      %and3A_71 = arith.andi %ne3A_67, %ne3A_70 : i1
      %sub3A_72 = arith.constant 1 : i32
      %sub3A_73 = arith.subi %div3A_52, %sub3A_72 : i32
      %select_n3A_74 = arith.select %and3A_71, %sub3A_73, %div3A_52 : i32
      %sub3A_75 = arith.subi %select_n3A_74, %select_n3A : i32
      %add3A_76 = arith.constant 1 : i32
      %add3A_77 = arith.addi %sub3A_75, %add3A_76 : i32
      %jit3A_78 = arith.constant 2 : i32
      %div3A_79 = arith.divsi %add3A_77, %jit3A_78 : i32
      %sign3A_80 = arith.constant 0 : i32
      %sign3A_81 = arith.cmpi sgt, %add3A_77, %sign3A_80 : i32
      %sign3A_82 = arith.extui %sign3A_81 : i1 to i32
      %sign3A_83 = arith.constant 0 : i32
      %sign3A_84 = arith.cmpi slt, %add3A_77, %sign3A_83 : i32
      %sign3A_85 = arith.extui %sign3A_84 : i1 to i32
      %sign3A_86 = arith.subi %sign3A_82, %sign3A_85 : i32
      %sign3A_87 = arith.constant 0 : i32
      %sign3A_88 = arith.cmpi sgt, %jit3A_78, %sign3A_87 : i32
      %sign3A_89 = arith.extui %sign3A_88 : i1 to i32
      %sign3A_90 = arith.constant 0 : i32
      %sign3A_91 = arith.cmpi slt, %jit3A_78, %sign3A_90 : i32
      %sign3A_92 = arith.extui %sign3A_91 : i1 to i32
      %sign3A_93 = arith.subi %sign3A_89, %sign3A_92 : i32
      %ne3A_94 = arith.cmpi ne, %sign3A_86, %sign3A_93 : i32
      %rem3A_95 = arith.remsi %add3A_77, %jit3A_78 : i32
      %ne3A_96 = arith.constant 0 : i32
      %ne3A_97 = arith.cmpi ne, %rem3A_95, %ne3A_96 : i32
      %and3A_98 = arith.andi %ne3A_94, %ne3A_97 : i1
      %sub3A_99 = arith.constant 1 : i32
      %sub3A_100 = arith.subi %div3A_79, %sub3A_99 : i32
      %select_n3A_101 = arith.select %and3A_98, %sub3A_100, %div3A_79 : i32
      %min3A = arith.constant 9999 : i32
      %min3A_102 = arith.minsi %select_n3A, %min3A : i32
      %mul3A_103 = arith.constant 64 : i32
      %mul3A_104 = arith.muli %min3A_102, %mul3A_103 : i32
      "tpu.region"() ({
        %run_scoped3A = tpu.sem_alloc : memref<!tpu.dma_semaphore, #tpu.memory_space<semaphore_mem>>
        %dma_start3A_145 = tpu.memref_slice %arg2[%mul3A_104] : memref<640000xi32, #tpu.memory_space<hbm>> -> memref<64xi32, #tpu.memory_space<hbm>>
        %dma_start3A_146 = tpu.memref_slice %arg2[%mul3A_104] : memref<640000xi32, #tpu.memory_space<hbm>> -> memref<64xi32, #tpu.memory_space<hbm>>
        tpu.enqueue_dma source(%dma_start3A_146 : memref<64xi32, #tpu.memory_space<hbm>>) target(%arg10 : memref<64xi32, #tpu.memory_space<vmem>>) target_semaphore(%run_scoped3A : memref<!tpu.dma_semaphore, #tpu.memory_space<semaphore_mem>>)
        %dma_wait3A_147 = tpu.memref_slice %arg2[%mul3A_104] : memref<640000xi32, #tpu.memory_space<hbm>> -> memref<64xi32, #tpu.memory_space<hbm>>
        %dma_wait3A_148 = tpu.memref_slice %arg2[%mul3A_104] : memref<640000xi32, #tpu.memory_space<hbm>> -> memref<64xi32, #tpu.memory_space<hbm>>
        tpu.wait_dma2 semaphore(%run_scoped3A : memref<!tpu.dma_semaphore, #tpu.memory_space<semaphore_mem>>) src(%dma_wait3A_148 : memref<64xi32, #tpu.memory_space<hbm>>) dst(%arg10 : memref<64xi32, #tpu.memory_space<vmem>>)
        tpu.yield
      }) : () -> ()
      %dma_start3A = arith.constant 0 : i32
      %dma_start3A_105 = tpu.memref_slice %arg10[%dma_start3A] : memref<64xi32, #tpu.memory_space<vmem>> -> memref<32xi32, #tpu.memory_space<vmem>>
      %dma_start3A_106 = arith.constant 0 : i32
      %dma_start3A_107 = arith.constant 0 : i32
      %dma_start3A_108 = tpu.memref_slice %arg4[%dma_start3A_106, %dma_start3A_107] : memref<10000x128xf32, #tpu.memory_space<hbm>> -> memref<10000x128xf32, #tpu.memory_space<hbm>>
      tpu.enqueue_indirect_dma source(%dma_start3A_108 : memref<10000x128xf32, #tpu.memory_space<hbm>>) target(%arg12 : memref<32x128xf32, #tpu.memory_space<vmem>>) offsets(%dma_start3A_105 : memref<32xi32, #tpu.memory_space<vmem>>) semaphore(%arg20 : memref<!tpu.dma_semaphore, #tpu.memory_space<semaphore_mem>>)
      %dma_start3A_109 = arith.constant 32 : i32
      %dma_start3A_110 = tpu.memref_slice %arg10[%dma_start3A_109] : memref<64xi32, #tpu.memory_space<vmem>> -> memref<32xi32, #tpu.memory_space<vmem>>
      %dma_start3A_111 = arith.constant 0 : i32
      %dma_start3A_112 = arith.constant 0 : i32
      %dma_start3A_113 = tpu.memref_slice %arg5[%dma_start3A_111, %dma_start3A_112] : memref<10000x128xf32, #tpu.memory_space<hbm>> -> memref<10000x128xf32, #tpu.memory_space<hbm>>
      tpu.enqueue_indirect_dma source(%dma_start3A_113 : memref<10000x128xf32, #tpu.memory_space<hbm>>) target(%arg14 : memref<32x128xf32, #tpu.memory_space<vmem>>) offsets(%dma_start3A_110 : memref<32xi32, #tpu.memory_space<vmem>>) semaphore(%arg21 : memref<!tpu.dma_semaphore, #tpu.memory_space<semaphore_mem>>)
      %dma_start3A_114 = arith.constant 0 : i32
      %dma_start3A_115 = tpu.memref_slice %arg10[%dma_start3A_114] : memref<64xi32, #tpu.memory_space<vmem>> -> memref<32xi32, #tpu.memory_space<vmem>>
      %dma_start3A_116 = arith.constant 0 : i32
      %dma_start3A_117 = arith.constant 0 : i32
      %dma_start3A_118 = tpu.memref_slice %arg6[%dma_start3A_116, %dma_start3A_117] : memref<10000x768xf32, #tpu.memory_space<hbm>> -> memref<10000x768xf32, #tpu.memory_space<hbm>>
      tpu.enqueue_indirect_dma source(%dma_start3A_118 : memref<10000x768xf32, #tpu.memory_space<hbm>>) target(%arg16 : memref<32x768xf32, #tpu.memory_space<vmem>>) offsets(%dma_start3A_115 : memref<32xi32, #tpu.memory_space<vmem>>) semaphore(%arg22 : memref<!tpu.dma_semaphore, #tpu.memory_space<semaphore_mem>>)
      %while3A = arith.constant 0 : i32
      %while3A_119 = arith.constant 0 : i32
      %while3A_120 = arith.subi %select_n3A_101, %while3A : i32
      %while3A_121 = arith.addi %while3A, %while3A_120 : i32
      %while3A_122 = arith.constant 1 : i32
      %while3A_123 = arith.divsi %while3A_120, %while3A_122 : i32
      %while3A_124 = arith.muli %while3A_123, %while3A_122 : i32
      %while3A_125 = arith.addi %while3A, %while3A_124 : i32
      %while3A_126 = arith.constant 1 : i32
      %while3A_127 = scf.for %while3A_145 = %while3A to %while3A_125 step %while3A_126 iter_args(%while3A_146 = %while3A_119) -> (i32)  : i32 {
        %mul3A_147 = arith.constant 2 : i32
        %mul3A_148 = arith.muli %mul3A_147, %while3A_145 : i32
        %add3A_149 = arith.addi %select_n3A, %mul3A_148 : i32
        %dma_wait3A_150 = arith.constant 0 : i32
        %dma_wait3A_151 = tpu.memref_slice %arg10[%dma_wait3A_150] : memref<64xi32, #tpu.memory_space<vmem>> -> memref<32xi32, #tpu.memory_space<vmem>>
        %dma_wait3A_152 = arith.constant 0 : i32
        %dma_wait3A_153 = arith.constant 0 : i32
        %dma_wait3A_154 = tpu.memref_slice %arg4[%dma_wait3A_152, %dma_wait3A_153] : memref<10000x128xf32, #tpu.memory_space<hbm>> -> memref<10000x128xf32, #tpu.memory_space<hbm>>
        tpu.wait_indirect_dma semaphore(%arg20 : memref<!tpu.dma_semaphore, #tpu.memory_space<semaphore_mem>>) src(%dma_wait3A_154 : memref<10000x128xf32, #tpu.memory_space<hbm>>) dst(%arg12 : memref<32x128xf32, #tpu.memory_space<vmem>>)
        %dma_wait3A_155 = arith.constant 32 : i32
        %dma_wait3A_156 = tpu.memref_slice %arg10[%dma_wait3A_155] : memref<64xi32, #tpu.memory_space<vmem>> -> memref<32xi32, #tpu.memory_space<vmem>>
        %dma_wait3A_157 = arith.constant 0 : i32
        %dma_wait3A_158 = arith.constant 0 : i32
        %dma_wait3A_159 = tpu.memref_slice %arg5[%dma_wait3A_157, %dma_wait3A_158] : memref<10000x128xf32, #tpu.memory_space<hbm>> -> memref<10000x128xf32, #tpu.memory_space<hbm>>
        tpu.wait_indirect_dma semaphore(%arg21 : memref<!tpu.dma_semaphore, #tpu.memory_space<semaphore_mem>>) src(%dma_wait3A_159 : memref<10000x128xf32, #tpu.memory_space<hbm>>) dst(%arg14 : memref<32x128xf32, #tpu.memory_space<vmem>>)
        %dma_wait3A_160 = arith.constant 0 : i32
        %dma_wait3A_161 = tpu.memref_slice %arg10[%dma_wait3A_160] : memref<64xi32, #tpu.memory_space<vmem>> -> memref<32xi32, #tpu.memory_space<vmem>>
        %dma_wait3A_162 = arith.constant 0 : i32
        %dma_wait3A_163 = arith.constant 0 : i32
        %dma_wait3A_164 = tpu.memref_slice %arg6[%dma_wait3A_162, %dma_wait3A_163] : memref<10000x768xf32, #tpu.memory_space<hbm>> -> memref<10000x768xf32, #tpu.memory_space<hbm>>
        tpu.wait_indirect_dma semaphore(%arg22 : memref<!tpu.dma_semaphore, #tpu.memory_space<semaphore_mem>>) src(%dma_wait3A_164 : memref<10000x768xf32, #tpu.memory_space<hbm>>) dst(%arg16 : memref<32x768xf32, #tpu.memory_space<vmem>>)
        %add3A_165 = arith.constant 1 : i32
        %add3A_166 = arith.addi %add3A_149, %add3A_165 : i32
        %min3A_167 = arith.constant 9999 : i32
        %min3A_168 = arith.minsi %add3A_166, %min3A_167 : i32
        %mul3A_169 = arith.constant 64 : i32
        %mul3A_170 = arith.muli %min3A_168, %mul3A_169 : i32
        "tpu.region"() ({
          %run_scoped3A = tpu.sem_alloc : memref<!tpu.dma_semaphore, #tpu.memory_space<semaphore_mem>>
          %dma_start3A_225 = tpu.memref_slice %arg2[%mul3A_170] : memref<640000xi32, #tpu.memory_space<hbm>> -> memref<64xi32, #tpu.memory_space<hbm>>
          %dma_start3A_226 = tpu.memref_slice %arg2[%mul3A_170] : memref<640000xi32, #tpu.memory_space<hbm>> -> memref<64xi32, #tpu.memory_space<hbm>>
          tpu.enqueue_dma source(%dma_start3A_226 : memref<64xi32, #tpu.memory_space<hbm>>) target(%arg11 : memref<64xi32, #tpu.memory_space<vmem>>) target_semaphore(%run_scoped3A : memref<!tpu.dma_semaphore, #tpu.memory_space<semaphore_mem>>)
          %dma_wait3A_227 = tpu.memref_slice %arg2[%mul3A_170] : memref<640000xi32, #tpu.memory_space<hbm>> -> memref<64xi32, #tpu.memory_space<hbm>>
          %dma_wait3A_228 = tpu.memref_slice %arg2[%mul3A_170] : memref<640000xi32, #tpu.memory_space<hbm>> -> memref<64xi32, #tpu.memory_space<hbm>>
          tpu.wait_dma2 semaphore(%run_scoped3A : memref<!tpu.dma_semaphore, #tpu.memory_space<semaphore_mem>>) src(%dma_wait3A_228 : memref<64xi32, #tpu.memory_space<hbm>>) dst(%arg11 : memref<64xi32, #tpu.memory_space<vmem>>)
          tpu.yield
        }) : () -> ()
        %dma_start3A_171 = arith.constant 0 : i32
        %dma_start3A_172 = tpu.memref_slice %arg11[%dma_start3A_171] : memref<64xi32, #tpu.memory_space<vmem>> -> memref<32xi32, #tpu.memory_space<vmem>>
        %dma_start3A_173 = arith.constant 0 : i32
        %dma_start3A_174 = arith.constant 0 : i32
        %dma_start3A_175 = tpu.memref_slice %arg4[%dma_start3A_173, %dma_start3A_174] : memref<10000x128xf32, #tpu.memory_space<hbm>> -> memref<10000x128xf32, #tpu.memory_space<hbm>>
        tpu.enqueue_indirect_dma source(%dma_start3A_175 : memref<10000x128xf32, #tpu.memory_space<hbm>>) target(%arg13 : memref<32x128xf32, #tpu.memory_space<vmem>>) offsets(%dma_start3A_172 : memref<32xi32, #tpu.memory_space<vmem>>) semaphore(%arg23 : memref<!tpu.dma_semaphore, #tpu.memory_space<semaphore_mem>>)
        %dma_start3A_176 = arith.constant 32 : i32
        %dma_start3A_177 = tpu.memref_slice %arg11[%dma_start3A_176] : memref<64xi32, #tpu.memory_space<vmem>> -> memref<32xi32, #tpu.memory_space<vmem>>
        %dma_start3A_178 = arith.constant 0 : i32
        %dma_start3A_179 = arith.constant 0 : i32
        %dma_start3A_180 = tpu.memref_slice %arg5[%dma_start3A_178, %dma_start3A_179] : memref<10000x128xf32, #tpu.memory_space<hbm>> -> memref<10000x128xf32, #tpu.memory_space<hbm>>
        tpu.enqueue_indirect_dma source(%dma_start3A_180 : memref<10000x128xf32, #tpu.memory_space<hbm>>) target(%arg15 : memref<32x128xf32, #tpu.memory_space<vmem>>) offsets(%dma_start3A_177 : memref<32xi32, #tpu.memory_space<vmem>>) semaphore(%arg24 : memref<!tpu.dma_semaphore, #tpu.memory_space<semaphore_mem>>)
        %dma_start3A_181 = arith.constant 0 : i32
        %dma_start3A_182 = tpu.memref_slice %arg11[%dma_start3A_181] : memref<64xi32, #tpu.memory_space<vmem>> -> memref<32xi32, #tpu.memory_space<vmem>>
        %dma_start3A_183 = arith.constant 0 : i32
        %dma_start3A_184 = arith.constant 0 : i32
        %dma_start3A_185 = tpu.memref_slice %arg6[%dma_start3A_183, %dma_start3A_184] : memref<10000x768xf32, #tpu.memory_space<hbm>> -> memref<10000x768xf32, #tpu.memory_space<hbm>>
        tpu.enqueue_indirect_dma source(%dma_start3A_185 : memref<10000x768xf32, #tpu.memory_space<hbm>>) target(%arg17 : memref<32x768xf32, #tpu.memory_space<vmem>>) offsets(%dma_start3A_182 : memref<32xi32, #tpu.memory_space<vmem>>) semaphore(%arg25 : memref<!tpu.dma_semaphore, #tpu.memory_space<semaphore_mem>>)
        %dma_wait3A_186 = arith.constant 0 : i32
        %dma_wait3A_187 = tpu.memref_slice %arg11[%dma_wait3A_186] : memref<64xi32, #tpu.memory_space<vmem>> -> memref<32xi32, #tpu.memory_space<vmem>>
        %dma_wait3A_188 = arith.constant 0 : i32
        %dma_wait3A_189 = arith.constant 0 : i32
        %dma_wait3A_190 = tpu.memref_slice %arg4[%dma_wait3A_188, %dma_wait3A_189] : memref<10000x128xf32, #tpu.memory_space<hbm>> -> memref<10000x128xf32, #tpu.memory_space<hbm>>
        tpu.wait_indirect_dma semaphore(%arg23 : memref<!tpu.dma_semaphore, #tpu.memory_space<semaphore_mem>>) src(%dma_wait3A_190 : memref<10000x128xf32, #tpu.memory_space<hbm>>) dst(%arg13 : memref<32x128xf32, #tpu.memory_space<vmem>>)
        %dma_wait3A_191 = arith.constant 32 : i32
        %dma_wait3A_192 = tpu.memref_slice %arg11[%dma_wait3A_191] : memref<64xi32, #tpu.memory_space<vmem>> -> memref<32xi32, #tpu.memory_space<vmem>>
        %dma_wait3A_193 = arith.constant 0 : i32
        %dma_wait3A_194 = arith.constant 0 : i32
        %dma_wait3A_195 = tpu.memref_slice %arg5[%dma_wait3A_193, %dma_wait3A_194] : memref<10000x128xf32, #tpu.memory_space<hbm>> -> memref<10000x128xf32, #tpu.memory_space<hbm>>
        tpu.wait_indirect_dma semaphore(%arg24 : memref<!tpu.dma_semaphore, #tpu.memory_space<semaphore_mem>>) src(%dma_wait3A_195 : memref<10000x128xf32, #tpu.memory_space<hbm>>) dst(%arg15 : memref<32x128xf32, #tpu.memory_space<vmem>>)
        %dma_wait3A_196 = arith.constant 0 : i32
        %dma_wait3A_197 = tpu.memref_slice %arg11[%dma_wait3A_196] : memref<64xi32, #tpu.memory_space<vmem>> -> memref<32xi32, #tpu.memory_space<vmem>>
        %dma_wait3A_198 = arith.constant 0 : i32
        %dma_wait3A_199 = arith.constant 0 : i32
        %dma_wait3A_200 = tpu.memref_slice %arg6[%dma_wait3A_198, %dma_wait3A_199] : memref<10000x768xf32, #tpu.memory_space<hbm>> -> memref<10000x768xf32, #tpu.memory_space<hbm>>
        tpu.wait_indirect_dma semaphore(%arg25 : memref<!tpu.dma_semaphore, #tpu.memory_space<semaphore_mem>>) src(%dma_wait3A_200 : memref<10000x768xf32, #tpu.memory_space<hbm>>) dst(%arg17 : memref<32x768xf32, #tpu.memory_space<vmem>>)
        %add3A_201 = arith.constant 2 : i32
        %add3A_202 = arith.addi %add3A_149, %add3A_201 : i32
        %min3A_203 = arith.constant 9999 : i32
        %min3A_204 = arith.minsi %add3A_202, %min3A_203 : i32
        %mul3A_205 = arith.constant 64 : i32
        %mul3A_206 = arith.muli %min3A_204, %mul3A_205 : i32
        "tpu.region"() ({
          %run_scoped3A = tpu.sem_alloc : memref<!tpu.dma_semaphore, #tpu.memory_space<semaphore_mem>>
          %dma_start3A_225 = tpu.memref_slice %arg2[%mul3A_206] : memref<640000xi32, #tpu.memory_space<hbm>> -> memref<64xi32, #tpu.memory_space<hbm>>
          %dma_start3A_226 = tpu.memref_slice %arg2[%mul3A_206] : memref<640000xi32, #tpu.memory_space<hbm>> -> memref<64xi32, #tpu.memory_space<hbm>>
          tpu.enqueue_dma source(%dma_start3A_226 : memref<64xi32, #tpu.memory_space<hbm>>) target(%arg10 : memref<64xi32, #tpu.memory_space<vmem>>) target_semaphore(%run_scoped3A : memref<!tpu.dma_semaphore, #tpu.memory_space<semaphore_mem>>)
          %dma_wait3A_227 = tpu.memref_slice %arg2[%mul3A_206] : memref<640000xi32, #tpu.memory_space<hbm>> -> memref<64xi32, #tpu.memory_space<hbm>>
          %dma_wait3A_228 = tpu.memref_slice %arg2[%mul3A_206] : memref<640000xi32, #tpu.memory_space<hbm>> -> memref<64xi32, #tpu.memory_space<hbm>>
          tpu.wait_dma2 semaphore(%run_scoped3A : memref<!tpu.dma_semaphore, #tpu.memory_space<semaphore_mem>>) src(%dma_wait3A_228 : memref<64xi32, #tpu.memory_space<hbm>>) dst(%arg10 : memref<64xi32, #tpu.memory_space<vmem>>)
          tpu.yield
        }) : () -> ()
        %dma_start3A_207 = arith.constant 0 : i32
        %dma_start3A_208 = tpu.memref_slice %arg10[%dma_start3A_207] : memref<64xi32, #tpu.memory_space<vmem>> -> memref<32xi32, #tpu.memory_space<vmem>>
        %dma_start3A_209 = arith.constant 0 : i32
        %dma_start3A_210 = arith.constant 0 : i32
        %dma_start3A_211 = tpu.memref_slice %arg4[%dma_start3A_209, %dma_start3A_210] : memref<10000x128xf32, #tpu.memory_space<hbm>> -> memref<10000x128xf32, #tpu.memory_space<hbm>>
        tpu.enqueue_indirect_dma source(%dma_start3A_211 : memref<10000x128xf32, #tpu.memory_space<hbm>>) target(%arg12 : memref<32x128xf32, #tpu.memory_space<vmem>>) offsets(%dma_start3A_208 : memref<32xi32, #tpu.memory_space<vmem>>) semaphore(%arg20 : memref<!tpu.dma_semaphore, #tpu.memory_space<semaphore_mem>>)
        %dma_start3A_212 = arith.constant 32 : i32
        %dma_start3A_213 = tpu.memref_slice %arg10[%dma_start3A_212] : memref<64xi32, #tpu.memory_space<vmem>> -> memref<32xi32, #tpu.memory_space<vmem>>
        %dma_start3A_214 = arith.constant 0 : i32
        %dma_start3A_215 = arith.constant 0 : i32
        %dma_start3A_216 = tpu.memref_slice %arg5[%dma_start3A_214, %dma_start3A_215] : memref<10000x128xf32, #tpu.memory_space<hbm>> -> memref<10000x128xf32, #tpu.memory_space<hbm>>
        tpu.enqueue_indirect_dma source(%dma_start3A_216 : memref<10000x128xf32, #tpu.memory_space<hbm>>) target(%arg14 : memref<32x128xf32, #tpu.memory_space<vmem>>) offsets(%dma_start3A_213 : memref<32xi32, #tpu.memory_space<vmem>>) semaphore(%arg21 : memref<!tpu.dma_semaphore, #tpu.memory_space<semaphore_mem>>)
        %dma_start3A_217 = arith.constant 0 : i32
        %dma_start3A_218 = tpu.memref_slice %arg10[%dma_start3A_217] : memref<64xi32, #tpu.memory_space<vmem>> -> memref<32xi32, #tpu.memory_space<vmem>>
        %dma_start3A_219 = arith.constant 0 : i32
        %dma_start3A_220 = arith.constant 0 : i32
        %dma_start3A_221 = tpu.memref_slice %arg6[%dma_start3A_219, %dma_start3A_220] : memref<10000x768xf32, #tpu.memory_space<hbm>> -> memref<10000x768xf32, #tpu.memory_space<hbm>>
        tpu.enqueue_indirect_dma source(%dma_start3A_221 : memref<10000x768xf32, #tpu.memory_space<hbm>>) target(%arg16 : memref<32x768xf32, #tpu.memory_space<vmem>>) offsets(%dma_start3A_218 : memref<32xi32, #tpu.memory_space<vmem>>) semaphore(%arg22 : memref<!tpu.dma_semaphore, #tpu.memory_space<semaphore_mem>>)
        %add3A_222 = arith.constant 1 : i32
        %add3A_223 = arith.addi %add3A_149, %add3A_222 : i32
        %while3A_224 = arith.constant 0 : i32
        scf.yield %while3A_224 : i32
      }
      %while3A_128 = arith.constant 1 : i32
      %while3A_129 = scf.for %while3A_145 = %while3A_125 to %while3A_121 step %while3A_128 iter_args(%while3A_146 = %while3A_127) -> (i32)  : i32 {
        %mul3A_147 = arith.constant 2 : i32
        %mul3A_148 = arith.muli %mul3A_147, %while3A_145 : i32
        %add3A_149 = arith.addi %select_n3A, %mul3A_148 : i32
        %dma_wait3A_150 = arith.constant 0 : i32
        %dma_wait3A_151 = tpu.memref_slice %arg10[%dma_wait3A_150] : memref<64xi32, #tpu.memory_space<vmem>> -> memref<32xi32, #tpu.memory_space<vmem>>
        %dma_wait3A_152 = arith.constant 0 : i32
        %dma_wait3A_153 = arith.constant 0 : i32
        %dma_wait3A_154 = tpu.memref_slice %arg4[%dma_wait3A_152, %dma_wait3A_153] : memref<10000x128xf32, #tpu.memory_space<hbm>> -> memref<10000x128xf32, #tpu.memory_space<hbm>>
        tpu.wait_indirect_dma semaphore(%arg20 : memref<!tpu.dma_semaphore, #tpu.memory_space<semaphore_mem>>) src(%dma_wait3A_154 : memref<10000x128xf32, #tpu.memory_space<hbm>>) dst(%arg12 : memref<32x128xf32, #tpu.memory_space<vmem>>)
        %dma_wait3A_155 = arith.constant 32 : i32
        %dma_wait3A_156 = tpu.memref_slice %arg10[%dma_wait3A_155] : memref<64xi32, #tpu.memory_space<vmem>> -> memref<32xi32, #tpu.memory_space<vmem>>
        %dma_wait3A_157 = arith.constant 0 : i32
        %dma_wait3A_158 = arith.constant 0 : i32
        %dma_wait3A_159 = tpu.memref_slice %arg5[%dma_wait3A_157, %dma_wait3A_158] : memref<10000x128xf32, #tpu.memory_space<hbm>> -> memref<10000x128xf32, #tpu.memory_space<hbm>>
        tpu.wait_indirect_dma semaphore(%arg21 : memref<!tpu.dma_semaphore, #tpu.memory_space<semaphore_mem>>) src(%dma_wait3A_159 : memref<10000x128xf32, #tpu.memory_space<hbm>>) dst(%arg14 : memref<32x128xf32, #tpu.memory_space<vmem>>)
        %dma_wait3A_160 = arith.constant 0 : i32
        %dma_wait3A_161 = tpu.memref_slice %arg10[%dma_wait3A_160] : memref<64xi32, #tpu.memory_space<vmem>> -> memref<32xi32, #tpu.memory_space<vmem>>
        %dma_wait3A_162 = arith.constant 0 : i32
        %dma_wait3A_163 = arith.constant 0 : i32
        %dma_wait3A_164 = tpu.memref_slice %arg6[%dma_wait3A_162, %dma_wait3A_163] : memref<10000x768xf32, #tpu.memory_space<hbm>> -> memref<10000x768xf32, #tpu.memory_space<hbm>>
        tpu.wait_indirect_dma semaphore(%arg22 : memref<!tpu.dma_semaphore, #tpu.memory_space<semaphore_mem>>) src(%dma_wait3A_164 : memref<10000x768xf32, #tpu.memory_space<hbm>>) dst(%arg16 : memref<32x768xf32, #tpu.memory_space<vmem>>)
        %add3A_165 = arith.constant 1 : i32
        %add3A_166 = arith.addi %add3A_149, %add3A_165 : i32
        %min3A_167 = arith.constant 9999 : i32
        %min3A_168 = arith.minsi %add3A_166, %min3A_167 : i32
        %mul3A_169 = arith.constant 64 : i32
        %mul3A_170 = arith.muli %min3A_168, %mul3A_169 : i32
        "tpu.region"() ({
          %run_scoped3A = tpu.sem_alloc : memref<!tpu.dma_semaphore, #tpu.memory_space<semaphore_mem>>
          %dma_start3A_225 = tpu.memref_slice %arg2[%mul3A_170] : memref<640000xi32, #tpu.memory_space<hbm>> -> memref<64xi32, #tpu.memory_space<hbm>>
          %dma_start3A_226 = tpu.memref_slice %arg2[%mul3A_170] : memref<640000xi32, #tpu.memory_space<hbm>> -> memref<64xi32, #tpu.memory_space<hbm>>
          tpu.enqueue_dma source(%dma_start3A_226 : memref<64xi32, #tpu.memory_space<hbm>>) target(%arg11 : memref<64xi32, #tpu.memory_space<vmem>>) target_semaphore(%run_scoped3A : memref<!tpu.dma_semaphore, #tpu.memory_space<semaphore_mem>>)
          %dma_wait3A_227 = tpu.memref_slice %arg2[%mul3A_170] : memref<640000xi32, #tpu.memory_space<hbm>> -> memref<64xi32, #tpu.memory_space<hbm>>
          %dma_wait3A_228 = tpu.memref_slice %arg2[%mul3A_170] : memref<640000xi32, #tpu.memory_space<hbm>> -> memref<64xi32, #tpu.memory_space<hbm>>
          tpu.wait_dma2 semaphore(%run_scoped3A : memref<!tpu.dma_semaphore, #tpu.memory_space<semaphore_mem>>) src(%dma_wait3A_228 : memref<64xi32, #tpu.memory_space<hbm>>) dst(%arg11 : memref<64xi32, #tpu.memory_space<vmem>>)
          tpu.yield
        }) : () -> ()
        %dma_start3A_171 = arith.constant 0 : i32
        %dma_start3A_172 = tpu.memref_slice %arg11[%dma_start3A_171] : memref<64xi32, #tpu.memory_space<vmem>> -> memref<32xi32, #tpu.memory_space<vmem>>
        %dma_start3A_173 = arith.constant 0 : i32
        %dma_start3A_174 = arith.constant 0 : i32
        %dma_start3A_175 = tpu.memref_slice %arg4[%dma_start3A_173, %dma_start3A_174] : memref<10000x128xf32, #tpu.memory_space<hbm>> -> memref<10000x128xf32, #tpu.memory_space<hbm>>
        tpu.enqueue_indirect_dma source(%dma_start3A_175 : memref<10000x128xf32, #tpu.memory_space<hbm>>) target(%arg13 : memref<32x128xf32, #tpu.memory_space<vmem>>) offsets(%dma_start3A_172 : memref<32xi32, #tpu.memory_space<vmem>>) semaphore(%arg23 : memref<!tpu.dma_semaphore, #tpu.memory_space<semaphore_mem>>)
        %dma_start3A_176 = arith.constant 32 : i32
        %dma_start3A_177 = tpu.memref_slice %arg11[%dma_start3A_176] : memref<64xi32, #tpu.memory_space<vmem>> -> memref<32xi32, #tpu.memory_space<vmem>>
        %dma_start3A_178 = arith.constant 0 : i32
        %dma_start3A_179 = arith.constant 0 : i32
        %dma_start3A_180 = tpu.memref_slice %arg5[%dma_start3A_178, %dma_start3A_179] : memref<10000x128xf32, #tpu.memory_space<hbm>> -> memref<10000x128xf32, #tpu.memory_space<hbm>>
        tpu.enqueue_indirect_dma source(%dma_start3A_180 : memref<10000x128xf32, #tpu.memory_space<hbm>>) target(%arg15 : memref<32x128xf32, #tpu.memory_space<vmem>>) offsets(%dma_start3A_177 : memref<32xi32, #tpu.memory_space<vmem>>) semaphore(%arg24 : memref<!tpu.dma_semaphore, #tpu.memory_space<semaphore_mem>>)
        %dma_start3A_181 = arith.constant 0 : i32
        %dma_start3A_182 = tpu.memref_slice %arg11[%dma_start3A_181] : memref<64xi32, #tpu.memory_space<vmem>> -> memref<32xi32, #tpu.memory_space<vmem>>
        %dma_start3A_183 = arith.constant 0 : i32
        %dma_start3A_184 = arith.constant 0 : i32
        %dma_start3A_185 = tpu.memref_slice %arg6[%dma_start3A_183, %dma_start3A_184] : memref<10000x768xf32, #tpu.memory_space<hbm>> -> memref<10000x768xf32, #tpu.memory_space<hbm>>
        tpu.enqueue_indirect_dma source(%dma_start3A_185 : memref<10000x768xf32, #tpu.memory_space<hbm>>) target(%arg17 : memref<32x768xf32, #tpu.memory_space<vmem>>) offsets(%dma_start3A_182 : memref<32xi32, #tpu.memory_space<vmem>>) semaphore(%arg25 : memref<!tpu.dma_semaphore, #tpu.memory_space<semaphore_mem>>)
        %dma_wait3A_186 = arith.constant 0 : i32
        %dma_wait3A_187 = tpu.memref_slice %arg11[%dma_wait3A_186] : memref<64xi32, #tpu.memory_space<vmem>> -> memref<32xi32, #tpu.memory_space<vmem>>
        %dma_wait3A_188 = arith.constant 0 : i32
        %dma_wait3A_189 = arith.constant 0 : i32
        %dma_wait3A_190 = tpu.memref_slice %arg4[%dma_wait3A_188, %dma_wait3A_189] : memref<10000x128xf32, #tpu.memory_space<hbm>> -> memref<10000x128xf32, #tpu.memory_space<hbm>>
        tpu.wait_indirect_dma semaphore(%arg23 : memref<!tpu.dma_semaphore, #tpu.memory_space<semaphore_mem>>) src(%dma_wait3A_190 : memref<10000x128xf32, #tpu.memory_space<hbm>>) dst(%arg13 : memref<32x128xf32, #tpu.memory_space<vmem>>)
        %dma_wait3A_191 = arith.constant 32 : i32
        %dma_wait3A_192 = tpu.memref_slice %arg11[%dma_wait3A_191] : memref<64xi32, #tpu.memory_space<vmem>> -> memref<32xi32, #tpu.memory_space<vmem>>
        %dma_wait3A_193 = arith.constant 0 : i32
        %dma_wait3A_194 = arith.constant 0 : i32
        %dma_wait3A_195 = tpu.memref_slice %arg5[%dma_wait3A_193, %dma_wait3A_194] : memref<10000x128xf32, #tpu.memory_space<hbm>> -> memref<10000x128xf32, #tpu.memory_space<hbm>>
        tpu.wait_indirect_dma semaphore(%arg24 : memref<!tpu.dma_semaphore, #tpu.memory_space<semaphore_mem>>) src(%dma_wait3A_195 : memref<10000x128xf32, #tpu.memory_space<hbm>>) dst(%arg15 : memref<32x128xf32, #tpu.memory_space<vmem>>)
        %dma_wait3A_196 = arith.constant 0 : i32
        %dma_wait3A_197 = tpu.memref_slice %arg11[%dma_wait3A_196] : memref<64xi32, #tpu.memory_space<vmem>> -> memref<32xi32, #tpu.memory_space<vmem>>
        %dma_wait3A_198 = arith.constant 0 : i32
        %dma_wait3A_199 = arith.constant 0 : i32
        %dma_wait3A_200 = tpu.memref_slice %arg6[%dma_wait3A_198, %dma_wait3A_199] : memref<10000x768xf32, #tpu.memory_space<hbm>> -> memref<10000x768xf32, #tpu.memory_space<hbm>>
        tpu.wait_indirect_dma semaphore(%arg25 : memref<!tpu.dma_semaphore, #tpu.memory_space<semaphore_mem>>) src(%dma_wait3A_200 : memref<10000x768xf32, #tpu.memory_space<hbm>>) dst(%arg17 : memref<32x768xf32, #tpu.memory_space<vmem>>)
        %add3A_201 = arith.constant 2 : i32
        %add3A_202 = arith.addi %add3A_149, %add3A_201 : i32
        %min3A_203 = arith.constant 9999 : i32
        %min3A_204 = arith.minsi %add3A_202, %min3A_203 : i32
        %mul3A_205 = arith.constant 64 : i32
        %mul3A_206 = arith.muli %min3A_204, %mul3A_205 : i32
        "tpu.region"() ({
          %run_scoped3A = tpu.sem_alloc : memref<!tpu.dma_semaphore, #tpu.memory_space<semaphore_mem>>
          %dma_start3A_225 = tpu.memref_slice %arg2[%mul3A_206] : memref<640000xi32, #tpu.memory_space<hbm>> -> memref<64xi32, #tpu.memory_space<hbm>>
          %dma_start3A_226 = tpu.memref_slice %arg2[%mul3A_206] : memref<640000xi32, #tpu.memory_space<hbm>> -> memref<64xi32, #tpu.memory_space<hbm>>
          tpu.enqueue_dma source(%dma_start3A_226 : memref<64xi32, #tpu.memory_space<hbm>>) target(%arg10 : memref<64xi32, #tpu.memory_space<vmem>>) target_semaphore(%run_scoped3A : memref<!tpu.dma_semaphore, #tpu.memory_space<semaphore_mem>>)
          %dma_wait3A_227 = tpu.memref_slice %arg2[%mul3A_206] : memref<640000xi32, #tpu.memory_space<hbm>> -> memref<64xi32, #tpu.memory_space<hbm>>
          %dma_wait3A_228 = tpu.memref_slice %arg2[%mul3A_206] : memref<640000xi32, #tpu.memory_space<hbm>> -> memref<64xi32, #tpu.memory_space<hbm>>
          tpu.wait_dma2 semaphore(%run_scoped3A : memref<!tpu.dma_semaphore, #tpu.memory_space<semaphore_mem>>) src(%dma_wait3A_228 : memref<64xi32, #tpu.memory_space<hbm>>) dst(%arg10 : memref<64xi32, #tpu.memory_space<vmem>>)
          tpu.yield
        }) : () -> ()
        %dma_start3A_207 = arith.constant 0 : i32
        %dma_start3A_208 = tpu.memref_slice %arg10[%dma_start3A_207] : memref<64xi32, #tpu.memory_space<vmem>> -> memref<32xi32, #tpu.memory_space<vmem>>
        %dma_start3A_209 = arith.constant 0 : i32
        %dma_start3A_210 = arith.constant 0 : i32
        %dma_start3A_211 = tpu.memref_slice %arg4[%dma_start3A_209, %dma_start3A_210] : memref<10000x128xf32, #tpu.memory_space<hbm>> -> memref<10000x128xf32, #tpu.memory_space<hbm>>
        tpu.enqueue_indirect_dma source(%dma_start3A_211 : memref<10000x128xf32, #tpu.memory_space<hbm>>) target(%arg12 : memref<32x128xf32, #tpu.memory_space<vmem>>) offsets(%dma_start3A_208 : memref<32xi32, #tpu.memory_space<vmem>>) semaphore(%arg20 : memref<!tpu.dma_semaphore, #tpu.memory_space<semaphore_mem>>)
        %dma_start3A_212 = arith.constant 32 : i32
        %dma_start3A_213 = tpu.memref_slice %arg10[%dma_start3A_212] : memref<64xi32, #tpu.memory_space<vmem>> -> memref<32xi32, #tpu.memory_space<vmem>>
        %dma_start3A_214 = arith.constant 0 : i32
        %dma_start3A_215 = arith.constant 0 : i32
        %dma_start3A_216 = tpu.memref_slice %arg5[%dma_start3A_214, %dma_start3A_215] : memref<10000x128xf32, #tpu.memory_space<hbm>> -> memref<10000x128xf32, #tpu.memory_space<hbm>>
        tpu.enqueue_indirect_dma source(%dma_start3A_216 : memref<10000x128xf32, #tpu.memory_space<hbm>>) target(%arg14 : memref<32x128xf32, #tpu.memory_space<vmem>>) offsets(%dma_start3A_213 : memref<32xi32, #tpu.memory_space<vmem>>) semaphore(%arg21 : memref<!tpu.dma_semaphore, #tpu.memory_space<semaphore_mem>>)
        %dma_start3A_217 = arith.constant 0 : i32
        %dma_start3A_218 = tpu.memref_slice %arg10[%dma_start3A_217] : memref<64xi32, #tpu.memory_space<vmem>> -> memref<32xi32, #tpu.memory_space<vmem>>
        %dma_start3A_219 = arith.constant 0 : i32
        %dma_start3A_220 = arith.constant 0 : i32
        %dma_start3A_221 = tpu.memref_slice %arg6[%dma_start3A_219, %dma_start3A_220] : memref<10000x768xf32, #tpu.memory_space<hbm>> -> memref<10000x768xf32, #tpu.memory_space<hbm>>
        tpu.enqueue_indirect_dma source(%dma_start3A_221 : memref<10000x768xf32, #tpu.memory_space<hbm>>) target(%arg16 : memref<32x768xf32, #tpu.memory_space<vmem>>) offsets(%dma_start3A_218 : memref<32xi32, #tpu.memory_space<vmem>>) semaphore(%arg22 : memref<!tpu.dma_semaphore, #tpu.memory_space<semaphore_mem>>)
        %add3A_222 = arith.constant 1 : i32
        %add3A_223 = arith.addi %add3A_149, %add3A_222 : i32
        %while3A_224 = arith.constant 0 : i32
        scf.yield %while3A_224 : i32
      }
      %dma_wait3A = arith.constant 0 : i32
      %dma_wait3A_130 = tpu.memref_slice %arg10[%dma_wait3A] : memref<64xi32, #tpu.memory_space<vmem>> -> memref<32xi32, #tpu.memory_space<vmem>>
      %dma_wait3A_131 = arith.constant 0 : i32
      %dma_wait3A_132 = arith.constant 0 : i32
      %dma_wait3A_133 = tpu.memref_slice %arg4[%dma_wait3A_131, %dma_wait3A_132] : memref<10000x128xf32, #tpu.memory_space<hbm>> -> memref<10000x128xf32, #tpu.memory_space<hbm>>
      tpu.wait_indirect_dma semaphore(%arg20 : memref<!tpu.dma_semaphore, #tpu.memory_space<semaphore_mem>>) src(%dma_wait3A_133 : memref<10000x128xf32, #tpu.memory_space<hbm>>) dst(%arg12 : memref<32x128xf32, #tpu.memory_space<vmem>>)
      %dma_wait3A_134 = arith.constant 32 : i32
      %dma_wait3A_135 = tpu.memref_slice %arg10[%dma_wait3A_134] : memref<64xi32, #tpu.memory_space<vmem>> -> memref<32xi32, #tpu.memory_space<vmem>>
      %dma_wait3A_136 = arith.constant 0 : i32
      %dma_wait3A_137 = arith.constant 0 : i32
      %dma_wait3A_138 = tpu.memref_slice %arg5[%dma_wait3A_136, %dma_wait3A_137] : memref<10000x128xf32, #tpu.memory_space<hbm>> -> memref<10000x128xf32, #tpu.memory_space<hbm>>
      tpu.wait_indirect_dma semaphore(%arg21 : memref<!tpu.dma_semaphore, #tpu.memory_space<semaphore_mem>>) src(%dma_wait3A_138 : memref<10000x128xf32, #tpu.memory_space<hbm>>) dst(%arg14 : memref<32x128xf32, #tpu.memory_space<vmem>>)
      %dma_wait3A_139 = arith.constant 0 : i32
      %dma_wait3A_140 = tpu.memref_slice %arg10[%dma_wait3A_139] : memref<64xi32, #tpu.memory_space<vmem>> -> memref<32xi32, #tpu.memory_space<vmem>>
      %dma_wait3A_141 = arith.constant 0 : i32
      %dma_wait3A_142 = arith.constant 0 : i32
      %dma_wait3A_143 = tpu.memref_slice %arg6[%dma_wait3A_141, %dma_wait3A_142] : memref<10000x768xf32, #tpu.memory_space<hbm>> -> memref<10000x768xf32, #tpu.memory_space<hbm>>
      tpu.wait_indirect_dma semaphore(%arg22 : memref<!tpu.dma_semaphore, #tpu.memory_space<semaphore_mem>>) src(%dma_wait3A_143 : memref<10000x768xf32, #tpu.memory_space<hbm>>) dst(%arg16 : memref<32x768xf32, #tpu.memory_space<vmem>>)
      "tpu.region"() ({
        %run_scoped3A = tpu.sem_alloc : memref<!tpu.dma_semaphore, #tpu.memory_space<semaphore_mem>>
        %dma_start3A_145 = arith.constant 0 : i32
        %dma_start3A_146 = arith.constant 0 : i32
        %dma_start3A_147 = tpu.memref_slice %arg18[%dma_start3A_145, %dma_start3A_146] : memref<33x768xf32, #tpu.memory_space<vmem>> -> memref<32x768xf32, #tpu.memory_space<vmem>>
        %dma_start3A_148 = arith.constant 0 : i32
        %dma_start3A_149 = tpu.memref_slice %arg7[%mul3A_16, %dma_start3A_148] : memref<10240x768xf32, #tpu.memory_space<hbm>> -> memref<32x768xf32, #tpu.memory_space<hbm>>
        %dma_start3A_150 = arith.constant 0 : i32
        %dma_start3A_151 = tpu.memref_slice %arg7[%mul3A_16, %dma_start3A_150] : memref<10240x768xf32, #tpu.memory_space<hbm>> -> memref<32x768xf32, #tpu.memory_space<hbm>>
        %dma_start3A_152 = arith.constant 0 : i32
        %dma_start3A_153 = arith.constant 0 : i32
        %dma_start3A_154 = tpu.memref_slice %arg18[%dma_start3A_152, %dma_start3A_153] : memref<33x768xf32, #tpu.memory_space<vmem>> -> memref<32x768xf32, #tpu.memory_space<vmem>>
        tpu.enqueue_dma source(%dma_start3A_154 : memref<32x768xf32, #tpu.memory_space<vmem>>) target(%dma_start3A_151 : memref<32x768xf32, #tpu.memory_space<hbm>>) target_semaphore(%run_scoped3A : memref<!tpu.dma_semaphore, #tpu.memory_space<semaphore_mem>>)
        %dma_wait3A_155 = arith.constant 0 : i32
        %dma_wait3A_156 = arith.constant 0 : i32
        %dma_wait3A_157 = tpu.memref_slice %arg18[%dma_wait3A_155, %dma_wait3A_156] : memref<33x768xf32, #tpu.memory_space<vmem>> -> memref<32x768xf32, #tpu.memory_space<vmem>>
        %dma_wait3A_158 = arith.constant 0 : i32
        %dma_wait3A_159 = tpu.memref_slice %arg7[%mul3A_16, %dma_wait3A_158] : memref<10240x768xf32, #tpu.memory_space<hbm>> -> memref<32x768xf32, #tpu.memory_space<hbm>>
        %dma_wait3A_160 = arith.constant 0 : i32
        %dma_wait3A_161 = tpu.memref_slice %arg7[%mul3A_16, %dma_wait3A_160] : memref<10240x768xf32, #tpu.memory_space<hbm>> -> memref<32x768xf32, #tpu.memory_space<hbm>>
        %dma_wait3A_162 = arith.constant 0 : i32
        %dma_wait3A_163 = arith.constant 0 : i32
        %dma_wait3A_164 = tpu.memref_slice %arg18[%dma_wait3A_162, %dma_wait3A_163] : memref<33x768xf32, #tpu.memory_space<vmem>> -> memref<32x768xf32, #tpu.memory_space<vmem>>
        tpu.wait_dma2 semaphore(%run_scoped3A : memref<!tpu.dma_semaphore, #tpu.memory_space<semaphore_mem>>) src(%dma_wait3A_164 : memref<32x768xf32, #tpu.memory_space<vmem>>) dst(%dma_wait3A_161 : memref<32x768xf32, #tpu.memory_space<hbm>>)
        tpu.yield
      }) : () -> ()
      "tpu.region"() ({
        %run_scoped3A = tpu.sem_alloc : memref<!tpu.dma_semaphore, #tpu.memory_space<semaphore_mem>>
        %dma_start3A_145 = arith.constant 0 : i32
        %dma_start3A_146 = arith.constant 0 : i32
        %dma_start3A_147 = tpu.memref_slice %arg19[%dma_start3A_145, %dma_start3A_146] : memref<33x16xf32, #tpu.memory_space<vmem>> -> memref<32x16xf32, #tpu.memory_space<vmem>>
        %dma_start3A_148 = arith.constant 0 : i32
        %dma_start3A_149 = tpu.memref_slice %arg8[%mul3A_16, %dma_start3A_148] : memref<10240x16xf32, #tpu.memory_space<hbm>> -> memref<32x16xf32, #tpu.memory_space<hbm>>
        %dma_start3A_150 = arith.constant 0 : i32
        %dma_start3A_151 = tpu.memref_slice %arg8[%mul3A_16, %dma_start3A_150] : memref<10240x16xf32, #tpu.memory_space<hbm>> -> memref<32x16xf32, #tpu.memory_space<hbm>>
        %dma_start3A_152 = arith.constant 0 : i32
        %dma_start3A_153 = arith.constant 0 : i32
        %dma_start3A_154 = tpu.memref_slice %arg19[%dma_start3A_152, %dma_start3A_153] : memref<33x16xf32, #tpu.memory_space<vmem>> -> memref<32x16xf32, #tpu.memory_space<vmem>>
        tpu.enqueue_dma source(%dma_start3A_154 : memref<32x16xf32, #tpu.memory_space<vmem>>) target(%dma_start3A_151 : memref<32x16xf32, #tpu.memory_space<hbm>>) target_semaphore(%run_scoped3A : memref<!tpu.dma_semaphore, #tpu.memory_space<semaphore_mem>>)
        %dma_wait3A_155 = arith.constant 0 : i32
        %dma_wait3A_156 = arith.constant 0 : i32
        %dma_wait3A_157 = tpu.memref_slice %arg19[%dma_wait3A_155, %dma_wait3A_156] : memref<33x16xf32, #tpu.memory_space<vmem>> -> memref<32x16xf32, #tpu.memory_space<vmem>>
        %dma_wait3A_158 = arith.constant 0 : i32
        %dma_wait3A_159 = tpu.memref_slice %arg8[%mul3A_16, %dma_wait3A_158] : memref<10240x16xf32, #tpu.memory_space<hbm>> -> memref<32x16xf32, #tpu.memory_space<hbm>>
        %dma_wait3A_160 = arith.constant 0 : i32
        %dma_wait3A_161 = tpu.memref_slice %arg8[%mul3A_16, %dma_wait3A_160] : memref<10240x16xf32, #tpu.memory_space<hbm>> -> memref<32x16xf32, #tpu.memory_space<hbm>>
        %dma_wait3A_162 = arith.constant 0 : i32
        %dma_wait3A_163 = arith.constant 0 : i32
        %dma_wait3A_164 = tpu.memref_slice %arg19[%dma_wait3A_162, %dma_wait3A_163] : memref<33x16xf32, #tpu.memory_space<vmem>> -> memref<32x16xf32, #tpu.memory_space<vmem>>
        tpu.wait_dma2 semaphore(%run_scoped3A : memref<!tpu.dma_semaphore, #tpu.memory_space<semaphore_mem>>) src(%dma_wait3A_164 : memref<32x16xf32, #tpu.memory_space<vmem>>) dst(%dma_wait3A_161 : memref<32x16xf32, #tpu.memory_space<hbm>>)
        tpu.yield
      }) : () -> ()
      %scan3A_144 = arith.constant 0 : i32
      scf.yield %scan3A_144 : i32
    }
    %scan3A_9 = arith.constant 10 : i32
    return
  }
}

module attributes {stable_mosaic.version = 14 : i64} {
  func.func @_mm_att1_body(%arg0: i32, %arg1: memref<400x128xf32, #tpu.memory_space<vmem>>, %arg2: memref<128x1024xf32, #tpu.memory_space<vmem>>, %arg3: memref<4x256xf32, #tpu.memory_space<vmem>>, %arg4: memref<4x256xf32, #tpu.memory_space<vmem>>, %arg5: memref<400x1024xf32, #tpu.memory_space<vmem>>, %arg6: memref<400x128xf32, #tpu.memory_space<vmem>>, %arg7: memref<400x128xf32, #tpu.memory_space<vmem>>, %arg8: memref<400x4xf32, #tpu.memory_space<vmem>>) attributes {dimension_semantics = [#tpu.dimension_semantics<arbitrary>], iteration_bounds = array<i64: 25>, scalar_prefetch = 0 : i64, scratch_operands = 0 : i64, tpu.core_type = #tpu.core_type<tc>, window_params = [{transform_indices = @transform_0, window_bounds = array<i64: 400, 128>}, {pipeline_mode = #tpu.pipeline_mode<synchronous>, transform_indices = @transform_1, window_bounds = array<i64: 128, 1024>}, {pipeline_mode = #tpu.pipeline_mode<synchronous>, transform_indices = @transform_2, window_bounds = array<i64: 4, 256>}, {pipeline_mode = #tpu.pipeline_mode<synchronous>, transform_indices = @transform_3, window_bounds = array<i64: 4, 256>}, {transform_indices = @transform_4, window_bounds = array<i64: 400, 1024>}, {transform_indices = @transform_5, window_bounds = array<i64: 400, 128>}, {transform_indices = @transform_6, window_bounds = array<i64: 400, 128>}, {transform_indices = @transform_7, window_bounds = array<i64: 400, 4>}]} {
    %get3A = arith.constant 0 : index
    %get3A_0 = arith.constant 0 : index
    %get3A_1 = vector.load %arg1[%get3A, %get3A_0] : memref<400x128xf32, #tpu.memory_space<vmem>>, vector<400x128xf32>
    %get3A_2 = arith.constant 0 : index
    %get3A_3 = arith.constant 0 : index
    %get3A_4 = vector.load %arg2[%get3A_2, %get3A_3] : memref<128x1024xf32, #tpu.memory_space<vmem>>, vector<128x1024xf32>
    %dot_general3A = arith.constant dense<0.000000e+00> : vector<400x1024xf32>
    %dot_general3A_5 = tpu.matmul %get3A_1, %get3A_4, %dot_general3A {dimension_numbers = #tpu.dot_dimension_numbers<[1], [0], [0], [1], [0, 0, 1, 1], [], []>, transpose_lhs_hint = false} : vector<400x128xf32>, vector<128x1024xf32>, vector<400x1024xf32> -> vector<400x1024xf32>
    %swap3A = arith.constant 0 : index
    %swap3A_6 = arith.constant 0 : index
    %swap3A_7 = vector.load %arg5[%swap3A, %swap3A_6] : memref<400x1024xf32, #tpu.memory_space<vmem>>, vector<400x1024xf32>
    tpu.vector_store %arg5[%swap3A, %swap3A_6], %dot_general3A_5 {strides = array<i32>} : memref<400x1024xf32, #tpu.memory_space<vmem>>, vector<400x1024xf32>,
    %get3A_8 = arith.constant 0 : index
    %get3A_9 = arith.constant 0 : index
    %get3A_10 = vector.load %arg3[%get3A_8, %get3A_9] : memref<4x256xf32, #tpu.memory_space<vmem>>, vector<4x256xf32>
    %get3A_11 = arith.constant 0 : index
    %get3A_12 = arith.constant 0 : index
    %get3A_13 = vector.load %arg4[%get3A_11, %get3A_12] : memref<4x256xf32, #tpu.memory_space<vmem>>, vector<4x256xf32>
    %reshape3A = vector.shape_cast %dot_general3A_5 : vector<400x1024xf32> to vector<400x4x256xf32>
    %broadcast_in_dim3A = vector.shape_cast %get3A_10 : vector<4x256xf32> to vector<1x4x256xf32>
    %mul3A = vector.broadcast %broadcast_in_dim3A : vector<1x4x256xf32> to vector<400x4x256xf32>
    %mul3A_14 = arith.mulf %reshape3A, %mul3A : vector<400x4x256xf32>
    %reduce_sum3A = arith.constant dense<0.000000e+00> : vector<400x4xf32>
    %reduce_sum3A_15 = vector.multi_reduction <add>, %mul3A_14, %reduce_sum3A [2] : vector<400x4x256xf32> to vector<400x4xf32>
    %broadcast_in_dim3A_16 = vector.shape_cast %get3A_13 : vector<4x256xf32> to vector<1x4x256xf32>
    %mul3A_17 = vector.broadcast %broadcast_in_dim3A_16 : vector<1x4x256xf32> to vector<400x4x256xf32>
    %mul3A_18 = arith.mulf %reshape3A, %mul3A_17 : vector<400x4x256xf32>
    %reduce_sum3A_19 = arith.constant dense<0.000000e+00> : vector<400x4xf32>
    %reduce_sum3A_20 = vector.multi_reduction <add>, %mul3A_18, %reduce_sum3A_19 [2] : vector<400x4x256xf32> to vector<400x4xf32>
    %broadcast_in_dim3A_21 = arith.constant 0.000000e+00 : f32
    %broadcast_in_dim3A_22 = vector.broadcast %broadcast_in_dim3A_21 : f32 to vector<400x124xf32>
    %concatenate3A = tpu.concatenate %reduce_sum3A_15, %broadcast_in_dim3A_22 in 1 : vector<400x4xf32>, vector<400x124xf32> -> vector<400x128xf32>
    %swap3A_23 = arith.constant 0 : index
    %swap3A_24 = arith.constant 0 : index
    %swap3A_25 = vector.load %arg6[%swap3A_23, %swap3A_24] : memref<400x128xf32, #tpu.memory_space<vmem>>, vector<400x128xf32>
    tpu.vector_store %arg6[%swap3A_23, %swap3A_24], %concatenate3A {strides = array<i32>} : memref<400x128xf32, #tpu.memory_space<vmem>>, vector<400x128xf32>,
    %concatenate3A_26 = tpu.concatenate %reduce_sum3A_20, %broadcast_in_dim3A_22 in 1 : vector<400x4xf32>, vector<400x124xf32> -> vector<400x128xf32>
    %swap3A_27 = arith.constant 0 : index
    %swap3A_28 = arith.constant 0 : index
    %swap3A_29 = vector.load %arg7[%swap3A_27, %swap3A_28] : memref<400x128xf32, #tpu.memory_space<vmem>>, vector<400x128xf32>
    tpu.vector_store %arg7[%swap3A_27, %swap3A_28], %concatenate3A_26 {strides = array<i32>} : memref<400x128xf32, #tpu.memory_space<vmem>>, vector<400x128xf32>,
    %add3A = arith.addf %reduce_sum3A_15, %reduce_sum3A_20 : vector<400x4xf32>
    %gt3A = arith.constant 0.000000e+00 : f32
    %gt3A_30 = vector.broadcast %gt3A : f32 to vector<400x4xf32>
    %gt3A_31 = arith.cmpf ogt, %add3A, %gt3A_30 : vector<400x4xf32>
    %mul3A_32 = arith.constant 2.000000e-01 : f32
    %mul3A_33 = vector.broadcast %mul3A_32 : f32 to vector<400x4xf32>
    %mul3A_34 = arith.mulf %mul3A_33, %add3A : vector<400x4xf32>
    %select_n3A = arith.select %gt3A_31, %add3A, %mul3A_34 : vector<400x4xi1>, vector<400x4xf32>
    %exp3A = math.exp %select_n3A : vector<400x4xf32>
    %swap3A_35 = arith.constant 0 : index
    %swap3A_36 = arith.constant 0 : index
    %swap3A_37 = vector.load %arg8[%swap3A_35, %swap3A_36] : memref<400x4xf32, #tpu.memory_space<vmem>>, vector<400x4xf32>
    tpu.vector_store %arg8[%swap3A_35, %swap3A_36], %exp3A {strides = array<i32>} : memref<400x4xf32, #tpu.memory_space<vmem>>, vector<400x4xf32>,
    return
  }
  func.func @transform_0(%arg0: i32) -> (i32, i32) {
    %c0_i32 = arith.constant 0 : i32
    %c0_i32_0 = arith.constant 0 : i32
    return %arg0, %c0_i32 : i32, i32
  }
  func.func @transform_1(%arg0: i32) -> (i32, i32) {
    %c0_i32 = arith.constant 0 : i32
    %c0_i32_0 = arith.constant 0 : i32
    %c0_i32_1 = arith.constant 0 : i32
    return %c0_i32, %c0_i32_0 : i32, i32
  }
  func.func @transform_2(%arg0: i32) -> (i32, i32) {
    %c0_i32 = arith.constant 0 : i32
    %c0_i32_0 = arith.constant 0 : i32
    %c0_i32_1 = arith.constant 0 : i32
    return %c0_i32, %c0_i32_0 : i32, i32
  }
  func.func @transform_3(%arg0: i32) -> (i32, i32) {
    %c0_i32 = arith.constant 0 : i32
    %c0_i32_0 = arith.constant 0 : i32
    %c0_i32_1 = arith.constant 0 : i32
    return %c0_i32, %c0_i32_0 : i32, i32
  }
  func.func @transform_4(%arg0: i32) -> (i32, i32) {
    %c0_i32 = arith.constant 0 : i32
    %c0_i32_0 = arith.constant 0 : i32
    return %arg0, %c0_i32 : i32, i32
  }
  func.func @transform_5(%arg0: i32) -> (i32, i32) {
    %c0_i32 = arith.constant 0 : i32
    %c0_i32_0 = arith.constant 0 : i32
    return %arg0, %c0_i32 : i32, i32
  }
  func.func @transform_6(%arg0: i32) -> (i32, i32) {
    %c0_i32 = arith.constant 0 : i32
    %c0_i32_0 = arith.constant 0 : i32
    return %arg0, %c0_i32 : i32, i32
  }
  func.func @transform_7(%arg0: i32) -> (i32, i32) {
    %c0_i32 = arith.constant 0 : i32
    %c0_i32_0 = arith.constant 0 : i32
    return %arg0, %c0_i32 : i32, i32
  }
}

module attributes {stable_mosaic.version = 14 : i64} {
  func.func @_mm_att_body(%arg0: i32, %arg1: memref<400x1024xf32, #tpu.memory_space<vmem>>, %arg2: memref<400x16xf32, #tpu.memory_space<vmem>>, %arg3: memref<400x4xf32, #tpu.memory_space<vmem>>, %arg4: memref<400x1024xf32, #tpu.memory_space<vmem>>, %arg5: memref<1x1024xf32, #tpu.memory_space<vmem>>, %arg6: memref<1024x1024xf32, #tpu.memory_space<vmem>>, %arg7: memref<4x256xf32, #tpu.memory_space<vmem>>, %arg8: memref<4x256xf32, #tpu.memory_space<vmem>>, %arg9: memref<400x1024xf32, #tpu.memory_space<vmem>>, %arg10: memref<400x128xf32, #tpu.memory_space<vmem>>, %arg11: memref<400x128xf32, #tpu.memory_space<vmem>>, %arg12: memref<400x4xf32, #tpu.memory_space<vmem>>) attributes {dimension_semantics = [#tpu.dimension_semantics<arbitrary>], iteration_bounds = array<i64: 25>, scalar_prefetch = 0 : i64, scratch_operands = 0 : i64, tpu.core_type = #tpu.core_type<tc>, window_params = [{transform_indices = @transform_0, window_bounds = array<i64: 400, 1024>}, {transform_indices = @transform_1, window_bounds = array<i64: 400, 16>}, {transform_indices = @transform_2, window_bounds = array<i64: 400, 4>}, {transform_indices = @transform_3, window_bounds = array<i64: 400, 1024>}, {pipeline_mode = #tpu.pipeline_mode<synchronous>, transform_indices = @transform_4, window_bounds = array<i64: 1, 1024>}, {pipeline_mode = #tpu.pipeline_mode<synchronous>, transform_indices = @transform_5, window_bounds = array<i64: 1024, 1024>}, {pipeline_mode = #tpu.pipeline_mode<synchronous>, transform_indices = @transform_6, window_bounds = array<i64: 4, 256>}, {pipeline_mode = #tpu.pipeline_mode<synchronous>, transform_indices = @transform_7, window_bounds = array<i64: 4, 256>}, {transform_indices = @transform_8, window_bounds = array<i64: 400, 1024>}, {transform_indices = @transform_9, window_bounds = array<i64: 400, 128>}, {transform_indices = @transform_10, window_bounds = array<i64: 400, 128>}, {transform_indices = @transform_11, window_bounds = array<i64: 400, 4>}]} {
    %get3A = arith.constant 0 : index
    %get3A_0 = arith.constant 0 : index
    %get3A_1 = vector.load %arg1[%get3A, %get3A_0] : memref<400x1024xf32, #tpu.memory_space<vmem>>, vector<400x1024xf32>
    %reshape3A = vector.shape_cast %get3A_1 : vector<400x1024xf32> to vector<400x4x256xf32>
    %get3A_2 = arith.constant 0 : index
    %get3A_3 = arith.constant 0 : index
    %get3A_4 = vector.load %arg4[%get3A_2, %get3A_3] : memref<400x1024xf32, #tpu.memory_space<vmem>>, vector<400x1024xf32>
    %reshape3A_5 = vector.shape_cast %get3A_4 : vector<400x1024xf32> to vector<400x4x256xf32>
    %get3A_6 = arith.constant 0 : index
    %get3A_7 = arith.constant 0 : index
    %get3A_8 = vector.load %arg3[%get3A_6, %get3A_7] : memref<400x4xf32, #tpu.memory_space<vmem>>, vector<400x4xf32>
    %broadcast_in_dim3A = vector.shape_cast %get3A_8 : vector<400x4xf32> to vector<400x4x1xf32>
    %get3A_9 = arith.constant 0 : index
    %get3A_10 = arith.constant 0 : index
    %get3A_11 = vector.load %arg2[%get3A_9, %get3A_10] : memref<400x16xf32, #tpu.memory_space<vmem>>, vector<400x16xf32>
    %slice3A = vector.extract_strided_slice %get3A_11 {offsets = [0, 0], sizes = [400, 4], strides = [1, 1]} : vector<400x16xf32> to vector<400x4xf32>
    %broadcast_in_dim3A_12 = vector.shape_cast %slice3A : vector<400x4xf32> to vector<400x4x1xf32>
    %mul3A = vector.broadcast %broadcast_in_dim3A : vector<400x4x1xf32> to vector<400x4x256xf32>
    %mul3A_13 = arith.mulf %mul3A, %reshape3A_5 : vector<400x4x256xf32>
    %add3A = arith.addf %reshape3A, %mul3A_13 : vector<400x4x256xf32>
    %add3A_14 = arith.addf %broadcast_in_dim3A_12, %broadcast_in_dim3A : vector<400x4x1xf32>
    %add3A_15 = arith.constant 1.000000e-16 : f32
    %add3A_16 = vector.broadcast %add3A_15 : f32 to vector<400x4x1xf32>
    %add3A_17 = arith.addf %add3A_14, %add3A_16 : vector<400x4x1xf32>
    %div3A = vector.broadcast %add3A_17 : vector<400x4x1xf32> to vector<400x4x256xf32>
    %div3A_18 = arith.divf %add3A, %div3A : vector<400x4x256xf32>
    %reshape3A_19 = vector.shape_cast %div3A_18 : vector<400x4x256xf32> to vector<400x1024xf32>
    %get3A_20 = arith.constant 0 : index
    %get3A_21 = arith.constant 0 : index
    %get3A_22 = vector.load %arg5[%get3A_20, %get3A_21] : memref<1x1024xf32, #tpu.memory_space<vmem>>, vector<1x1024xf32>
    %add3A_23 = vector.broadcast %get3A_22 : vector<1x1024xf32> to vector<400x1024xf32>
    %add3A_24 = arith.addf %reshape3A_19, %add3A_23 : vector<400x1024xf32>
    %gt3A = arith.constant 0.000000e+00 : f32
    %gt3A_25 = vector.broadcast %gt3A : f32 to vector<400x1024xf32>
    %gt3A_26 = arith.cmpf ogt, %add3A_24, %gt3A_25 : vector<400x1024xf32>
    %exp3A = math.exp %add3A_24 : vector<400x1024xf32>
    %sub3A = arith.constant 1.000000e+00 : f32
    %sub3A_27 = vector.broadcast %sub3A : f32 to vector<400x1024xf32>
    %sub3A_28 = arith.subf %exp3A, %sub3A_27 : vector<400x1024xf32>
    %select_n3A = arith.select %gt3A_26, %add3A_24, %sub3A_28 : vector<400x1024xi1>, vector<400x1024xf32>
    %get3A_29 = arith.constant 0 : index
    %get3A_30 = arith.constant 0 : index
    %get3A_31 = vector.load %arg6[%get3A_29, %get3A_30] : memref<1024x1024xf32, #tpu.memory_space<vmem>>, vector<1024x1024xf32>
    %dot_general3A = arith.constant dense<0.000000e+00> : vector<400x1024xf32>
    %dot_general3A_32 = tpu.matmul %select_n3A, %get3A_31, %dot_general3A {dimension_numbers = #tpu.dot_dimension_numbers<[1], [0], [0], [1], [0, 0, 1, 1], [], []>, transpose_lhs_hint = false} : vector<400x1024xf32>, vector<1024x1024xf32>, vector<400x1024xf32> -> vector<400x1024xf32>
    %swap3A = arith.constant 0 : index
    %swap3A_33 = arith.constant 0 : index
    %swap3A_34 = vector.load %arg9[%swap3A, %swap3A_33] : memref<400x1024xf32, #tpu.memory_space<vmem>>, vector<400x1024xf32>
    tpu.vector_store %arg9[%swap3A, %swap3A_33], %dot_general3A_32 {strides = array<i32>} : memref<400x1024xf32, #tpu.memory_space<vmem>>, vector<400x1024xf32>,
    %get3A_35 = arith.constant 0 : index
    %get3A_36 = arith.constant 0 : index
    %get3A_37 = vector.load %arg7[%get3A_35, %get3A_36] : memref<4x256xf32, #tpu.memory_space<vmem>>, vector<4x256xf32>
    %get3A_38 = arith.constant 0 : index
    %get3A_39 = arith.constant 0 : index
    %get3A_40 = vector.load %arg8[%get3A_38, %get3A_39] : memref<4x256xf32, #tpu.memory_space<vmem>>, vector<4x256xf32>
    %reshape3A_41 = vector.shape_cast %dot_general3A_32 : vector<400x1024xf32> to vector<400x4x256xf32>
    %broadcast_in_dim3A_42 = vector.shape_cast %get3A_37 : vector<4x256xf32> to vector<1x4x256xf32>
    %mul3A_43 = vector.broadcast %broadcast_in_dim3A_42 : vector<1x4x256xf32> to vector<400x4x256xf32>
    %mul3A_44 = arith.mulf %reshape3A_41, %mul3A_43 : vector<400x4x256xf32>
    %reduce_sum3A = arith.constant dense<0.000000e+00> : vector<400x4xf32>
    %reduce_sum3A_45 = vector.multi_reduction <add>, %mul3A_44, %reduce_sum3A [2] : vector<400x4x256xf32> to vector<400x4xf32>
    %broadcast_in_dim3A_46 = vector.shape_cast %get3A_40 : vector<4x256xf32> to vector<1x4x256xf32>
    %mul3A_47 = vector.broadcast %broadcast_in_dim3A_46 : vector<1x4x256xf32> to vector<400x4x256xf32>
    %mul3A_48 = arith.mulf %reshape3A_41, %mul3A_47 : vector<400x4x256xf32>
    %reduce_sum3A_49 = arith.constant dense<0.000000e+00> : vector<400x4xf32>
    %reduce_sum3A_50 = vector.multi_reduction <add>, %mul3A_48, %reduce_sum3A_49 [2] : vector<400x4x256xf32> to vector<400x4xf32>
    %broadcast_in_dim3A_51 = arith.constant 0.000000e+00 : f32
    %broadcast_in_dim3A_52 = vector.broadcast %broadcast_in_dim3A_51 : f32 to vector<400x124xf32>
    %concatenate3A = tpu.concatenate %reduce_sum3A_45, %broadcast_in_dim3A_52 in 1 : vector<400x4xf32>, vector<400x124xf32> -> vector<400x128xf32>
    %swap3A_53 = arith.constant 0 : index
    %swap3A_54 = arith.constant 0 : index
    %swap3A_55 = vector.load %arg10[%swap3A_53, %swap3A_54] : memref<400x128xf32, #tpu.memory_space<vmem>>, vector<400x128xf32>
    tpu.vector_store %arg10[%swap3A_53, %swap3A_54], %concatenate3A {strides = array<i32>} : memref<400x128xf32, #tpu.memory_space<vmem>>, vector<400x128xf32>,
    %concatenate3A_56 = tpu.concatenate %reduce_sum3A_50, %broadcast_in_dim3A_52 in 1 : vector<400x4xf32>, vector<400x124xf32> -> vector<400x128xf32>
    %swap3A_57 = arith.constant 0 : index
    %swap3A_58 = arith.constant 0 : index
    %swap3A_59 = vector.load %arg11[%swap3A_57, %swap3A_58] : memref<400x128xf32, #tpu.memory_space<vmem>>, vector<400x128xf32>
    tpu.vector_store %arg11[%swap3A_57, %swap3A_58], %concatenate3A_56 {strides = array<i32>} : memref<400x128xf32, #tpu.memory_space<vmem>>, vector<400x128xf32>,
    %add3A_60 = arith.addf %reduce_sum3A_45, %reduce_sum3A_50 : vector<400x4xf32>
    %gt3A_61 = arith.constant 0.000000e+00 : f32
    %gt3A_62 = vector.broadcast %gt3A_61 : f32 to vector<400x4xf32>
    %gt3A_63 = arith.cmpf ogt, %add3A_60, %gt3A_62 : vector<400x4xf32>
    %mul3A_64 = arith.constant 2.000000e-01 : f32
    %mul3A_65 = vector.broadcast %mul3A_64 : f32 to vector<400x4xf32>
    %mul3A_66 = arith.mulf %mul3A_65, %add3A_60 : vector<400x4xf32>
    %select_n3A_67 = arith.select %gt3A_63, %add3A_60, %mul3A_66 : vector<400x4xi1>, vector<400x4xf32>
    %exp3A_68 = math.exp %select_n3A_67 : vector<400x4xf32>
    %swap3A_69 = arith.constant 0 : index
    %swap3A_70 = arith.constant 0 : index
    %swap3A_71 = vector.load %arg12[%swap3A_69, %swap3A_70] : memref<400x4xf32, #tpu.memory_space<vmem>>, vector<400x4xf32>
    tpu.vector_store %arg12[%swap3A_69, %swap3A_70], %exp3A_68 {strides = array<i32>} : memref<400x4xf32, #tpu.memory_space<vmem>>, vector<400x4xf32>,
    return
  }
  func.func @transform_0(%arg0: i32) -> (i32, i32) {
    %c0_i32 = arith.constant 0 : i32
    %c0_i32_0 = arith.constant 0 : i32
    return %arg0, %c0_i32 : i32, i32
  }
  func.func @transform_1(%arg0: i32) -> (i32, i32) {
    %c0_i32 = arith.constant 0 : i32
    %c0_i32_0 = arith.constant 0 : i32
    return %arg0, %c0_i32 : i32, i32
  }
  func.func @transform_2(%arg0: i32) -> (i32, i32) {
    %c0_i32 = arith.constant 0 : i32
    %c0_i32_0 = arith.constant 0 : i32
    return %arg0, %c0_i32 : i32, i32
  }
  func.func @transform_3(%arg0: i32) -> (i32, i32) {
    %c0_i32 = arith.constant 0 : i32
    %c0_i32_0 = arith.constant 0 : i32
    return %arg0, %c0_i32 : i32, i32
  }
  func.func @transform_4(%arg0: i32) -> (i32, i32) {
    %c0_i32 = arith.constant 0 : i32
    %c0_i32_0 = arith.constant 0 : i32
    %c0_i32_1 = arith.constant 0 : i32
    return %c0_i32, %c0_i32_0 : i32, i32
  }
  func.func @transform_5(%arg0: i32) -> (i32, i32) {
    %c0_i32 = arith.constant 0 : i32
    %c0_i32_0 = arith.constant 0 : i32
    %c0_i32_1 = arith.constant 0 : i32
    return %c0_i32, %c0_i32_0 : i32, i32
  }
  func.func @transform_6(%arg0: i32) -> (i32, i32) {
    %c0_i32 = arith.constant 0 : i32
    %c0_i32_0 = arith.constant 0 : i32
    %c0_i32_1 = arith.constant 0 : i32
    return %c0_i32, %c0_i32_0 : i32, i32
  }
  func.func @transform_7(%arg0: i32) -> (i32, i32) {
    %c0_i32 = arith.constant 0 : i32
    %c0_i32_0 = arith.constant 0 : i32
    %c0_i32_1 = arith.constant 0 : i32
    return %c0_i32, %c0_i32_0 : i32, i32
  }
  func.func @transform_8(%arg0: i32) -> (i32, i32) {
    %c0_i32 = arith.constant 0 : i32
    %c0_i32_0 = arith.constant 0 : i32
    return %arg0, %c0_i32 : i32, i32
  }
  func.func @transform_9(%arg0: i32) -> (i32, i32) {
    %c0_i32 = arith.constant 0 : i32
    %c0_i32_0 = arith.constant 0 : i32
    return %arg0, %c0_i32 : i32, i32
  }
  func.func @transform_10(%arg0: i32) -> (i32, i32) {
    %c0_i32 = arith.constant 0 : i32
    %c0_i32_0 = arith.constant 0 : i32
    return %arg0, %c0_i32 : i32, i32
  }
  func.func @transform_11(%arg0: i32) -> (i32, i32) {
    %c0_i32 = arith.constant 0 : i32
    %c0_i32_0 = arith.constant 0 : i32
    return %arg0, %c0_i32 : i32, i32
  }
}

module attributes {stable_mosaic.version = 14 : i64} {
  func.func @_mm_att_body(%arg0: i32, %arg1: memref<400x1024xf32, #tpu.memory_space<vmem>>, %arg2: memref<400x16xf32, #tpu.memory_space<vmem>>, %arg3: memref<400x4xf32, #tpu.memory_space<vmem>>, %arg4: memref<400x1024xf32, #tpu.memory_space<vmem>>, %arg5: memref<1x1024xf32, #tpu.memory_space<vmem>>, %arg6: memref<1024x768xf32, #tpu.memory_space<vmem>>, %arg7: memref<6x128xf32, #tpu.memory_space<vmem>>, %arg8: memref<6x128xf32, #tpu.memory_space<vmem>>, %arg9: memref<400x768xf32, #tpu.memory_space<vmem>>, %arg10: memref<400x128xf32, #tpu.memory_space<vmem>>, %arg11: memref<400x128xf32, #tpu.memory_space<vmem>>, %arg12: memref<400x6xf32, #tpu.memory_space<vmem>>) attributes {dimension_semantics = [#tpu.dimension_semantics<arbitrary>], iteration_bounds = array<i64: 25>, scalar_prefetch = 0 : i64, scratch_operands = 0 : i64, tpu.core_type = #tpu.core_type<tc>, window_params = [{transform_indices = @transform_0, window_bounds = array<i64: 400, 1024>}, {transform_indices = @transform_1, window_bounds = array<i64: 400, 16>}, {transform_indices = @transform_2, window_bounds = array<i64: 400, 4>}, {transform_indices = @transform_3, window_bounds = array<i64: 400, 1024>}, {pipeline_mode = #tpu.pipeline_mode<synchronous>, transform_indices = @transform_4, window_bounds = array<i64: 1, 1024>}, {pipeline_mode = #tpu.pipeline_mode<synchronous>, transform_indices = @transform_5, window_bounds = array<i64: 1024, 768>}, {pipeline_mode = #tpu.pipeline_mode<synchronous>, transform_indices = @transform_6, window_bounds = array<i64: 6, 128>}, {pipeline_mode = #tpu.pipeline_mode<synchronous>, transform_indices = @transform_7, window_bounds = array<i64: 6, 128>}, {transform_indices = @transform_8, window_bounds = array<i64: 400, 768>}, {transform_indices = @transform_9, window_bounds = array<i64: 400, 128>}, {transform_indices = @transform_10, window_bounds = array<i64: 400, 128>}, {transform_indices = @transform_11, window_bounds = array<i64: 400, 6>}]} {
    %get3A = arith.constant 0 : index
    %get3A_0 = arith.constant 0 : index
    %get3A_1 = vector.load %arg1[%get3A, %get3A_0] : memref<400x1024xf32, #tpu.memory_space<vmem>>, vector<400x1024xf32>
    %reshape3A = vector.shape_cast %get3A_1 : vector<400x1024xf32> to vector<400x4x256xf32>
    %get3A_2 = arith.constant 0 : index
    %get3A_3 = arith.constant 0 : index
    %get3A_4 = vector.load %arg4[%get3A_2, %get3A_3] : memref<400x1024xf32, #tpu.memory_space<vmem>>, vector<400x1024xf32>
    %reshape3A_5 = vector.shape_cast %get3A_4 : vector<400x1024xf32> to vector<400x4x256xf32>
    %get3A_6 = arith.constant 0 : index
    %get3A_7 = arith.constant 0 : index
    %get3A_8 = vector.load %arg3[%get3A_6, %get3A_7] : memref<400x4xf32, #tpu.memory_space<vmem>>, vector<400x4xf32>
    %broadcast_in_dim3A = vector.shape_cast %get3A_8 : vector<400x4xf32> to vector<400x4x1xf32>
    %get3A_9 = arith.constant 0 : index
    %get3A_10 = arith.constant 0 : index
    %get3A_11 = vector.load %arg2[%get3A_9, %get3A_10] : memref<400x16xf32, #tpu.memory_space<vmem>>, vector<400x16xf32>
    %slice3A = vector.extract_strided_slice %get3A_11 {offsets = [0, 0], sizes = [400, 4], strides = [1, 1]} : vector<400x16xf32> to vector<400x4xf32>
    %broadcast_in_dim3A_12 = vector.shape_cast %slice3A : vector<400x4xf32> to vector<400x4x1xf32>
    %mul3A = vector.broadcast %broadcast_in_dim3A : vector<400x4x1xf32> to vector<400x4x256xf32>
    %mul3A_13 = arith.mulf %mul3A, %reshape3A_5 : vector<400x4x256xf32>
    %add3A = arith.addf %reshape3A, %mul3A_13 : vector<400x4x256xf32>
    %add3A_14 = arith.addf %broadcast_in_dim3A_12, %broadcast_in_dim3A : vector<400x4x1xf32>
    %add3A_15 = arith.constant 1.000000e-16 : f32
    %add3A_16 = vector.broadcast %add3A_15 : f32 to vector<400x4x1xf32>
    %add3A_17 = arith.addf %add3A_14, %add3A_16 : vector<400x4x1xf32>
    %div3A = vector.broadcast %add3A_17 : vector<400x4x1xf32> to vector<400x4x256xf32>
    %div3A_18 = arith.divf %add3A, %div3A : vector<400x4x256xf32>
    %reshape3A_19 = vector.shape_cast %div3A_18 : vector<400x4x256xf32> to vector<400x1024xf32>
    %get3A_20 = arith.constant 0 : index
    %get3A_21 = arith.constant 0 : index
    %get3A_22 = vector.load %arg5[%get3A_20, %get3A_21] : memref<1x1024xf32, #tpu.memory_space<vmem>>, vector<1x1024xf32>
    %add3A_23 = vector.broadcast %get3A_22 : vector<1x1024xf32> to vector<400x1024xf32>
    %add3A_24 = arith.addf %reshape3A_19, %add3A_23 : vector<400x1024xf32>
    %gt3A = arith.constant 0.000000e+00 : f32
    %gt3A_25 = vector.broadcast %gt3A : f32 to vector<400x1024xf32>
    %gt3A_26 = arith.cmpf ogt, %add3A_24, %gt3A_25 : vector<400x1024xf32>
    %exp3A = math.exp %add3A_24 : vector<400x1024xf32>
    %sub3A = arith.constant 1.000000e+00 : f32
    %sub3A_27 = vector.broadcast %sub3A : f32 to vector<400x1024xf32>
    %sub3A_28 = arith.subf %exp3A, %sub3A_27 : vector<400x1024xf32>
    %select_n3A = arith.select %gt3A_26, %add3A_24, %sub3A_28 : vector<400x1024xi1>, vector<400x1024xf32>
    %get3A_29 = arith.constant 0 : index
    %get3A_30 = arith.constant 0 : index
    %get3A_31 = vector.load %arg6[%get3A_29, %get3A_30] : memref<1024x768xf32, #tpu.memory_space<vmem>>, vector<1024x768xf32>
    %dot_general3A = arith.constant dense<0.000000e+00> : vector<400x768xf32>
    %dot_general3A_32 = tpu.matmul %select_n3A, %get3A_31, %dot_general3A {dimension_numbers = #tpu.dot_dimension_numbers<[1], [0], [0], [1], [0, 0, 1, 1], [], []>, transpose_lhs_hint = false} : vector<400x1024xf32>, vector<1024x768xf32>, vector<400x768xf32> -> vector<400x768xf32>
    %swap3A = arith.constant 0 : index
    %swap3A_33 = arith.constant 0 : index
    %swap3A_34 = vector.load %arg9[%swap3A, %swap3A_33] : memref<400x768xf32, #tpu.memory_space<vmem>>, vector<400x768xf32>
    tpu.vector_store %arg9[%swap3A, %swap3A_33], %dot_general3A_32 {strides = array<i32>} : memref<400x768xf32, #tpu.memory_space<vmem>>, vector<400x768xf32>,
    %get3A_35 = arith.constant 0 : index
    %get3A_36 = arith.constant 0 : index
    %get3A_37 = vector.load %arg7[%get3A_35, %get3A_36] : memref<6x128xf32, #tpu.memory_space<vmem>>, vector<6x128xf32>
    %get3A_38 = arith.constant 0 : index
    %get3A_39 = arith.constant 0 : index
    %get3A_40 = vector.load %arg8[%get3A_38, %get3A_39] : memref<6x128xf32, #tpu.memory_space<vmem>>, vector<6x128xf32>
    %reshape3A_41 = vector.shape_cast %dot_general3A_32 : vector<400x768xf32> to vector<400x6x128xf32>
    %broadcast_in_dim3A_42 = vector.shape_cast %get3A_37 : vector<6x128xf32> to vector<1x6x128xf32>
    %mul3A_43 = vector.broadcast %broadcast_in_dim3A_42 : vector<1x6x128xf32> to vector<400x6x128xf32>
    %mul3A_44 = arith.mulf %reshape3A_41, %mul3A_43 : vector<400x6x128xf32>
    %reduce_sum3A = arith.constant dense<0.000000e+00> : vector<400x6xf32>
    %reduce_sum3A_45 = vector.multi_reduction <add>, %mul3A_44, %reduce_sum3A [2] : vector<400x6x128xf32> to vector<400x6xf32>
    %broadcast_in_dim3A_46 = vector.shape_cast %get3A_40 : vector<6x128xf32> to vector<1x6x128xf32>
    %mul3A_47 = vector.broadcast %broadcast_in_dim3A_46 : vector<1x6x128xf32> to vector<400x6x128xf32>
    %mul3A_48 = arith.mulf %reshape3A_41, %mul3A_47 : vector<400x6x128xf32>
    %reduce_sum3A_49 = arith.constant dense<0.000000e+00> : vector<400x6xf32>
    %reduce_sum3A_50 = vector.multi_reduction <add>, %mul3A_48, %reduce_sum3A_49 [2] : vector<400x6x128xf32> to vector<400x6xf32>
    %broadcast_in_dim3A_51 = arith.constant 0.000000e+00 : f32
    %broadcast_in_dim3A_52 = vector.broadcast %broadcast_in_dim3A_51 : f32 to vector<400x122xf32>
    %concatenate3A = tpu.concatenate %reduce_sum3A_45, %broadcast_in_dim3A_52 in 1 : vector<400x6xf32>, vector<400x122xf32> -> vector<400x128xf32>
    %swap3A_53 = arith.constant 0 : index
    %swap3A_54 = arith.constant 0 : index
    %swap3A_55 = vector.load %arg10[%swap3A_53, %swap3A_54] : memref<400x128xf32, #tpu.memory_space<vmem>>, vector<400x128xf32>
    tpu.vector_store %arg10[%swap3A_53, %swap3A_54], %concatenate3A {strides = array<i32>} : memref<400x128xf32, #tpu.memory_space<vmem>>, vector<400x128xf32>,
    %concatenate3A_56 = tpu.concatenate %reduce_sum3A_50, %broadcast_in_dim3A_52 in 1 : vector<400x6xf32>, vector<400x122xf32> -> vector<400x128xf32>
    %swap3A_57 = arith.constant 0 : index
    %swap3A_58 = arith.constant 0 : index
    %swap3A_59 = vector.load %arg11[%swap3A_57, %swap3A_58] : memref<400x128xf32, #tpu.memory_space<vmem>>, vector<400x128xf32>
    tpu.vector_store %arg11[%swap3A_57, %swap3A_58], %concatenate3A_56 {strides = array<i32>} : memref<400x128xf32, #tpu.memory_space<vmem>>, vector<400x128xf32>,
    %add3A_60 = arith.addf %reduce_sum3A_45, %reduce_sum3A_50 : vector<400x6xf32>
    %gt3A_61 = arith.constant 0.000000e+00 : f32
    %gt3A_62 = vector.broadcast %gt3A_61 : f32 to vector<400x6xf32>
    %gt3A_63 = arith.cmpf ogt, %add3A_60, %gt3A_62 : vector<400x6xf32>
    %mul3A_64 = arith.constant 2.000000e-01 : f32
    %mul3A_65 = vector.broadcast %mul3A_64 : f32 to vector<400x6xf32>
    %mul3A_66 = arith.mulf %mul3A_65, %add3A_60 : vector<400x6xf32>
    %select_n3A_67 = arith.select %gt3A_63, %add3A_60, %mul3A_66 : vector<400x6xi1>, vector<400x6xf32>
    %exp3A_68 = math.exp %select_n3A_67 : vector<400x6xf32>
    %swap3A_69 = arith.constant 0 : index
    %swap3A_70 = arith.constant 0 : index
    %swap3A_71 = vector.load %arg12[%swap3A_69, %swap3A_70] : memref<400x6xf32, #tpu.memory_space<vmem>>, vector<400x6xf32>
    tpu.vector_store %arg12[%swap3A_69, %swap3A_70], %exp3A_68 {strides = array<i32>} : memref<400x6xf32, #tpu.memory_space<vmem>>, vector<400x6xf32>,
    return
  }
  func.func @transform_0(%arg0: i32) -> (i32, i32) {
    %c0_i32 = arith.constant 0 : i32
    %c0_i32_0 = arith.constant 0 : i32
    return %arg0, %c0_i32 : i32, i32
  }
  func.func @transform_1(%arg0: i32) -> (i32, i32) {
    %c0_i32 = arith.constant 0 : i32
    %c0_i32_0 = arith.constant 0 : i32
    return %arg0, %c0_i32 : i32, i32
  }
  func.func @transform_2(%arg0: i32) -> (i32, i32) {
    %c0_i32 = arith.constant 0 : i32
    %c0_i32_0 = arith.constant 0 : i32
    return %arg0, %c0_i32 : i32, i32
  }
  func.func @transform_3(%arg0: i32) -> (i32, i32) {
    %c0_i32 = arith.constant 0 : i32
    %c0_i32_0 = arith.constant 0 : i32
    return %arg0, %c0_i32 : i32, i32
  }
  func.func @transform_4(%arg0: i32) -> (i32, i32) {
    %c0_i32 = arith.constant 0 : i32
    %c0_i32_0 = arith.constant 0 : i32
    %c0_i32_1 = arith.constant 0 : i32
    return %c0_i32, %c0_i32_0 : i32, i32
  }
  func.func @transform_5(%arg0: i32) -> (i32, i32) {
    %c0_i32 = arith.constant 0 : i32
    %c0_i32_0 = arith.constant 0 : i32
    %c0_i32_1 = arith.constant 0 : i32
    return %c0_i32, %c0_i32_0 : i32, i32
  }
  func.func @transform_6(%arg0: i32) -> (i32, i32) {
    %c0_i32 = arith.constant 0 : i32
    %c0_i32_0 = arith.constant 0 : i32
    %c0_i32_1 = arith.constant 0 : i32
    return %c0_i32, %c0_i32_0 : i32, i32
  }
  func.func @transform_7(%arg0: i32) -> (i32, i32) {
    %c0_i32 = arith.constant 0 : i32
    %c0_i32_0 = arith.constant 0 : i32
    %c0_i32_1 = arith.constant 0 : i32
    return %c0_i32, %c0_i32_0 : i32, i32
  }
  func.func @transform_8(%arg0: i32) -> (i32, i32) {
    %c0_i32 = arith.constant 0 : i32
    %c0_i32_0 = arith.constant 0 : i32
    return %arg0, %c0_i32 : i32, i32
  }
  func.func @transform_9(%arg0: i32) -> (i32, i32) {
    %c0_i32 = arith.constant 0 : i32
    %c0_i32_0 = arith.constant 0 : i32
    return %arg0, %c0_i32 : i32, i32
  }
  func.func @transform_10(%arg0: i32) -> (i32, i32) {
    %c0_i32 = arith.constant 0 : i32
    %c0_i32_0 = arith.constant 0 : i32
    return %arg0, %c0_i32 : i32, i32
  }
  func.func @transform_11(%arg0: i32) -> (i32, i32) {
    %c0_i32 = arith.constant 0 : i32
    %c0_i32_0 = arith.constant 0 : i32
    return %arg0, %c0_i32 : i32, i32
  }
}

module attributes {stable_mosaic.version = 14 : i64} {
  func.func @_final_body(%arg0: i32, %arg1: memref<400x768xf32, #tpu.memory_space<vmem>>, %arg2: memref<400x16xf32, #tpu.memory_space<vmem>>, %arg3: memref<400x6xf32, #tpu.memory_space<vmem>>, %arg4: memref<400x768xf32, #tpu.memory_space<vmem>>, %arg5: memref<1x768xf32, #tpu.memory_space<vmem>>, %arg6: memref<400x121xf32, #tpu.memory_space<vmem>>) attributes {dimension_semantics = [#tpu.dimension_semantics<arbitrary>], iteration_bounds = array<i64: 25>, scalar_prefetch = 0 : i64, scratch_operands = 0 : i64, tpu.core_type = #tpu.core_type<tc>, window_params = [{transform_indices = @transform_0, window_bounds = array<i64: 400, 768>}, {transform_indices = @transform_1, window_bounds = array<i64: 400, 16>}, {transform_indices = @transform_2, window_bounds = array<i64: 400, 6>}, {transform_indices = @transform_3, window_bounds = array<i64: 400, 768>}, {pipeline_mode = #tpu.pipeline_mode<synchronous>, transform_indices = @transform_4, window_bounds = array<i64: 1, 768>}, {transform_indices = @transform_5, window_bounds = array<i64: 400, 121>}]} {
    %get3A = arith.constant 0 : index
    %get3A_0 = arith.constant 0 : index
    %get3A_1 = vector.load %arg1[%get3A, %get3A_0] : memref<400x768xf32, #tpu.memory_space<vmem>>, vector<400x768xf32>
    %reshape3A = vector.shape_cast %get3A_1 : vector<400x768xf32> to vector<400x6x128xf32>
    %get3A_2 = arith.constant 0 : index
    %get3A_3 = arith.constant 0 : index
    %get3A_4 = vector.load %arg4[%get3A_2, %get3A_3] : memref<400x768xf32, #tpu.memory_space<vmem>>, vector<400x768xf32>
    %reshape3A_5 = vector.shape_cast %get3A_4 : vector<400x768xf32> to vector<400x6x128xf32>
    %get3A_6 = arith.constant 0 : index
    %get3A_7 = arith.constant 0 : index
    %get3A_8 = vector.load %arg3[%get3A_6, %get3A_7] : memref<400x6xf32, #tpu.memory_space<vmem>>, vector<400x6xf32>
    %broadcast_in_dim3A = vector.shape_cast %get3A_8 : vector<400x6xf32> to vector<400x6x1xf32>
    %get3A_9 = arith.constant 0 : index
    %get3A_10 = arith.constant 0 : index
    %get3A_11 = vector.load %arg2[%get3A_9, %get3A_10] : memref<400x16xf32, #tpu.memory_space<vmem>>, vector<400x16xf32>
    %slice3A = vector.extract_strided_slice %get3A_11 {offsets = [0, 0], sizes = [400, 6], strides = [1, 1]} : vector<400x16xf32> to vector<400x6xf32>
    %broadcast_in_dim3A_12 = vector.shape_cast %slice3A : vector<400x6xf32> to vector<400x6x1xf32>
    %mul3A = vector.broadcast %broadcast_in_dim3A : vector<400x6x1xf32> to vector<400x6x128xf32>
    %mul3A_13 = arith.mulf %mul3A, %reshape3A_5 : vector<400x6x128xf32>
    %add3A = arith.addf %reshape3A, %mul3A_13 : vector<400x6x128xf32>
    %add3A_14 = arith.addf %broadcast_in_dim3A_12, %broadcast_in_dim3A : vector<400x6x1xf32>
    %add3A_15 = arith.constant 1.000000e-16 : f32
    %add3A_16 = vector.broadcast %add3A_15 : f32 to vector<400x6x1xf32>
    %add3A_17 = arith.addf %add3A_14, %add3A_16 : vector<400x6x1xf32>
    %div3A = vector.broadcast %add3A_17 : vector<400x6x1xf32> to vector<400x6x128xf32>
    %div3A_18 = arith.divf %add3A, %div3A : vector<400x6x128xf32>
    %get3A_19 = arith.constant 0 : index
    %get3A_20 = arith.constant 0 : index
    %get3A_21 = vector.load %arg5[%get3A_19, %get3A_20] : memref<1x768xf32, #tpu.memory_space<vmem>>, vector<1x768xf32>
    %reshape3A_22 = vector.shape_cast %get3A_21 : vector<1x768xf32> to vector<1x6x128xf32>
    %add3A_23 = vector.broadcast %reshape3A_22 : vector<1x6x128xf32> to vector<400x6x128xf32>
    %add3A_24 = arith.addf %div3A_18, %add3A_23 : vector<400x6x128xf32>
    %reduce_sum3A = arith.constant dense<0.000000e+00> : vector<400x128xf32>
    %reduce_sum3A_25 = vector.multi_reduction <add>, %add3A_24, %reduce_sum3A [1] : vector<400x6x128xf32> to vector<400x128xf32>
    %div3A_26 = arith.constant 6.000000e+00 : f32
    %div3A_27 = vector.broadcast %div3A_26 : f32 to vector<400x128xf32>
    %div3A_28 = arith.divf %reduce_sum3A_25, %div3A_27 : vector<400x128xf32>
    %slice3A_29 = vector.extract_strided_slice %div3A_28 {offsets = [0, 0], sizes = [400, 121], strides = [1, 1]} : vector<400x128xf32> to vector<400x121xf32>
    %swap3A = arith.constant 0 : index
    %swap3A_30 = arith.constant 0 : index
    %swap3A_31 = vector.load %arg6[%swap3A, %swap3A_30] : memref<400x121xf32, #tpu.memory_space<vmem>>, vector<400x121xf32>
    tpu.vector_store %arg6[%swap3A, %swap3A_30], %slice3A_29 {strides = array<i32>} : memref<400x121xf32, #tpu.memory_space<vmem>>, vector<400x121xf32>,
    return
  }
  func.func @transform_0(%arg0: i32) -> (i32, i32) {
    %c0_i32 = arith.constant 0 : i32
    %c0_i32_0 = arith.constant 0 : i32
    return %arg0, %c0_i32 : i32, i32
  }
  func.func @transform_1(%arg0: i32) -> (i32, i32) {
    %c0_i32 = arith.constant 0 : i32
    %c0_i32_0 = arith.constant 0 : i32
    return %arg0, %c0_i32 : i32, i32
  }
  func.func @transform_2(%arg0: i32) -> (i32, i32) {
    %c0_i32 = arith.constant 0 : i32
    %c0_i32_0 = arith.constant 0 : i32
    return %arg0, %c0_i32 : i32, i32
  }
  func.func @transform_3(%arg0: i32) -> (i32, i32) {
    %c0_i32 = arith.constant 0 : i32
    %c0_i32_0 = arith.constant 0 : i32
    return %arg0, %c0_i32 : i32, i32
  }
  func.func @transform_4(%arg0: i32) -> (i32, i32) {
    %c0_i32 = arith.constant 0 : i32
    %c0_i32_0 = arith.constant 0 : i32
    %c0_i32_1 = arith.constant 0 : i32
    return %c0_i32, %c0_i32_0 : i32, i32
  }
  func.func @transform_5(%arg0: i32) -> (i32, i32) {
    %c0_i32 = arith.constant 0 : i32
    %c0_i32_0 = arith.constant 0 : i32
    return %arg0, %c0_i32 : i32, i32
  }
}

</mosaic_0001>

<sc_bundles>
// kernel: gather_offload_async_start.1
scs
__scs_entry_jumppad:
0x0: {  	(pc) =	sbr.rel $0x88, $3  }
0x1: {  	(tag) =	ssettag $0x0;
	lr =	simm.s32 $0x1  }
0x2: {  	[smem:$0x3F93] =	sst lr;
	_ =	strace $0xD0000000  }
0x3: {  	_ = 	snop  }
0x4: {  	_ = 	snop  }
0x5: {  	_ = 	snop  }
0x6: {  	_ = 	snop  }
0x7: {  	_ = 	snop  }
__scs_overlays_trampoline_lowered:
0x8: {  	[smem:$0x3FA2] =	sst s0  }
0x9: {  	[smem:$0x3FA3] =	sst s1  }
0xa: {  	[smem:$0x3FA4] =	sst s2  }
0xb: {  	[smem:$0x3FA5] =	sst s3  }
0xc: {  	[smem:$0x3FA6] =	sst s4  }
0xd: {  	[smem:$0x3FA7] =	sst s5  }
0xe: {  	[smem:$0x3FA8] =	sst s6  }
0xf: {  	[smem:$0x3FA9] =	sst s7  }
0x10: {  	[smem:$0x3FAA] =	sst s8  }
0x11: {  	[smem:$0x3FAB] =	sst s9;
	s0 =	simm.s32 @!p0 $0x0  }
0x12: {  	s1 =	sld [smem:$0x3F91];
	s0 =	simm.s32 @p0 $0x1  }
0x13: {  	[smem:$0x3FAC] =	sst s0;
	s0 =	simm.s32 @!p1 $0x0  }
0x14: {  	s2 =	sld [smem:$0x3F90];
	s0 =	simm.s32 @p1 $0x1  }
0x15: {  	[smem:$0x3FAD] =	sst s0;
	s0 =	simm.s32 @!p2 $0x0  }
0x16: {  	s3 =	sld [smem:$0x3FDB];
	s0 =	simm.s32 @p2 $0x1  }
0x17: {  	s4 =	simm.s32 $0x1BF5;
	[smem:$0x3FAF] =	sst s0  }
0x18: {  	s0 =	sld [smem:$0x3F92];
	_ =	swait.ge [sflag:s4], $0x0  }
0x19: {  	s7 =	sld [smem:$0x3F93]  }
0x1a: {  	s8 =	sadd.s32 $0xFFFFE003, lr  }
0x1b: {  	s9 =	sadd.s32 $0xFFFFFEF7, lr;
	s5 =	simm.s32 $0xFFFFFFFF;
	p2 =	slt.u32 s8, $0xFFFFF086  }
0x1c: {  	p1 =	slt.u32 s9, $0xF7A;
	s5 =	simm.s32 @!p2 $0x0  }
0x1d: {  	s5 =	simm.s32 @p1 $0x1;
	p0 =	seq.s32 s7, s2  }
0x1e: {  	s7 =	smul.u32 @!p0 $0xF7A, s2;
	p2 =	seq.s32 @!p0 s5, $0x0  }
0x1f: {  	s9 =	smul.u32 $0xF7A, s1;
	s8 =	simm.s32 @!p0 $0x1BF5;
	p2 =	por !p2, p0  }
0x20: {  	[sflag:s8] =	ssyncset.s32 @!p0 $0xFFFFF086;
	s6 =	sadd.s32 @!p0 s3, s7;
	s7 =	simm.s32 @!p0 $0x108  }
0x21: {  	s3 =	sadd.s32 s3, s9;
	s6 =	sadd.s32 @!p0 $0x88, s6;
	s7 =	simm.s32 @p2 $0x1082  }
0x22: {  	[simem:s7], [sflag:s8] =	dma.local @!p0 [hbm:s6], $0xF7A  }
0x23: {  	s9 =	sor.u32 $0xD0000000, s2;
	s6 =	simm.s32 $0x108;
	_ =	swait.ge @!p0 [sflag:s8], $0x0  }
0x24: {  	s3 =	sadd.s32 $0x88, s3;
	s6 =	simm.s32 @!p1 $0x1082;
	[sflag:s4] =	ssyncset.s32 $0xFFFFF086  }
0x25: {  	[simem:s6], [sflag:s4] =	dma.local [hbm:s3], $0xF7A  }
0x26: {  	[smem:$0x3F93] =	sst s1;
	(tag) =	ssettag s2;
	_ =	strace s9  }
0x27: {  	s1 =	sld [smem:$0x3FA3]  }
0x28: {  	s2 =	sld [smem:$0x3FA4]  }
0x29: {  	s4 =	sld [smem:$0x3FA6]  }
0x2a: {  	p0 =	seq.s32 s5, $0x0;
	s5 =	sld [smem:$0x3FA7]  }
0x2b: {  	s6 =	sld [smem:$0x3FA8]  }
0x2c: {  	s7 =	sld [smem:$0x3FA9]  }
0x2d: {  	s3 =	simm.s32 $0x108;
	s8 =	sld [smem:$0x3FAA]  }
0x2e: {  	s3 =	simm.s32 @!p0 $0x1082;
	s9 =	sld [smem:$0x3FAB]  }
0x2f: {  	lr =	sadd.s32 s0, s3;
	s0 =	sld [smem:$0x3FA2]  }
0x30: {  	s3 =	sld [smem:$0x3FA5]  }
0x31: {  	[smem:$0x3FAE] =	sst s10  }
0x32: {  	s10 =	sld [smem:$0x3FAC];
	_ =	sdelay $0x3  }
0x33: {  	p0 =	seq.s32 s10, $0x1;
	s10 =	sld [smem:$0x3FAE];
	_ =	sdelay $0x3  }
0x34: {  	[smem:$0x3FAE] =	sst s10  }
0x35: {  	s10 =	sld [smem:$0x3FAD];
	_ =	sdelay $0x3  }
0x36: {  	p1 =	seq.s32 s10, $0x1;
	s10 =	sld [smem:$0x3FAE];
	_ =	sdelay $0x3  }
0x37: {  	[smem:$0x3FAE] =	sst s10  }
0x38: {  	s10 =	sld [smem:$0x3FAF]  }
0x39: {  	_ = 	snop;
	(pc) =	sbr.ind lr, $3  }
0x3a: {  	_ = 	snop  }
0x3b: {  	_ = 	snop  }
0x3c: {  	p2 =	seq.s32 s10, $0x1;
	s10 =	sld [smem:$0x3FAE]  }
0x3d: {  	_ =	shalt  }
0x3e: {  	_ =	shalt  }
0x3f: {  	_ =	shalt  }
0x40: {  	_ =	shalt  }
0x41: {  	_ =	shalt  }
0x42: {  	_ =	shalt  }
0x43: {  	_ =	shalt  }
0x44: {  	_ =	shalt  }
0x45: {  	_ =	shalt  }
0x46: {  	_ =	shalt  }
0x47: {  	_ =	shalt  }
0x48: {  	_ =	shalt  }
0x49: {  	_ =	shalt  }
0x4a: {  	_ =	shalt  }
0x4b: {  	_ =	shalt  }
0x4c: {  	_ =	shalt  }
0x4d: {  	_ =	shalt  }
0x4e: {  	_ =	shalt  }
0x4f: {  	_ =	shalt  }
0x50: {  	_ =	shalt  }
0x51: {  	_ =	shalt  }
0x52: {  	_ =	shalt  }
0x53: {  	_ =	shalt  }
0x54: {  	_ =	shalt  }
0x55: {  	_ =	shalt  }
0x56: {  	_ =	shalt  }
0x57: {  	_ =	shalt  }
0x58: {  	_ =	shalt  }
0x59: {  	_ =	shalt  }
0x5a: {  	_ =	shalt  }
0x5b: {  	_ =	shalt  }
0x5c: {  	_ =	shalt  }
0x5d: {  	_ =	shalt  }
0x5e: {  	_ =	shalt  }
0x5f: {  	_ =	shalt  }
0x60: {  	_ =	shalt  }
0x61: {  	_ =	shalt  }
0x62: {  	_ =	shalt  }
0x63: {  	_ =	shalt  }
0x64: {  	_ =	shalt  }
0x65: {  	_ =	shalt  }
0x66: {  	_ =	shalt  }
0x67: {  	_ =	shalt  }
0x68: {  	_ =	shalt  }
0x69: {  	_ =	shalt  }
0x6a: {  	_ =	shalt  }
0x6b: {  	_ =	shalt  }
0x6c: {  	_ =	shalt  }
0x6d: {  	_ =	shalt  }
0x6e: {  	_ =	shalt  }
0x6f: {  	_ =	shalt  }
0x70: {  	_ =	shalt  }
0x71: {  	_ =	shalt  }
0x72: {  	_ =	shalt  }
0x73: {  	_ =	shalt  }
0x74: {  	_ =	shalt  }
0x75: {  	_ =	shalt  }
0x76: {  	_ =	shalt  }
0x77: {  	_ =	shalt  }
0x78: {  	_ =	shalt  }
0x79: {  	_ =	shalt  }
0x7a: {  	_ =	shalt  }
0x7b: {  	_ =	shalt  }
0x7c: {  	_ =	shalt  }
0x7d: {  	_ =	shalt  }
0x7e: {  	_ =	shalt  }
0x7f: {  	_ =	shalt  }
0x80: {  	_ =	shalt  }
0x81: {  	_ =	shalt  }
0x82: {  	_ =	shalt  }
0x83: {  	_ =	shalt  }
0x84: {  	_ =	shalt  }
0x85: {  	_ =	shalt  }
0x86: {  	_ =	shalt  }
0x87: {  	_ =	shalt  }
.Lfunc_end0:
.L_simem_size_0:
called_computation.1_lowered:
.L_overlay_start_0:
0x88: {  	s2 =	sld [smem:$0x3FD9]  }
0x89: {  	s3 =	sld [smem:$0x3FFE];
	_ =	sdelay $0x1  }
0x8a: {  	s1 =	srdreg.scid  }
0x8b: {  	s0 =	sand.u32 $0x1, s1  }
0x8c: {  	s16 =	sshll.u32 s0, $0xA;
	s2 =	sadd.s32 s3, s2  }
0x8d: {  	s2 =	sadd.s32 s2, s16  }
0x8e: {  	[smem:$0x3FBA] =	sst s2  }
0x8f: {  	_ = 	snop  }
0x90: {  	(tm) =	ssettm $0x1  }
0x91: {  	s17 =	sld [smem:$0x3FFB];
	_ =	sdelay $0x3  }
0x92: {  	_ =	strace s17  }
0x93: {  	s2 =	sld [smem:$0x3FFC];
	_ =	sdelay $0x3  }
0x94: {  	_ =	strace s2  }
0x95: {  	s2 =	sld [smem:$0x3FFD];
	_ =	sdelay $0x3  }
0x96: {  	_ =	strace s2  }
0x97: {  	_ =	strace $0x8FFFFFFF  }
0x98: {  	s18 =	sld [smem:$0x3FDB];
	_ =	sdelay $0x1  }
0x99: {  	s19 =	simm.s32 $_scs_section_size  }
0x9a: {  	s4 =	simm.s32 $_size__tile_overlayer_lowered;
	s5 =	simm.s32 $_tile_overlayer_lowered  }
0x9b: {  	s22 =	simm.s32 $0x1BFF;
	s21 =	sshll.u32 s5, $0x1;
	s2 =	sadd.s32 s19, s18  }
0x9c: {  	s6 =	simm.s32 $0x0;
	s20 =	sshll.u32 s4, $0x1;
	s4 =	sadd.s32 s21, s2  }
0x9d: {  	[timem:s6], [sflag:s22] =	dma.local [hbm:s4], s20  }
0x9e: {  	_ =	swait.ge [sflag:s22], s20  }
0x9f: {  	s3 =	ssub.s32 $0x0, s20;
	[sflag:s22] =	ssyncset.done $0x0  }
0xa0: {  	[sflag:s22] =	ssyncadd.s32 s3;
	_ =	sdelay $0x1  }
0xa1: {  	s23 =	simm.s32 $0x1B8B  }
0xa2: {  	_ =	swait.ge [sflag:s23], $0x1  }
0xa3: {  	[sflag:s23] =	ssyncset.done $0x0  }
0xa4: {  	s25 =	simm.s32 $0x1B8E;
	s24 =	sld [smem:$0x3FFE];
	[sflag:s23] =	ssyncadd.s32 $0xFFFFFFFF  }
0xa5: {  	s26 =	simm.s32 $execute0_lowered;
	[smem:$0x3FD2] =	sst s25  }
0xa6: {  	s4 =	sshll.u32 s26, $0x1;
	_ =	strace $0x80000046;
	[dreg:$0x1] =	wrdreg $0xFFFFFFFF  }
0xa7: {  	s28 =	simm.s32 $_size_execute0_lowered;
	s2 =	sadd.s32 s2, s4;
	[dreg:$0x0] =	wrdreg $0x0  }
0xa8: {  	s4 =	sshll.u32 s28, $0x1;
	[dreg:$0x2] =	wrdreg s2  }
0xa9: {  	[dreg:$0x3] =	wrdreg s4  }
0xaa: {  	[dreg:$0x4] =	wrdreg $0xC0  }
0xab: {  	_ =	task [dreg:s6], $0x5FFFF  }
0xac: {  	[dreg:$0x1] =	wrdreg $0xFFFFFFFF  }
0xad: {  	[dreg:$0x0] =	wrdreg $0x60  }
0xae: {  	[dreg:$0x2] =	wrdreg s24  }
0xaf: {  	[dreg:$0x3] =	wrdreg $0xA  }
0xb0: {  	_ =	task.clear_ibuf [dreg:s6], $0x4FFFF;
	_ =	strace $0x90000046  }
0xb1: {  	s29 =	simm.s32 $0xA;
	_ =	strace $0x80000048  }
0xb2: {  	_ =	swait.ge [sflag:s29], $0x1  }
0xb3: {  	[sflag:s29] =	ssyncadd.s32 $0xFFFFFFFF  }
0xb4: {  	_ =	strace $0x90000048  }
0xb5: {  	_ =	sfence  }
0xb6: {  	s30 =	sld [smem:$0x0];
	_ =	sdelay $0x2  }
0xb7: {  	s31 =	sshll.u32 s1, $0xD;
	s1 =	sshrl.u32 s1, $0x2  }
0xb8: {  	s3 =	sand.u32 $0x4000, s31;
	s1 =	sadd.s32 s1, s30  }
0xb9: {  	s0 =	sor.u32 s3, s0;
	s1 =	sshll.u32 s1, $0x11  }
0xba: {  	s0 =	sor.u32 s1, s0  }
0xbb: {  	s0 =	sadd.s32 $0x8F2B, s0  }
0xbc: {  	[sflag:s0] =	ssyncadd.remote.s32 $0x1  }
0xbd: {  	_ =	sfence.sel $0xFFFF  }
0xbe: {  	[dreg:$0x0] =	wrdreg $0xFFFFFFFF;
	(pc) =	sbr.abs _section_cstart, $3  }
0xbf: {  	[dreg:$0x1] =	wrdreg $0xFFFFFFFF  }
0xc0: {  	_ =	task.clear_ibuf [dreg:s6], $0x2FFFF;
	_ =	strace $0x9FFFFFFF  }
0xc1: {  	(tm) =	ssettm $0x7FFFFFFF  }
tec
execute0_lowered:
.L_overlay_start_1:
0x0: {  	(tag) =	ssettag $0x1  }
0x1: {  	s8 =	rddreg [dreg:$0x0]  }
0x2: {  	s0 =	rddreg [dreg:$0x1];
	_ =	strace $0x80000047;
	s1 =	stileid.u32  }
0x3: {  	s3 =	srdreg.scid;
	s4 =	simm.s32 $0x1;
	s7 =	simm.s32 $0x1  }
0x4: {  	s9 =	simm.s32 $0x1;
	s10 =	simm.s32 $0x3;
	s13 =	simm.s32 $0x0  }
0x5: {  	s12 =	simm.s32 $0x0;
	s5 =	sand.u32 $0x1, s3;
	s6 =	sshll.u32 s1, $0x1  }
0x6: {  	s2 =	sadd.s32 $0xF200, s8;
	s3 =	sadd.s32 $0x19000, s8;
	s5 =	sor.u32 s6, s5  }
.Ltmp0:
0x7: {  	[sflag:s4] =	ssyncpa.u1 $0x0;
	p0 =	slt.u32 s5, $0x9;
	(pc) =	sbr.rel .LBB2_1-.Ltmp0, $4  }
0x8: {  	s6 =	simm.s32 $0x2;
	s7 =	simm.s32 @!p0 $0x0;
	p0 =	sne.s32 s5, $0x8  }
0x9: {  	[sflag:s6] =	ssyncpa.u1 $0x0;
	s5 =	smul.u32 $0x1F40, s5;
	s9 =	simm.s32 @!p0 $0x0  }
0xa: {  	s8 =	sadd.s32 $0x1A9C00, s8;
	[sflag:s10] =	ssyncpa.u1 $0x0;
	s7 =	sadd.s32 s9, s7  }
0xb: {  	vm0 =	vmmov $0xffff;
	s10 =	simm.s32 $0x0;
	s11 =	smov.u32 s5;
	s9 =	sadd.s32 $0x1, s7  }
.LBB2_4:
0xc: {  	v2 =	vnsel vm1, $0x0, v2  }
0xd: {  	vm1 =	vgt.s32 v0, $0x0;
	v2 =	vmin.u32 v2, $0x4E1FF  }
0xe: {  	v0 =	vnsel vm1, $0x0, v0  }
0xf: {  	v0 =	vmin.u32 v0, $0x4E1FF  }
0x10: {  	[tilespmem:s18], [sflag:$0x1] =	stream.indirect_vreg.gather [hbm4b:s2+s10], $0x1, v1, vm0, $0x4038;
	[tilespmem:$0x7D00] =	vst v63  }
0x11: {  	(ifvalue) =	ssetifvalue $0x7FFFFFFF  }
0x12: {  	[tilespmem:s15], [sflag:$0x1] =	stream.indirect_vreg.gather [hbm4b:s2+s10], $0x1, v2, vm0, $0x4038;
	[tilespmem:$0x7D00] =	vst v63  }
0x13: {  	s29 =	sadd.s32 $0x10, s15;
	(ifvalue) =	ssetifvalue $0x7FFFFFFF  }
0x14: {  	[tilespmem:s29], [sflag:$0x1] =	stream.indirect_vreg.gather [hbm4b:s2+s10], $0x1, v0, vm0, $0x4038;
	[tilespmem:$0x7D00] =	vst v63  }
0x15: {  	_ =	swait.ge [sflag:s4], $0x1F40  }
0x16: {  	s30 =	sshrl.u32 s13, $0x3;
	[sflag:s4] =	ssyncset.done $0x0  }
0x17: {  	s31 =	sand.u32 $0x7, s13;
	s15 =	sadd.s32 s8, s30;
	[sflag:s4] =	ssyncadd.s32 $0xFFFFE0C0  }
0x18: {  	[hbm4b:s15+s31] =	stream.linear.scatter [tilespmem:s14], [sflag:$0x3], $0x1F40, $0x38;
	[tilespmem:$0x7D00] =	vst v63  }
.LBB2_5:
0x19: {  	s15 =	sadd.s32 $0x3E800, s11  }
0x1a: {  	p1 =	sgt.s32 s15, $0x4E1FF  }
0x1b: {  	s15 =	smov.u32 @p1 s5;
	p1 =	sne.s32 s12, s9  }
.Ltmp1:
0x1c: {  	p0 =	slt.u32 s12, $0x2;
	(pc) =	sbr.rel @!p1 .LBB2_6-.Ltmp1, $4  }
0x1d: {  	s14 =	simm.s32 @!p0 $0x3  }
0x1e: {  	_ =	swait.ge @!p0 [sflag:s14], $0x1F40  }
0x1f: {  	s16 =	sadd.s32 $0x1, s12;
	s13 =	smov.u32 s11;
	[sflag:s14] =	ssyncset.done @!p0 $0x0  }
0x20: {  	s12 =	smov.u32 s16;
	s11 =	smov.u32 s15;
	[sflag:s14] =	ssyncadd.s32 @!p0 $0xFFFFE0C0  }
.LBB2_1:
0x21: {  	p0 =	sge.u32 s12, s7  }
0x22: {  	s14 =	sxor.u32 @!p0 $0x1, s12  }
0x23: {  	s14 =	smul.u32 @!p0 $0x7D00, s14  }
0x24: {  	s31 =	sadd.s32 $0xFFFFFFFF, s12;
	s15 =	sshrl.u32 @!p0 s11, $0x3  }
0x25: {  	s16 =	sand.u32 @!p0 $0x7, s11;
	s15 =	sadd.s32 @!p0 s3, s15;
	s14 =	sshra.s32 @!p0 s14, $0x2  }
0x26: {  	[tilespmem:s14], [sflag:$0x2] =	stream.linear.gather @!p0 [hbm4b:s15+s16], $0x1F40, $0x38;
	[tilespmem:$0x7D00] =	vst v63  }
0x27: {  	p0 =	sge.u32 s31, s7  }
.Ltmp2:
0x28: {  	_ = 	snop;
	(pc) =	sbr.rel @p0 .LBB2_5-.Ltmp2, $1  }
0x29: {  	_ =	sdelay $0x3  }
0x2a: {  	s14 =	sand.u32 $0x1, s12  }
0x2b: {  	_ =	swait.ge [sflag:s6], $0x1F40;
	p0 =	seq.s32 s14, $0x1;
	s14 =	simm.s32 $0x1F40  }
0x2c: {  	[sflag:s6] =	ssyncset.done $0x0;
	s14 =	simm.s32 @!p0 $0x0  }
0x2d: {  	[sflag:s6] =	ssyncadd.s32 $0xFFFFE0C0;
	(ifvalue) =	ssetifvalue $0x7FFFFFFF;
	v0 =	vld.msk [tilespmem:s14+$0x0 ss:$0x1], $0xffff;
	_ =	sdelay $0x4  }
0x2e: {  	s15 =	sadd.s32 $0x10, s14;
	vm1 =	vgt.s32 v0, $0x0  }
0x2f: {  	v2 =	vld.msk [tilespmem:s15+$0x0 ss:$0x1], $0xffff;
	v1 =	vnsel vm1, $0x0, v0  }
0x30: {  	v1 =	vmin.u32 v1, $0x4E1FF;
	_ =	sdelay $0x2  }
0x31: {  	s17 =	simm.s32 $0x20;
	s14 =	sadd.s32 $0x3E80, s14;
	s16 =	sadd.s32 $0x10, s15  }
0x32: {  	s15 =	sadd.s32 $0x10, s14;
	s18 =	smov.u32 s14;
	v0 =	vld.msk [tilespmem:s16+$0x0 ss:$0x1], $0xffff;
	vm1 =	vgt.s32 v2, $0x0;
	(ifvalue) =	ssetifvalue $0x7FFFFFFF  }
.LBB2_3:
0x33: {  	[tilespmem:s18], [sflag:$0x1] =	stream.indirect_vreg.gather [hbm4b:s2+s10], $0x1, v1, vm0, $0x4038;
	[tilespmem:$0x7D00] =	vst v63  }
0x34: {  	s17 =	sadd.s32 $0x10, s17  }
0x35: {  	v2 =	vnsel vm1, $0x0, v2;
	p0 =	slt.u32 s17, $0x1F30  }
.Ltmp3:
0x36: {  	s18 =	smov.u32 s15;
	v1 =	vmin.u32 v2, $0x4E1FF;
	(pc) =	sbr.rel @p0 .LBB2_3-.Ltmp3, $3  }
0x37: {  	_ =	sdelay $0x1  }
0x38: {  	s16 =	sadd.s32 $0x10, s16  }
0x39: {  	vm1 =	vgt.s32 v0, $0x0;
	s15 =	sadd.s32 $0x10, s15;
	v2 =	vmov v0;
	(ifvalue) =	ssetifvalue $0x7FFFFFFF;
	v0 =	vld.msk [tilespmem:s16+$0x0 ss:$0x1], $0xffff  }
.Ltmp4:
0x3a: {  	_ = 	snop;
	(pc) =	sbr.rel .LBB2_4-.Ltmp4, $1  }
0x3b: {  	_ =	sdelay $0x3  }
.LBB2_6:
0x3c: {  	_ =	sfence.sel $0x180000  }
0x3d: {  	s2 =	simm.s32 $0x2;
	[bflag:$0x0] =	sbarrier.arrive $0xFFFF  }
0x3e: {  	s30 =	simm.s32 $0x3;
	[sflag:s2] =	ssyncpa.u1 $0x1  }
0x3f: {  	s31 =	simm.s32 $0x1;
	[sflag:s30] =	ssyncpa.u1 $0x1  }
0x40: {  	[sflag:s31] =	ssyncpa.u1 $0x1  }
0x41: {  	p0 =	sne.s32 s1, $0x0;
	_ =	strace $0x90000047  }
0x42: {  	s0 =	sadd.s32 @!p0 $0x100000, s0;
	[bflag:$0x2] =	sbarrier.arrive $0xFFFF  }
0x43: {  	[sflag:s0] =	ssyncadd.tile.s32 @!p0 $0x1;
	_ =	shalt  }
.Lfunc_end2:
_tile_overlayer_lowered:
.L_overlay_start_2:
0x44: {  	(tag) =	ssettag $0x2  }
0x45: {  	s0 =	rddreg [dreg:$0x0];
	s2 =	stileid.u32  }
0x46: {  	s1 =	rddreg [dreg:$0x1];
	p0 =	sne.s32 s2, $0x0  }
0x47: {  	s3 =	rddreg [dreg:$0x2];
	[bflag:$0x3] =	sbarrier.arrive $0xFFFF;
	s2 =	simm.s32 @!p0 $0x1C01  }
0x48: {  	[timem:s3], [sflag:s2] =	dma.local @!p0 [hbm:s0], s1  }
0x49: {  	s0 =	simm.s32 @!p0 $0x1  }
0x4a: {  	_ =	swait.ge @!p0 [sflag:s0], s1  }
0x4b: {  	s1 =	ssub.s32 @!p0 $0x0, s1;
	[sflag:s0] =	ssyncset.done @!p0 $0x0  }
0x4c: {  	[sflag:s0] =	ssyncadd.s32 @!p0 s1  }
0x4d: {  	[bflag:$0x3] =	sbarrier.arrive $0xFFFF  }
0x4e: {  	_ =	shalt  }

// kernel: gather_offload_async_start
scs
__scs_entry_jumppad:
0x0: {  	(pc) =	sbr.rel $0x88, $3  }
0x1: {  	(tag) =	ssettag $0x0;
	lr =	simm.s32 $0x1  }
0x2: {  	[smem:$0x3F93] =	sst lr;
	_ =	strace $0xD0000000  }
0x3: {  	_ = 	snop  }
0x4: {  	_ = 	snop  }
0x5: {  	_ = 	snop  }
0x6: {  	_ = 	snop  }
0x7: {  	_ = 	snop  }
__scs_overlays_trampoline_lowered:
0x8: {  	[smem:$0x3FA2] =	sst s0  }
0x9: {  	[smem:$0x3FA3] =	sst s1  }
0xa: {  	[smem:$0x3FA4] =	sst s2  }
0xb: {  	[smem:$0x3FA5] =	sst s3  }
0xc: {  	[smem:$0x3FA6] =	sst s4  }
0xd: {  	[smem:$0x3FA7] =	sst s5  }
0xe: {  	[smem:$0x3FA8] =	sst s6  }
0xf: {  	[smem:$0x3FA9] =	sst s7  }
0x10: {  	[smem:$0x3FAA] =	sst s8  }
0x11: {  	[smem:$0x3FAB] =	sst s9;
	s0 =	simm.s32 @!p0 $0x0  }
0x12: {  	s1 =	sld [smem:$0x3F91];
	s0 =	simm.s32 @p0 $0x1  }
0x13: {  	[smem:$0x3FAC] =	sst s0;
	s0 =	simm.s32 @!p1 $0x0  }
0x14: {  	s2 =	sld [smem:$0x3F90];
	s0 =	simm.s32 @p1 $0x1  }
0x15: {  	[smem:$0x3FAD] =	sst s0;
	s0 =	simm.s32 @!p2 $0x0  }
0x16: {  	s3 =	sld [smem:$0x3FDB];
	s0 =	simm.s32 @p2 $0x1  }
0x17: {  	s4 =	simm.s32 $0x1BF5;
	[smem:$0x3FAF] =	sst s0  }
0x18: {  	s0 =	sld [smem:$0x3F92];
	_ =	swait.ge [sflag:s4], $0x0  }
0x19: {  	s7 =	sld [smem:$0x3F93]  }
0x1a: {  	s8 =	sadd.s32 $0xFFFFE003, lr  }
0x1b: {  	s9 =	sadd.s32 $0xFFFFFEF7, lr;
	s5 =	simm.s32 $0xFFFFFFFF;
	p2 =	slt.u32 s8, $0xFFFFF086  }
0x1c: {  	p1 =	slt.u32 s9, $0xF7A;
	s5 =	simm.s32 @!p2 $0x0  }
0x1d: {  	s5 =	simm.s32 @p1 $0x1;
	p0 =	seq.s32 s7, s2  }
0x1e: {  	s7 =	smul.u32 @!p0 $0xF7A, s2;
	p2 =	seq.s32 @!p0 s5, $0x0  }
0x1f: {  	s9 =	smul.u32 $0xF7A, s1;
	s8 =	simm.s32 @!p0 $0x1BF5;
	p2 =	por !p2, p0  }
0x20: {  	[sflag:s8] =	ssyncset.s32 @!p0 $0xFFFFF086;
	s6 =	sadd.s32 @!p0 s3, s7;
	s7 =	simm.s32 @!p0 $0x108  }
0x21: {  	s3 =	sadd.s32 s3, s9;
	s6 =	sadd.s32 @!p0 $0x88, s6;
	s7 =	simm.s32 @p2 $0x1082  }
0x22: {  	[simem:s7], [sflag:s8] =	dma.local @!p0 [hbm:s6], $0xF7A  }
0x23: {  	s9 =	sor.u32 $0xD0000000, s2;
	s6 =	simm.s32 $0x108;
	_ =	swait.ge @!p0 [sflag:s8], $0x0  }
0x24: {  	s3 =	sadd.s32 $0x88, s3;
	s6 =	simm.s32 @!p1 $0x1082;
	[sflag:s4] =	ssyncset.s32 $0xFFFFF086  }
0x25: {  	[simem:s6], [sflag:s4] =	dma.local [hbm:s3], $0xF7A  }
0x26: {  	[smem:$0x3F93] =	sst s1;
	(tag) =	ssettag s2;
	_ =	strace s9  }
0x27: {  	s1 =	sld [smem:$0x3FA3]  }
0x28: {  	s2 =	sld [smem:$0x3FA4]  }
0x29: {  	s4 =	sld [smem:$0x3FA6]  }
0x2a: {  	p0 =	seq.s32 s5, $0x0;
	s5 =	sld [smem:$0x3FA7]  }
0x2b: {  	s6 =	sld [smem:$0x3FA8]  }
0x2c: {  	s7 =	sld [smem:$0x3FA9]  }
0x2d: {  	s3 =	simm.s32 $0x108;
	s8 =	sld [smem:$0x3FAA]  }
0x2e: {  	s3 =	simm.s32 @!p0 $0x1082;
	s9 =	sld [smem:$0x3FAB]  }
0x2f: {  	lr =	sadd.s32 s0, s3;
	s0 =	sld [smem:$0x3FA2]  }
0x30: {  	s3 =	sld [smem:$0x3FA5]  }
0x31: {  	[smem:$0x3FAE] =	sst s10  }
0x32: {  	s10 =	sld [smem:$0x3FAC];
	_ =	sdelay $0x3  }
0x33: {  	p0 =	seq.s32 s10, $0x1;
	s10 =	sld [smem:$0x3FAE];
	_ =	sdelay $0x3  }
0x34: {  	[smem:$0x3FAE] =	sst s10  }
0x35: {  	s10 =	sld [smem:$0x3FAD];
	_ =	sdelay $0x3  }
0x36: {  	p1 =	seq.s32 s10, $0x1;
	s10 =	sld [smem:$0x3FAE];
	_ =	sdelay $0x3  }
0x37: {  	[smem:$0x3FAE] =	sst s10  }
0x38: {  	s10 =	sld [smem:$0x3FAF]  }
0x39: {  	_ = 	snop;
	(pc) =	sbr.ind lr, $3  }
0x3a: {  	_ = 	snop  }
0x3b: {  	_ = 	snop  }
0x3c: {  	p2 =	seq.s32 s10, $0x1;
	s10 =	sld [smem:$0x3FAE]  }
0x3d: {  	_ =	shalt  }
0x3e: {  	_ =	shalt  }
0x3f: {  	_ =	shalt  }
0x40: {  	_ =	shalt  }
0x41: {  	_ =	shalt  }
0x42: {  	_ =	shalt  }
0x43: {  	_ =	shalt  }
0x44: {  	_ =	shalt  }
0x45: {  	_ =	shalt  }
0x46: {  	_ =	shalt  }
0x47: {  	_ =	shalt  }
0x48: {  	_ =	shalt  }
0x49: {  	_ =	shalt  }
0x4a: {  	_ =	shalt  }
0x4b: {  	_ =	shalt  }
0x4c: {  	_ =	shalt  }
0x4d: {  	_ =	shalt  }
0x4e: {  	_ =	shalt  }
0x4f: {  	_ =	shalt  }
0x50: {  	_ =	shalt  }
0x51: {  	_ =	shalt  }
0x52: {  	_ =	shalt  }
0x53: {  	_ =	shalt  }
0x54: {  	_ =	shalt  }
0x55: {  	_ =	shalt  }
0x56: {  	_ =	shalt  }
0x57: {  	_ =	shalt  }
0x58: {  	_ =	shalt  }
0x59: {  	_ =	shalt  }
0x5a: {  	_ =	shalt  }
0x5b: {  	_ =	shalt  }
0x5c: {  	_ =	shalt  }
0x5d: {  	_ =	shalt  }
0x5e: {  	_ =	shalt  }
0x5f: {  	_ =	shalt  }
0x60: {  	_ =	shalt  }
0x61: {  	_ =	shalt  }
0x62: {  	_ =	shalt  }
0x63: {  	_ =	shalt  }
0x64: {  	_ =	shalt  }
0x65: {  	_ =	shalt  }
0x66: {  	_ =	shalt  }
0x67: {  	_ =	shalt  }
0x68: {  	_ =	shalt  }
0x69: {  	_ =	shalt  }
0x6a: {  	_ =	shalt  }
0x6b: {  	_ =	shalt  }
0x6c: {  	_ =	shalt  }
0x6d: {  	_ =	shalt  }
0x6e: {  	_ =	shalt  }
0x6f: {  	_ =	shalt  }
0x70: {  	_ =	shalt  }
0x71: {  	_ =	shalt  }
0x72: {  	_ =	shalt  }
0x73: {  	_ =	shalt  }
0x74: {  	_ =	shalt  }
0x75: {  	_ =	shalt  }
0x76: {  	_ =	shalt  }
0x77: {  	_ =	shalt  }
0x78: {  	_ =	shalt  }
0x79: {  	_ =	shalt  }
0x7a: {  	_ =	shalt  }
0x7b: {  	_ =	shalt  }
0x7c: {  	_ =	shalt  }
0x7d: {  	_ =	shalt  }
0x7e: {  	_ =	shalt  }
0x7f: {  	_ =	shalt  }
0x80: {  	_ =	shalt  }
0x81: {  	_ =	shalt  }
0x82: {  	_ =	shalt  }
0x83: {  	_ =	shalt  }
0x84: {  	_ =	shalt  }
0x85: {  	_ =	shalt  }
0x86: {  	_ =	shalt  }
0x87: {  	_ =	shalt  }
.Lfunc_end0:
.L_simem_size_0:
called_computation_lowered:
.L_overlay_start_0:
0x88: {  	s2 =	sld [smem:$0x3FD9]  }
0x89: {  	s3 =	sld [smem:$0x3FFE];
	_ =	sdelay $0x1  }
0x8a: {  	s1 =	srdreg.scid  }
0x8b: {  	s0 =	sand.u32 $0x1, s1  }
0x8c: {  	s17 =	sshll.u32 s0, $0xA;
	s2 =	sadd.s32 s3, s2  }
0x8d: {  	s2 =	sadd.s32 s2, s17  }
0x8e: {  	[smem:$0x3FBA] =	sst s2  }
0x8f: {  	_ = 	snop  }
0x90: {  	(tm) =	ssettm $0x1  }
0x91: {  	s18 =	sld [smem:$0x3FFB];
	_ =	sdelay $0x3  }
0x92: {  	_ =	strace s18  }
0x93: {  	s2 =	sld [smem:$0x3FFC];
	_ =	sdelay $0x3  }
0x94: {  	_ =	strace s2  }
0x95: {  	s2 =	sld [smem:$0x3FFD];
	_ =	sdelay $0x3  }
0x96: {  	_ =	strace s2  }
0x97: {  	_ =	strace $0x8FFFFFFF  }
0x98: {  	s19 =	sld [smem:$0x3FDB];
	_ =	sdelay $0x1  }
0x99: {  	s20 =	simm.s32 $_scs_section_size  }
0x9a: {  	s4 =	simm.s32 $_size__tile_overlayer_lowered;
	s5 =	simm.s32 $_tile_overlayer_lowered  }
0x9b: {  	s6 =	simm.s32 $0x1BFF;
	s21 =	sshll.u32 s5, $0x1;
	s3 =	sadd.s32 s20, s19  }
0x9c: {  	s22 =	simm.s32 $0x0;
	s4 =	sshll.u32 s4, $0x1;
	s5 =	sadd.s32 s21, s3  }
0x9d: {  	[timem:s22], [sflag:s6] =	dma.local [hbm:s5], s4  }
0x9e: {  	_ =	swait.ge [sflag:s6], s4  }
0x9f: {  	s4 =	ssub.s32 $0x0, s4;
	[sflag:s6] =	ssyncset.done $0x0  }
0xa0: {  	[sflag:s6] =	ssyncadd.s32 s4;
	_ =	sdelay $0x1  }
0xa1: {  	s23 =	simm.s32 $0x1B8B  }
0xa2: {  	_ =	swait.ge [sflag:s23], $0x1  }
0xa3: {  	[sflag:s23] =	ssyncset.done $0x0  }
0xa4: {  	[sflag:s23] =	ssyncadd.s32 $0xFFFFFFFF  }
0xa5: {  	s4 =	sld [smem:$0x0]  }
0xa6: {  	s5 =	sand.u32 $0xFFFFFFFE, s1  }
0xa7: {  	p0 =	sne.s32 s1, s5  }
0xa8: {  	s5 =	sshll.u32 @p0 s5, $0xE  }
0xa9: {  	s5 =	sadd.s32 @p0 $0x11B8D, s5;
	s6 =	sshll.u32 @p0 s4, $0x11  }
0xaa: {  	s5 =	sor.u32 @p0 s6, s5  }
0xab: {  	[sflag:s5] =	ssyncadd.remote.s32 @p0 $0x1;
	_ =	sdelay $0x1  }
0xac: {  	s5 =	simm.s32 @p0 $0x1B8D  }
0xad: {  	_ =	swait.eq @p0 [sflag:s5], $0x1  }
0xae: {  	[sflag:s5] =	ssyncadd.s32 @p0 $0xFFFFFFFF  }
0xaf: {  	s6 =	sshll.u32 @!p0 s1, $0xE  }
0xb0: {  	s6 =	sor.u32 @!p0 $0x4000, s6;
	s5 =	simm.s32 @!p0 $0x1B8D  }
0xb1: {  	s4 =	sshll.u32 @!p0 s4, $0x11;
	s6 =	sadd.s32 @!p0 $0x11B8D, s6;
	_ =	swait.eq @!p0 [sflag:s5], $0x1  }
0xb2: {  	s4 =	sor.u32 @!p0 s4, s6;
	[sflag:s5] =	ssyncadd.s32 @!p0 $0xFFFFFFFF  }
0xb3: {  	s25 =	simm.s32 $0x1B8E;
	s24 =	sld [smem:$0x3FFE];
	[sflag:s4] =	ssyncadd.remote.s32 @!p0 $0x1  }
0xb4: {  	s26 =	simm.s32 $execute0_lowered;
	[smem:$0x3FD2] =	sst s25  }
0xb5: {  	s5 =	sshll.u32 s26, $0x1;
	_ =	strace $0x80000049;
	[dreg:$0x1] =	wrdreg $0xFFFFFFFF  }
0xb6: {  	s28 =	simm.s32 $_size_execute0_lowered;
	s3 =	sadd.s32 s3, s5;
	[dreg:$0x0] =	wrdreg $0x0  }
0xb7: {  	s5 =	sshll.u32 s28, $0x1;
	[dreg:$0x2] =	wrdreg s3  }
0xb8: {  	[dreg:$0x3] =	wrdreg s5  }
0xb9: {  	[dreg:$0x4] =	wrdreg $0xC0  }
0xba: {  	_ =	task [dreg:s22], $0x5FFFF  }
0xbb: {  	[dreg:$0x1] =	wrdreg $0xFFFFFFFF  }
0xbc: {  	[dreg:$0x0] =	wrdreg $0x60  }
0xbd: {  	[dreg:$0x2] =	wrdreg s24  }
0xbe: {  	[dreg:$0x3] =	wrdreg $0x9  }
0xbf: {  	_ =	task.clear_ibuf [dreg:s22], $0x4FFFF;
	_ =	strace $0x90000049  }
0xc0: {  	s29 =	simm.s32 $0x9;
	_ =	strace $0x8000004B  }
0xc1: {  	_ =	swait.ge [sflag:s29], $0x1  }
0xc2: {  	[sflag:s29] =	ssyncadd.s32 $0xFFFFFFFF  }
0xc3: {  	_ =	strace $0x9000004B  }
0xc4: {  	_ =	sfence  }
0xc5: {  	s30 =	sld [smem:$0x0];
	_ =	sdelay $0x2  }
0xc6: {  	s31 =	sshll.u32 s1, $0xD;
	s1 =	sshrl.u32 s1, $0x2  }
0xc7: {  	s4 =	sand.u32 $0x4000, s31;
	s1 =	sadd.s32 s1, s30  }
0xc8: {  	s0 =	sor.u32 s4, s0;
	s1 =	sshll.u32 s1, $0x11  }
0xc9: {  	s0 =	sor.u32 s1, s0  }
0xca: {  	s0 =	sadd.s32 $0x8F2B, s0  }
0xcb: {  	[sflag:s0] =	ssyncadd.remote.s32 $0x1  }
0xcc: {  	_ =	sfence.sel $0xFFFF  }
0xcd: {  	[dreg:$0x0] =	wrdreg $0xFFFFFFFF;
	(pc) =	sbr.abs _section_cstart, $3  }
0xce: {  	[dreg:$0x1] =	wrdreg $0xFFFFFFFF  }
0xcf: {  	_ =	task.clear_ibuf [dreg:s22], $0x2FFFF;
	_ =	strace $0x9FFFFFFF  }
0xd0: {  	(tm) =	ssettm $0x7FFFFFFF  }
0xd1: {  	_ =	shalt  }
tec
execute0_lowered:
.L_overlay_start_1:
0x0: {  	(tag) =	ssettag $0x1  }
0x1: {  	s8 =	rddreg [dreg:$0x0]  }
0x2: {  	s0 =	rddreg [dreg:$0x1];
	_ =	strace $0x8000004A;
	s1 =	stileid.u32  }
0x3: {  	s3 =	srdreg.scid;
	s4 =	simm.s32 $0x1;
	s7 =	simm.s32 $0x1  }
0x4: {  	s9 =	simm.s32 $0x1;
	s10 =	simm.s32 $0x3;
	s13 =	simm.s32 $0x0  }
0x5: {  	s12 =	simm.s32 $0x0;
	s5 =	sand.u32 $0x1, s3;
	s6 =	sshll.u32 s1, $0x1  }
0x6: {  	s2 =	sadd.s32 $0x5400, s8;
	s3 =	sadd.s32 $0x19000, s8;
	s5 =	sor.u32 s6, s5  }
.Ltmp0:
0x7: {  	[sflag:s4] =	ssyncpa.u1 $0x0;
	p0 =	slt.u32 s5, $0x9;
	(pc) =	sbr.rel .LBB2_1-.Ltmp0, $4  }
0x8: {  	s6 =	simm.s32 $0x2;
	s7 =	simm.s32 @!p0 $0x0;
	p0 =	sne.s32 s5, $0x8  }
0x9: {  	[sflag:s6] =	ssyncpa.u1 $0x0;
	s5 =	smul.u32 $0x1F40, s5;
	s9 =	simm.s32 @!p0 $0x0  }
0xa: {  	s8 =	sadd.s32 $0x1B3A00, s8;
	[sflag:s10] =	ssyncpa.u1 $0x0;
	s7 =	sadd.s32 s9, s7  }
0xb: {  	vm0 =	vmmov $0xffff;
	s10 =	simm.s32 $0x0;
	s11 =	smov.u32 s5;
	s9 =	sadd.s32 $0x1, s7  }
.LBB2_4:
0xc: {  	v2 =	vnsel vm1, $0x0, v2  }
0xd: {  	vm1 =	vgt.s32 v0, $0x0;
	v2 =	vmin.u32 v2, $0x4E1FF  }
0xe: {  	v0 =	vnsel vm1, $0x0, v0  }
0xf: {  	v0 =	vmin.u32 v0, $0x4E1FF  }
0x10: {  	[tilespmem:s18], [sflag:$0x1] =	stream.indirect_vreg.gather [hbm4b:s2+s10], $0x1, v1, vm0, $0x4038;
	[tilespmem:$0x7D00] =	vst v63  }
0x11: {  	(ifvalue) =	ssetifvalue $0x7FFFFFFF  }
0x12: {  	[tilespmem:s15], [sflag:$0x1] =	stream.indirect_vreg.gather [hbm4b:s2+s10], $0x1, v2, vm0, $0x4038;
	[tilespmem:$0x7D00] =	vst v63  }
0x13: {  	s29 =	sadd.s32 $0x10, s15;
	(ifvalue) =	ssetifvalue $0x7FFFFFFF  }
0x14: {  	[tilespmem:s29], [sflag:$0x1] =	stream.indirect_vreg.gather [hbm4b:s2+s10], $0x1, v0, vm0, $0x4038;
	[tilespmem:$0x7D00] =	vst v63  }
0x15: {  	_ =	swait.ge [sflag:s4], $0x1F40  }
0x16: {  	s30 =	sshrl.u32 s13, $0x3;
	[sflag:s4] =	ssyncset.done $0x0  }
0x17: {  	s31 =	sand.u32 $0x7, s13;
	s15 =	sadd.s32 s8, s30;
	[sflag:s4] =	ssyncadd.s32 $0xFFFFE0C0  }
0x18: {  	[hbm4b:s15+s31] =	stream.linear.scatter [tilespmem:s14], [sflag:$0x3], $0x1F40, $0x38;
	[tilespmem:$0x7D00] =	vst v63  }
.LBB2_5:
0x19: {  	s15 =	sadd.s32 $0x3E800, s11  }
0x1a: {  	p1 =	sgt.s32 s15, $0x4E1FF  }
0x1b: {  	s15 =	smov.u32 @p1 s5;
	p1 =	sne.s32 s12, s9  }
.Ltmp1:
0x1c: {  	p0 =	slt.u32 s12, $0x2;
	(pc) =	sbr.rel @!p1 .LBB2_6-.Ltmp1, $4  }
0x1d: {  	s14 =	simm.s32 @!p0 $0x3  }
0x1e: {  	_ =	swait.ge @!p0 [sflag:s14], $0x1F40  }
0x1f: {  	s16 =	sadd.s32 $0x1, s12;
	s13 =	smov.u32 s11;
	[sflag:s14] =	ssyncset.done @!p0 $0x0  }
0x20: {  	s12 =	smov.u32 s16;
	s11 =	smov.u32 s15;
	[sflag:s14] =	ssyncadd.s32 @!p0 $0xFFFFE0C0  }
.LBB2_1:
0x21: {  	p0 =	sge.u32 s12, s7  }
0x22: {  	s14 =	sxor.u32 @!p0 $0x1, s12  }
0x23: {  	s14 =	smul.u32 @!p0 $0x7D00, s14  }
0x24: {  	s31 =	sadd.s32 $0xFFFFFFFF, s12;
	s15 =	sshrl.u32 @!p0 s11, $0x3  }
0x25: {  	s16 =	sand.u32 @!p0 $0x7, s11;
	s15 =	sadd.s32 @!p0 s3, s15;
	s14 =	sshra.s32 @!p0 s14, $0x2  }
0x26: {  	[tilespmem:s14], [sflag:$0x2] =	stream.linear.gather @!p0 [hbm4b:s15+s16], $0x1F40, $0x38;
	[tilespmem:$0x7D00] =	vst v63  }
0x27: {  	p0 =	sge.u32 s31, s7  }
.Ltmp2:
0x28: {  	_ = 	snop;
	(pc) =	sbr.rel @p0 .LBB2_5-.Ltmp2, $1  }
0x29: {  	_ =	sdelay $0x3  }
0x2a: {  	s14 =	sand.u32 $0x1, s12  }
0x2b: {  	_ =	swait.ge [sflag:s6], $0x1F40;
	p0 =	seq.s32 s14, $0x1;
	s14 =	simm.s32 $0x1F40  }
0x2c: {  	[sflag:s6] =	ssyncset.done $0x0;
	s14 =	simm.s32 @!p0 $0x0  }
0x2d: {  	[sflag:s6] =	ssyncadd.s32 $0xFFFFE0C0;
	(ifvalue) =	ssetifvalue $0x7FFFFFFF;
	v0 =	vld.msk [tilespmem:s14+$0x0 ss:$0x1], $0xffff;
	_ =	sdelay $0x4  }
0x2e: {  	s15 =	sadd.s32 $0x10, s14;
	vm1 =	vgt.s32 v0, $0x0  }
0x2f: {  	v2 =	vld.msk [tilespmem:s15+$0x0 ss:$0x1], $0xffff;
	v1 =	vnsel vm1, $0x0, v0  }
0x30: {  	v1 =	vmin.u32 v1, $0x4E1FF;
	_ =	sdelay $0x2  }
0x31: {  	s17 =	simm.s32 $0x20;
	s14 =	sadd.s32 $0x3E80, s14;
	s16 =	sadd.s32 $0x10, s15  }
0x32: {  	s15 =	sadd.s32 $0x10, s14;
	s18 =	smov.u32 s14;
	v0 =	vld.msk [tilespmem:s16+$0x0 ss:$0x1], $0xffff;
	vm1 =	vgt.s32 v2, $0x0;
	(ifvalue) =	ssetifvalue $0x7FFFFFFF  }
.LBB2_3:
0x33: {  	[tilespmem:s18], [sflag:$0x1] =	stream.indirect_vreg.gather [hbm4b:s2+s10], $0x1, v1, vm0, $0x4038;
	[tilespmem:$0x7D00] =	vst v63  }
0x34: {  	s17 =	sadd.s32 $0x10, s17  }
0x35: {  	v2 =	vnsel vm1, $0x0, v2;
	p0 =	slt.u32 s17, $0x1F30  }
.Ltmp3:
0x36: {  	s18 =	smov.u32 s15;
	v1 =	vmin.u32 v2, $0x4E1FF;
	(pc) =	sbr.rel @p0 .LBB2_3-.Ltmp3, $3  }
0x37: {  	_ =	sdelay $0x1  }
0x38: {  	s16 =	sadd.s32 $0x10, s16  }
0x39: {  	vm1 =	vgt.s32 v0, $0x0;
	s15 =	sadd.s32 $0x10, s15;
	v2 =	vmov v0;
	(ifvalue) =	ssetifvalue $0x7FFFFFFF;
	v0 =	vld.msk [tilespmem:s16+$0x0 ss:$0x1], $0xffff  }
.Ltmp4:
0x3a: {  	_ = 	snop;
	(pc) =	sbr.rel .LBB2_4-.Ltmp4, $1  }
0x3b: {  	_ =	sdelay $0x3  }
.LBB2_6:
0x3c: {  	_ =	sfence.sel $0x180000  }
0x3d: {  	s2 =	simm.s32 $0x2;
	[bflag:$0x0] =	sbarrier.arrive $0xFFFF  }
0x3e: {  	s30 =	simm.s32 $0x3;
	[sflag:s2] =	ssyncpa.u1 $0x1  }
0x3f: {  	s31 =	simm.s32 $0x1;
	[sflag:s30] =	ssyncpa.u1 $0x1  }
0x40: {  	[sflag:s31] =	ssyncpa.u1 $0x1  }
0x41: {  	p0 =	sne.s32 s1, $0x0;
	_ =	strace $0x9000004A  }
0x42: {  	s0 =	sadd.s32 @!p0 $0x100000, s0;
	[bflag:$0x2] =	sbarrier.arrive $0xFFFF  }
0x43: {  	[sflag:s0] =	ssyncadd.tile.s32 @!p0 $0x1;
	_ =	shalt  }
.Lfunc_end2:
_tile_overlayer_lowered:
.L_overlay_start_2:
0x44: {  	(tag) =	ssettag $0x2  }
0x45: {  	s0 =	rddreg [dreg:$0x0];
	s2 =	stileid.u32  }
0x46: {  	s1 =	rddreg [dreg:$0x1];
	p0 =	sne.s32 s2, $0x0  }
0x47: {  	s3 =	rddreg [dreg:$0x2];
	[bflag:$0x3] =	sbarrier.arrive $0xFFFF;
	s2 =	simm.s32 @!p0 $0x1C01  }
0x48: {  	[timem:s3], [sflag:s2] =	dma.local @!p0 [hbm:s0], s1  }
0x49: {  	s0 =	simm.s32 @!p0 $0x1  }
0x4a: {  	_ =	swait.ge @!p0 [sflag:s0], s1  }
0x4b: {  	s1 =	ssub.s32 @!p0 $0x0, s1;
	[sflag:s0] =	ssyncset.done @!p0 $0x0  }
0x4c: {  	[sflag:s0] =	ssyncadd.s32 @!p0 s1  }
0x4d: {  	[bflag:$0x3] =	sbarrier.arrive $0xFFFF  }
0x4e: {  	_ =	shalt  }

// kernel: kernel.12.cloned.1.call-start
scs
__scs_entry_jumppad:
0x0: {  	(pc) =	sbr.rel $0x88, $3  }
0x1: {  	(tag) =	ssettag $0x0;
	lr =	simm.s32 $0x1  }
0x2: {  	[smem:$0x3F93] =	sst lr;
	_ =	strace $0xD0000000  }
0x3: {  	_ = 	snop  }
0x4: {  	_ = 	snop  }
0x5: {  	_ = 	snop  }
0x6: {  	_ = 	snop  }
0x7: {  	_ = 	snop  }
__scs_overlays_trampoline_lowered:
0x8: {  	[smem:$0x3FA2] =	sst s0  }
0x9: {  	[smem:$0x3FA3] =	sst s1  }
0xa: {  	[smem:$0x3FA4] =	sst s2  }
0xb: {  	[smem:$0x3FA5] =	sst s3  }
0xc: {  	[smem:$0x3FA6] =	sst s4  }
0xd: {  	[smem:$0x3FA7] =	sst s5  }
0xe: {  	[smem:$0x3FA8] =	sst s6  }
0xf: {  	[smem:$0x3FA9] =	sst s7  }
0x10: {  	[smem:$0x3FAA] =	sst s8  }
0x11: {  	[smem:$0x3FAB] =	sst s9;
	s0 =	simm.s32 @!p0 $0x0  }
0x12: {  	s1 =	sld [smem:$0x3F91];
	s0 =	simm.s32 @p0 $0x1  }
0x13: {  	[smem:$0x3FAC] =	sst s0;
	s0 =	simm.s32 @!p1 $0x0  }
0x14: {  	s2 =	sld [smem:$0x3F90];
	s0 =	simm.s32 @p1 $0x1  }
0x15: {  	[smem:$0x3FAD] =	sst s0;
	s0 =	simm.s32 @!p2 $0x0  }
0x16: {  	s3 =	sld [smem:$0x3FDB];
	s0 =	simm.s32 @p2 $0x1  }
0x17: {  	s4 =	simm.s32 $0x1BF5;
	[smem:$0x3FAF] =	sst s0  }
0x18: {  	s0 =	sld [smem:$0x3F92];
	_ =	swait.ge [sflag:s4], $0x0  }
0x19: {  	s7 =	sld [smem:$0x3F93]  }
0x1a: {  	s8 =	sadd.s32 $0xFFFFE003, lr  }
0x1b: {  	s9 =	sadd.s32 $0xFFFFFEF7, lr;
	s5 =	simm.s32 $0xFFFFFFFF;
	p2 =	slt.u32 s8, $0xFFFFF086  }
0x1c: {  	p1 =	slt.u32 s9, $0xF7A;
	s5 =	simm.s32 @!p2 $0x0  }
0x1d: {  	s5 =	simm.s32 @p1 $0x1;
	p0 =	seq.s32 s7, s2  }
0x1e: {  	s7 =	smul.u32 @!p0 $0xF7A, s2;
	p2 =	seq.s32 @!p0 s5, $0x0  }
0x1f: {  	s9 =	smul.u32 $0xF7A, s1;
	s8 =	simm.s32 @!p0 $0x1BF5;
	p2 =	por !p2, p0  }
0x20: {  	[sflag:s8] =	ssyncset.s32 @!p0 $0xFFFFF086;
	s6 =	sadd.s32 @!p0 s3, s7;
	s7 =	simm.s32 @!p0 $0x108  }
0x21: {  	s3 =	sadd.s32 s3, s9;
	s6 =	sadd.s32 @!p0 $0x88, s6;
	s7 =	simm.s32 @p2 $0x1082  }
0x22: {  	[simem:s7], [sflag:s8] =	dma.local @!p0 [hbm:s6], $0xF7A  }
0x23: {  	s9 =	sor.u32 $0xD0000000, s2;
	s6 =	simm.s32 $0x108;
	_ =	swait.ge @!p0 [sflag:s8], $0x0  }
0x24: {  	s3 =	sadd.s32 $0x88, s3;
	s6 =	simm.s32 @!p1 $0x1082;
	[sflag:s4] =	ssyncset.s32 $0xFFFFF086  }
0x25: {  	[simem:s6], [sflag:s4] =	dma.local [hbm:s3], $0xF7A  }
0x26: {  	[smem:$0x3F93] =	sst s1;
	(tag) =	ssettag s2;
	_ =	strace s9  }
0x27: {  	s1 =	sld [smem:$0x3FA3]  }
0x28: {  	s2 =	sld [smem:$0x3FA4]  }
0x29: {  	s4 =	sld [smem:$0x3FA6]  }
0x2a: {  	p0 =	seq.s32 s5, $0x0;
	s5 =	sld [smem:$0x3FA7]  }
0x2b: {  	s6 =	sld [smem:$0x3FA8]  }
0x2c: {  	s7 =	sld [smem:$0x3FA9]  }
0x2d: {  	s3 =	simm.s32 $0x108;
	s8 =	sld [smem:$0x3FAA]  }
0x2e: {  	s3 =	simm.s32 @!p0 $0x1082;
	s9 =	sld [smem:$0x3FAB]  }
0x2f: {  	lr =	sadd.s32 s0, s3;
	s0 =	sld [smem:$0x3FA2]  }
0x30: {  	s3 =	sld [smem:$0x3FA5]  }
0x31: {  	[smem:$0x3FAE] =	sst s10  }
0x32: {  	s10 =	sld [smem:$0x3FAC];
	_ =	sdelay $0x3  }
0x33: {  	p0 =	seq.s32 s10, $0x1;
	s10 =	sld [smem:$0x3FAE];
	_ =	sdelay $0x3  }
0x34: {  	[smem:$0x3FAE] =	sst s10  }
0x35: {  	s10 =	sld [smem:$0x3FAD];
	_ =	sdelay $0x3  }
0x36: {  	p1 =	seq.s32 s10, $0x1;
	s10 =	sld [smem:$0x3FAE];
	_ =	sdelay $0x3  }
0x37: {  	[smem:$0x3FAE] =	sst s10  }
0x38: {  	s10 =	sld [smem:$0x3FAF]  }
0x39: {  	_ = 	snop;
	(pc) =	sbr.ind lr, $3  }
0x3a: {  	_ = 	snop  }
0x3b: {  	_ = 	snop  }
0x3c: {  	p2 =	seq.s32 s10, $0x1;
	s10 =	sld [smem:$0x3FAE]  }
0x3d: {  	_ =	shalt  }
0x3e: {  	_ =	shalt  }
0x3f: {  	_ =	shalt  }
0x40: {  	_ =	shalt  }
0x41: {  	_ =	shalt  }
0x42: {  	_ =	shalt  }
0x43: {  	_ =	shalt  }
0x44: {  	_ =	shalt  }
0x45: {  	_ =	shalt  }
0x46: {  	_ =	shalt  }
0x47: {  	_ =	shalt  }
0x48: {  	_ =	shalt  }
0x49: {  	_ =	shalt  }
0x4a: {  	_ =	shalt  }
0x4b: {  	_ =	shalt  }
0x4c: {  	_ =	shalt  }
0x4d: {  	_ =	shalt  }
0x4e: {  	_ =	shalt  }
0x4f: {  	_ =	shalt  }
0x50: {  	_ =	shalt  }
0x51: {  	_ =	shalt  }
0x52: {  	_ =	shalt  }
0x53: {  	_ =	shalt  }
0x54: {  	_ =	shalt  }
0x55: {  	_ =	shalt  }
0x56: {  	_ =	shalt  }
0x57: {  	_ =	shalt  }
0x58: {  	_ =	shalt  }
0x59: {  	_ =	shalt  }
0x5a: {  	_ =	shalt  }
0x5b: {  	_ =	shalt  }
0x5c: {  	_ =	shalt  }
0x5d: {  	_ =	shalt  }
0x5e: {  	_ =	shalt  }
0x5f: {  	_ =	shalt  }
0x60: {  	_ =	shalt  }
0x61: {  	_ =	shalt  }
0x62: {  	_ =	shalt  }
0x63: {  	_ =	shalt  }
0x64: {  	_ =	shalt  }
0x65: {  	_ =	shalt  }
0x66: {  	_ =	shalt  }
0x67: {  	_ =	shalt  }
0x68: {  	_ =	shalt  }
0x69: {  	_ =	shalt  }
0x6a: {  	_ =	shalt  }
0x6b: {  	_ =	shalt  }
0x6c: {  	_ =	shalt  }
0x6d: {  	_ =	shalt  }
0x6e: {  	_ =	shalt  }
0x6f: {  	_ =	shalt  }
0x70: {  	_ =	shalt  }
0x71: {  	_ =	shalt  }
0x72: {  	_ =	shalt  }
0x73: {  	_ =	shalt  }
0x74: {  	_ =	shalt  }
0x75: {  	_ =	shalt  }
0x76: {  	_ =	shalt  }
0x77: {  	_ =	shalt  }
0x78: {  	_ =	shalt  }
0x79: {  	_ =	shalt  }
0x7a: {  	_ =	shalt  }
0x7b: {  	_ =	shalt  }
0x7c: {  	_ =	shalt  }
0x7d: {  	_ =	shalt  }
0x7e: {  	_ =	shalt  }
0x7f: {  	_ =	shalt  }
0x80: {  	_ =	shalt  }
0x81: {  	_ =	shalt  }
0x82: {  	_ =	shalt  }
0x83: {  	_ =	shalt  }
0x84: {  	_ =	shalt  }
0x85: {  	_ =	shalt  }
0x86: {  	_ =	shalt  }
0x87: {  	_ =	shalt  }
.Lfunc_end0:
.L_simem_size_0:
called_computation.3_lowered:
.L_overlay_start_0:
0x88: {  	s2 =	sld [smem:$0x3FD9]  }
0x89: {  	s3 =	sld [smem:$0x3FFE];
	_ =	sdelay $0x1  }
0x8a: {  	s1 =	srdreg.scid  }
0x8b: {  	s0 =	sand.u32 $0x1, s1  }
0x8c: {  	s17 =	sshll.u32 s0, $0xA;
	s2 =	sadd.s32 s3, s2  }
0x8d: {  	s2 =	sadd.s32 s2, s17  }
0x8e: {  	[smem:$0x3FBA] =	sst s2  }
0x8f: {  	_ = 	snop  }
0x90: {  	s2 =	sld [smem:$0x3FD0];
	(tm) =	ssettm $0x1  }
0x91: {  	s18 =	sld [smem:$0x3FFB];
	_ =	sdelay $0x3  }
0x92: {  	_ =	strace s18  }
0x93: {  	s3 =	sld [smem:$0x3FFC];
	_ =	sdelay $0x3  }
0x94: {  	_ =	strace s3  }
0x95: {  	s3 =	sld [smem:$0x3FFD];
	_ =	sdelay $0x3  }
0x96: {  	_ =	strace s3  }
0x97: {  	_ =	strace $0x8FFFFFFF  }
0x98: {  	s19 =	sld [smem:$0x3FDB];
	_ =	sdelay $0x1  }
0x99: {  	s4 =	simm.s32 $_scs_section_size  }
0x9a: {  	s5 =	simm.s32 $_size__tile_overlayer_lowered;
	s6 =	simm.s32 $_tile_overlayer_lowered  }
0x9b: {  	s22 =	simm.s32 $0x1BFF;
	s21 =	sshll.u32 s6, $0x1;
	s3 =	sadd.s32 s4, s19  }
0x9c: {  	s7 =	simm.s32 $0x0;
	s20 =	sshll.u32 s5, $0x1;
	s5 =	sadd.s32 s21, s3  }
0x9d: {  	[timem:s7], [sflag:s22] =	dma.local [hbm:s5], s20  }
0x9e: {  	_ =	swait.ge [sflag:s22], s20  }
0x9f: {  	s4 =	ssub.s32 $0x0, s20;
	[sflag:s22] =	ssyncset.done $0x0  }
0xa0: {  	[sflag:s22] =	ssyncadd.s32 s4;
	_ =	sdelay $0x1  }
0xa1: {  	s23 =	simm.s32 $0x1B8B  }
0xa2: {  	_ =	swait.ge [sflag:s23], $0x1  }
0xa3: {  	[sflag:s23] =	ssyncset.done $0x0  }
0xa4: {  	s25 =	simm.s32 $0x1B8E;
	s24 =	sld [smem:$0x3FFE];
	[sflag:s23] =	ssyncadd.s32 $0xFFFFFFFF  }
0xa5: {  	s26 =	simm.s32 $execute0_lowered;
	[smem:$0x3FD2] =	sst s25  }
0xa6: {  	s5 =	sshll.u32 s26, $0x1;
	_ =	strace $0x8000004F;
	[dreg:$0x1] =	wrdreg $0xFFFFFFFF  }
0xa7: {  	s28 =	simm.s32 $_size_execute0_lowered;
	s3 =	sadd.s32 s3, s5;
	[dreg:$0x0] =	wrdreg $0x0  }
0xa8: {  	s5 =	sshll.u32 s28, $0x1;
	[dreg:$0x2] =	wrdreg s3  }
0xa9: {  	[dreg:$0x3] =	wrdreg s5  }
0xaa: {  	[dreg:$0x4] =	wrdreg $0xC0  }
0xab: {  	_ =	task [dreg:s7], $0x5FFFF  }
0xac: {  	[dreg:$0x1] =	wrdreg $0xFFFFFFFF  }
0xad: {  	[dreg:$0x0] =	wrdreg $0x60  }
0xae: {  	[dreg:$0x2] =	wrdreg s24  }
0xaf: {  	[dreg:$0x3] =	wrdreg s2  }
0xb0: {  	[dreg:$0x4] =	wrdreg $0x9  }
0xb1: {  	_ =	task.clear_ibuf [dreg:s7], $0x5FFFF;
	_ =	strace $0x9000004F  }
0xb2: {  	s29 =	simm.s32 $0x9;
	_ =	strace $0x80000051  }
0xb3: {  	_ =	swait.ge [sflag:s29], $0x1  }
0xb4: {  	[sflag:s29] =	ssyncadd.s32 $0xFFFFFFFF  }
0xb5: {  	_ =	strace $0x90000051  }
0xb6: {  	_ =	sfence  }
0xb7: {  	s30 =	sld [smem:$0x0];
	_ =	sdelay $0x2  }
0xb8: {  	s31 =	sshll.u32 s1, $0xD;
	s1 =	sshrl.u32 s1, $0x2  }
0xb9: {  	s3 =	sand.u32 $0x4000, s31;
	s1 =	sadd.s32 s1, s30  }
0xba: {  	s0 =	sor.u32 s3, s0;
	s1 =	sshll.u32 s1, $0x11  }
0xbb: {  	s0 =	sor.u32 s1, s0  }
0xbc: {  	s0 =	sadd.s32 $0x8F2B, s0  }
0xbd: {  	[sflag:s0] =	ssyncadd.remote.s32 $0x1  }
0xbe: {  	_ =	sfence.sel $0xFFFF  }
0xbf: {  	[dreg:$0x0] =	wrdreg $0xFFFFFFFF;
	(pc) =	sbr.abs _section_cstart, $3  }
0xc0: {  	[dreg:$0x1] =	wrdreg $0xFFFFFFFF  }
0xc1: {  	_ =	task.clear_ibuf [dreg:s7], $0x2FFFF;
	_ =	strace $0x9FFFFFFF  }
0xc2: {  	(tm) =	ssettm $0x7FFFFFFF  }
0xc3: {  	_ =	shalt  }
tec
execute0_lowered:
.L_overlay_start_1:
0x0: {  	(tag) =	ssettag $0x1  }
0x1: {  	s0 =	rddreg [dreg:$0x0]  }
0x2: {  	s1 =	rddreg [dreg:$0x1];
	s2 =	simm.s32 $0x0  }
0x3: {  	[smem:$0x7FF] =	sst s2;
	s4 =	sadd.s32 $0x5000, s0  }
0x4: {  	s30 =	sadd.s32 $0x67200, s0;
	_ =	strace $0x80000050;
	[dreg:$0x16] =	wrdreg s4  }
0x5: {  	s7 =	sadd.s32 $0x2E2400, s0;
	[dreg:$0x17] =	wrdreg s30  }
0x6: {  	s31 =	srdreg.scid;
	s10 =	simm.s32 $0x1280;
	[dreg:$0x18] =	wrdreg s7  }
0x7: {  	s8 =	sand.u32 $0x1, s31;
	[dreg:$0x3] =	wrdreg s10  }
0x8: {  	s11 =	simm.s32 $0x220;
	[dreg:$0x19] =	wrdreg s8  }
0x9: {  	s12 =	simm.s32 $0x3280;
	[dreg:$0x4] =	wrdreg s11  }
0xa: {  	s9 =	stileid.u32;
	s13 =	simm.s32 $0xC280;
	[dreg:$0x5] =	wrdreg s12  }
0xb: {  	s15 =	sshll.u32 s9, $0x1;
	[dreg:$0x6] =	wrdreg s13  }
0xc: {  	s14 =	simm.s32 $0xCA80;
	[dreg:$0x1a] =	wrdreg s15  }
0xd: {  	s16 =	simm.s32 $0xD280;
	s17 =	simm.s32 $0xDA80;
	[dreg:$0x7] =	wrdreg s14  }
0xe: {  	s18 =	simm.s32 $0xE280;
	s19 =	simm.s32 $0xEA80;
	[dreg:$0x8] =	wrdreg s16  }
0xf: {  	s21 =	simm.s32 $0xF280;
	s22 =	simm.s32 $0xFA80;
	[dreg:$0x9] =	wrdreg s17  }
0x10: {  	s23 =	simm.s32 $0x10280;
	s24 =	simm.s32 $0x10A80;
	[dreg:$0xa] =	wrdreg s18  }
0x11: {  	s25 =	simm.s32 $0x11280;
	s26 =	simm.s32 $0x11A80;
	[dreg:$0xb] =	wrdreg s19  }
0x12: {  	s28 =	simm.s32 $0x12280;
	s29 =	simm.s32 $0x12A80;
	[dreg:$0xc] =	wrdreg s21  }
0x13: {  	s3 =	sadd.s32 $0x5400, s0;
	s5 =	sadd.s32 $0x18E00, s0;
	[dreg:$0xd] =	wrdreg s22  }
0x14: {  	s6 =	sadd.s32 $0x1A9C00, s0;
	s31 =	simm.s32 $0x13A80;
	[dreg:$0xe] =	wrdreg s23  }
0x15: {  	s9 =	simm.s32 $0xAA80;
	s7 =	ssub.s32 $0x2, s8;
	[dreg:$0xf] =	wrdreg s24  }
0x16: {  	s12 =	sadd.s32 $0x1A9D00, s0;
	s13 =	sadd.s32 $0x1A9E00, s0;
	[dreg:$0x10] =	wrdreg s25  }
0x17: {  	s14 =	sadd.s32 $0x1A9F00, s0;
	s16 =	simm.s32 $0x7;
	[dreg:$0x11] =	wrdreg s26  }
0x18: {  	s17 =	simm.s32 $0x1;
	s18 =	simm.s32 $0x180;
	[dreg:$0x12] =	wrdreg s28  }
0x19: {  	s19 =	simm.s32 $0x20;
	[dreg:$0x13] =	wrdreg s29;
	s30 =	simm.s32 $0x13280  }
0x1a: {  	[dreg:$0x15] =	wrdreg s31;
	s15 =	simm.s32 $0x9A80;
	s10 =	simm.s32 $0xB280  }
.Ltmp0:
0x1b: {  	s11 =	simm.s32 $0xBA80;
	s21 =	simm.s32 $0x3;
	(pc) =	sbr.rel .LBB2_1-.Ltmp0, $4  }
0x1c: {  	s22 =	simm.s32 $0x200;
	s23 =	simm.s32 $0x4;
	s8 =	sshrl.u32 s7, $0x1  }
0x1d: {  	v3 =	vlaneseq.u32;
	s24 =	simm.s32 $0x5;
	s25 =	simm.s32 $0x6;
	s7 =	ssub.s32 s7, s8  }
0x1e: {  	v0 =	vimm.f32 $0.0e+00;
	vm0 =	vmmov $0xffff;
	v2 =	vshrl.u32 v3, $0x3;
	s4 =	simm.s32 $0x0;
	[dreg:$0x14] =	wrdreg s30;
	s20 =	smax.u32 s7, $0x1  }
0x1f: {  	v1 =	vand.u32 $0x7, v3;
	v3 =	vor.u32 $0x8, v3;
	v2 =	vmul.u32 $0x8, v2;
	s7 =	simm.s32 $0xA280;
	[dreg:$0x1b] =	wrdreg s20;
	s20 =	simm.s32 $0x2  }
.LBB2_7:
0x20: {  	s4 =	rddreg [dreg:$0x1c]  }
0x21: {  	s0 =	rddreg [dreg:$0x1b];
	s4 =	sadd.s32 $0x1, s4  }
0x22: {  	p0 =	sne.s32 s4, s0  }
.Ltmp1:
0x23: {  	_ = 	snop;
	(pc) =	sbr.rel @!p0 .LBB2_8-.Ltmp1, $1  }
0x24: {  	_ =	sdelay $0x3  }
.LBB2_1:
0x25: {  	[dreg:$0x1c] =	wrdreg s4  }
.Ltmp2:
0x26: {  	s0 =	rddreg [dreg:$0x16];
	(pc) =	sbr.rel .LBB2_2-.Ltmp2, $4  }
0x27: {  	[tilespmem:s2], [sflag:$0x7] =	stream.linear.gather [hbm4b:s0+s2], $0x180, $0x38;
	[tilespmem:$0x1F680] =	vst v63  }
0x28: {  	_ =	swait.ge [sflag:s16], $0x180  }
0x29: {  	[sflag:s16] =	ssyncset.done $0x0  }
0x2a: {  	s4 =	simm.s32 $0x0;
	[sflag:s16] =	ssyncadd.s32 $0xFFFFFE80  }
.LBB2_6:
0x2b: {  	_ =	swait.ge [sflag:s17], $0x1000  }
0x2c: {  	[sflag:s17] =	ssyncset.done $0x0  }
0x2d: {  	[sflag:s17] =	ssyncadd.s32 $0xFFFFF000  }
0x2e: {  	_ =	swait.ge [sflag:s20], $0x1000  }
0x2f: {  	[sflag:s20] =	ssyncset.done $0x0  }
0x30: {  	[sflag:s20] =	ssyncadd.s32 $0xFFFFF000  }
0x31: {  	_ =	swait.ge [sflag:s21], $0x8000  }
0x32: {  	s26 =	rddreg [dreg:$0x1e]  }
0x33: {  	[sflag:s21] =	ssyncset.done $0x0;
	s8 =	rddreg [dreg:$0x17];
	s0 =	sshll.u32 s26, $0xC  }
0x34: {  	s4 =	simm.s32 $0x14280;
	[sflag:s21] =	ssyncadd.s32 $0xFFFF8000;
	s0 =	sadd.s32 s8, s0  }
0x35: {  	[hbm4b:s0+s2] =	stream.linear.scatter [tilespmem:s4], [sflag:$0x7], $0x8000, $0x38;
	[tilespmem:$0x1F680] =	vst v63  }
0x36: {  	_ =	swait.ge [sflag:s16], $0x8000  }
0x37: {  	s28 =	sshll.u32 s26, $0x9;
	[sflag:s16] =	ssyncset.done $0x0;
	s29 =	rddreg [dreg:$0x18]  }
0x38: {  	s30 =	simm.s32 $0x1E280;
	[sflag:s16] =	ssyncadd.s32 $0xFFFF8000;
	s0 =	sadd.s32 s29, s28  }
0x39: {  	[hbm4b:s0+s2] =	stream.linear.scatter [tilespmem:s30], [sflag:$0x7], $0x1000, $0x38;
	[tilespmem:$0x1F680] =	vst v63  }
0x3a: {  	_ =	swait.ge [sflag:s16], $0x1000  }
0x3b: {  	s31 =	rddreg [dreg:$0x1d]  }
0x3c: {  	s4 =	sadd.s32 $0x1, s31  }
0x3d: {  	p0 =	sne.s32 s4, $0xA  }
.Ltmp3:
0x3e: {  	_ = 	snop;
	(pc) =	sbr.rel @!p0 .LBB2_7-.Ltmp3, $3  }
0x3f: {  	_ =	sdelay $0x1  }
0x40: {  	[sflag:s16] =	ssyncset.done $0x0  }
0x41: {  	[sflag:s16] =	ssyncadd.s32 $0xFFFFF000  }
.LBB2_2:
0x42: {  	s26 =	simm.s32 $0x1E280;
	s28 =	simm.s32 $0x0  }
0x43: {  	s29 =	simm.s32 $0xFFFF8000;
	s30 =	simm.s32 $0x0;
	s31 =	simm.s32 $0x0  }
.LBB2_3:
0x44: {  	s0 =	sadd.s32 $0x8000, s29  }
0x45: {  	s8 =	sand.u32 $0x380, s31;
	s0 =	sand.u32 $0x6000, s0  }
0x46: {  	s0 =	sor.u32 s8, s0  }
0x47: {  	s8 =	sadd.s32 $0x14280, s0;
	[tilespmem:s0+$0x14280] =	vst v0  }
0x48: {  	[tilespmem:s8+$0x10] =	vst v0  }
0x49: {  	[tilespmem:s8+$0x20] =	vst v0  }
0x4a: {  	[tilespmem:s8+$0x30] =	vst v0  }
0x4b: {  	[tilespmem:s8+$0x40] =	vst v0  }
0x4c: {  	[tilespmem:s8+$0x50] =	vst v0  }
0x4d: {  	[tilespmem:s8+$0x60] =	vst v0  }
0x4e: {  	[tilespmem:s8+$0x70] =	vst v0  }
0x4f: {  	[tilespmem:s8+$0x400] =	vst v0  }
0x50: {  	[tilespmem:s8+$0x410] =	vst v0  }
0x51: {  	[tilespmem:s8+$0x420] =	vst v0  }
0x52: {  	[tilespmem:s8+$0x430] =	vst v0  }
0x53: {  	[tilespmem:s8+$0x440] =	vst v0  }
0x54: {  	[tilespmem:s8+$0x450] =	vst v0  }
0x55: {  	[tilespmem:s8+$0x460] =	vst v0  }
0x56: {  	[tilespmem:s8+$0x470] =	vst v0  }
0x57: {  	[tilespmem:s8+$0x800] =	vst v0  }
0x58: {  	[tilespmem:s8+$0x810] =	vst v0  }
0x59: {  	[tilespmem:s8+$0x820] =	vst v0  }
0x5a: {  	[tilespmem:s8+$0x830] =	vst v0  }
0x5b: {  	[tilespmem:s8+$0x840] =	vst v0  }
0x5c: {  	[tilespmem:s8+$0x850] =	vst v0  }
0x5d: {  	[tilespmem:s8+$0x860] =	vst v0  }
0x5e: {  	[tilespmem:s8+$0x870] =	vst v0  }
0x5f: {  	[tilespmem:s8+$0xC00] =	vst v0  }
0x60: {  	[tilespmem:s8+$0xC10] =	vst v0  }
0x61: {  	[tilespmem:s8+$0xC20] =	vst v0  }
0x62: {  	[tilespmem:s8+$0xC30] =	vst v0  }
0x63: {  	[tilespmem:s8+$0xC40] =	vst v0  }
0x64: {  	[tilespmem:s8+$0xC50] =	vst v0  }
0x65: {  	[tilespmem:s8+$0xC60] =	vst v0  }
0x66: {  	[tilespmem:s8+$0xC70] =	vst v0  }
0x67: {  	[tilespmem:s8+$0x1000] =	vst v0  }
0x68: {  	[tilespmem:s8+$0x1010] =	vst v0  }
0x69: {  	[tilespmem:s8+$0x1020] =	vst v0  }
0x6a: {  	[tilespmem:s8+$0x1030] =	vst v0  }
0x6b: {  	[tilespmem:s8+$0x1040] =	vst v0  }
0x6c: {  	[tilespmem:s8+$0x1050] =	vst v0  }
0x6d: {  	[tilespmem:s8+$0x1060] =	vst v0  }
0x6e: {  	[tilespmem:s8+$0x1070] =	vst v0  }
0x6f: {  	[tilespmem:s8+$0x1400] =	vst v0  }
0x70: {  	[tilespmem:s8+$0x1410] =	vst v0  }
0x71: {  	[tilespmem:s8+$0x1420] =	vst v0  }
0x72: {  	[tilespmem:s8+$0x1430] =	vst v0  }
0x73: {  	[tilespmem:s8+$0x1440] =	vst v0  }
0x74: {  	[tilespmem:s8+$0x1450] =	vst v0  }
0x75: {  	[tilespmem:s8+$0x1460] =	vst v0  }
0x76: {  	[tilespmem:s8+$0x1470] =	vst v0  }
0x77: {  	[tilespmem:s8+$0x1800] =	vst v0  }
0x78: {  	[tilespmem:s8+$0x1810] =	vst v0  }
0x79: {  	[tilespmem:s8+$0x1820] =	vst v0  }
0x7a: {  	[tilespmem:s8+$0x1830] =	vst v0  }
0x7b: {  	s0 =	sand.u32 $0x7, s28;
	[tilespmem:s8+$0x1840] =	vst v0  }
0x7c: {  	s0 =	sshll.u32 s0, $0x7;
	[tilespmem:s8+$0x1850] =	vst v0  }
0x7d: {  	[tilespmem:s8+$0x1860] =	vst v0;
	s0 =	sadd.s32 s0, s30  }
0x7e: {  	[tilespmem:s8+$0x1870] =	vst v0;
	s8 =	sor.u32 $0x1C00, s0  }
0x7f: {  	[tilespmem:s8+$0x14280] =	vst v0;
	s8 =	sor.u32 $0x1C10, s0  }
0x80: {  	[tilespmem:s8+$0x14280] =	vst v0;
	s8 =	sor.u32 $0x1C20, s0  }
0x81: {  	[tilespmem:s8+$0x14280] =	vst v0;
	s8 =	sor.u32 $0x1C30, s0  }
0x82: {  	p0 =	sne.s32 s31, $0xF80;
	[tilespmem:s8+$0x14280] =	vst v0;
	s8 =	sor.u32 $0x1C40, s0  }
.Ltmp4:
0x83: {  	[tilespmem:s8+$0x14280] =	vst v0;
	s8 =	sor.u32 $0x1C50, s0;
	(pc) =	sbr.rel @p0 .LBB2_3-.Ltmp4, $4  }
0x84: {  	[tilespmem:s8+$0x14280] =	vst v0;
	s8 =	sor.u32 $0x1C60, s0  }
0x85: {  	s0 =	sor.u32 $0x1C70, s0;
	[tilespmem:s8+$0x14280] =	vst v0  }
0x86: {  	s29 =	sadd.s32 $0x400, s29;
	s31 =	sadd.s32 $0x80, s31;
	[tilespmem:s0+$0x14280] =	vst v0  }
0x87: {  	s28 =	sadd.s32 $0x1, s28;
	s30 =	sadd.s32 $0x400, s30;
	[tilespmem:s26+$0x0] =	vst v0;
	s26 =	sadd.s32 $0x80, s26  }
0x88: {  	s0 =	sshll.u32 s4, $0x5;
	s8 =	rddreg [dreg:$0x1a]  }
0x89: {  	s30 =	rddreg [dreg:$0x19];
	s0 =	sor.u32 s0, s8  }
0x8a: {  	s0 =	sor.u32 s30, s0  }
0x8b: {  	v4 =	vmov s0;
	_ =	sdelay $0x3  }
0x8c: {  	s26 =	simm.s32 $0x0  }
0x8d: {  	v4 =	vld.idx.msk [tilespmem:v4+s26+$0x0], $0xffff;
	_ =	sdelay $0x4  }
0x8e: {  	[dreg:$0x1e] =	wrdreg s0;
	s0 =	sadd.s32 $0x1, s0;
	(v2sf) =	vpush v4, $0x0  }
0x8f: {  	v4 =	vmov s0;
	_ =	sdelay $0x4  }
0x90: {  	v4 =	vld.idx.msk [tilespmem:v4+s26+$0x0], $0xffff;
	_ =	sdelay $0x4  }
0x91: {  	(v2sf) =	vpush v4, $0x0;
	_ =	sdelay $0x3  }
0x92: {  	s0 =	spop (v2sf)  }
0x93: {  	[dreg:$0x1d] =	wrdreg s4;
	s4 =	sand.u32 $0x1F, s0  }
0x94: {  	s28 =	sshra.s32 s0, $0x1F;
	p0 =	slt.s32 s0, $0x1;
	p1 =	sne.s32 s4, $0x0  }
0x95: {  	s30 =	sshrl.u32 s28, $0x1B;
	p0 =	por !p0, !p1  }
0x96: {  	s8 =	simm.s32 $0x1;
	s0 =	sadd.s32 s30, s0;
	p0 =	por !p0, !p0  }
0x97: {  	s0 =	sshra.s32 s0, $0x5;
	s8 =	simm.s32 @!p0 $0x0  }
0x98: {  	s28 =	ssub.s32 s0, s8  }
0x99: {  	p0 =	slt.s32 s28, $0x270F;
	s0 =	smov.u32 s28  }
0x9a: {  	s0 =	simm.s32 @!p0 $0x270F  }
0x9b: {  	s0 =	sshll.u32 s0, $0x3  }
0x9c: {  	s0 =	sand.u32 $0x1FFFFFF8, s0  }
0x9d: {  	s8 =	spop (v2sf);
	s0 =	sadd.s32 s3, s0  }
0x9e: {  	[tilespmem:s18], [sflag:$0x7] =	stream.linear.gather [hbm4b:s0+s26], $0x40, $0x38;
	[tilespmem:$0x1F680] =	vst v63  }
0x9f: {  	_ =	swait.ge [sflag:s16], $0x40  }
0xa0: {  	[sflag:s16] =	ssyncset.done $0x0  }
0xa1: {  	s31 =	simm.s32 $0x280;
	[sflag:s16] =	ssyncadd.s32 $0xFFFFFFC0  }
0xa2: {  	[tilespmem:s31], [sflag:$0x1] =	stream.indirect.gather [hbm4b:s1+s19], $0x80, s18, s19, $0xb8;
	[tilespmem:$0x1F680] =	vst v63  }
0xa3: {  	s4 =	simm.s32 $0x1A0;
	s30 =	simm.s32 $0x2280  }
0xa4: {  	[tilespmem:s30], [sflag:$0x2] =	stream.indirect.gather [hbm4b:s5+s19], $0x80, s4, s19, $0xb8;
	[tilespmem:$0x1F680] =	vst v63  }
0xa5: {  	v4 =	vld [tilespmem:$0x180];
	_ =	sdelay $0x4  }
0xa6: {  	v5 =	vshll.u32 v4, $0x3  }
0xa7: {  	v4 =	vand.u32 $0x7, v4;
	v5 =	vand.u32 $0xFFFFFFC0, v5  }
0xa8: {  	v4 =	vor.u32 v4, v5  }
0xa9: {  	v5 =	vperm.xlane v4, v1;
	_ =	sdelay $0x1  }
0xaa: {  	v5 =	vadd.s32 v2, v5;
	_ =	sdelay $0x3  }
0xab: {  	s4 =	simm.s32 $0x4280  }
0xac: {  	[tilespmem:s4], [sflag:$0x3] =	stream.indirect_vreg.gather [hbm4b:s6+s26], $0x80, v5, vm0, $0xb8;
	[tilespmem:$0x1F680] =	vst v63  }
0xad: {  	s30 =	simm.s32 $0x4A80;
	v4 =	vperm.xlane v4, v3  }
0xae: {  	[tilespmem:s30], [sflag:$0x3] =	stream.indirect_vreg.gather [hbm4b:s12+s26], $0x80, v5, vm0, $0xb8;
	[tilespmem:$0x1F680] =	vst v63  }
0xaf: {  	v4 =	vadd.s32 v2, v4;
	s4 =	simm.s32 $0x5280  }
0xb0: {  	[tilespmem:s4], [sflag:$0x3] =	stream.indirect_vreg.gather [hbm4b:s13+s26], $0x80, v5, vm0, $0xb8;
	[tilespmem:$0x1F680] =	vst v63  }
0xb1: {  	s30 =	simm.s32 $0x5A80  }
0xb2: {  	[tilespmem:s30], [sflag:$0x3] =	stream.indirect_vreg.gather [hbm4b:s14+s26], $0x80, v5, vm0, $0xb8;
	[tilespmem:$0x1F680] =	vst v63  }
0xb3: {  	s4 =	simm.s32 $0x6280  }
0xb4: {  	[tilespmem:s4], [sflag:$0x3] =	stream.indirect_vreg.gather [hbm4b:s6+s26], $0x80, v4, vm0, $0xb8;
	[tilespmem:$0x1F680] =	vst v63  }
0xb5: {  	s30 =	simm.s32 $0x6A80  }
0xb6: {  	[tilespmem:s30], [sflag:$0x3] =	stream.indirect_vreg.gather [hbm4b:s12+s26], $0x80, v4, vm0, $0xb8;
	[tilespmem:$0x1F680] =	vst v63  }
0xb7: {  	s4 =	simm.s32 $0x7280  }
0xb8: {  	[tilespmem:s4], [sflag:$0x3] =	stream.indirect_vreg.gather [hbm4b:s13+s26], $0x80, v4, vm0, $0xb8;
	[tilespmem:$0x1F680] =	vst v63  }
0xb9: {  	s30 =	simm.s32 $0x7A80  }
0xba: {  	[tilespmem:s30], [sflag:$0x3] =	stream.indirect_vreg.gather [hbm4b:s14+s26], $0x80, v4, vm0, $0xb8;
	[tilespmem:$0x1F680] =	vst v63  }
0xbb: {  	v4 =	vld [tilespmem:$0x190];
	_ =	sdelay $0x4  }
0xbc: {  	v5 =	vshll.u32 v4, $0x3  }
0xbd: {  	v4 =	vand.u32 $0x7, v4;
	v5 =	vand.u32 $0xFFFFFFC0, v5  }
0xbe: {  	v4 =	vor.u32 v4, v5  }
0xbf: {  	s4 =	sadd.s32 $0x1F, s8;
	v5 =	vperm.xlane v4, v1  }
0xc0: {  	s8 =	sshra.s32 s4, $0x1F;
	s29 =	sand.u32 $0x1F, s4  }
0xc1: {  	p3 =	slt.s32 s4, $0x1;
	s8 =	sshrl.u32 s8, $0x1B;
	p4 =	sne.s32 s29, $0x0;
	v5 =	vadd.s32 v2, v5  }
0xc2: {  	s0 =	sadd.s32 s8, s4;
	p0 =	por !p3, !p4  }
0xc3: {  	s8 =	simm.s32 $0x1;
	s0 =	sshra.s32 s0, $0x5;
	p0 =	por !p0, !p0  }
0xc4: {  	s0 =	ssub.s32 s0, s28;
	s8 =	simm.s32 @!p0 $0x0  }
0xc5: {  	s0 =	ssub.s32 s0, s8;
	s8 =	simm.s32 $0x8280  }
0xc6: {  	[tilespmem:s8], [sflag:$0x3] =	stream.indirect_vreg.gather [hbm4b:s6+s26], $0x80, v5, vm0, $0xb8;
	[tilespmem:$0x1F680] =	vst v63  }
0xc7: {  	s8 =	sadd.s32 $0x1, s0  }
0xc8: {  	s30 =	simm.s32 $0x8A80;
	s29 =	sand.u32 $0x1, s8  }
0xc9: {  	[tilespmem:s30], [sflag:$0x3] =	stream.indirect_vreg.gather [hbm4b:s12+s26], $0x80, v5, vm0, $0xb8;
	[tilespmem:$0x1F680] =	vst v63  }
0xca: {  	p5 =	slt.s32 s0, $0x0;
	v4 =	vperm.xlane v4, v3;
	s30 =	simm.s32 $0x9280;
	p6 =	seq.s32 s29, $0x1  }
0xcb: {  	[tilespmem:s30], [sflag:$0x3] =	stream.indirect_vreg.gather [hbm4b:s13+s26], $0x80, v5, vm0, $0xb8;
	[tilespmem:$0x1F680] =	vst v63  }
0xcc: {  	v4 =	vadd.s32 v2, v4;
	p0 =	por !p5, !p6;
	s30 =	sshrl.u32 s8, $0x1F  }
0xcd: {  	p0 =	por !p0, !p0;
	s0 =	sadd.s32 s30, s8;
	s8 =	simm.s32 $0x1  }
0xce: {  	[tilespmem:s15], [sflag:$0x3] =	stream.indirect_vreg.gather [hbm4b:s14+s26], $0x80, v5, vm0, $0xb8;
	[tilespmem:$0x1F680] =	vst v63  }
0xcf: {  	s0 =	sshra.s32 s0, $0x1;
	s8 =	simm.s32 @!p0 $0x0  }
0xd0: {  	s29 =	ssub.s32 s0, s8  }
0xd1: {  	[tilespmem:s7], [sflag:$0x3] =	stream.indirect_vreg.gather [hbm4b:s6+s26], $0x80, v4, vm0, $0xb8;
	[tilespmem:$0x1F680] =	vst v63  }
0xd2: {  	p0 =	slt.s32 s29, $0x1  }
0xd3: {  	[tilespmem:s9], [sflag:$0x3] =	stream.indirect_vreg.gather [hbm4b:s12+s26], $0x80, v4, vm0, $0xb8;
	[tilespmem:$0x1F680] =	vst v63  }
.Ltmp5:
0xd4: {  	_ = 	snop;
	(pc) =	sbr.rel @p0 .LBB2_6-.Ltmp5, $4  }
0xd5: {  	_ = 	snop  }
0xd6: {  	[tilespmem:s10], [sflag:$0x3] =	stream.indirect_vreg.gather [hbm4b:s13+s26], $0x80, v4, vm0, $0xb8;
	[tilespmem:$0x1F680] =	vst v63  }
0xd7: {  	_ = 	snop  }
0xd8: {  	[tilespmem:s11], [sflag:$0x3] =	stream.indirect_vreg.gather [hbm4b:s14+s26], $0x80, v4, vm0, $0xb8;
	[tilespmem:$0x1F680] =	vst v63  }
.LBB2_5:
0xd9: {  	_ =	swait.ge [sflag:s17], $0x1000  }
0xda: {  	[sflag:s17] =	ssyncset.done $0x0  }
0xdb: {  	[sflag:s17] =	ssyncadd.s32 $0xFFFFF000  }
0xdc: {  	p0 =	slt.s32 s28, $0x270E;
	s0 =	smov.u32 s28;
	_ =	swait.ge [sflag:s20], $0x1000  }
0xdd: {  	s0 =	simm.s32 @!p0 $0x270E;
	[sflag:s20] =	ssyncset.done $0x0  }
0xde: {  	s0 =	sshll.u32 s0, $0x3;
	[sflag:s20] =	ssyncadd.s32 $0xFFFFF000  }
0xdf: {  	s0 =	sadd.s32 $0x8, s0;
	_ =	swait.ge [sflag:s21], $0x8000  }
0xe0: {  	s0 =	sand.u32 $0x1FFFFFF8, s0;
	[sflag:s21] =	ssyncset.done $0x0  }
0xe1: {  	s0 =	sadd.s32 s3, s0;
	[sflag:s21] =	ssyncadd.s32 $0xFFFF8000  }
0xe2: {  	[tilespmem:s22], [sflag:$0x7] =	stream.linear.gather [hbm4b:s0+s2], $0x40, $0x38;
	[tilespmem:$0x1F680] =	vst v63  }
0xe3: {  	_ =	swait.ge [sflag:s16], $0x40  }
0xe4: {  	s0 =	rddreg [dreg:$0x3];
	[sflag:s16] =	ssyncset.done $0x0  }
0xe5: {  	s8 =	rddreg [dreg:$0x4];
	[sflag:s16] =	ssyncadd.s32 $0xFFFFFFC0  }
0xe6: {  	[tilespmem:s0], [sflag:$0x4] =	stream.indirect.gather [hbm4b:s1+s19], $0x80, s22, s19, $0xb8;
	[tilespmem:$0x1F680] =	vst v63  }
0xe7: {  	s30 =	rddreg [dreg:$0x5]  }
0xe8: {  	[tilespmem:s30], [sflag:$0x5] =	stream.indirect.gather [hbm4b:s5+s19], $0x80, s8, s19, $0xb8;
	[tilespmem:$0x1F680] =	vst v63  }
0xe9: {  	v4 =	vld [tilespmem:$0x200];
	_ =	sdelay $0x4  }
0xea: {  	v5 =	vshll.u32 v4, $0x3  }
0xeb: {  	v4 =	vand.u32 $0x7, v4;
	v5 =	vand.u32 $0xFFFFFFC0, v5  }
0xec: {  	v4 =	vor.u32 v4, v5  }
0xed: {  	v5 =	vperm.xlane v4, v1;
	_ =	sdelay $0x1  }
0xee: {  	v5 =	vadd.s32 v2, v5;
	_ =	sdelay $0x3  }
0xef: {  	s0 =	rddreg [dreg:$0x6]  }
0xf0: {  	[tilespmem:s0], [sflag:$0x6] =	stream.indirect_vreg.gather [hbm4b:s6+s2], $0x80, v5, vm0, $0xb8;
	[tilespmem:$0x1F680] =	vst v63  }
0xf1: {  	s8 =	rddreg [dreg:$0x7];
	v4 =	vperm.xlane v4, v3  }
0xf2: {  	[tilespmem:s8], [sflag:$0x6] =	stream.indirect_vreg.gather [hbm4b:s12+s2], $0x80, v5, vm0, $0xb8;
	[tilespmem:$0x1F680] =	vst v63  }
0xf3: {  	v4 =	vadd.s32 v2, v4;
	s0 =	rddreg [dreg:$0x8]  }
0xf4: {  	[tilespmem:s0], [sflag:$0x6] =	stream.indirect_vreg.gather [hbm4b:s13+s2], $0x80, v5, vm0, $0xb8;
	[tilespmem:$0x1F680] =	vst v63  }
0xf5: {  	s8 =	rddreg [dreg:$0x9]  }
0xf6: {  	[tilespmem:s8], [sflag:$0x6] =	stream.indirect_vreg.gather [hbm4b:s14+s2], $0x80, v5, vm0, $0xb8;
	[tilespmem:$0x1F680] =	vst v63  }
0xf7: {  	s0 =	rddreg [dreg:$0xa]  }
0xf8: {  	[tilespmem:s0], [sflag:$0x6] =	stream.indirect_vreg.gather [hbm4b:s6+s2], $0x80, v4, vm0, $0xb8;
	[tilespmem:$0x1F680] =	vst v63  }
0xf9: {  	s8 =	rddreg [dreg:$0xb]  }
0xfa: {  	[tilespmem:s8], [sflag:$0x6] =	stream.indirect_vreg.gather [hbm4b:s12+s2], $0x80, v4, vm0, $0xb8;
	[tilespmem:$0x1F680] =	vst v63  }
0xfb: {  	s0 =	rddreg [dreg:$0xc]  }
0xfc: {  	[tilespmem:s0], [sflag:$0x6] =	stream.indirect_vreg.gather [hbm4b:s13+s2], $0x80, v4, vm0, $0xb8;
	[tilespmem:$0x1F680] =	vst v63  }
0xfd: {  	s8 =	rddreg [dreg:$0xd]  }
0xfe: {  	[tilespmem:s8], [sflag:$0x6] =	stream.indirect_vreg.gather [hbm4b:s14+s2], $0x80, v4, vm0, $0xb8;
	[tilespmem:$0x1F680] =	vst v63  }
0xff: {  	v4 =	vld [tilespmem:$0x210];
	_ =	sdelay $0x4  }
0x100: {  	v5 =	vshll.u32 v4, $0x3  }
0x101: {  	v4 =	vand.u32 $0x7, v4;
	v5 =	vand.u32 $0xFFFFFFC0, v5  }
0x102: {  	v4 =	vor.u32 v4, v5  }
0x103: {  	v5 =	vperm.xlane v4, v1;
	_ =	sdelay $0x1  }
0x104: {  	v5 =	vadd.s32 v2, v5;
	_ =	sdelay $0x3  }
0x105: {  	s0 =	rddreg [dreg:$0xe]  }
0x106: {  	[tilespmem:s0], [sflag:$0x6] =	stream.indirect_vreg.gather [hbm4b:s6+s2], $0x80, v5, vm0, $0xb8;
	[tilespmem:$0x1F680] =	vst v63  }
0x107: {  	s8 =	rddreg [dreg:$0xf];
	v4 =	vperm.xlane v4, v3  }
0x108: {  	[tilespmem:s8], [sflag:$0x6] =	stream.indirect_vreg.gather [hbm4b:s12+s2], $0x80, v5, vm0, $0xb8;
	[tilespmem:$0x1F680] =	vst v63  }
0x109: {  	v4 =	vadd.s32 v2, v4;
	s0 =	rddreg [dreg:$0x10]  }
0x10a: {  	[tilespmem:s0], [sflag:$0x6] =	stream.indirect_vreg.gather [hbm4b:s13+s2], $0x80, v5, vm0, $0xb8;
	[tilespmem:$0x1F680] =	vst v63  }
0x10b: {  	s8 =	rddreg [dreg:$0x11]  }
0x10c: {  	[tilespmem:s8], [sflag:$0x6] =	stream.indirect_vreg.gather [hbm4b:s14+s2], $0x80, v5, vm0, $0xb8;
	[tilespmem:$0x1F680] =	vst v63  }
0x10d: {  	s0 =	rddreg [dreg:$0x12]  }
0x10e: {  	[tilespmem:s0], [sflag:$0x6] =	stream.indirect_vreg.gather [hbm4b:s6+s2], $0x80, v4, vm0, $0xb8;
	[tilespmem:$0x1F680] =	vst v63  }
0x10f: {  	s8 =	rddreg [dreg:$0x13]  }
0x110: {  	[tilespmem:s8], [sflag:$0x6] =	stream.indirect_vreg.gather [hbm4b:s12+s2], $0x80, v4, vm0, $0xb8;
	[tilespmem:$0x1F680] =	vst v63  }
0x111: {  	s0 =	rddreg [dreg:$0x14]  }
0x112: {  	[tilespmem:s0], [sflag:$0x6] =	stream.indirect_vreg.gather [hbm4b:s13+s2], $0x80, v4, vm0, $0xb8;
	[tilespmem:$0x1F680] =	vst v63  }
0x113: {  	s8 =	rddreg [dreg:$0x15]  }
0x114: {  	[tilespmem:s8], [sflag:$0x6] =	stream.indirect_vreg.gather [hbm4b:s14+s2], $0x80, v4, vm0, $0xb8;
	[tilespmem:$0x1F680] =	vst v63  }
0x115: {  	_ =	swait.ge [sflag:s23], $0x1000  }
0x116: {  	[sflag:s23] =	ssyncset.done $0x0  }
0x117: {  	[sflag:s23] =	ssyncadd.s32 $0xFFFFF000  }
0x118: {  	p0 =	slt.s32 s28, $0x270D;
	s0 =	smov.u32 s28;
	_ =	swait.ge [sflag:s24], $0x1000  }
0x119: {  	s0 =	simm.s32 @!p0 $0x270D;
	[sflag:s24] =	ssyncset.done $0x0  }
0x11a: {  	s0 =	sshll.u32 s0, $0x3;
	[sflag:s24] =	ssyncadd.s32 $0xFFFFF000  }
0x11b: {  	s0 =	sadd.s32 $0x10, s0;
	_ =	swait.ge [sflag:s25], $0x8000  }
0x11c: {  	s0 =	sand.u32 $0x1FFFFFF8, s0;
	[sflag:s25] =	ssyncset.done $0x0  }
0x11d: {  	s0 =	sadd.s32 s3, s0;
	[sflag:s25] =	ssyncadd.s32 $0xFFFF8000  }
0x11e: {  	[tilespmem:s18], [sflag:$0x7] =	stream.linear.gather [hbm4b:s0+s2], $0x40, $0x38;
	[tilespmem:$0x1F680] =	vst v63  }
0x11f: {  	_ =	swait.ge [sflag:s16], $0x40  }
0x120: {  	[sflag:s16] =	ssyncset.done $0x0  }
0x121: {  	[sflag:s16] =	ssyncadd.s32 $0xFFFFFFC0  }
0x122: {  	[tilespmem:s31], [sflag:$0x1] =	stream.indirect.gather [hbm4b:s1+s19], $0x80, s18, s19, $0xb8;
	[tilespmem:$0x1F680] =	vst v63  }
0x123: {  	s4 =	simm.s32 $0x2280;
	s30 =	simm.s32 $0x1A0  }
0x124: {  	[tilespmem:s4], [sflag:$0x2] =	stream.indirect.gather [hbm4b:s5+s19], $0x80, s30, s19, $0xb8;
	[tilespmem:$0x1F680] =	vst v63  }
0x125: {  	v4 =	vld [tilespmem:$0x180];
	_ =	sdelay $0x4  }
0x126: {  	v5 =	vshll.u32 v4, $0x3  }
0x127: {  	v4 =	vand.u32 $0x7, v4;
	v5 =	vand.u32 $0xFFFFFFC0, v5  }
0x128: {  	v4 =	vor.u32 v4, v5  }
0x129: {  	v5 =	vperm.xlane v4, v1;
	_ =	sdelay $0x1  }
0x12a: {  	v5 =	vadd.s32 v2, v5;
	_ =	sdelay $0x3  }
0x12b: {  	s8 =	simm.s32 $0x4280  }
0x12c: {  	[tilespmem:s8], [sflag:$0x3] =	stream.indirect_vreg.gather [hbm4b:s6+s2], $0x80, v5, vm0, $0xb8;
	[tilespmem:$0x1F680] =	vst v63  }
0x12d: {  	s30 =	simm.s32 $0x4A80;
	v4 =	vperm.xlane v4, v3  }
0x12e: {  	[tilespmem:s30], [sflag:$0x3] =	stream.indirect_vreg.gather [hbm4b:s12+s2], $0x80, v5, vm0, $0xb8;
	[tilespmem:$0x1F680] =	vst v63  }
0x12f: {  	v4 =	vadd.s32 v2, v4;
	s8 =	simm.s32 $0x5280  }
0x130: {  	[tilespmem:s8], [sflag:$0x3] =	stream.indirect_vreg.gather [hbm4b:s13+s2], $0x80, v5, vm0, $0xb8;
	[tilespmem:$0x1F680] =	vst v63  }
0x131: {  	s30 =	simm.s32 $0x5A80  }
0x132: {  	[tilespmem:s30], [sflag:$0x3] =	stream.indirect_vreg.gather [hbm4b:s14+s2], $0x80, v5, vm0, $0xb8;
	[tilespmem:$0x1F680] =	vst v63  }
0x133: {  	s8 =	simm.s32 $0x6280  }
0x134: {  	[tilespmem:s8], [sflag:$0x3] =	stream.indirect_vreg.gather [hbm4b:s6+s2], $0x80, v4, vm0, $0xb8;
	[tilespmem:$0x1F680] =	vst v63  }
0x135: {  	s30 =	simm.s32 $0x6A80  }
0x136: {  	[tilespmem:s30], [sflag:$0x3] =	stream.indirect_vreg.gather [hbm4b:s12+s2], $0x80, v4, vm0, $0xb8;
	[tilespmem:$0x1F680] =	vst v63  }
0x137: {  	s8 =	simm.s32 $0x7280  }
0x138: {  	[tilespmem:s8], [sflag:$0x3] =	stream.indirect_vreg.gather [hbm4b:s13+s2], $0x80, v4, vm0, $0xb8;
	[tilespmem:$0x1F680] =	vst v63  }
0x139: {  	s30 =	simm.s32 $0x7A80  }
0x13a: {  	[tilespmem:s30], [sflag:$0x3] =	stream.indirect_vreg.gather [hbm4b:s14+s2], $0x80, v4, vm0, $0xb8;
	[tilespmem:$0x1F680] =	vst v63  }
0x13b: {  	v4 =	vld [tilespmem:$0x190];
	_ =	sdelay $0x4  }
0x13c: {  	v5 =	vshll.u32 v4, $0x3  }
0x13d: {  	v4 =	vand.u32 $0x7, v4;
	v5 =	vand.u32 $0xFFFFFFC0, v5  }
0x13e: {  	v4 =	vor.u32 v4, v5  }
0x13f: {  	v5 =	vperm.xlane v4, v1;
	_ =	sdelay $0x1  }
0x140: {  	v5 =	vadd.s32 v2, v5;
	_ =	sdelay $0x3  }
0x141: {  	s8 =	simm.s32 $0x8280  }
0x142: {  	[tilespmem:s8], [sflag:$0x3] =	stream.indirect_vreg.gather [hbm4b:s6+s2], $0x80, v5, vm0, $0xb8;
	[tilespmem:$0x1F680] =	vst v63  }
0x143: {  	s30 =	simm.s32 $0x8A80;
	v4 =	vperm.xlane v4, v3  }
0x144: {  	[tilespmem:s30], [sflag:$0x3] =	stream.indirect_vreg.gather [hbm4b:s12+s2], $0x80, v5, vm0, $0xb8;
	[tilespmem:$0x1F680] =	vst v63  }
0x145: {  	v4 =	vadd.s32 v2, v4;
	s30 =	simm.s32 $0x9280  }
0x146: {  	[tilespmem:s30], [sflag:$0x3] =	stream.indirect_vreg.gather [hbm4b:s13+s2], $0x80, v5, vm0, $0xb8;
	[tilespmem:$0x1F680] =	vst v63  }
0x147: {  	_ = 	snop  }
0x148: {  	[tilespmem:s15], [sflag:$0x3] =	stream.indirect_vreg.gather [hbm4b:s14+s2], $0x80, v5, vm0, $0xb8;
	[tilespmem:$0x1F680] =	vst v63  }
0x149: {  	s26 =	sadd.s32 $0x1, s26  }
0x14a: {  	[tilespmem:s7], [sflag:$0x3] =	stream.indirect_vreg.gather [hbm4b:s6+s2], $0x80, v4, vm0, $0xb8;
	[tilespmem:$0x1F680] =	vst v63  }
0x14b: {  	p0 =	slt.s32 s26, s29  }
0x14c: {  	[tilespmem:s9], [sflag:$0x3] =	stream.indirect_vreg.gather [hbm4b:s12+s2], $0x80, v4, vm0, $0xb8;
	[tilespmem:$0x1F680] =	vst v63  }
.Ltmp6:
0x14d: {  	_ = 	snop;
	(pc) =	sbr.rel @p0 .LBB2_5-.Ltmp6, $4  }
0x14e: {  	_ = 	snop  }
0x14f: {  	[tilespmem:s10], [sflag:$0x3] =	stream.indirect_vreg.gather [hbm4b:s13+s2], $0x80, v4, vm0, $0xb8;
	[tilespmem:$0x1F680] =	vst v63  }
0x150: {  	s28 =	sadd.s32 $0x2, s28  }
0x151: {  	[tilespmem:s11], [sflag:$0x3] =	stream.indirect_vreg.gather [hbm4b:s14+s2], $0x80, v4, vm0, $0xb8;
	[tilespmem:$0x1F680] =	vst v63  }
.Ltmp7:
0x152: {  	_ = 	snop;
	(pc) =	sbr.rel .LBB2_6-.Ltmp7, $1  }
0x153: {  	_ =	sdelay $0x3  }
.LBB2_8:
0x154: {  	_ =	sfence.sel $0x180000  }
0x155: {  	[bflag:$0x0] =	sbarrier.arrive $0xFFFF  }
0x156: {  	_ =	strace $0x90000050  }
0x157: {  	s0 =	stileid.u32;
	[bflag:$0x2] =	sbarrier.arrive $0xFFFF  }
0x158: {  	p0 =	sne.s32 s0, $0x0;
	s0 =	rddreg [dreg:$0x2]  }
0x159: {  	s0 =	sadd.s32 @!p0 $0x100000, s0  }
0x15a: {  	[sflag:s0] =	ssyncadd.tile.s32 @!p0 $0x1;
	_ =	shalt  }
.Lfunc_end2:
_tile_overlayer_lowered:
.L_overlay_start_2:
0x15b: {  	(tag) =	ssettag $0x2  }
0x15c: {  	s0 =	rddreg [dreg:$0x0];
	s2 =	stileid.u32  }
0x15d: {  	s1 =	rddreg [dreg:$0x1];
	p0 =	sne.s32 s2, $0x0  }
0x15e: {  	s3 =	rddreg [dreg:$0x2];
	[bflag:$0x3] =	sbarrier.arrive $0xFFFF;
	s2 =	simm.s32 @!p0 $0x1C07  }
0x15f: {  	[timem:s3], [sflag:s2] =	dma.local @!p0 [hbm:s0], s1  }
0x160: {  	s0 =	simm.s32 @!p0 $0x7  }
0x161: {  	_ =	swait.ge @!p0 [sflag:s0], s1  }
0x162: {  	s1 =	ssub.s32 @!p0 $0x0, s1;
	[sflag:s0] =	ssyncset.done @!p0 $0x0  }
0x163: {  	[sflag:s0] =	ssyncadd.s32 @!p0 s1  }
0x164: {  	[bflag:$0x3] =	sbarrier.arrive $0xFFFF  }
0x165: {  	_ =	shalt  }

// kernel: kernel.15.cloned.1.call-start
scs
__scs_entry_jumppad:
0x0: {  	(pc) =	sbr.rel $0x88, $3  }
0x1: {  	(tag) =	ssettag $0x0;
	lr =	simm.s32 $0x1  }
0x2: {  	[smem:$0x3F93] =	sst lr;
	_ =	strace $0xD0000000  }
0x3: {  	_ = 	snop  }
0x4: {  	_ = 	snop  }
0x5: {  	_ = 	snop  }
0x6: {  	_ = 	snop  }
0x7: {  	_ = 	snop  }
__scs_overlays_trampoline_lowered:
0x8: {  	[smem:$0x3FA2] =	sst s0  }
0x9: {  	[smem:$0x3FA3] =	sst s1  }
0xa: {  	[smem:$0x3FA4] =	sst s2  }
0xb: {  	[smem:$0x3FA5] =	sst s3  }
0xc: {  	[smem:$0x3FA6] =	sst s4  }
0xd: {  	[smem:$0x3FA7] =	sst s5  }
0xe: {  	[smem:$0x3FA8] =	sst s6  }
0xf: {  	[smem:$0x3FA9] =	sst s7  }
0x10: {  	[smem:$0x3FAA] =	sst s8  }
0x11: {  	[smem:$0x3FAB] =	sst s9;
	s0 =	simm.s32 @!p0 $0x0  }
0x12: {  	s1 =	sld [smem:$0x3F91];
	s0 =	simm.s32 @p0 $0x1  }
0x13: {  	[smem:$0x3FAC] =	sst s0;
	s0 =	simm.s32 @!p1 $0x0  }
0x14: {  	s2 =	sld [smem:$0x3F90];
	s0 =	simm.s32 @p1 $0x1  }
0x15: {  	[smem:$0x3FAD] =	sst s0;
	s0 =	simm.s32 @!p2 $0x0  }
0x16: {  	s3 =	sld [smem:$0x3FDB];
	s0 =	simm.s32 @p2 $0x1  }
0x17: {  	s4 =	simm.s32 $0x1BF5;
	[smem:$0x3FAF] =	sst s0  }
0x18: {  	s0 =	sld [smem:$0x3F92];
	_ =	swait.ge [sflag:s4], $0x0  }
0x19: {  	s7 =	sld [smem:$0x3F93]  }
0x1a: {  	s8 =	sadd.s32 $0xFFFFE003, lr  }
0x1b: {  	s9 =	sadd.s32 $0xFFFFFEF7, lr;
	s5 =	simm.s32 $0xFFFFFFFF;
	p2 =	slt.u32 s8, $0xFFFFF086  }
0x1c: {  	p1 =	slt.u32 s9, $0xF7A;
	s5 =	simm.s32 @!p2 $0x0  }
0x1d: {  	s5 =	simm.s32 @p1 $0x1;
	p0 =	seq.s32 s7, s2  }
0x1e: {  	s7 =	smul.u32 @!p0 $0xF7A, s2;
	p2 =	seq.s32 @!p0 s5, $0x0  }
0x1f: {  	s9 =	smul.u32 $0xF7A, s1;
	s8 =	simm.s32 @!p0 $0x1BF5;
	p2 =	por !p2, p0  }
0x20: {  	[sflag:s8] =	ssyncset.s32 @!p0 $0xFFFFF086;
	s6 =	sadd.s32 @!p0 s3, s7;
	s7 =	simm.s32 @!p0 $0x108  }
0x21: {  	s3 =	sadd.s32 s3, s9;
	s6 =	sadd.s32 @!p0 $0x88, s6;
	s7 =	simm.s32 @p2 $0x1082  }
0x22: {  	[simem:s7], [sflag:s8] =	dma.local @!p0 [hbm:s6], $0xF7A  }
0x23: {  	s9 =	sor.u32 $0xD0000000, s2;
	s6 =	simm.s32 $0x108;
	_ =	swait.ge @!p0 [sflag:s8], $0x0  }
0x24: {  	s3 =	sadd.s32 $0x88, s3;
	s6 =	simm.s32 @!p1 $0x1082;
	[sflag:s4] =	ssyncset.s32 $0xFFFFF086  }
0x25: {  	[simem:s6], [sflag:s4] =	dma.local [hbm:s3], $0xF7A  }
0x26: {  	[smem:$0x3F93] =	sst s1;
	(tag) =	ssettag s2;
	_ =	strace s9  }
0x27: {  	s1 =	sld [smem:$0x3FA3]  }
0x28: {  	s2 =	sld [smem:$0x3FA4]  }
0x29: {  	s4 =	sld [smem:$0x3FA6]  }
0x2a: {  	p0 =	seq.s32 s5, $0x0;
	s5 =	sld [smem:$0x3FA7]  }
0x2b: {  	s6 =	sld [smem:$0x3FA8]  }
0x2c: {  	s7 =	sld [smem:$0x3FA9]  }
0x2d: {  	s3 =	simm.s32 $0x108;
	s8 =	sld [smem:$0x3FAA]  }
0x2e: {  	s3 =	simm.s32 @!p0 $0x1082;
	s9 =	sld [smem:$0x3FAB]  }
0x2f: {  	lr =	sadd.s32 s0, s3;
	s0 =	sld [smem:$0x3FA2]  }
0x30: {  	s3 =	sld [smem:$0x3FA5]  }
0x31: {  	[smem:$0x3FAE] =	sst s10  }
0x32: {  	s10 =	sld [smem:$0x3FAC];
	_ =	sdelay $0x3  }
0x33: {  	p0 =	seq.s32 s10, $0x1;
	s10 =	sld [smem:$0x3FAE];
	_ =	sdelay $0x3  }
0x34: {  	[smem:$0x3FAE] =	sst s10  }
0x35: {  	s10 =	sld [smem:$0x3FAD];
	_ =	sdelay $0x3  }
0x36: {  	p1 =	seq.s32 s10, $0x1;
	s10 =	sld [smem:$0x3FAE];
	_ =	sdelay $0x3  }
0x37: {  	[smem:$0x3FAE] =	sst s10  }
0x38: {  	s10 =	sld [smem:$0x3FAF]  }
0x39: {  	_ = 	snop;
	(pc) =	sbr.ind lr, $3  }
0x3a: {  	_ = 	snop  }
0x3b: {  	_ = 	snop  }
0x3c: {  	p2 =	seq.s32 s10, $0x1;
	s10 =	sld [smem:$0x3FAE]  }
0x3d: {  	_ =	shalt  }
0x3e: {  	_ =	shalt  }
0x3f: {  	_ =	shalt  }
0x40: {  	_ =	shalt  }
0x41: {  	_ =	shalt  }
0x42: {  	_ =	shalt  }
0x43: {  	_ =	shalt  }
0x44: {  	_ =	shalt  }
0x45: {  	_ =	shalt  }
0x46: {  	_ =	shalt  }
0x47: {  	_ =	shalt  }
0x48: {  	_ =	shalt  }
0x49: {  	_ =	shalt  }
0x4a: {  	_ =	shalt  }
0x4b: {  	_ =	shalt  }
0x4c: {  	_ =	shalt  }
0x4d: {  	_ =	shalt  }
0x4e: {  	_ =	shalt  }
0x4f: {  	_ =	shalt  }
0x50: {  	_ =	shalt  }
0x51: {  	_ =	shalt  }
0x52: {  	_ =	shalt  }
0x53: {  	_ =	shalt  }
0x54: {  	_ =	shalt  }
0x55: {  	_ =	shalt  }
0x56: {  	_ =	shalt  }
0x57: {  	_ =	shalt  }
0x58: {  	_ =	shalt  }
0x59: {  	_ =	shalt  }
0x5a: {  	_ =	shalt  }
0x5b: {  	_ =	shalt  }
0x5c: {  	_ =	shalt  }
0x5d: {  	_ =	shalt  }
0x5e: {  	_ =	shalt  }
0x5f: {  	_ =	shalt  }
0x60: {  	_ =	shalt  }
0x61: {  	_ =	shalt  }
0x62: {  	_ =	shalt  }
0x63: {  	_ =	shalt  }
0x64: {  	_ =	shalt  }
0x65: {  	_ =	shalt  }
0x66: {  	_ =	shalt  }
0x67: {  	_ =	shalt  }
0x68: {  	_ =	shalt  }
0x69: {  	_ =	shalt  }
0x6a: {  	_ =	shalt  }
0x6b: {  	_ =	shalt  }
0x6c: {  	_ =	shalt  }
0x6d: {  	_ =	shalt  }
0x6e: {  	_ =	shalt  }
0x6f: {  	_ =	shalt  }
0x70: {  	_ =	shalt  }
0x71: {  	_ =	shalt  }
0x72: {  	_ =	shalt  }
0x73: {  	_ =	shalt  }
0x74: {  	_ =	shalt  }
0x75: {  	_ =	shalt  }
0x76: {  	_ =	shalt  }
0x77: {  	_ =	shalt  }
0x78: {  	_ =	shalt  }
0x79: {  	_ =	shalt  }
0x7a: {  	_ =	shalt  }
0x7b: {  	_ =	shalt  }
0x7c: {  	_ =	shalt  }
0x7d: {  	_ =	shalt  }
0x7e: {  	_ =	shalt  }
0x7f: {  	_ =	shalt  }
0x80: {  	_ =	shalt  }
0x81: {  	_ =	shalt  }
0x82: {  	_ =	shalt  }
0x83: {  	_ =	shalt  }
0x84: {  	_ =	shalt  }
0x85: {  	_ =	shalt  }
0x86: {  	_ =	shalt  }
0x87: {  	_ =	shalt  }
.Lfunc_end0:
.L_simem_size_0:
called_computation.4_lowered:
.L_overlay_start_0:
0x88: {  	s2 =	sld [smem:$0x3FD9]  }
0x89: {  	s3 =	sld [smem:$0x3FFE];
	_ =	sdelay $0x1  }
0x8a: {  	s1 =	srdreg.scid  }
0x8b: {  	s0 =	sand.u32 $0x1, s1  }
0x8c: {  	s17 =	sshll.u32 s0, $0xA;
	s2 =	sadd.s32 s3, s2  }
0x8d: {  	s2 =	sadd.s32 s2, s17  }
0x8e: {  	[smem:$0x3FBA] =	sst s2  }
0x8f: {  	_ = 	snop  }
0x90: {  	s2 =	sld [smem:$0x3FD0];
	(tm) =	ssettm $0x1  }
0x91: {  	s18 =	sld [smem:$0x3FFB];
	_ =	sdelay $0x3  }
0x92: {  	_ =	strace s18  }
0x93: {  	s3 =	sld [smem:$0x3FFC];
	_ =	sdelay $0x3  }
0x94: {  	_ =	strace s3  }
0x95: {  	s3 =	sld [smem:$0x3FFD];
	_ =	sdelay $0x3  }
0x96: {  	_ =	strace s3  }
0x97: {  	_ =	strace $0x8FFFFFFF  }
0x98: {  	s19 =	sld [smem:$0x3FDB];
	_ =	sdelay $0x1  }
0x99: {  	s4 =	simm.s32 $_scs_section_size  }
0x9a: {  	s5 =	simm.s32 $_size__tile_overlayer_lowered;
	s6 =	simm.s32 $_tile_overlayer_lowered  }
0x9b: {  	s22 =	simm.s32 $0x1BFF;
	s21 =	sshll.u32 s6, $0x1;
	s3 =	sadd.s32 s4, s19  }
0x9c: {  	s7 =	simm.s32 $0x0;
	s20 =	sshll.u32 s5, $0x1;
	s5 =	sadd.s32 s21, s3  }
0x9d: {  	[timem:s7], [sflag:s22] =	dma.local [hbm:s5], s20  }
0x9e: {  	_ =	swait.ge [sflag:s22], s20  }
0x9f: {  	s4 =	ssub.s32 $0x0, s20;
	[sflag:s22] =	ssyncset.done $0x0  }
0xa0: {  	[sflag:s22] =	ssyncadd.s32 s4;
	_ =	sdelay $0x1  }
0xa1: {  	s23 =	simm.s32 $0x1B8B  }
0xa2: {  	_ =	swait.ge [sflag:s23], $0x1  }
0xa3: {  	[sflag:s23] =	ssyncset.done $0x0  }
0xa4: {  	s25 =	simm.s32 $0x1B8E;
	s24 =	sld [smem:$0x3FFE];
	[sflag:s23] =	ssyncadd.s32 $0xFFFFFFFF  }
0xa5: {  	s26 =	simm.s32 $execute0_lowered;
	[smem:$0x3FD2] =	sst s25  }
0xa6: {  	s5 =	sshll.u32 s26, $0x1;
	_ =	strace $0x80000052;
	[dreg:$0x1] =	wrdreg $0xFFFFFFFF  }
0xa7: {  	s28 =	simm.s32 $_size_execute0_lowered;
	s3 =	sadd.s32 s3, s5;
	[dreg:$0x0] =	wrdreg $0x0  }
0xa8: {  	s5 =	sshll.u32 s28, $0x1;
	[dreg:$0x2] =	wrdreg s3  }
0xa9: {  	[dreg:$0x3] =	wrdreg s5  }
0xaa: {  	[dreg:$0x4] =	wrdreg $0xC0  }
0xab: {  	_ =	task [dreg:s7], $0x5FFFF  }
0xac: {  	[dreg:$0x1] =	wrdreg $0xFFFFFFFF  }
0xad: {  	[dreg:$0x0] =	wrdreg $0x60  }
0xae: {  	[dreg:$0x2] =	wrdreg s24  }
0xaf: {  	[dreg:$0x3] =	wrdreg s2  }
0xb0: {  	[dreg:$0x4] =	wrdreg $0x9  }
0xb1: {  	_ =	task.clear_ibuf [dreg:s7], $0x5FFFF;
	_ =	strace $0x90000052  }
0xb2: {  	s29 =	simm.s32 $0x9;
	_ =	strace $0x80000054  }
0xb3: {  	_ =	swait.ge [sflag:s29], $0x1  }
0xb4: {  	[sflag:s29] =	ssyncadd.s32 $0xFFFFFFFF  }
0xb5: {  	_ =	strace $0x90000054  }
0xb6: {  	_ =	sfence  }
0xb7: {  	s30 =	sld [smem:$0x0];
	_ =	sdelay $0x2  }
0xb8: {  	s31 =	sshll.u32 s1, $0xD;
	s1 =	sshrl.u32 s1, $0x2  }
0xb9: {  	s3 =	sand.u32 $0x4000, s31;
	s1 =	sadd.s32 s1, s30  }
0xba: {  	s0 =	sor.u32 s3, s0;
	s1 =	sshll.u32 s1, $0x11  }
0xbb: {  	s0 =	sor.u32 s1, s0  }
0xbc: {  	s0 =	sadd.s32 $0x8F2B, s0  }
0xbd: {  	[sflag:s0] =	ssyncadd.remote.s32 $0x1  }
0xbe: {  	_ =	sfence.sel $0xFFFF  }
0xbf: {  	[dreg:$0x0] =	wrdreg $0xFFFFFFFF;
	(pc) =	sbr.abs _section_cstart, $3  }
0xc0: {  	[dreg:$0x1] =	wrdreg $0xFFFFFFFF  }
0xc1: {  	_ =	task.clear_ibuf [dreg:s7], $0x2FFFF;
	_ =	strace $0x9FFFFFFF  }
0xc2: {  	(tm) =	ssettm $0x7FFFFFFF  }
0xc3: {  	_ =	shalt  }
tec
execute0_lowered:
.L_overlay_start_1:
0x0: {  	(tag) =	ssettag $0x1  }
0x1: {  	s0 =	rddreg [dreg:$0x0]  }
0x2: {  	s1 =	rddreg [dreg:$0x1];
	s2 =	simm.s32 $0x0  }
0x3: {  	[smem:$0x7FF] =	sst s2;
	s4 =	sadd.s32 $0x5000, s0  }
0x4: {  	s7 =	sadd.s32 $0x151800, s0;
	_ =	strace $0x80000053;
	[dreg:$0x12] =	wrdreg s4  }
0x5: {  	s10 =	sadd.s32 $0x241800, s0;
	[dreg:$0x13] =	wrdreg s7  }
0x6: {  	s9 =	srdreg.scid;
	s11 =	simm.s32 $0x1280;
	[dreg:$0x14] =	wrdreg s10  }
0x7: {  	s12 =	simm.s32 $0x220;
	s13 =	simm.s32 $0x3280;
	[dreg:$0x3] =	wrdreg s11  }
0x8: {  	s15 =	simm.s32 $0xA280;
	s16 =	simm.s32 $0xAA80;
	[dreg:$0x4] =	wrdreg s12  }
0x9: {  	s17 =	simm.s32 $0xB280;
	s18 =	simm.s32 $0xBA80;
	[dreg:$0x5] =	wrdreg s13  }
0xa: {  	s19 =	simm.s32 $0xC280;
	s20 =	simm.s32 $0xCA80;
	[dreg:$0x6] =	wrdreg s15  }
0xb: {  	s21 =	simm.s32 $0xD280;
	s22 =	simm.s32 $0xDA80;
	[dreg:$0x7] =	wrdreg s16  }
0xc: {  	s23 =	simm.s32 $0xE280;
	s24 =	simm.s32 $0xEA80;
	[dreg:$0x8] =	wrdreg s17  }
0xd: {  	s25 =	simm.s32 $0xF280;
	s28 =	simm.s32 $0x4280;
	[dreg:$0x9] =	wrdreg s18  }
0xe: {  	s26 =	simm.s32 $0xFA80;
	s29 =	simm.s32 $0x7280;
	[dreg:$0xa] =	wrdreg s19  }
0xf: {  	s30 =	simm.s32 $0x7A80;
	s31 =	simm.s32 $0x8280;
	[dreg:$0xb] =	wrdreg s20  }
0x10: {  	s3 =	sadd.s32 $0x5400, s0;
	s5 =	sadd.s32 $0x18E00, s0;
	[dreg:$0xc] =	wrdreg s21  }
0x11: {  	s6 =	sadd.s32 $0x67200, s0;
	s4 =	sand.u32 $0x1, s9;
	[dreg:$0xd] =	wrdreg s22  }
0x12: {  	s9 =	stileid.u32;
	s12 =	sadd.s32 $0x67300, s0;
	[dreg:$0xe] =	wrdreg s23  }
0x13: {  	s13 =	sadd.s32 $0x67400, s0;
	s15 =	simm.s32 $0x7;
	[dreg:$0xf] =	wrdreg s24  }
0x14: {  	s16 =	simm.s32 $0x1;
	s17 =	simm.s32 $0x180;
	[dreg:$0x10] =	wrdreg s25  }
0x15: {  	s18 =	simm.s32 $0x20;
	[dreg:$0x11] =	wrdreg s26;
	s0 =	simm.s32 $0x8A80  }
0x16: {  	s7 =	simm.s32 $0x9280;
	s10 =	simm.s32 $0x4;
	s11 =	simm.s32 $0x5  }
.Ltmp0:
0x17: {  	[dreg:$0x15] =	wrdreg s4;
	s4 =	ssub.s32 $0x2, s4;
	(pc) =	sbr.rel .LBB2_1-.Ltmp0, $4  }
0x18: {  	s19 =	simm.s32 $0x6;
	s21 =	simm.s32 $0x0;
	s8 =	sshrl.u32 s4, $0x1  }
0x19: {  	v3 =	vlaneseq.u32;
	s14 =	sshll.u32 s9, $0x1;
	s9 =	simm.s32 $0x200;
	s4 =	ssub.s32 s4, s8  }
0x1a: {  	v0 =	vimm.f32 $0.0e+00;
	vm0 =	vmmov $0xffff;
	v2 =	vshrl.u32 v3, $0x3;
	[dreg:$0x16] =	wrdreg s14;
	s14 =	simm.s32 $0x2;
	s4 =	smax.u32 s4, $0x1  }
0x1b: {  	v1 =	vand.u32 $0x7, v3;
	v3 =	vor.u32 $0x8, v3;
	v2 =	vmul.u32 $0x8, v2;
	s8 =	simm.s32 $0x3;
	[dreg:$0x17] =	wrdreg s4;
	s4 =	simm.s32 $0x9A80  }
.LBB2_7:
0x1c: {  	s21 =	rddreg [dreg:$0x18]  }
0x1d: {  	s20 =	rddreg [dreg:$0x17];
	s21 =	sadd.s32 $0x1, s21  }
0x1e: {  	p0 =	sne.s32 s21, s20  }
.Ltmp1:
0x1f: {  	_ = 	snop;
	(pc) =	sbr.rel @!p0 .LBB2_8-.Ltmp1, $1  }
0x20: {  	_ =	sdelay $0x3  }
.LBB2_1:
0x21: {  	[dreg:$0x18] =	wrdreg s21  }
.Ltmp2:
0x22: {  	s20 =	rddreg [dreg:$0x12];
	(pc) =	sbr.rel .LBB2_2-.Ltmp2, $4  }
0x23: {  	[tilespmem:s2], [sflag:$0x7] =	stream.linear.gather [hbm4b:s20+s2], $0x180, $0x38;
	[tilespmem:$0x18E80] =	vst v63  }
0x24: {  	_ =	swait.ge [sflag:s15], $0x180  }
0x25: {  	s26 =	simm.s32 $0x0;
	[sflag:s15] =	ssyncset.done $0x0  }
0x26: {  	[dreg:$0x19] =	wrdreg s26;
	[sflag:s15] =	ssyncadd.s32 $0xFFFFFE80  }
.LBB2_6:
0x27: {  	_ =	swait.ge [sflag:s16], $0x1000  }
0x28: {  	[sflag:s16] =	ssyncset.done $0x0  }
0x29: {  	[sflag:s16] =	ssyncadd.s32 $0xFFFFF000  }
0x2a: {  	_ =	swait.ge [sflag:s14], $0x1000  }
0x2b: {  	[sflag:s14] =	ssyncset.done $0x0  }
0x2c: {  	[sflag:s14] =	ssyncadd.s32 $0xFFFFF000  }
0x2d: {  	_ =	swait.ge [sflag:s8], $0x6000  }
0x2e: {  	s22 =	rddreg [dreg:$0x1a]  }
0x2f: {  	s20 =	smul.u32 $0xC00, s22  }
0x30: {  	[sflag:s8] =	ssyncset.done $0x0;
	s21 =	rddreg [dreg:$0x13]  }
0x31: {  	s26 =	simm.s32 $0x10280;
	[sflag:s8] =	ssyncadd.s32 $0xFFFFA000;
	s20 =	sadd.s32 s21, s20  }
0x32: {  	[hbm4b:s20+s2] =	stream.linear.scatter [tilespmem:s26], [sflag:$0x7], $0x6000, $0x38;
	[tilespmem:$0x18E80] =	vst v63  }
0x33: {  	_ =	swait.ge [sflag:s15], $0x6000  }
0x34: {  	s23 =	sshll.u32 s22, $0x9;
	[sflag:s15] =	ssyncset.done $0x0;
	s24 =	rddreg [dreg:$0x14]  }
0x35: {  	s25 =	simm.s32 $0x17A80;
	[sflag:s15] =	ssyncadd.s32 $0xFFFFA000;
	s20 =	sadd.s32 s24, s23  }
0x36: {  	[hbm4b:s20+s2] =	stream.linear.scatter [tilespmem:s25], [sflag:$0x7], $0x1000, $0x38;
	[tilespmem:$0x18E80] =	vst v63  }
0x37: {  	_ =	swait.ge [sflag:s15], $0x1000  }
0x38: {  	s26 =	rddreg [dreg:$0x19]  }
0x39: {  	s20 =	sadd.s32 $0x1, s26  }
0x3a: {  	p0 =	sne.s32 s20, $0xA  }
.Ltmp3:
0x3b: {  	_ = 	snop;
	(pc) =	sbr.rel @!p0 .LBB2_7-.Ltmp3, $3  }
0x3c: {  	_ =	sdelay $0x1  }
0x3d: {  	[sflag:s15] =	ssyncset.done $0x0  }
0x3e: {  	[sflag:s15] =	ssyncadd.s32 $0xFFFFF000;
	[dreg:$0x19] =	wrdreg s20  }
.LBB2_2:
0x3f: {  	s20 =	simm.s32 $0x0  }
0x40: {  	s20 =	smul.u32 $0x6000, s20  }
0x41: {  	s21 =	simm.s32 $0x0  }
0x42: {  	s21 =	sand.u32 $0x380, s21;
	s20 =	sshra.s32 s20, $0x2  }
0x43: {  	s20 =	sor.u32 s21, s20  }
0x44: {  	s21 =	sadd.s32 $0x10280, s20;
	[tilespmem:s20+$0x10280] =	vst v0  }
0x45: {  	[tilespmem:s21+$0x470] =	vst v0  }
0x46: {  	[tilespmem:s21+$0x460] =	vst v0  }
0x47: {  	[tilespmem:s21+$0x450] =	vst v0  }
0x48: {  	[tilespmem:s21+$0x440] =	vst v0  }
0x49: {  	[tilespmem:s21+$0x430] =	vst v0  }
0x4a: {  	[tilespmem:s21+$0x420] =	vst v0  }
0x4b: {  	[tilespmem:s21+$0x400] =	vst v0  }
0x4c: {  	[tilespmem:s21+$0x410] =	vst v0  }
0x4d: {  	[tilespmem:s21+$0x60] =	vst v0  }
0x4e: {  	[tilespmem:s21+$0x50] =	vst v0  }
0x4f: {  	[tilespmem:s21+$0x40] =	vst v0  }
0x50: {  	[tilespmem:s21+$0x30] =	vst v0  }
0x51: {  	[tilespmem:s21+$0x20] =	vst v0  }
0x52: {  	[tilespmem:s21+$0x70] =	vst v0  }
0x53: {  	s24 =	sadd.s32 $0x10A80, s20;
	[tilespmem:s21+$0x10] =	vst v0  }
0x54: {  	[tilespmem:s24+$0x70] =	vst v0  }
0x55: {  	[tilespmem:s24+$0x60] =	vst v0  }
0x56: {  	[tilespmem:s24+$0x50] =	vst v0  }
0x57: {  	[tilespmem:s24+$0x40] =	vst v0  }
0x58: {  	[tilespmem:s20+$0x10A80] =	vst v0  }
0x59: {  	[tilespmem:s24+$0x20] =	vst v0  }
0x5a: {  	[tilespmem:s24+$0x10] =	vst v0  }
0x5b: {  	s25 =	sadd.s32 $0x10E80, s20;
	[tilespmem:s24+$0x30] =	vst v0  }
0x5c: {  	[tilespmem:s25+$0x70] =	vst v0  }
0x5d: {  	[tilespmem:s25+$0x60] =	vst v0  }
0x5e: {  	[tilespmem:s25+$0x40] =	vst v0  }
0x5f: {  	[tilespmem:s25+$0x50] =	vst v0  }
0x60: {  	[tilespmem:s20+$0x10E80] =	vst v0  }
0x61: {  	[tilespmem:s25+$0x10] =	vst v0  }
0x62: {  	[tilespmem:s25+$0x20] =	vst v0  }
0x63: {  	s26 =	sadd.s32 $0x11280, s20;
	[tilespmem:s25+$0x30] =	vst v0  }
0x64: {  	[tilespmem:s26+$0x60] =	vst v0  }
0x65: {  	[tilespmem:s26+$0x70] =	vst v0  }
0x66: {  	[tilespmem:s26+$0x50] =	vst v0  }
0x67: {  	[tilespmem:s26+$0x40] =	vst v0  }
0x68: {  	[tilespmem:s20+$0x11280] =	vst v0  }
0x69: {  	[tilespmem:s26+$0x10] =	vst v0  }
0x6a: {  	[tilespmem:s26+$0x20] =	vst v0  }
0x6b: {  	s25 =	sadd.s32 $0x11680, s20;
	[tilespmem:s26+$0x30] =	vst v0  }
0x6c: {  	[tilespmem:s25+$0x70] =	vst v0  }
0x6d: {  	[tilespmem:s25+$0x60] =	vst v0  }
0x6e: {  	s22 =	simm.s32 $0x80;
	[tilespmem:s25+$0x40] =	vst v0  }
0x6f: {  	s21 =	simm.s32 $0x17A80;
	s24 =	simm.s32 $0x1;
	[tilespmem:s20+$0x11680] =	vst v0;
	s20 =	simm.s32 $0x17A80  }
.LBB2_3:
0x70: {  	s23 =	smov.u32 s24  }
0x71: {  	s26 =	sshrl.u32 s24, $0x3;
	[tilespmem:s25+$0x20] =	vst v0;
	s21 =	sadd.s32 $0x80, s21;
	s23 =	sadd.s32 $0x1, s24  }
0x72: {  	p0 =	sne.s32 s24, $0x1F;
	s26 =	smul.u32 $0x6000, s26;
	[tilespmem:s25+$0x10] =	vst v0  }
0x73: {  	[tilespmem:s25+$0x50] =	vst v0  }
0x74: {  	s24 =	sand.u32 $0x380, s22;
	s26 =	sshra.s32 s26, $0x2;
	[tilespmem:s25+$0x30] =	vst v0  }
0x75: {  	s24 =	sor.u32 s24, s26;
	[tilespmem:s20+$0x0] =	vst v0;
	s20 =	smov.u32 s21  }
0x76: {  	s25 =	sadd.s32 $0x10280, s24;
	[tilespmem:s24+$0x10280] =	vst v0  }
0x77: {  	[tilespmem:s25+$0x470] =	vst v0  }
0x78: {  	[tilespmem:s25+$0x460] =	vst v0  }
0x79: {  	[tilespmem:s25+$0x450] =	vst v0  }
0x7a: {  	[tilespmem:s25+$0x440] =	vst v0  }
0x7b: {  	[tilespmem:s25+$0x430] =	vst v0  }
0x7c: {  	[tilespmem:s25+$0x420] =	vst v0  }
0x7d: {  	[tilespmem:s25+$0x400] =	vst v0  }
0x7e: {  	[tilespmem:s25+$0x410] =	vst v0  }
0x7f: {  	[tilespmem:s25+$0x60] =	vst v0  }
0x80: {  	[tilespmem:s25+$0x50] =	vst v0  }
0x81: {  	[tilespmem:s25+$0x40] =	vst v0  }
0x82: {  	[tilespmem:s25+$0x30] =	vst v0  }
0x83: {  	[tilespmem:s25+$0x20] =	vst v0  }
0x84: {  	[tilespmem:s25+$0x70] =	vst v0  }
0x85: {  	[tilespmem:s25+$0x10] =	vst v0;
	s25 =	sadd.s32 $0x10A80, s24  }
0x86: {  	[tilespmem:s25+$0x70] =	vst v0  }
0x87: {  	[tilespmem:s25+$0x60] =	vst v0  }
0x88: {  	[tilespmem:s25+$0x50] =	vst v0  }
0x89: {  	[tilespmem:s25+$0x40] =	vst v0  }
0x8a: {  	[tilespmem:s24+$0x10A80] =	vst v0  }
0x8b: {  	[tilespmem:s25+$0x20] =	vst v0  }
0x8c: {  	[tilespmem:s25+$0x10] =	vst v0  }
0x8d: {  	[tilespmem:s25+$0x30] =	vst v0;
	s25 =	sadd.s32 $0x10E80, s24  }
0x8e: {  	[tilespmem:s25+$0x70] =	vst v0  }
0x8f: {  	[tilespmem:s25+$0x60] =	vst v0  }
0x90: {  	[tilespmem:s25+$0x40] =	vst v0  }
0x91: {  	[tilespmem:s25+$0x50] =	vst v0  }
0x92: {  	[tilespmem:s24+$0x10E80] =	vst v0  }
0x93: {  	[tilespmem:s25+$0x10] =	vst v0  }
0x94: {  	[tilespmem:s25+$0x20] =	vst v0  }
0x95: {  	[tilespmem:s25+$0x30] =	vst v0;
	s25 =	sadd.s32 $0x11280, s24  }
0x96: {  	[tilespmem:s25+$0x60] =	vst v0  }
0x97: {  	[tilespmem:s25+$0x70] =	vst v0  }
0x98: {  	[tilespmem:s25+$0x50] =	vst v0  }
0x99: {  	[tilespmem:s25+$0x40] =	vst v0  }
0x9a: {  	[tilespmem:s24+$0x11280] =	vst v0  }
0x9b: {  	[tilespmem:s25+$0x10] =	vst v0  }
0x9c: {  	[tilespmem:s25+$0x20] =	vst v0  }
.Ltmp4:
0x9d: {  	[tilespmem:s25+$0x30] =	vst v0;
	s25 =	sadd.s32 $0x11680, s24;
	(pc) =	sbr.rel @p0 .LBB2_3-.Ltmp4, $4  }
0x9e: {  	[tilespmem:s25+$0x70] =	vst v0  }
0x9f: {  	[tilespmem:s25+$0x60] =	vst v0  }
0xa0: {  	[tilespmem:s25+$0x40] =	vst v0  }
0xa1: {  	s22 =	sadd.s32 $0x80, s22;
	[tilespmem:s24+$0x11680] =	vst v0;
	s24 =	smov.u32 s23  }
0xa2: {  	s21 =	rddreg [dreg:$0x19]  }
0xa3: {  	s22 =	rddreg [dreg:$0x16];
	s21 =	sshll.u32 s21, $0x5  }
0xa4: {  	s24 =	rddreg [dreg:$0x15];
	s21 =	sor.u32 s21, s22  }
0xa5: {  	s21 =	sor.u32 s24, s21  }
0xa6: {  	[tilespmem:s25+$0x20] =	vst v0;
	v4 =	vmov s21  }
0xa7: {  	[tilespmem:s25+$0x10] =	vst v0  }
0xa8: {  	[tilespmem:s25+$0x50] =	vst v0  }
0xa9: {  	[tilespmem:s25+$0x30] =	vst v0  }
0xaa: {  	[tilespmem:s20+$0x0] =	vst v0;
	s20 =	simm.s32 $0x0  }
0xab: {  	v4 =	vld.idx.msk [tilespmem:v4+s20+$0x0], $0xffff;
	_ =	sdelay $0x4  }
0xac: {  	[dreg:$0x1a] =	wrdreg s21;
	s21 =	sadd.s32 $0x1, s21;
	(v2sf) =	vpush v4, $0x0  }
0xad: {  	v4 =	vmov s21;
	_ =	sdelay $0x4  }
0xae: {  	v4 =	vld.idx.msk [tilespmem:v4+s20+$0x0], $0xffff;
	_ =	sdelay $0x4  }
0xaf: {  	(v2sf) =	vpush v4, $0x0;
	_ =	sdelay $0x3  }
0xb0: {  	s25 =	spop (v2sf)  }
0xb1: {  	s26 =	sand.u32 $0x1F, s25  }
0xb2: {  	s23 =	sshra.s32 s25, $0x1F;
	p0 =	slt.s32 s25, $0x1;
	p1 =	sne.s32 s26, $0x0  }
0xb3: {  	s24 =	sshrl.u32 s23, $0x1B;
	p0 =	por !p0, !p1  }
0xb4: {  	s22 =	simm.s32 $0x1;
	s21 =	sadd.s32 s24, s25;
	p0 =	por !p0, !p0  }
0xb5: {  	s21 =	sshra.s32 s21, $0x5;
	s22 =	simm.s32 @!p0 $0x0  }
0xb6: {  	s21 =	ssub.s32 s21, s22  }
0xb7: {  	p0 =	slt.s32 s21, $0x270F;
	s22 =	smov.u32 s21  }
0xb8: {  	s22 =	simm.s32 @!p0 $0x270F  }
0xb9: {  	s22 =	sshll.u32 s22, $0x3  }
0xba: {  	s22 =	sand.u32 $0x1FFFFFF8, s22  }
0xbb: {  	s23 =	spop (v2sf);
	s22 =	sadd.s32 s3, s22  }
0xbc: {  	[tilespmem:s17], [sflag:$0x7] =	stream.linear.gather [hbm4b:s22+s20], $0x40, $0x38;
	[tilespmem:$0x18E80] =	vst v63  }
0xbd: {  	_ =	swait.ge [sflag:s15], $0x40  }
0xbe: {  	[sflag:s15] =	ssyncset.done $0x0  }
0xbf: {  	s26 =	simm.s32 $0x280;
	[sflag:s15] =	ssyncadd.s32 $0xFFFFFFC0  }
0xc0: {  	[tilespmem:s26], [sflag:$0x1] =	stream.indirect.gather [hbm4b:s1+s18], $0x80, s17, s18, $0xb8;
	[tilespmem:$0x18E80] =	vst v63  }
0xc1: {  	s25 =	simm.s32 $0x1A0;
	s24 =	simm.s32 $0x2280  }
0xc2: {  	[tilespmem:s24], [sflag:$0x2] =	stream.indirect.gather [hbm4b:s5+s18], $0x80, s25, s18, $0xb8;
	[tilespmem:$0x18E80] =	vst v63  }
0xc3: {  	v4 =	vld [tilespmem:$0x180];
	_ =	sdelay $0x4  }
0xc4: {  	v5 =	vshrl.u32 v4, $0x3  }
0xc5: {  	v5 =	vmul.u32 $0x30, v5  }
0xc6: {  	v4 =	vand.u32 $0x7, v4  }
0xc7: {  	v4 =	vor.u32 v4, v5  }
0xc8: {  	v5 =	vperm.xlane v4, v1;
	_ =	sdelay $0x1  }
0xc9: {  	v5 =	vadd.s32 v2, v5;
	_ =	sdelay $0x3  }
0xca: {  	v4 =	vperm.xlane v4, v3  }
0xcb: {  	[tilespmem:s28], [sflag:$0x3] =	stream.indirect_vreg.gather [hbm4b:s6+s20], $0x80, v5, vm0, $0xb8;
	[tilespmem:$0x18E80] =	vst v63  }
0xcc: {  	s24 =	simm.s32 $0x4A80;
	v4 =	vadd.s32 v2, v4  }
0xcd: {  	[tilespmem:s24], [sflag:$0x3] =	stream.indirect_vreg.gather [hbm4b:s12+s20], $0x80, v5, vm0, $0xb8;
	[tilespmem:$0x18E80] =	vst v63  }
0xce: {  	s25 =	simm.s32 $0x5280  }
0xcf: {  	[tilespmem:s25], [sflag:$0x3] =	stream.indirect_vreg.gather [hbm4b:s13+s20], $0x80, v5, vm0, $0xb8;
	[tilespmem:$0x18E80] =	vst v63  }
0xd0: {  	s24 =	simm.s32 $0x5A80  }
0xd1: {  	[tilespmem:s24], [sflag:$0x3] =	stream.indirect_vreg.gather [hbm4b:s6+s20], $0x80, v4, vm0, $0xb8;
	[tilespmem:$0x18E80] =	vst v63  }
0xd2: {  	s25 =	simm.s32 $0x6280  }
0xd3: {  	[tilespmem:s25], [sflag:$0x3] =	stream.indirect_vreg.gather [hbm4b:s12+s20], $0x80, v4, vm0, $0xb8;
	[tilespmem:$0x18E80] =	vst v63  }
0xd4: {  	s24 =	simm.s32 $0x6A80  }
0xd5: {  	[tilespmem:s24], [sflag:$0x3] =	stream.indirect_vreg.gather [hbm4b:s13+s20], $0x80, v4, vm0, $0xb8;
	[tilespmem:$0x18E80] =	vst v63  }
0xd6: {  	v4 =	vld [tilespmem:$0x190];
	_ =	sdelay $0x3  }
0xd7: {  	s22 =	sadd.s32 $0x1F, s23  }
0xd8: {  	s23 =	sshra.s32 s22, $0x1F;
	s25 =	sand.u32 $0x1F, s22;
	v5 =	vshrl.u32 v4, $0x3  }
0xd9: {  	p3 =	slt.s32 s22, $0x1;
	s23 =	sshrl.u32 s23, $0x1B;
	p4 =	sne.s32 s25, $0x0;
	v5 =	vmul.u32 $0x30, v5  }
0xda: {  	s22 =	sadd.s32 s23, s22;
	p0 =	por !p3, !p4;
	v4 =	vand.u32 $0x7, v4  }
0xdb: {  	s23 =	simm.s32 $0x1;
	s22 =	sshra.s32 s22, $0x5;
	p0 =	por !p0, !p0;
	v4 =	vor.u32 v4, v5  }
0xdc: {  	s22 =	ssub.s32 s22, s21;
	s23 =	simm.s32 @!p0 $0x0;
	v5 =	vperm.xlane v4, v1  }
0xdd: {  	s22 =	ssub.s32 s22, s23  }
0xde: {  	s23 =	sadd.s32 $0x1, s22;
	v5 =	vadd.s32 v2, v5  }
0xdf: {  	s25 =	sand.u32 $0x1, s23  }
0xe0: {  	p5 =	slt.s32 s22, $0x0;
	p6 =	seq.s32 s25, $0x1  }
0xe1: {  	s25 =	sshrl.u32 s23, $0x1F;
	p0 =	por !p5, !p6  }
0xe2: {  	s22 =	sadd.s32 s25, s23;
	s23 =	simm.s32 $0x1;
	p0 =	por !p0, !p0;
	v4 =	vperm.xlane v4, v3  }
0xe3: {  	[tilespmem:s29], [sflag:$0x3] =	stream.indirect_vreg.gather [hbm4b:s6+s20], $0x80, v5, vm0, $0xb8;
	[tilespmem:$0x18E80] =	vst v63  }
0xe4: {  	s22 =	sshra.s32 s22, $0x1;
	s23 =	simm.s32 @!p0 $0x0;
	v4 =	vadd.s32 v2, v4  }
0xe5: {  	[tilespmem:s30], [sflag:$0x3] =	stream.indirect_vreg.gather [hbm4b:s12+s20], $0x80, v5, vm0, $0xb8;
	[tilespmem:$0x18E80] =	vst v63  }
0xe6: {  	s22 =	ssub.s32 s22, s23  }
0xe7: {  	[tilespmem:s31], [sflag:$0x3] =	stream.indirect_vreg.gather [hbm4b:s13+s20], $0x80, v5, vm0, $0xb8;
	[tilespmem:$0x18E80] =	vst v63  }
0xe8: {  	p0 =	slt.s32 s22, $0x1  }
0xe9: {  	[tilespmem:s0], [sflag:$0x3] =	stream.indirect_vreg.gather [hbm4b:s6+s20], $0x80, v4, vm0, $0xb8;
	[tilespmem:$0x18E80] =	vst v63  }
.Ltmp5:
0xea: {  	_ = 	snop;
	(pc) =	sbr.rel @p0 .LBB2_6-.Ltmp5, $4  }
0xeb: {  	_ = 	snop  }
0xec: {  	[tilespmem:s7], [sflag:$0x3] =	stream.indirect_vreg.gather [hbm4b:s12+s20], $0x80, v4, vm0, $0xb8;
	[tilespmem:$0x18E80] =	vst v63  }
0xed: {  	_ = 	snop  }
0xee: {  	[tilespmem:s4], [sflag:$0x3] =	stream.indirect_vreg.gather [hbm4b:s13+s20], $0x80, v4, vm0, $0xb8;
	[tilespmem:$0x18E80] =	vst v63  }
.LBB2_5:
0xef: {  	_ =	swait.ge [sflag:s16], $0x1000  }
0xf0: {  	[sflag:s16] =	ssyncset.done $0x0  }
0xf1: {  	[sflag:s16] =	ssyncadd.s32 $0xFFFFF000  }
0xf2: {  	p0 =	slt.s32 s21, $0x270E;
	s23 =	smov.u32 s21;
	_ =	swait.ge [sflag:s14], $0x1000  }
0xf3: {  	s23 =	simm.s32 @!p0 $0x270E;
	[sflag:s14] =	ssyncset.done $0x0  }
0xf4: {  	s23 =	sshll.u32 s23, $0x3;
	[sflag:s14] =	ssyncadd.s32 $0xFFFFF000  }
0xf5: {  	s23 =	sadd.s32 $0x8, s23;
	_ =	swait.ge [sflag:s8], $0x6000  }
0xf6: {  	s23 =	sand.u32 $0x1FFFFFF8, s23;
	[sflag:s8] =	ssyncset.done $0x0  }
0xf7: {  	s23 =	sadd.s32 s3, s23;
	[sflag:s8] =	ssyncadd.s32 $0xFFFFA000  }
0xf8: {  	[tilespmem:s9], [sflag:$0x7] =	stream.linear.gather [hbm4b:s23+s2], $0x40, $0x38;
	[tilespmem:$0x18E80] =	vst v63  }
0xf9: {  	_ =	swait.ge [sflag:s15], $0x40  }
0xfa: {  	s23 =	rddreg [dreg:$0x3];
	[sflag:s15] =	ssyncset.done $0x0  }
0xfb: {  	s24 =	rddreg [dreg:$0x4];
	[sflag:s15] =	ssyncadd.s32 $0xFFFFFFC0  }
0xfc: {  	[tilespmem:s23], [sflag:$0x4] =	stream.indirect.gather [hbm4b:s1+s18], $0x80, s9, s18, $0xb8;
	[tilespmem:$0x18E80] =	vst v63  }
0xfd: {  	s25 =	rddreg [dreg:$0x5]  }
0xfe: {  	[tilespmem:s25], [sflag:$0x5] =	stream.indirect.gather [hbm4b:s5+s18], $0x80, s24, s18, $0xb8;
	[tilespmem:$0x18E80] =	vst v63  }
0xff: {  	v4 =	vld [tilespmem:$0x200];
	_ =	sdelay $0x4  }
0x100: {  	v5 =	vshrl.u32 v4, $0x3  }
0x101: {  	v5 =	vmul.u32 $0x30, v5  }
0x102: {  	v4 =	vand.u32 $0x7, v4  }
0x103: {  	v4 =	vor.u32 v4, v5  }
0x104: {  	v5 =	vperm.xlane v4, v1;
	_ =	sdelay $0x1  }
0x105: {  	v5 =	vadd.s32 v2, v5;
	_ =	sdelay $0x3  }
0x106: {  	s23 =	rddreg [dreg:$0x6];
	v4 =	vperm.xlane v4, v3  }
0x107: {  	[tilespmem:s23], [sflag:$0x6] =	stream.indirect_vreg.gather [hbm4b:s6+s2], $0x80, v5, vm0, $0xb8;
	[tilespmem:$0x18E80] =	vst v63  }
0x108: {  	s24 =	rddreg [dreg:$0x7];
	v4 =	vadd.s32 v2, v4  }
0x109: {  	[tilespmem:s24], [sflag:$0x6] =	stream.indirect_vreg.gather [hbm4b:s12+s2], $0x80, v5, vm0, $0xb8;
	[tilespmem:$0x18E80] =	vst v63  }
0x10a: {  	s23 =	rddreg [dreg:$0x8]  }
0x10b: {  	[tilespmem:s23], [sflag:$0x6] =	stream.indirect_vreg.gather [hbm4b:s13+s2], $0x80, v5, vm0, $0xb8;
	[tilespmem:$0x18E80] =	vst v63  }
0x10c: {  	s24 =	rddreg [dreg:$0x9]  }
0x10d: {  	[tilespmem:s24], [sflag:$0x6] =	stream.indirect_vreg.gather [hbm4b:s6+s2], $0x80, v4, vm0, $0xb8;
	[tilespmem:$0x18E80] =	vst v63  }
0x10e: {  	s23 =	rddreg [dreg:$0xa]  }
0x10f: {  	[tilespmem:s23], [sflag:$0x6] =	stream.indirect_vreg.gather [hbm4b:s12+s2], $0x80, v4, vm0, $0xb8;
	[tilespmem:$0x18E80] =	vst v63  }
0x110: {  	s24 =	rddreg [dreg:$0xb]  }
0x111: {  	[tilespmem:s24], [sflag:$0x6] =	stream.indirect_vreg.gather [hbm4b:s13+s2], $0x80, v4, vm0, $0xb8;
	[tilespmem:$0x18E80] =	vst v63  }
0x112: {  	v4 =	vld [tilespmem:$0x210];
	_ =	sdelay $0x4  }
0x113: {  	v5 =	vshrl.u32 v4, $0x3  }
0x114: {  	v5 =	vmul.u32 $0x30, v5  }
0x115: {  	v4 =	vand.u32 $0x7, v4  }
0x116: {  	v4 =	vor.u32 v4, v5  }
0x117: {  	v5 =	vperm.xlane v4, v1;
	_ =	sdelay $0x1  }
0x118: {  	v5 =	vadd.s32 v2, v5;
	_ =	sdelay $0x3  }
0x119: {  	s23 =	rddreg [dreg:$0xc];
	v4 =	vperm.xlane v4, v3  }
0x11a: {  	[tilespmem:s23], [sflag:$0x6] =	stream.indirect_vreg.gather [hbm4b:s6+s2], $0x80, v5, vm0, $0xb8;
	[tilespmem:$0x18E80] =	vst v63  }
0x11b: {  	s24 =	rddreg [dreg:$0xd];
	v4 =	vadd.s32 v2, v4  }
0x11c: {  	[tilespmem:s24], [sflag:$0x6] =	stream.indirect_vreg.gather [hbm4b:s12+s2], $0x80, v5, vm0, $0xb8;
	[tilespmem:$0x18E80] =	vst v63  }
0x11d: {  	s23 =	rddreg [dreg:$0xe]  }
0x11e: {  	[tilespmem:s23], [sflag:$0x6] =	stream.indirect_vreg.gather [hbm4b:s13+s2], $0x80, v5, vm0, $0xb8;
	[tilespmem:$0x18E80] =	vst v63  }
0x11f: {  	s24 =	rddreg [dreg:$0xf]  }
0x120: {  	[tilespmem:s24], [sflag:$0x6] =	stream.indirect_vreg.gather [hbm4b:s6+s2], $0x80, v4, vm0, $0xb8;
	[tilespmem:$0x18E80] =	vst v63  }
0x121: {  	s23 =	rddreg [dreg:$0x10]  }
0x122: {  	[tilespmem:s23], [sflag:$0x6] =	stream.indirect_vreg.gather [hbm4b:s12+s2], $0x80, v4, vm0, $0xb8;
	[tilespmem:$0x18E80] =	vst v63  }
0x123: {  	s24 =	rddreg [dreg:$0x11]  }
0x124: {  	[tilespmem:s24], [sflag:$0x6] =	stream.indirect_vreg.gather [hbm4b:s13+s2], $0x80, v4, vm0, $0xb8;
	[tilespmem:$0x18E80] =	vst v63  }
0x125: {  	_ =	swait.ge [sflag:s10], $0x1000  }
0x126: {  	[sflag:s10] =	ssyncset.done $0x0  }
0x127: {  	[sflag:s10] =	ssyncadd.s32 $0xFFFFF000  }
0x128: {  	p0 =	slt.s32 s21, $0x270D;
	s23 =	smov.u32 s21;
	_ =	swait.ge [sflag:s11], $0x1000  }
0x129: {  	s23 =	simm.s32 @!p0 $0x270D;
	[sflag:s11] =	ssyncset.done $0x0  }
0x12a: {  	s23 =	sshll.u32 s23, $0x3;
	[sflag:s11] =	ssyncadd.s32 $0xFFFFF000  }
0x12b: {  	s23 =	sadd.s32 $0x10, s23;
	_ =	swait.ge [sflag:s19], $0x6000  }
0x12c: {  	s23 =	sand.u32 $0x1FFFFFF8, s23;
	[sflag:s19] =	ssyncset.done $0x0  }
0x12d: {  	s23 =	sadd.s32 s3, s23;
	[sflag:s19] =	ssyncadd.s32 $0xFFFFA000  }
0x12e: {  	[tilespmem:s17], [sflag:$0x7] =	stream.linear.gather [hbm4b:s23+s2], $0x40, $0x38;
	[tilespmem:$0x18E80] =	vst v63  }
0x12f: {  	_ =	swait.ge [sflag:s15], $0x40  }
0x130: {  	[sflag:s15] =	ssyncset.done $0x0  }
0x131: {  	[sflag:s15] =	ssyncadd.s32 $0xFFFFFFC0  }
0x132: {  	[tilespmem:s26], [sflag:$0x1] =	stream.indirect.gather [hbm4b:s1+s18], $0x80, s17, s18, $0xb8;
	[tilespmem:$0x18E80] =	vst v63  }
0x133: {  	s28 =	simm.s32 $0x2280;
	s25 =	simm.s32 $0x1A0  }
0x134: {  	[tilespmem:s28], [sflag:$0x2] =	stream.indirect.gather [hbm4b:s5+s18], $0x80, s25, s18, $0xb8;
	[tilespmem:$0x18E80] =	vst v63  }
0x135: {  	v4 =	vld [tilespmem:$0x180];
	_ =	sdelay $0x4  }
0x136: {  	v5 =	vshrl.u32 v4, $0x3  }
0x137: {  	v5 =	vmul.u32 $0x30, v5  }
0x138: {  	v4 =	vand.u32 $0x7, v4  }
0x139: {  	v4 =	vor.u32 v4, v5  }
0x13a: {  	v5 =	vperm.xlane v4, v1;
	_ =	sdelay $0x1  }
0x13b: {  	v5 =	vadd.s32 v2, v5;
	_ =	sdelay $0x3  }
0x13c: {  	s28 =	simm.s32 $0x4280;
	v4 =	vperm.xlane v4, v3  }
0x13d: {  	[tilespmem:s28], [sflag:$0x3] =	stream.indirect_vreg.gather [hbm4b:s6+s2], $0x80, v5, vm0, $0xb8;
	[tilespmem:$0x18E80] =	vst v63  }
0x13e: {  	s23 =	simm.s32 $0x4A80;
	v4 =	vadd.s32 v2, v4  }
0x13f: {  	[tilespmem:s23], [sflag:$0x3] =	stream.indirect_vreg.gather [hbm4b:s12+s2], $0x80, v5, vm0, $0xb8;
	[tilespmem:$0x18E80] =	vst v63  }
0x140: {  	s24 =	simm.s32 $0x5280  }
0x141: {  	[tilespmem:s24], [sflag:$0x3] =	stream.indirect_vreg.gather [hbm4b:s13+s2], $0x80, v5, vm0, $0xb8;
	[tilespmem:$0x18E80] =	vst v63  }
0x142: {  	s25 =	simm.s32 $0x5A80  }
0x143: {  	[tilespmem:s25], [sflag:$0x3] =	stream.indirect_vreg.gather [hbm4b:s6+s2], $0x80, v4, vm0, $0xb8;
	[tilespmem:$0x18E80] =	vst v63  }
0x144: {  	s25 =	simm.s32 $0x6280  }
0x145: {  	[tilespmem:s25], [sflag:$0x3] =	stream.indirect_vreg.gather [hbm4b:s12+s2], $0x80, v4, vm0, $0xb8;
	[tilespmem:$0x18E80] =	vst v63  }
0x146: {  	s24 =	simm.s32 $0x6A80  }
0x147: {  	[tilespmem:s24], [sflag:$0x3] =	stream.indirect_vreg.gather [hbm4b:s13+s2], $0x80, v4, vm0, $0xb8;
	[tilespmem:$0x18E80] =	vst v63  }
0x148: {  	v4 =	vld [tilespmem:$0x190];
	_ =	sdelay $0x4  }
0x149: {  	v5 =	vshrl.u32 v4, $0x3  }
0x14a: {  	v5 =	vmul.u32 $0x30, v5  }
0x14b: {  	v4 =	vand.u32 $0x7, v4  }
0x14c: {  	v4 =	vor.u32 v4, v5  }
0x14d: {  	v5 =	vperm.xlane v4, v1;
	_ =	sdelay $0x1  }
0x14e: {  	v5 =	vadd.s32 v2, v5;
	_ =	sdelay $0x3  }
0x14f: {  	v4 =	vperm.xlane v4, v3  }
0x150: {  	[tilespmem:s29], [sflag:$0x3] =	stream.indirect_vreg.gather [hbm4b:s6+s2], $0x80, v5, vm0, $0xb8;
	[tilespmem:$0x18E80] =	vst v63  }
0x151: {  	v4 =	vadd.s32 v2, v4  }
0x152: {  	[tilespmem:s30], [sflag:$0x3] =	stream.indirect_vreg.gather [hbm4b:s12+s2], $0x80, v5, vm0, $0xb8;
	[tilespmem:$0x18E80] =	vst v63  }
0x153: {  	s20 =	sadd.s32 $0x1, s20  }
0x154: {  	[tilespmem:s31], [sflag:$0x3] =	stream.indirect_vreg.gather [hbm4b:s13+s2], $0x80, v5, vm0, $0xb8;
	[tilespmem:$0x18E80] =	vst v63  }
0x155: {  	p0 =	slt.s32 s20, s22  }
0x156: {  	[tilespmem:s0], [sflag:$0x3] =	stream.indirect_vreg.gather [hbm4b:s6+s2], $0x80, v4, vm0, $0xb8;
	[tilespmem:$0x18E80] =	vst v63  }
.Ltmp6:
0x157: {  	_ = 	snop;
	(pc) =	sbr.rel @p0 .LBB2_5-.Ltmp6, $4  }
0x158: {  	_ = 	snop  }
0x159: {  	[tilespmem:s7], [sflag:$0x3] =	stream.indirect_vreg.gather [hbm4b:s12+s2], $0x80, v4, vm0, $0xb8;
	[tilespmem:$0x18E80] =	vst v63  }
0x15a: {  	s21 =	sadd.s32 $0x2, s21  }
0x15b: {  	[tilespmem:s4], [sflag:$0x3] =	stream.indirect_vreg.gather [hbm4b:s13+s2], $0x80, v4, vm0, $0xb8;
	[tilespmem:$0x18E80] =	vst v63  }
.Ltmp7:
0x15c: {  	_ = 	snop;
	(pc) =	sbr.rel .LBB2_6-.Ltmp7, $1  }
0x15d: {  	_ =	sdelay $0x3  }
.LBB2_8:
0x15e: {  	_ =	sfence.sel $0x180000  }
0x15f: {  	[bflag:$0x0] =	sbarrier.arrive $0xFFFF  }
0x160: {  	_ =	strace $0x90000053  }
0x161: {  	s0 =	stileid.u32;
	[bflag:$0x2] =	sbarrier.arrive $0xFFFF  }
0x162: {  	p0 =	sne.s32 s0, $0x0;
	s0 =	rddreg [dreg:$0x2]  }
0x163: {  	s0 =	sadd.s32 @!p0 $0x100000, s0  }
0x164: {  	[sflag:s0] =	ssyncadd.tile.s32 @!p0 $0x1;
	_ =	shalt  }
.Lfunc_end2:
_tile_overlayer_lowered:
.L_overlay_start_2:
0x165: {  	(tag) =	ssettag $0x2  }
0x166: {  	s0 =	rddreg [dreg:$0x0];
	s2 =	stileid.u32  }
0x167: {  	s1 =	rddreg [dreg:$0x1];
	p0 =	sne.s32 s2, $0x0  }
0x168: {  	s3 =	rddreg [dreg:$0x2];
	[bflag:$0x3] =	sbarrier.arrive $0xFFFF;
	s2 =	simm.s32 @!p0 $0x1C07  }
0x169: {  	[timem:s3], [sflag:s2] =	dma.local @!p0 [hbm:s0], s1  }
0x16a: {  	s0 =	simm.s32 @!p0 $0x7  }
0x16b: {  	_ =	swait.ge @!p0 [sflag:s0], s1  }
0x16c: {  	s1 =	ssub.s32 @!p0 $0x0, s1;
	[sflag:s0] =	ssyncset.done @!p0 $0x0  }
0x16d: {  	[sflag:s0] =	ssyncadd.s32 @!p0 s1  }
0x16e: {  	[bflag:$0x3] =	sbarrier.arrive $0xFFFF  }
0x16f: {  	_ =	shalt  }

// kernel: kernel.9.cloned.1.call-start
scs
__scs_entry_jumppad:
0x0: {  	(pc) =	sbr.rel $0x88, $3  }
0x1: {  	(tag) =	ssettag $0x0;
	lr =	simm.s32 $0x1  }
0x2: {  	[smem:$0x3F93] =	sst lr;
	_ =	strace $0xD0000000  }
0x3: {  	_ = 	snop  }
0x4: {  	_ = 	snop  }
0x5: {  	_ = 	snop  }
0x6: {  	_ = 	snop  }
0x7: {  	_ = 	snop  }
__scs_overlays_trampoline_lowered:
0x8: {  	[smem:$0x3FA2] =	sst s0  }
0x9: {  	[smem:$0x3FA3] =	sst s1  }
0xa: {  	[smem:$0x3FA4] =	sst s2  }
0xb: {  	[smem:$0x3FA5] =	sst s3  }
0xc: {  	[smem:$0x3FA6] =	sst s4  }
0xd: {  	[smem:$0x3FA7] =	sst s5  }
0xe: {  	[smem:$0x3FA8] =	sst s6  }
0xf: {  	[smem:$0x3FA9] =	sst s7  }
0x10: {  	[smem:$0x3FAA] =	sst s8  }
0x11: {  	[smem:$0x3FAB] =	sst s9;
	s0 =	simm.s32 @!p0 $0x0  }
0x12: {  	s1 =	sld [smem:$0x3F91];
	s0 =	simm.s32 @p0 $0x1  }
0x13: {  	[smem:$0x3FAC] =	sst s0;
	s0 =	simm.s32 @!p1 $0x0  }
0x14: {  	s2 =	sld [smem:$0x3F90];
	s0 =	simm.s32 @p1 $0x1  }
0x15: {  	[smem:$0x3FAD] =	sst s0;
	s0 =	simm.s32 @!p2 $0x0  }
0x16: {  	s3 =	sld [smem:$0x3FDB];
	s0 =	simm.s32 @p2 $0x1  }
0x17: {  	s4 =	simm.s32 $0x1BF5;
	[smem:$0x3FAF] =	sst s0  }
0x18: {  	s0 =	sld [smem:$0x3F92];
	_ =	swait.ge [sflag:s4], $0x0  }
0x19: {  	s7 =	sld [smem:$0x3F93]  }
0x1a: {  	s8 =	sadd.s32 $0xFFFFE003, lr  }
0x1b: {  	s9 =	sadd.s32 $0xFFFFFEF7, lr;
	s5 =	simm.s32 $0xFFFFFFFF;
	p2 =	slt.u32 s8, $0xFFFFF086  }
0x1c: {  	p1 =	slt.u32 s9, $0xF7A;
	s5 =	simm.s32 @!p2 $0x0  }
0x1d: {  	s5 =	simm.s32 @p1 $0x1;
	p0 =	seq.s32 s7, s2  }
0x1e: {  	s7 =	smul.u32 @!p0 $0xF7A, s2;
	p2 =	seq.s32 @!p0 s5, $0x0  }
0x1f: {  	s9 =	smul.u32 $0xF7A, s1;
	s8 =	simm.s32 @!p0 $0x1BF5;
	p2 =	por !p2, p0  }
0x20: {  	[sflag:s8] =	ssyncset.s32 @!p0 $0xFFFFF086;
	s6 =	sadd.s32 @!p0 s3, s7;
	s7 =	simm.s32 @!p0 $0x108  }
0x21: {  	s3 =	sadd.s32 s3, s9;
	s6 =	sadd.s32 @!p0 $0x88, s6;
	s7 =	simm.s32 @p2 $0x1082  }
0x22: {  	[simem:s7], [sflag:s8] =	dma.local @!p0 [hbm:s6], $0xF7A  }
0x23: {  	s9 =	sor.u32 $0xD0000000, s2;
	s6 =	simm.s32 $0x108;
	_ =	swait.ge @!p0 [sflag:s8], $0x0  }
0x24: {  	s3 =	sadd.s32 $0x88, s3;
	s6 =	simm.s32 @!p1 $0x1082;
	[sflag:s4] =	ssyncset.s32 $0xFFFFF086  }
0x25: {  	[simem:s6], [sflag:s4] =	dma.local [hbm:s3], $0xF7A  }
0x26: {  	[smem:$0x3F93] =	sst s1;
	(tag) =	ssettag s2;
	_ =	strace s9  }
0x27: {  	s1 =	sld [smem:$0x3FA3]  }
0x28: {  	s2 =	sld [smem:$0x3FA4]  }
0x29: {  	s4 =	sld [smem:$0x3FA6]  }
0x2a: {  	p0 =	seq.s32 s5, $0x0;
	s5 =	sld [smem:$0x3FA7]  }
0x2b: {  	s6 =	sld [smem:$0x3FA8]  }
0x2c: {  	s7 =	sld [smem:$0x3FA9]  }
0x2d: {  	s3 =	simm.s32 $0x108;
	s8 =	sld [smem:$0x3FAA]  }
0x2e: {  	s3 =	simm.s32 @!p0 $0x1082;
	s9 =	sld [smem:$0x3FAB]  }
0x2f: {  	lr =	sadd.s32 s0, s3;
	s0 =	sld [smem:$0x3FA2]  }
0x30: {  	s3 =	sld [smem:$0x3FA5]  }
0x31: {  	[smem:$0x3FAE] =	sst s10  }
0x32: {  	s10 =	sld [smem:$0x3FAC];
	_ =	sdelay $0x3  }
0x33: {  	p0 =	seq.s32 s10, $0x1;
	s10 =	sld [smem:$0x3FAE];
	_ =	sdelay $0x3  }
0x34: {  	[smem:$0x3FAE] =	sst s10  }
0x35: {  	s10 =	sld [smem:$0x3FAD];
	_ =	sdelay $0x3  }
0x36: {  	p1 =	seq.s32 s10, $0x1;
	s10 =	sld [smem:$0x3FAE];
	_ =	sdelay $0x3  }
0x37: {  	[smem:$0x3FAE] =	sst s10  }
0x38: {  	s10 =	sld [smem:$0x3FAF]  }
0x39: {  	_ = 	snop;
	(pc) =	sbr.ind lr, $3  }
0x3a: {  	_ = 	snop  }
0x3b: {  	_ = 	snop  }
0x3c: {  	p2 =	seq.s32 s10, $0x1;
	s10 =	sld [smem:$0x3FAE]  }
0x3d: {  	_ =	shalt  }
0x3e: {  	_ =	shalt  }
0x3f: {  	_ =	shalt  }
0x40: {  	_ =	shalt  }
0x41: {  	_ =	shalt  }
0x42: {  	_ =	shalt  }
0x43: {  	_ =	shalt  }
0x44: {  	_ =	shalt  }
0x45: {  	_ =	shalt  }
0x46: {  	_ =	shalt  }
0x47: {  	_ =	shalt  }
0x48: {  	_ =	shalt  }
0x49: {  	_ =	shalt  }
0x4a: {  	_ =	shalt  }
0x4b: {  	_ =	shalt  }
0x4c: {  	_ =	shalt  }
0x4d: {  	_ =	shalt  }
0x4e: {  	_ =	shalt  }
0x4f: {  	_ =	shalt  }
0x50: {  	_ =	shalt  }
0x51: {  	_ =	shalt  }
0x52: {  	_ =	shalt  }
0x53: {  	_ =	shalt  }
0x54: {  	_ =	shalt  }
0x55: {  	_ =	shalt  }
0x56: {  	_ =	shalt  }
0x57: {  	_ =	shalt  }
0x58: {  	_ =	shalt  }
0x59: {  	_ =	shalt  }
0x5a: {  	_ =	shalt  }
0x5b: {  	_ =	shalt  }
0x5c: {  	_ =	shalt  }
0x5d: {  	_ =	shalt  }
0x5e: {  	_ =	shalt  }
0x5f: {  	_ =	shalt  }
0x60: {  	_ =	shalt  }
0x61: {  	_ =	shalt  }
0x62: {  	_ =	shalt  }
0x63: {  	_ =	shalt  }
0x64: {  	_ =	shalt  }
0x65: {  	_ =	shalt  }
0x66: {  	_ =	shalt  }
0x67: {  	_ =	shalt  }
0x68: {  	_ =	shalt  }
0x69: {  	_ =	shalt  }
0x6a: {  	_ =	shalt  }
0x6b: {  	_ =	shalt  }
0x6c: {  	_ =	shalt  }
0x6d: {  	_ =	shalt  }
0x6e: {  	_ =	shalt  }
0x6f: {  	_ =	shalt  }
0x70: {  	_ =	shalt  }
0x71: {  	_ =	shalt  }
0x72: {  	_ =	shalt  }
0x73: {  	_ =	shalt  }
0x74: {  	_ =	shalt  }
0x75: {  	_ =	shalt  }
0x76: {  	_ =	shalt  }
0x77: {  	_ =	shalt  }
0x78: {  	_ =	shalt  }
0x79: {  	_ =	shalt  }
0x7a: {  	_ =	shalt  }
0x7b: {  	_ =	shalt  }
0x7c: {  	_ =	shalt  }
0x7d: {  	_ =	shalt  }
0x7e: {  	_ =	shalt  }
0x7f: {  	_ =	shalt  }
0x80: {  	_ =	shalt  }
0x81: {  	_ =	shalt  }
0x82: {  	_ =	shalt  }
0x83: {  	_ =	shalt  }
0x84: {  	_ =	shalt  }
0x85: {  	_ =	shalt  }
0x86: {  	_ =	shalt  }
0x87: {  	_ =	shalt  }
.Lfunc_end0:
.L_simem_size_0:
called_computation.2_lowered:
.L_overlay_start_0:
0x88: {  	s2 =	sld [smem:$0x3FD9]  }
0x89: {  	s3 =	sld [smem:$0x3FFE];
	_ =	sdelay $0x1  }
0x8a: {  	s1 =	srdreg.scid  }
0x8b: {  	s0 =	sand.u32 $0x1, s1  }
0x8c: {  	s17 =	sshll.u32 s0, $0xA;
	s2 =	sadd.s32 s3, s2  }
0x8d: {  	s2 =	sadd.s32 s2, s17  }
0x8e: {  	[smem:$0x3FBA] =	sst s2  }
0x8f: {  	_ = 	snop  }
0x90: {  	s2 =	sld [smem:$0x3FD0];
	(tm) =	ssettm $0x1  }
0x91: {  	s18 =	sld [smem:$0x3FFB];
	_ =	sdelay $0x3  }
0x92: {  	_ =	strace s18  }
0x93: {  	s3 =	sld [smem:$0x3FFC];
	_ =	sdelay $0x3  }
0x94: {  	_ =	strace s3  }
0x95: {  	s3 =	sld [smem:$0x3FFD];
	_ =	sdelay $0x3  }
0x96: {  	_ =	strace s3  }
0x97: {  	_ =	strace $0x8FFFFFFF  }
0x98: {  	s19 =	sld [smem:$0x3FDB];
	_ =	sdelay $0x1  }
0x99: {  	s4 =	simm.s32 $_scs_section_size  }
0x9a: {  	s5 =	simm.s32 $_size__tile_overlayer_lowered;
	s6 =	simm.s32 $_tile_overlayer_lowered  }
0x9b: {  	s22 =	simm.s32 $0x1BFF;
	s21 =	sshll.u32 s6, $0x1;
	s3 =	sadd.s32 s4, s19  }
0x9c: {  	s7 =	simm.s32 $0x0;
	s20 =	sshll.u32 s5, $0x1;
	s5 =	sadd.s32 s21, s3  }
0x9d: {  	[timem:s7], [sflag:s22] =	dma.local [hbm:s5], s20  }
0x9e: {  	_ =	swait.ge [sflag:s22], s20  }
0x9f: {  	s4 =	ssub.s32 $0x0, s20;
	[sflag:s22] =	ssyncset.done $0x0  }
0xa0: {  	[sflag:s22] =	ssyncadd.s32 s4;
	_ =	sdelay $0x1  }
0xa1: {  	s23 =	simm.s32 $0x1B8B  }
0xa2: {  	_ =	swait.ge [sflag:s23], $0x1  }
0xa3: {  	[sflag:s23] =	ssyncset.done $0x0  }
0xa4: {  	s25 =	simm.s32 $0x1B8E;
	s24 =	sld [smem:$0x3FFE];
	[sflag:s23] =	ssyncadd.s32 $0xFFFFFFFF  }
0xa5: {  	s26 =	simm.s32 $execute0_lowered;
	[smem:$0x3FD2] =	sst s25  }
0xa6: {  	s5 =	sshll.u32 s26, $0x1;
	_ =	strace $0x8000004C;
	[dreg:$0x1] =	wrdreg $0xFFFFFFFF  }
0xa7: {  	s28 =	simm.s32 $_size_execute0_lowered;
	s3 =	sadd.s32 s3, s5;
	[dreg:$0x0] =	wrdreg $0x0  }
0xa8: {  	s5 =	sshll.u32 s28, $0x1;
	[dreg:$0x2] =	wrdreg s3  }
0xa9: {  	[dreg:$0x3] =	wrdreg s5  }
0xaa: {  	[dreg:$0x4] =	wrdreg $0xC0  }
0xab: {  	_ =	task [dreg:s7], $0x5FFFF  }
0xac: {  	[dreg:$0x1] =	wrdreg $0xFFFFFFFF  }
0xad: {  	[dreg:$0x0] =	wrdreg $0x60  }
0xae: {  	[dreg:$0x2] =	wrdreg s24  }
0xaf: {  	[dreg:$0x3] =	wrdreg s2  }
0xb0: {  	[dreg:$0x4] =	wrdreg $0x9  }
0xb1: {  	_ =	task.clear_ibuf [dreg:s7], $0x5FFFF;
	_ =	strace $0x9000004C  }
0xb2: {  	s29 =	simm.s32 $0x9;
	_ =	strace $0x8000004E  }
0xb3: {  	_ =	swait.ge [sflag:s29], $0x1  }
0xb4: {  	[sflag:s29] =	ssyncadd.s32 $0xFFFFFFFF  }
0xb5: {  	_ =	strace $0x9000004E  }
0xb6: {  	_ =	sfence  }
0xb7: {  	s30 =	sld [smem:$0x0];
	_ =	sdelay $0x2  }
0xb8: {  	s31 =	sshll.u32 s1, $0xD;
	s1 =	sshrl.u32 s1, $0x2  }
0xb9: {  	s3 =	sand.u32 $0x4000, s31;
	s1 =	sadd.s32 s1, s30  }
0xba: {  	s0 =	sor.u32 s3, s0;
	s1 =	sshll.u32 s1, $0x11  }
0xbb: {  	s0 =	sor.u32 s1, s0  }
0xbc: {  	s0 =	sadd.s32 $0x8F2B, s0  }
0xbd: {  	[sflag:s0] =	ssyncadd.remote.s32 $0x1  }
0xbe: {  	_ =	sfence.sel $0xFFFF  }
0xbf: {  	[dreg:$0x0] =	wrdreg $0xFFFFFFFF;
	(pc) =	sbr.abs _section_cstart, $3  }
0xc0: {  	[dreg:$0x1] =	wrdreg $0xFFFFFFFF  }
0xc1: {  	_ =	task.clear_ibuf [dreg:s7], $0x2FFFF;
	_ =	strace $0x9FFFFFFF  }
0xc2: {  	(tm) =	ssettm $0x7FFFFFFF  }
0xc3: {  	_ =	shalt  }
tec
execute0_lowered:
.L_overlay_start_1:
0x0: {  	(tag) =	ssettag $0x1  }
0x1: {  	s0 =	rddreg [dreg:$0x0]  }
0x2: {  	s1 =	rddreg [dreg:$0x1];
	s2 =	simm.s32 $0x0  }
0x3: {  	[smem:$0x7FF] =	sst s2;
	s4 =	sadd.s32 $0x5000, s0  }
0x4: {  	s30 =	sadd.s32 $0x1A9C00, s0;
	_ =	strace $0x8000004D;
	[dreg:$0x16] =	wrdreg s4  }
0x5: {  	s7 =	sadd.s32 $0x2E9C00, s0;
	[dreg:$0x17] =	wrdreg s30  }
0x6: {  	s31 =	srdreg.scid;
	s10 =	simm.s32 $0x1280;
	[dreg:$0x18] =	wrdreg s7  }
0x7: {  	s8 =	sand.u32 $0x1, s31;
	[dreg:$0x3] =	wrdreg s10  }
0x8: {  	s11 =	simm.s32 $0x220;
	[dreg:$0x19] =	wrdreg s8  }
0x9: {  	s12 =	simm.s32 $0x3280;
	[dreg:$0x4] =	wrdreg s11  }
0xa: {  	s9 =	stileid.u32;
	s13 =	simm.s32 $0xC280;
	[dreg:$0x5] =	wrdreg s12  }
0xb: {  	s15 =	sshll.u32 s9, $0x1;
	[dreg:$0x6] =	wrdreg s13  }
0xc: {  	s14 =	simm.s32 $0xCA80;
	[dreg:$0x1a] =	wrdreg s15  }
0xd: {  	s16 =	simm.s32 $0xD280;
	s17 =	simm.s32 $0xDA80;
	[dreg:$0x7] =	wrdreg s14  }
0xe: {  	s18 =	simm.s32 $0xE280;
	s19 =	simm.s32 $0xEA80;
	[dreg:$0x8] =	wrdreg s16  }
0xf: {  	s21 =	simm.s32 $0xF280;
	s22 =	simm.s32 $0xFA80;
	[dreg:$0x9] =	wrdreg s17  }
0x10: {  	s23 =	simm.s32 $0x10280;
	s24 =	simm.s32 $0x10A80;
	[dreg:$0xa] =	wrdreg s18  }
0x11: {  	s25 =	simm.s32 $0x11280;
	s26 =	simm.s32 $0x11A80;
	[dreg:$0xb] =	wrdreg s19  }
0x12: {  	s28 =	simm.s32 $0x12280;
	s29 =	simm.s32 $0x12A80;
	[dreg:$0xc] =	wrdreg s21  }
0x13: {  	s3 =	sadd.s32 $0x5400, s0;
	s5 =	sadd.s32 $0x15B800, s0;
	[dreg:$0xd] =	wrdreg s22  }
0x14: {  	s6 =	sadd.s32 $0x23000, s0;
	s31 =	simm.s32 $0x13A80;
	[dreg:$0xe] =	wrdreg s23  }
0x15: {  	s9 =	simm.s32 $0xAA80;
	s7 =	ssub.s32 $0x2, s8;
	[dreg:$0xf] =	wrdreg s24  }
0x16: {  	s12 =	sadd.s32 $0x23100, s0;
	s13 =	sadd.s32 $0x23200, s0;
	[dreg:$0x10] =	wrdreg s25  }
0x17: {  	s14 =	sadd.s32 $0x23300, s0;
	s16 =	simm.s32 $0x7;
	[dreg:$0x11] =	wrdreg s26  }
0x18: {  	s17 =	simm.s32 $0x1;
	s18 =	simm.s32 $0x180;
	[dreg:$0x12] =	wrdreg s28  }
0x19: {  	s19 =	simm.s32 $0x20;
	[dreg:$0x13] =	wrdreg s29;
	s30 =	simm.s32 $0x13280  }
0x1a: {  	[dreg:$0x15] =	wrdreg s31;
	s15 =	simm.s32 $0x9A80;
	s10 =	simm.s32 $0xB280  }
.Ltmp0:
0x1b: {  	s11 =	simm.s32 $0xBA80;
	s21 =	simm.s32 $0x3;
	(pc) =	sbr.rel .LBB2_1-.Ltmp0, $4  }
0x1c: {  	s22 =	simm.s32 $0x200;
	s23 =	simm.s32 $0x4;
	s8 =	sshrl.u32 s7, $0x1  }
0x1d: {  	v3 =	vlaneseq.u32;
	s24 =	simm.s32 $0x5;
	s25 =	simm.s32 $0x6;
	s7 =	ssub.s32 s7, s8  }
0x1e: {  	v0 =	vimm.f32 $0.0e+00;
	vm0 =	vmmov $0xffff;
	v2 =	vshrl.u32 v3, $0x3;
	s4 =	simm.s32 $0x0;
	[dreg:$0x14] =	wrdreg s30;
	s20 =	smax.u32 s7, $0x1  }
0x1f: {  	v1 =	vand.u32 $0x7, v3;
	v3 =	vor.u32 $0x8, v3;
	v2 =	vmul.u32 $0x8, v2;
	s7 =	simm.s32 $0xA280;
	[dreg:$0x1b] =	wrdreg s20;
	s20 =	simm.s32 $0x2  }
.LBB2_7:
0x20: {  	s4 =	rddreg [dreg:$0x1c]  }
0x21: {  	s0 =	rddreg [dreg:$0x1b];
	s4 =	sadd.s32 $0x1, s4  }
0x22: {  	p0 =	sne.s32 s4, s0  }
.Ltmp1:
0x23: {  	_ = 	snop;
	(pc) =	sbr.rel @!p0 .LBB2_8-.Ltmp1, $1  }
0x24: {  	_ =	sdelay $0x3  }
.LBB2_1:
0x25: {  	[dreg:$0x1c] =	wrdreg s4  }
.Ltmp2:
0x26: {  	s0 =	rddreg [dreg:$0x16];
	(pc) =	sbr.rel .LBB2_2-.Ltmp2, $4  }
0x27: {  	[tilespmem:s2], [sflag:$0x7] =	stream.linear.gather [hbm4b:s0+s2], $0x180, $0x38;
	[tilespmem:$0x1F680] =	vst v63  }
0x28: {  	_ =	swait.ge [sflag:s16], $0x180  }
0x29: {  	[sflag:s16] =	ssyncset.done $0x0  }
0x2a: {  	s4 =	simm.s32 $0x0;
	[sflag:s16] =	ssyncadd.s32 $0xFFFFFE80  }
.LBB2_6:
0x2b: {  	_ =	swait.ge [sflag:s17], $0x1000  }
0x2c: {  	[sflag:s17] =	ssyncset.done $0x0  }
0x2d: {  	[sflag:s17] =	ssyncadd.s32 $0xFFFFF000  }
0x2e: {  	_ =	swait.ge [sflag:s20], $0x1000  }
0x2f: {  	[sflag:s20] =	ssyncset.done $0x0  }
0x30: {  	[sflag:s20] =	ssyncadd.s32 $0xFFFFF000  }
0x31: {  	_ =	swait.ge [sflag:s21], $0x8000  }
0x32: {  	s26 =	rddreg [dreg:$0x1e]  }
0x33: {  	[sflag:s21] =	ssyncset.done $0x0;
	s8 =	rddreg [dreg:$0x17];
	s0 =	sshll.u32 s26, $0xC  }
0x34: {  	s4 =	simm.s32 $0x14280;
	[sflag:s21] =	ssyncadd.s32 $0xFFFF8000;
	s0 =	sadd.s32 s8, s0  }
0x35: {  	[hbm4b:s0+s2] =	stream.linear.scatter [tilespmem:s4], [sflag:$0x7], $0x8000, $0x38;
	[tilespmem:$0x1F680] =	vst v63  }
0x36: {  	_ =	swait.ge [sflag:s16], $0x8000  }
0x37: {  	s28 =	sshll.u32 s26, $0x9;
	[sflag:s16] =	ssyncset.done $0x0;
	s29 =	rddreg [dreg:$0x18]  }
0x38: {  	s30 =	simm.s32 $0x1E280;
	[sflag:s16] =	ssyncadd.s32 $0xFFFF8000;
	s0 =	sadd.s32 s29, s28  }
0x39: {  	[hbm4b:s0+s2] =	stream.linear.scatter [tilespmem:s30], [sflag:$0x7], $0x1000, $0x38;
	[tilespmem:$0x1F680] =	vst v63  }
0x3a: {  	_ =	swait.ge [sflag:s16], $0x1000  }
0x3b: {  	s31 =	rddreg [dreg:$0x1d]  }
0x3c: {  	s4 =	sadd.s32 $0x1, s31  }
0x3d: {  	p0 =	sne.s32 s4, $0xA  }
.Ltmp3:
0x3e: {  	_ = 	snop;
	(pc) =	sbr.rel @!p0 .LBB2_7-.Ltmp3, $3  }
0x3f: {  	_ =	sdelay $0x1  }
0x40: {  	[sflag:s16] =	ssyncset.done $0x0  }
0x41: {  	[sflag:s16] =	ssyncadd.s32 $0xFFFFF000  }
.LBB2_2:
0x42: {  	s26 =	simm.s32 $0x1E280;
	s28 =	simm.s32 $0x0  }
0x43: {  	s29 =	simm.s32 $0xFFFF8000;
	s30 =	simm.s32 $0x0;
	s31 =	simm.s32 $0x0  }
.LBB2_3:
0x44: {  	s0 =	sadd.s32 $0x8000, s29  }
0x45: {  	s8 =	sand.u32 $0x380, s31;
	s0 =	sand.u32 $0x6000, s0  }
0x46: {  	s0 =	sor.u32 s8, s0  }
0x47: {  	s8 =	sadd.s32 $0x14280, s0;
	[tilespmem:s0+$0x14280] =	vst v0  }
0x48: {  	[tilespmem:s8+$0x10] =	vst v0  }
0x49: {  	[tilespmem:s8+$0x20] =	vst v0  }
0x4a: {  	[tilespmem:s8+$0x30] =	vst v0  }
0x4b: {  	[tilespmem:s8+$0x40] =	vst v0  }
0x4c: {  	[tilespmem:s8+$0x50] =	vst v0  }
0x4d: {  	[tilespmem:s8+$0x60] =	vst v0  }
0x4e: {  	[tilespmem:s8+$0x70] =	vst v0  }
0x4f: {  	[tilespmem:s8+$0x400] =	vst v0  }
0x50: {  	[tilespmem:s8+$0x410] =	vst v0  }
0x51: {  	[tilespmem:s8+$0x420] =	vst v0  }
0x52: {  	[tilespmem:s8+$0x430] =	vst v0  }
0x53: {  	[tilespmem:s8+$0x440] =	vst v0  }
0x54: {  	[tilespmem:s8+$0x450] =	vst v0  }
0x55: {  	[tilespmem:s8+$0x460] =	vst v0  }
0x56: {  	[tilespmem:s8+$0x470] =	vst v0  }
0x57: {  	[tilespmem:s8+$0x800] =	vst v0  }
0x58: {  	[tilespmem:s8+$0x810] =	vst v0  }
0x59: {  	[tilespmem:s8+$0x820] =	vst v0  }
0x5a: {  	[tilespmem:s8+$0x830] =	vst v0  }
0x5b: {  	[tilespmem:s8+$0x840] =	vst v0  }
0x5c: {  	[tilespmem:s8+$0x850] =	vst v0  }
0x5d: {  	[tilespmem:s8+$0x860] =	vst v0  }
0x5e: {  	[tilespmem:s8+$0x870] =	vst v0  }
0x5f: {  	[tilespmem:s8+$0xC00] =	vst v0  }
0x60: {  	[tilespmem:s8+$0xC10] =	vst v0  }
0x61: {  	[tilespmem:s8+$0xC20] =	vst v0  }
0x62: {  	[tilespmem:s8+$0xC30] =	vst v0  }
0x63: {  	[tilespmem:s8+$0xC40] =	vst v0  }
0x64: {  	[tilespmem:s8+$0xC50] =	vst v0  }
0x65: {  	[tilespmem:s8+$0xC60] =	vst v0  }
0x66: {  	[tilespmem:s8+$0xC70] =	vst v0  }
0x67: {  	[tilespmem:s8+$0x1000] =	vst v0  }
0x68: {  	[tilespmem:s8+$0x1010] =	vst v0  }
0x69: {  	[tilespmem:s8+$0x1020] =	vst v0  }
0x6a: {  	[tilespmem:s8+$0x1030] =	vst v0  }
0x6b: {  	[tilespmem:s8+$0x1040] =	vst v0  }
0x6c: {  	[tilespmem:s8+$0x1050] =	vst v0  }
0x6d: {  	[tilespmem:s8+$0x1060] =	vst v0  }
0x6e: {  	[tilespmem:s8+$0x1070] =	vst v0  }
0x6f: {  	[tilespmem:s8+$0x1400] =	vst v0  }
0x70: {  	[tilespmem:s8+$0x1410] =	vst v0  }
0x71: {  	[tilespmem:s8+$0x1420] =	vst v0  }
0x72: {  	[tilespmem:s8+$0x1430] =	vst v0  }
0x73: {  	[tilespmem:s8+$0x1440] =	vst v0  }
0x74: {  	[tilespmem:s8+$0x1450] =	vst v0  }
0x75: {  	[tilespmem:s8+$0x1460] =	vst v0  }
0x76: {  	[tilespmem:s8+$0x1470] =	vst v0  }
0x77: {  	[tilespmem:s8+$0x1800] =	vst v0  }
0x78: {  	[tilespmem:s8+$0x1810] =	vst v0  }
0x79: {  	[tilespmem:s8+$0x1820] =	vst v0  }
0x7a: {  	[tilespmem:s8+$0x1830] =	vst v0  }
0x7b: {  	s0 =	sand.u32 $0x7, s28;
	[tilespmem:s8+$0x1840] =	vst v0  }
0x7c: {  	s0 =	sshll.u32 s0, $0x7;
	[tilespmem:s8+$0x1850] =	vst v0  }
0x7d: {  	[tilespmem:s8+$0x1860] =	vst v0;
	s0 =	sadd.s32 s0, s30  }
0x7e: {  	[tilespmem:s8+$0x1870] =	vst v0;
	s8 =	sor.u32 $0x1C00, s0  }
0x7f: {  	[tilespmem:s8+$0x14280] =	vst v0;
	s8 =	sor.u32 $0x1C10, s0  }
0x80: {  	[tilespmem:s8+$0x14280] =	vst v0;
	s8 =	sor.u32 $0x1C20, s0  }
0x81: {  	[tilespmem:s8+$0x14280] =	vst v0;
	s8 =	sor.u32 $0x1C30, s0  }
0x82: {  	p0 =	sne.s32 s31, $0xF80;
	[tilespmem:s8+$0x14280] =	vst v0;
	s8 =	sor.u32 $0x1C40, s0  }
.Ltmp4:
0x83: {  	[tilespmem:s8+$0x14280] =	vst v0;
	s8 =	sor.u32 $0x1C50, s0;
	(pc) =	sbr.rel @p0 .LBB2_3-.Ltmp4, $4  }
0x84: {  	[tilespmem:s8+$0x14280] =	vst v0;
	s8 =	sor.u32 $0x1C60, s0  }
0x85: {  	s0 =	sor.u32 $0x1C70, s0;
	[tilespmem:s8+$0x14280] =	vst v0  }
0x86: {  	s29 =	sadd.s32 $0x400, s29;
	s31 =	sadd.s32 $0x80, s31;
	[tilespmem:s0+$0x14280] =	vst v0  }
0x87: {  	s28 =	sadd.s32 $0x1, s28;
	s30 =	sadd.s32 $0x400, s30;
	[tilespmem:s26+$0x0] =	vst v0;
	s26 =	sadd.s32 $0x80, s26  }
0x88: {  	s0 =	sshll.u32 s4, $0x5;
	s8 =	rddreg [dreg:$0x1a]  }
0x89: {  	s30 =	rddreg [dreg:$0x19];
	s0 =	sor.u32 s0, s8  }
0x8a: {  	s0 =	sor.u32 s30, s0  }
0x8b: {  	v4 =	vmov s0;
	_ =	sdelay $0x3  }
0x8c: {  	s26 =	simm.s32 $0x0  }
0x8d: {  	v4 =	vld.idx.msk [tilespmem:v4+s26+$0x0], $0xffff;
	_ =	sdelay $0x4  }
0x8e: {  	[dreg:$0x1e] =	wrdreg s0;
	s0 =	sadd.s32 $0x1, s0;
	(v2sf) =	vpush v4, $0x0  }
0x8f: {  	v4 =	vmov s0;
	_ =	sdelay $0x4  }
0x90: {  	v4 =	vld.idx.msk [tilespmem:v4+s26+$0x0], $0xffff;
	_ =	sdelay $0x4  }
0x91: {  	(v2sf) =	vpush v4, $0x0;
	_ =	sdelay $0x3  }
0x92: {  	s0 =	spop (v2sf)  }
0x93: {  	[dreg:$0x1d] =	wrdreg s4;
	s4 =	sand.u32 $0x1F, s0  }
0x94: {  	s28 =	sshra.s32 s0, $0x1F;
	p0 =	slt.s32 s0, $0x1;
	p1 =	sne.s32 s4, $0x0  }
0x95: {  	s30 =	sshrl.u32 s28, $0x1B;
	p0 =	por !p0, !p1  }
0x96: {  	s8 =	simm.s32 $0x1;
	s0 =	sadd.s32 s30, s0;
	p0 =	por !p0, !p0  }
0x97: {  	s0 =	sshra.s32 s0, $0x5;
	s8 =	simm.s32 @!p0 $0x0  }
0x98: {  	s28 =	ssub.s32 s0, s8  }
0x99: {  	p0 =	slt.s32 s28, $0x270F;
	s0 =	smov.u32 s28  }
0x9a: {  	s0 =	simm.s32 @!p0 $0x270F  }
0x9b: {  	s0 =	sshll.u32 s0, $0x3  }
0x9c: {  	s0 =	sand.u32 $0x1FFFFFF8, s0  }
0x9d: {  	s8 =	spop (v2sf);
	s0 =	sadd.s32 s3, s0  }
0x9e: {  	[tilespmem:s18], [sflag:$0x7] =	stream.linear.gather [hbm4b:s0+s26], $0x40, $0x38;
	[tilespmem:$0x1F680] =	vst v63  }
0x9f: {  	_ =	swait.ge [sflag:s16], $0x40  }
0xa0: {  	[sflag:s16] =	ssyncset.done $0x0  }
0xa1: {  	s31 =	simm.s32 $0x280;
	[sflag:s16] =	ssyncadd.s32 $0xFFFFFFC0  }
0xa2: {  	[tilespmem:s31], [sflag:$0x1] =	stream.indirect.gather [hbm4b:s1+s19], $0x80, s18, s19, $0xb8;
	[tilespmem:$0x1F680] =	vst v63  }
0xa3: {  	s4 =	simm.s32 $0x1A0;
	s30 =	simm.s32 $0x2280  }
0xa4: {  	[tilespmem:s30], [sflag:$0x2] =	stream.indirect.gather [hbm4b:s5+s19], $0x80, s4, s19, $0xb8;
	[tilespmem:$0x1F680] =	vst v63  }
0xa5: {  	v4 =	vld [tilespmem:$0x180];
	_ =	sdelay $0x4  }
0xa6: {  	v5 =	vshll.u32 v4, $0x3  }
0xa7: {  	v4 =	vand.u32 $0x7, v4;
	v5 =	vand.u32 $0xFFFFFFC0, v5  }
0xa8: {  	v4 =	vor.u32 v4, v5  }
0xa9: {  	v5 =	vperm.xlane v4, v1;
	_ =	sdelay $0x1  }
0xaa: {  	v5 =	vadd.s32 v2, v5;
	_ =	sdelay $0x3  }
0xab: {  	s4 =	simm.s32 $0x4280  }
0xac: {  	[tilespmem:s4], [sflag:$0x3] =	stream.indirect_vreg.gather [hbm4b:s6+s26], $0x80, v5, vm0, $0xb8;
	[tilespmem:$0x1F680] =	vst v63  }
0xad: {  	s30 =	simm.s32 $0x4A80;
	v4 =	vperm.xlane v4, v3  }
0xae: {  	[tilespmem:s30], [sflag:$0x3] =	stream.indirect_vreg.gather [hbm4b:s12+s26], $0x80, v5, vm0, $0xb8;
	[tilespmem:$0x1F680] =	vst v63  }
0xaf: {  	v4 =	vadd.s32 v2, v4;
	s4 =	simm.s32 $0x5280  }
0xb0: {  	[tilespmem:s4], [sflag:$0x3] =	stream.indirect_vreg.gather [hbm4b:s13+s26], $0x80, v5, vm0, $0xb8;
	[tilespmem:$0x1F680] =	vst v63  }
0xb1: {  	s30 =	simm.s32 $0x5A80  }
0xb2: {  	[tilespmem:s30], [sflag:$0x3] =	stream.indirect_vreg.gather [hbm4b:s14+s26], $0x80, v5, vm0, $0xb8;
	[tilespmem:$0x1F680] =	vst v63  }
0xb3: {  	s4 =	simm.s32 $0x6280  }
0xb4: {  	[tilespmem:s4], [sflag:$0x3] =	stream.indirect_vreg.gather [hbm4b:s6+s26], $0x80, v4, vm0, $0xb8;
	[tilespmem:$0x1F680] =	vst v63  }
0xb5: {  	s30 =	simm.s32 $0x6A80  }
0xb6: {  	[tilespmem:s30], [sflag:$0x3] =	stream.indirect_vreg.gather [hbm4b:s12+s26], $0x80, v4, vm0, $0xb8;
	[tilespmem:$0x1F680] =	vst v63  }
0xb7: {  	s4 =	simm.s32 $0x7280  }
0xb8: {  	[tilespmem:s4], [sflag:$0x3] =	stream.indirect_vreg.gather [hbm4b:s13+s26], $0x80, v4, vm0, $0xb8;
	[tilespmem:$0x1F680] =	vst v63  }
0xb9: {  	s30 =	simm.s32 $0x7A80  }
0xba: {  	[tilespmem:s30], [sflag:$0x3] =	stream.indirect_vreg.gather [hbm4b:s14+s26], $0x80, v4, vm0, $0xb8;
	[tilespmem:$0x1F680] =	vst v63  }
0xbb: {  	v4 =	vld [tilespmem:$0x190];
	_ =	sdelay $0x4  }
0xbc: {  	v5 =	vshll.u32 v4, $0x3  }
0xbd: {  	v4 =	vand.u32 $0x7, v4;
	v5 =	vand.u32 $0xFFFFFFC0, v5  }
0xbe: {  	v4 =	vor.u32 v4, v5  }
0xbf: {  	s4 =	sadd.s32 $0x1F, s8;
	v5 =	vperm.xlane v4, v1  }
0xc0: {  	s8 =	sshra.s32 s4, $0x1F;
	s29 =	sand.u32 $0x1F, s4  }
0xc1: {  	p3 =	slt.s32 s4, $0x1;
	s8 =	sshrl.u32 s8, $0x1B;
	p4 =	sne.s32 s29, $0x0;
	v5 =	vadd.s32 v2, v5  }
0xc2: {  	s0 =	sadd.s32 s8, s4;
	p0 =	por !p3, !p4  }
0xc3: {  	s8 =	simm.s32 $0x1;
	s0 =	sshra.s32 s0, $0x5;
	p0 =	por !p0, !p0  }
0xc4: {  	s0 =	ssub.s32 s0, s28;
	s8 =	simm.s32 @!p0 $0x0  }
0xc5: {  	s0 =	ssub.s32 s0, s8;
	s8 =	simm.s32 $0x8280  }
0xc6: {  	[tilespmem:s8], [sflag:$0x3] =	stream.indirect_vreg.gather [hbm4b:s6+s26], $0x80, v5, vm0, $0xb8;
	[tilespmem:$0x1F680] =	vst v63  }
0xc7: {  	s8 =	sadd.s32 $0x1, s0  }
0xc8: {  	s30 =	simm.s32 $0x8A80;
	s29 =	sand.u32 $0x1, s8  }
0xc9: {  	[tilespmem:s30], [sflag:$0x3] =	stream.indirect_vreg.gather [hbm4b:s12+s26], $0x80, v5, vm0, $0xb8;
	[tilespmem:$0x1F680] =	vst v63  }
0xca: {  	p5 =	slt.s32 s0, $0x0;
	v4 =	vperm.xlane v4, v3;
	s30 =	simm.s32 $0x9280;
	p6 =	seq.s32 s29, $0x1  }
0xcb: {  	[tilespmem:s30], [sflag:$0x3] =	stream.indirect_vreg.gather [hbm4b:s13+s26], $0x80, v5, vm0, $0xb8;
	[tilespmem:$0x1F680] =	vst v63  }
0xcc: {  	v4 =	vadd.s32 v2, v4;
	p0 =	por !p5, !p6;
	s30 =	sshrl.u32 s8, $0x1F  }
0xcd: {  	p0 =	por !p0, !p0;
	s0 =	sadd.s32 s30, s8;
	s8 =	simm.s32 $0x1  }
0xce: {  	[tilespmem:s15], [sflag:$0x3] =	stream.indirect_vreg.gather [hbm4b:s14+s26], $0x80, v5, vm0, $0xb8;
	[tilespmem:$0x1F680] =	vst v63  }
0xcf: {  	s0 =	sshra.s32 s0, $0x1;
	s8 =	simm.s32 @!p0 $0x0  }
0xd0: {  	s29 =	ssub.s32 s0, s8  }
0xd1: {  	[tilespmem:s7], [sflag:$0x3] =	stream.indirect_vreg.gather [hbm4b:s6+s26], $0x80, v4, vm0, $0xb8;
	[tilespmem:$0x1F680] =	vst v63  }
0xd2: {  	p0 =	slt.s32 s29, $0x1  }
0xd3: {  	[tilespmem:s9], [sflag:$0x3] =	stream.indirect_vreg.gather [hbm4b:s12+s26], $0x80, v4, vm0, $0xb8;
	[tilespmem:$0x1F680] =	vst v63  }
.Ltmp5:
0xd4: {  	_ = 	snop;
	(pc) =	sbr.rel @p0 .LBB2_6-.Ltmp5, $4  }
0xd5: {  	_ = 	snop  }
0xd6: {  	[tilespmem:s10], [sflag:$0x3] =	stream.indirect_vreg.gather [hbm4b:s13+s26], $0x80, v4, vm0, $0xb8;
	[tilespmem:$0x1F680] =	vst v63  }
0xd7: {  	_ = 	snop  }
0xd8: {  	[tilespmem:s11], [sflag:$0x3] =	stream.indirect_vreg.gather [hbm4b:s14+s26], $0x80, v4, vm0, $0xb8;
	[tilespmem:$0x1F680] =	vst v63  }
.LBB2_5:
0xd9: {  	_ =	swait.ge [sflag:s17], $0x1000  }
0xda: {  	[sflag:s17] =	ssyncset.done $0x0  }
0xdb: {  	[sflag:s17] =	ssyncadd.s32 $0xFFFFF000  }
0xdc: {  	p0 =	slt.s32 s28, $0x270E;
	s0 =	smov.u32 s28;
	_ =	swait.ge [sflag:s20], $0x1000  }
0xdd: {  	s0 =	simm.s32 @!p0 $0x270E;
	[sflag:s20] =	ssyncset.done $0x0  }
0xde: {  	s0 =	sshll.u32 s0, $0x3;
	[sflag:s20] =	ssyncadd.s32 $0xFFFFF000  }
0xdf: {  	s0 =	sadd.s32 $0x8, s0;
	_ =	swait.ge [sflag:s21], $0x8000  }
0xe0: {  	s0 =	sand.u32 $0x1FFFFFF8, s0;
	[sflag:s21] =	ssyncset.done $0x0  }
0xe1: {  	s0 =	sadd.s32 s3, s0;
	[sflag:s21] =	ssyncadd.s32 $0xFFFF8000  }
0xe2: {  	[tilespmem:s22], [sflag:$0x7] =	stream.linear.gather [hbm4b:s0+s2], $0x40, $0x38;
	[tilespmem:$0x1F680] =	vst v63  }
0xe3: {  	_ =	swait.ge [sflag:s16], $0x40  }
0xe4: {  	s0 =	rddreg [dreg:$0x3];
	[sflag:s16] =	ssyncset.done $0x0  }
0xe5: {  	s8 =	rddreg [dreg:$0x4];
	[sflag:s16] =	ssyncadd.s32 $0xFFFFFFC0  }
0xe6: {  	[tilespmem:s0], [sflag:$0x4] =	stream.indirect.gather [hbm4b:s1+s19], $0x80, s22, s19, $0xb8;
	[tilespmem:$0x1F680] =	vst v63  }
0xe7: {  	s30 =	rddreg [dreg:$0x5]  }
0xe8: {  	[tilespmem:s30], [sflag:$0x5] =	stream.indirect.gather [hbm4b:s5+s19], $0x80, s8, s19, $0xb8;
	[tilespmem:$0x1F680] =	vst v63  }
0xe9: {  	v4 =	vld [tilespmem:$0x200];
	_ =	sdelay $0x4  }
0xea: {  	v5 =	vshll.u32 v4, $0x3  }
0xeb: {  	v4 =	vand.u32 $0x7, v4;
	v5 =	vand.u32 $0xFFFFFFC0, v5  }
0xec: {  	v4 =	vor.u32 v4, v5  }
0xed: {  	v5 =	vperm.xlane v4, v1;
	_ =	sdelay $0x1  }
0xee: {  	v5 =	vadd.s32 v2, v5;
	_ =	sdelay $0x3  }
0xef: {  	s0 =	rddreg [dreg:$0x6]  }
0xf0: {  	[tilespmem:s0], [sflag:$0x6] =	stream.indirect_vreg.gather [hbm4b:s6+s2], $0x80, v5, vm0, $0xb8;
	[tilespmem:$0x1F680] =	vst v63  }
0xf1: {  	s8 =	rddreg [dreg:$0x7];
	v4 =	vperm.xlane v4, v3  }
0xf2: {  	[tilespmem:s8], [sflag:$0x6] =	stream.indirect_vreg.gather [hbm4b:s12+s2], $0x80, v5, vm0, $0xb8;
	[tilespmem:$0x1F680] =	vst v63  }
0xf3: {  	v4 =	vadd.s32 v2, v4;
	s0 =	rddreg [dreg:$0x8]  }
0xf4: {  	[tilespmem:s0], [sflag:$0x6] =	stream.indirect_vreg.gather [hbm4b:s13+s2], $0x80, v5, vm0, $0xb8;
	[tilespmem:$0x1F680] =	vst v63  }
0xf5: {  	s8 =	rddreg [dreg:$0x9]  }
0xf6: {  	[tilespmem:s8], [sflag:$0x6] =	stream.indirect_vreg.gather [hbm4b:s14+s2], $0x80, v5, vm0, $0xb8;
	[tilespmem:$0x1F680] =	vst v63  }
0xf7: {  	s0 =	rddreg [dreg:$0xa]  }
0xf8: {  	[tilespmem:s0], [sflag:$0x6] =	stream.indirect_vreg.gather [hbm4b:s6+s2], $0x80, v4, vm0, $0xb8;
	[tilespmem:$0x1F680] =	vst v63  }
0xf9: {  	s8 =	rddreg [dreg:$0xb]  }
0xfa: {  	[tilespmem:s8], [sflag:$0x6] =	stream.indirect_vreg.gather [hbm4b:s12+s2], $0x80, v4, vm0, $0xb8;
	[tilespmem:$0x1F680] =	vst v63  }
0xfb: {  	s0 =	rddreg [dreg:$0xc]  }
0xfc: {  	[tilespmem:s0], [sflag:$0x6] =	stream.indirect_vreg.gather [hbm4b:s13+s2], $0x80, v4, vm0, $0xb8;
	[tilespmem:$0x1F680] =	vst v63  }
0xfd: {  	s8 =	rddreg [dreg:$0xd]  }
0xfe: {  	[tilespmem:s8], [sflag:$0x6] =	stream.indirect_vreg.gather [hbm4b:s14+s2], $0x80, v4, vm0, $0xb8;
	[tilespmem:$0x1F680] =	vst v63  }
0xff: {  	v4 =	vld [tilespmem:$0x210];
	_ =	sdelay $0x4  }
0x100: {  	v5 =	vshll.u32 v4, $0x3  }
0x101: {  	v4 =	vand.u32 $0x7, v4;
	v5 =	vand.u32 $0xFFFFFFC0, v5  }
0x102: {  	v4 =	vor.u32 v4, v5  }
0x103: {  	v5 =	vperm.xlane v4, v1;
	_ =	sdelay $0x1  }
0x104: {  	v5 =	vadd.s32 v2, v5;
	_ =	sdelay $0x3  }
0x105: {  	s0 =	rddreg [dreg:$0xe]  }
0x106: {  	[tilespmem:s0], [sflag:$0x6] =	stream.indirect_vreg.gather [hbm4b:s6+s2], $0x80, v5, vm0, $0xb8;
	[tilespmem:$0x1F680] =	vst v63  }
0x107: {  	s8 =	rddreg [dreg:$0xf];
	v4 =	vperm.xlane v4, v3  }
0x108: {  	[tilespmem:s8], [sflag:$0x6] =	stream.indirect_vreg.gather [hbm4b:s12+s2], $0x80, v5, vm0, $0xb8;
	[tilespmem:$0x1F680] =	vst v63  }
0x109: {  	v4 =	vadd.s32 v2, v4;
	s0 =	rddreg [dreg:$0x10]  }
0x10a: {  	[tilespmem:s0], [sflag:$0x6] =	stream.indirect_vreg.gather [hbm4b:s13+s2], $0x80, v5, vm0, $0xb8;
	[tilespmem:$0x1F680] =	vst v63  }
0x10b: {  	s8 =	rddreg [dreg:$0x11]  }
0x10c: {  	[tilespmem:s8], [sflag:$0x6] =	stream.indirect_vreg.gather [hbm4b:s14+s2], $0x80, v5, vm0, $0xb8;
	[tilespmem:$0x1F680] =	vst v63  }
0x10d: {  	s0 =	rddreg [dreg:$0x12]  }
0x10e: {  	[tilespmem:s0], [sflag:$0x6] =	stream.indirect_vreg.gather [hbm4b:s6+s2], $0x80, v4, vm0, $0xb8;
	[tilespmem:$0x1F680] =	vst v63  }
0x10f: {  	s8 =	rddreg [dreg:$0x13]  }
0x110: {  	[tilespmem:s8], [sflag:$0x6] =	stream.indirect_vreg.gather [hbm4b:s12+s2], $0x80, v4, vm0, $0xb8;
	[tilespmem:$0x1F680] =	vst v63  }
0x111: {  	s0 =	rddreg [dreg:$0x14]  }
0x112: {  	[tilespmem:s0], [sflag:$0x6] =	stream.indirect_vreg.gather [hbm4b:s13+s2], $0x80, v4, vm0, $0xb8;
	[tilespmem:$0x1F680] =	vst v63  }
0x113: {  	s8 =	rddreg [dreg:$0x15]  }
0x114: {  	[tilespmem:s8], [sflag:$0x6] =	stream.indirect_vreg.gather [hbm4b:s14+s2], $0x80, v4, vm0, $0xb8;
	[tilespmem:$0x1F680] =	vst v63  }
0x115: {  	_ =	swait.ge [sflag:s23], $0x1000  }
0x116: {  	[sflag:s23] =	ssyncset.done $0x0  }
0x117: {  	[sflag:s23] =	ssyncadd.s32 $0xFFFFF000  }
0x118: {  	p0 =	slt.s32 s28, $0x270D;
	s0 =	smov.u32 s28;
	_ =	swait.ge [sflag:s24], $0x1000  }
0x119: {  	s0 =	simm.s32 @!p0 $0x270D;
	[sflag:s24] =	ssyncset.done $0x0  }
0x11a: {  	s0 =	sshll.u32 s0, $0x3;
	[sflag:s24] =	ssyncadd.s32 $0xFFFFF000  }
0x11b: {  	s0 =	sadd.s32 $0x10, s0;
	_ =	swait.ge [sflag:s25], $0x8000  }
0x11c: {  	s0 =	sand.u32 $0x1FFFFFF8, s0;
	[sflag:s25] =	ssyncset.done $0x0  }
0x11d: {  	s0 =	sadd.s32 s3, s0;
	[sflag:s25] =	ssyncadd.s32 $0xFFFF8000  }
0x11e: {  	[tilespmem:s18], [sflag:$0x7] =	stream.linear.gather [hbm4b:s0+s2], $0x40, $0x38;
	[tilespmem:$0x1F680] =	vst v63  }
0x11f: {  	_ =	swait.ge [sflag:s16], $0x40  }
0x120: {  	[sflag:s16] =	ssyncset.done $0x0  }
0x121: {  	[sflag:s16] =	ssyncadd.s32 $0xFFFFFFC0  }
0x122: {  	[tilespmem:s31], [sflag:$0x1] =	stream.indirect.gather [hbm4b:s1+s19], $0x80, s18, s19, $0xb8;
	[tilespmem:$0x1F680] =	vst v63  }
0x123: {  	s4 =	simm.s32 $0x2280;
	s30 =	simm.s32 $0x1A0  }
0x124: {  	[tilespmem:s4], [sflag:$0x2] =	stream.indirect.gather [hbm4b:s5+s19], $0x80, s30, s19, $0xb8;
	[tilespmem:$0x1F680] =	vst v63  }
0x125: {  	v4 =	vld [tilespmem:$0x180];
	_ =	sdelay $0x4  }
0x126: {  	v5 =	vshll.u32 v4, $0x3  }
0x127: {  	v4 =	vand.u32 $0x7, v4;
	v5 =	vand.u32 $0xFFFFFFC0, v5  }
0x128: {  	v4 =	vor.u32 v4, v5  }
0x129: {  	v5 =	vperm.xlane v4, v1;
	_ =	sdelay $0x1  }
0x12a: {  	v5 =	vadd.s32 v2, v5;
	_ =	sdelay $0x3  }
0x12b: {  	s8 =	simm.s32 $0x4280  }
0x12c: {  	[tilespmem:s8], [sflag:$0x3] =	stream.indirect_vreg.gather [hbm4b:s6+s2], $0x80, v5, vm0, $0xb8;
	[tilespmem:$0x1F680] =	vst v63  }
0x12d: {  	s30 =	simm.s32 $0x4A80;
	v4 =	vperm.xlane v4, v3  }
0x12e: {  	[tilespmem:s30], [sflag:$0x3] =	stream.indirect_vreg.gather [hbm4b:s12+s2], $0x80, v5, vm0, $0xb8;
	[tilespmem:$0x1F680] =	vst v63  }
0x12f: {  	v4 =	vadd.s32 v2, v4;
	s8 =	simm.s32 $0x5280  }
0x130: {  	[tilespmem:s8], [sflag:$0x3] =	stream.indirect_vreg.gather [hbm4b:s13+s2], $0x80, v5, vm0, $0xb8;
	[tilespmem:$0x1F680] =	vst v63  }
0x131: {  	s30 =	simm.s32 $0x5A80  }
0x132: {  	[tilespmem:s30], [sflag:$0x3] =	stream.indirect_vreg.gather [hbm4b:s14+s2], $0x80, v5, vm0, $0xb8;
	[tilespmem:$0x1F680] =	vst v63  }
0x133: {  	s8 =	simm.s32 $0x6280  }
0x134: {  	[tilespmem:s8], [sflag:$0x3] =	stream.indirect_vreg.gather [hbm4b:s6+s2], $0x80, v4, vm0, $0xb8;
	[tilespmem:$0x1F680] =	vst v63  }
0x135: {  	s30 =	simm.s32 $0x6A80  }
0x136: {  	[tilespmem:s30], [sflag:$0x3] =	stream.indirect_vreg.gather [hbm4b:s12+s2], $0x80, v4, vm0, $0xb8;
	[tilespmem:$0x1F680] =	vst v63  }
0x137: {  	s8 =	simm.s32 $0x7280  }
0x138: {  	[tilespmem:s8], [sflag:$0x3] =	stream.indirect_vreg.gather [hbm4b:s13+s2], $0x80, v4, vm0, $0xb8;
	[tilespmem:$0x1F680] =	vst v63  }
0x139: {  	s30 =	simm.s32 $0x7A80  }
0x13a: {  	[tilespmem:s30], [sflag:$0x3] =	stream.indirect_vreg.gather [hbm4b:s14+s2], $0x80, v4, vm0, $0xb8;
	[tilespmem:$0x1F680] =	vst v63  }
0x13b: {  	v4 =	vld [tilespmem:$0x190];
	_ =	sdelay $0x4  }
0x13c: {  	v5 =	vshll.u32 v4, $0x3  }
0x13d: {  	v4 =	vand.u32 $0x7, v4;
	v5 =	vand.u32 $0xFFFFFFC0, v5  }
0x13e: {  	v4 =	vor.u32 v4, v5  }
0x13f: {  	v5 =	vperm.xlane v4, v1;
	_ =	sdelay $0x1  }
0x140: {  	v5 =	vadd.s32 v2, v5;
	_ =	sdelay $0x3  }
0x141: {  	s8 =	simm.s32 $0x8280  }
0x142: {  	[tilespmem:s8], [sflag:$0x3] =	stream.indirect_vreg.gather [hbm4b:s6+s2], $0x80, v5, vm0, $0xb8;
	[tilespmem:$0x1F680] =	vst v63  }
0x143: {  	s30 =	simm.s32 $0x8A80;
	v4 =	vperm.xlane v4, v3  }
0x144: {  	[tilespmem:s30], [sflag:$0x3] =	stream.indirect_vreg.gather [hbm4b:s12+s2], $0x80, v5, vm0, $0xb8;
	[tilespmem:$0x1F680] =	vst v63  }
0x145: {  	v4 =	vadd.s32 v2, v4;
	s30 =	simm.s32 $0x9280  }
0x146: {  	[tilespmem:s30], [sflag:$0x3] =	stream.indirect_vreg.gather [hbm4b:s13+s2], $0x80, v5, vm0, $0xb8;
	[tilespmem:$0x1F680] =	vst v63  }
0x147: {  	_ = 	snop  }
0x148: {  	[tilespmem:s15], [sflag:$0x3] =	stream.indirect_vreg.gather [hbm4b:s14+s2], $0x80, v5, vm0, $0xb8;
	[tilespmem:$0x1F680] =	vst v63  }
0x149: {  	s26 =	sadd.s32 $0x1, s26  }
0x14a: {  	[tilespmem:s7], [sflag:$0x3] =	stream.indirect_vreg.gather [hbm4b:s6+s2], $0x80, v4, vm0, $0xb8;
	[tilespmem:$0x1F680] =	vst v63  }
0x14b: {  	p0 =	slt.s32 s26, s29  }
0x14c: {  	[tilespmem:s9], [sflag:$0x3] =	stream.indirect_vreg.gather [hbm4b:s12+s2], $0x80, v4, vm0, $0xb8;
	[tilespmem:$0x1F680] =	vst v63  }
.Ltmp6:
0x14d: {  	_ = 	snop;
	(pc) =	sbr.rel @p0 .LBB2_5-.Ltmp6, $4  }
0x14e: {  	_ = 	snop  }
0x14f: {  	[tilespmem:s10], [sflag:$0x3] =	stream.indirect_vreg.gather [hbm4b:s13+s2], $0x80, v4, vm0, $0xb8;
	[tilespmem:$0x1F680] =	vst v63  }
0x150: {  	s28 =	sadd.s32 $0x2, s28  }
0x151: {  	[tilespmem:s11], [sflag:$0x3] =	stream.indirect_vreg.gather [hbm4b:s14+s2], $0x80, v4, vm0, $0xb8;
	[tilespmem:$0x1F680] =	vst v63  }
.Ltmp7:
0x152: {  	_ = 	snop;
	(pc) =	sbr.rel .LBB2_6-.Ltmp7, $1  }
0x153: {  	_ =	sdelay $0x3  }
.LBB2_8:
0x154: {  	_ =	sfence.sel $0x180000  }
0x155: {  	[bflag:$0x0] =	sbarrier.arrive $0xFFFF  }
0x156: {  	_ =	strace $0x9000004D  }
0x157: {  	s0 =	stileid.u32;
	[bflag:$0x2] =	sbarrier.arrive $0xFFFF  }
0x158: {  	p0 =	sne.s32 s0, $0x0;
	s0 =	rddreg [dreg:$0x2]  }
0x159: {  	s0 =	sadd.s32 @!p0 $0x100000, s0  }
0x15a: {  	[sflag:s0] =	ssyncadd.tile.s32 @!p0 $0x1;
	_ =	shalt  }
.Lfunc_end2:
_tile_overlayer_lowered:
.L_overlay_start_2:
0x15b: {  	(tag) =	ssettag $0x2  }
0x15c: {  	s0 =	rddreg [dreg:$0x0];
	s2 =	stileid.u32  }
0x15d: {  	s1 =	rddreg [dreg:$0x1];
	p0 =	sne.s32 s2, $0x0  }
0x15e: {  	s3 =	rddreg [dreg:$0x2];
	[bflag:$0x3] =	sbarrier.arrive $0xFFFF;
	s2 =	simm.s32 @!p0 $0x1C07  }
0x15f: {  	[timem:s3], [sflag:s2] =	dma.local @!p0 [hbm:s0], s1  }
0x160: {  	s0 =	simm.s32 @!p0 $0x7  }
0x161: {  	_ =	swait.ge @!p0 [sflag:s0], s1  }
0x162: {  	s1 =	ssub.s32 @!p0 $0x0, s1;
	[sflag:s0] =	ssyncset.done @!p0 $0x0  }
0x163: {  	[sflag:s0] =	ssyncadd.s32 @!p0 s1  }
0x164: {  	[bflag:$0x3] =	sbarrier.arrive $0xFFFF  }
0x165: {  	_ =	shalt  }

</sc_bundles>
